<compile_context>
chip_gen: v7x
topology: tpu7x:2x2x1
jax: 0.10.2.dev20260603
libtpu: 0.0.44.dev20260713+nightly
codegen_flags: <defaults>
</compile_context>

<pallas_src>
import functools

import jax
import jax.numpy as jnp
from jax import lax
from jax.experimental import pallas as pl
from jax.experimental.pallas import tpu as pltpu
from jax.experimental.pallas import tpu_sc as plsc

B = 4096
D = 64
NROWS = 1000000
L = 16
NC = 2
NS = 16
NW = NC * NS
BPW = B // NW
NG = BPW // L
W = 128
WMAX = NROWS - W

RB = 512


def _sc_scores(user, pos_item, neg_item, user_table_t, item_table_t):
    BS = user.shape[0]
    BPW = BS // NW
    NG = BPW // L
    mesh = plsc.VectorSubcoreMesh(core_axis_name="c", subcore_axis_name="s")

    @functools.partial(
        pl.kernel,
        mesh=mesh,
        compiler_params=pltpu.CompilerParams(needs_layout_passes=False),
        out_type=[
            jax.ShapeDtypeStruct((BS,), jnp.float32),
            jax.ShapeDtypeStruct((BS,), jnp.float32),
        ],
        scratch_types=[
            pltpu.VMEM((BPW,), jnp.int32),
            pltpu.VMEM((BPW,), jnp.int32),
            pltpu.VMEM((BPW,), jnp.int32),
            pltpu.VMEM((D, W), jnp.float32),
            pltpu.VMEM((D, W), jnp.float32),
            pltpu.VMEM((D, W), jnp.float32),
            pltpu.VMEM((D, W), jnp.float32),
            pltpu.VMEM((D, W), jnp.float32),
            pltpu.VMEM((D, W), jnp.float32),
            pltpu.VMEM((D, W), jnp.float32),
            pltpu.VMEM((D, W), jnp.float32),
            pltpu.VMEM((D, W), jnp.float32),
            pltpu.VMEM((BPW,), jnp.float32),
            pltpu.VMEM((BPW,), jnp.float32),
            pltpu.SemaphoreType.DMA,
            pltpu.SemaphoreType.DMA,
            pltpu.SemaphoreType.DMA,
        ],
    )
    def k(u_hbm, p_hbm, n_hbm, ut_hbm, it_hbm, ps_out, ns_out,
          uidx, pidx, nidx, wu0, wu1, wu2, wp0, wp1, wp2, wn0, wn1, wn2,
          ps_v, ns_v, sem0, sem1, sem2):
        wid = lax.axis_index("s") * NC + lax.axis_index("c")
        base = wid * BPW
        pltpu.sync_copy(u_hbm.at[pl.ds(base, BPW)], uidx)
        pltpu.sync_copy(p_hbm.at[pl.ds(base, BPW)], pidx)
        pltpu.sync_copy(n_hbm.at[pl.ds(base, BPW)], nidx)

        lane = lax.iota(jnp.int32, L)
        rows4 = [lax.iota(jnp.int32, L) + c * L for c in range(D // L)]

        def win_off(i):
            return i & jnp.int32(-W)

        bufs = ((wu0, wp0, wn0, sem0), (wu1, wp1, wn1, sem1),
                (wu2, wp2, wn2, sem2))
        NBUF = len(bufs)

        def group(g, carry):
            gbase = g * L
            uvec = uidx[pl.ds(gbase, L)]
            pvec = pidx[pl.ds(gbase, L)]
            nvec = nidx[pl.ds(gbase, L)]

            def issue(jj):
                bu, bp, bn, sem = bufs[jj % NBUF]
                iu, ip, iN = uvec[jj], pvec[jj], nvec[jj]
                ou, op, oN = win_off(iu), win_off(ip), win_off(iN)
                cs = (
                    pltpu.async_copy(
                        ut_hbm.at[:, pl.ds(pl.multiple_of(ou, W), W)], bu, sem),
                    pltpu.async_copy(
                        it_hbm.at[:, pl.ds(pl.multiple_of(op, W), W)], bp, sem),
                    pltpu.async_copy(
                        it_hbm.at[:, pl.ds(pl.multiple_of(oN, W), W)], bn, sem),
                )
                return cs, (iu - ou, ip - op, iN - oN)

            psel = jnp.zeros((L,), jnp.float32)
            nsel = jnp.zeros((L,), jnp.float32)
            inflight = [issue(0), issue(1)]
            for j in range(L):
                if j + 2 < L:
                    inflight.append(issue(j + 2))
                cs, (lu_s, lp_s, ln_s) = inflight.pop(0)
                for c_ in cs:
                    c_.wait()
                bu, bp, bn, _ = bufs[j % NBUF]
                lu = jnp.full((L,), lu_s, jnp.int32)
                lp = jnp.full((L,), lp_s, jnp.int32)
                ln = jnp.full((L,), ln_s, jnp.int32)
                pacc = jnp.zeros((L,), jnp.float32)
                nacc = jnp.zeros((L,), jnp.float32)
                for c in range(D // L):
                    uv = plsc.load_gather(bu, [rows4[c], lu])
                    pv = plsc.load_gather(bp, [rows4[c], lp])
                    nv = plsc.load_gather(bn, [rows4[c], ln])
                    pacc = pacc + uv * pv
                    nacc = nacc + uv * nv
                mask = lane == j
                psel = jnp.where(mask, jnp.sum(pacc), psel)
                nsel = jnp.where(mask, jnp.sum(nacc), nsel)
            ps_v[pl.ds(gbase, L)] = psel
            ns_v[pl.ds(gbase, L)] = nsel
            return carry

        lax.fori_loop(0, NG, group, 0)
        pltpu.sync_copy(ps_v, ps_out.at[pl.ds(base, BPW)])
        pltpu.sync_copy(ns_v, ns_out.at[pl.ds(base, BPW)])

    return k(user, pos_item, neg_item, user_table_t, item_table_t)


K = 8


def _tc_scores(user, pos_item, neg_item, user_table_t, item_table_t):
    S = user.shape[0]

    def body(uref, pref, nref, *refs):
        ubs, pbs, nbs = refs[0:K], refs[K:2 * K], refs[2 * K:3 * K]
        po, no = refs[3 * K], refs[3 * K + 1]
        i = pl.program_id(0)
        lanes = lax.broadcasted_iota(jnp.int32, (1, W), 1)
        pouts, nouts = [], []
        for k in range(K):
            r = i * K + k
            lu, lp, ln = uref[r] & (W - 1), pref[r] & (W - 1), nref[r] & (W - 1)
            uv = jnp.sum(jnp.where(lanes == lu, ubs[k][...], 0.0),
                         axis=1, keepdims=True)
            pv = jnp.sum(jnp.where(lanes == lp, pbs[k][...], 0.0),
                         axis=1, keepdims=True)
            nv = jnp.sum(jnp.where(lanes == ln, nbs[k][...], 0.0),
                         axis=1, keepdims=True)
            pouts.append(jnp.reshape(jnp.sum(uv * pv), (1, 1)))
            nouts.append(jnp.reshape(jnp.sum(uv * nv), (1, 1)))
        po[...] = jnp.concatenate(pouts, axis=0)
        no[...] = jnp.concatenate(nouts, axis=0)

    def uspec(k):
        return pl.BlockSpec((D, W), lambda i, u, p, n, k=k: (0, u[i * K + k] // W))

    def pspec(k):
        return pl.BlockSpec((D, W), lambda i, u, p, n, k=k: (0, p[i * K + k] // W))

    def nspec(k):
        return pl.BlockSpec((D, W), lambda i, u, p, n, k=k: (0, n[i * K + k] // W))

    grid_spec = pltpu.PrefetchScalarGridSpec(
        num_scalar_prefetch=3,
        grid=(S // K,),
        in_specs=([uspec(k) for k in range(K)]
                  + [pspec(k) for k in range(K)]
                  + [nspec(k) for k in range(K)]),
        out_specs=[
            pl.BlockSpec((K, 1), lambda i, u, p, n: (i, 0)),
            pl.BlockSpec((K, 1), lambda i, u, p, n: (i, 0)),
        ],
    )
    ops = ([user_table_t] * K) + ([item_table_t] * (2 * K))
    return pl.pallas_call(
        body,
        grid_spec=grid_spec,
        out_shape=[jax.ShapeDtypeStruct((S, 1), jnp.float32)] * 2,
    )(user, pos_item, neg_item, *ops)


def _tc_loss_sum(p, n):
    p2 = p.reshape(B, 1)
    n2 = n.reshape(1, B)

    def body(p_ref, n_ref, out_ref):
        i = pl.program_id(0)
        z = n_ref[...] - p_ref[...]
        a = jnp.abs(z)
        t = 1.0 + jnp.exp(-a)
        acc = t[:, 0:128]
        for c in range(1, B // 128):
            acc = acc * t[:, c * 128:(c + 1) * 128]
        sum_z = RB * jnp.sum(n_ref[...]) - B * jnp.sum(p_ref[...])
        part = 0.5 * (sum_z + jnp.sum(a)) + jnp.sum(jnp.log(acc))

        @pl.when(i == 0)
        def _():
            out_ref[...] = jnp.zeros_like(out_ref)

        out_ref[...] += jnp.reshape(part, (1, 1))

    out = pl.pallas_call(
        body,
        grid=(B // RB,),
        in_specs=[
            pl.BlockSpec((RB, 1), lambda i: (i, 0)),
            pl.BlockSpec((1, B), lambda i: (0, 0)),
        ],
        out_specs=pl.BlockSpec((1, 1), lambda i: (0, 0)),
        out_shape=jax.ShapeDtypeStruct((1, 1), jnp.float32),
    )(p2, n2)
    return out[0, 0]


B_SC = 3584


def kernel(user, pos_item, neg_item, user_table, item_table):
    nflat = jnp.reshape(neg_item, (-1,))
    ttu, tti = user_table.T, item_table.T
    p_sc, n_sc = _sc_scores(user[:B_SC], pos_item[:B_SC], nflat[:B_SC],
                            ttu, tti)
    p_tc, n_tc = _tc_scores(user[B_SC:], pos_item[B_SC:], nflat[B_SC:],
                            ttu, tti)
    p = jnp.concatenate([p_sc, p_tc[:, 0]])
    nvec = jnp.concatenate([n_sc, n_tc[:, 0]])
    loss = _tc_loss_sum(p, nvec) / (B * B)
    logits = p.reshape(B, 1)
    return (logits, loss)

# --- scband reference (transcript-rebuilt; emitter-appended) ---
"""Pipeline reference for scband-bpr-25950192402749 (READ-ONLY COPY).

The authoritative reference and input builder live on the scoring server;
editing this copy changes nothing except your own understanding.
"""

import jax, jax.numpy as jnp
import numpy as np

BATCH = 4096
USER_NUM = 1000000
ITEM_NUM = 1000000
EMBED_DIM = 64
USE_L2NORM = False


def setup_inputs(seed: int = 0) -> dict:
    key = jax.random.key(seed)
    ku, kp, kn, kut, kit = jax.random.split(key, 5)
    user = jax.random.randint(ku, (BATCH,), 0, USER_NUM, dtype=jnp.int32)
    pos_item = jax.random.randint(kp, (BATCH,), 0, ITEM_NUM, dtype=jnp.int32)
    neg_item = jax.random.randint(kn, (BATCH, 1), 0, ITEM_NUM, dtype=jnp.int32)
    # Learned parameters (RandomNormal init, matching tfk.initializers.RandomNormal default stddev=0.05)
    user_table = jax.random.normal(kut, (USER_NUM, EMBED_DIM), dtype=jnp.float32) * 0.05
    item_table = jax.random.normal(kit, (ITEM_NUM, EMBED_DIM), dtype=jnp.float32) * 0.05
    return {"user": user, "pos_item": pos_item, "neg_item": neg_item,
            "user_table": user_table, "item_table": item_table}


def reference(user, pos_item, neg_item, user_table, item_table):
    # Training path of BPR.call (training=True)
    user_embed = jnp.take(user_table, jnp.reshape(user, (-1,)), axis=0)        # [B, d]
    pos_info = jnp.take(item_table, jnp.reshape(pos_item, (-1,)), axis=0)      # [B, d]
    neg_info = jnp.take(item_table, neg_item, axis=0)                          # [B, 1, d]
    if USE_L2NORM:
        pos_info = pos_info / jnp.linalg.norm(pos_info, axis=-1, keepdims=True)
        neg_info = neg_info / jnp.linalg.norm(neg_info, axis=-1, keepdims=True)
        user_embed = user_embed / jnp.linalg.norm(user_embed, axis=-1, keepdims=True)
    pos_scores = jnp.sum(user_embed * pos_info, axis=-1, keepdims=True)        # [B, 1]
    neg_scores = jnp.sum(jnp.expand_dims(user_embed, axis=1) * neg_info, axis=-1)  # [B, 1]
    logits = pos_scores
    # bpr_loss with tf-style broadcasting: expand_dims(pos_scores, 1) -> [B,1,1], neg_scores [B,1]
    diff = jnp.expand_dims(pos_scores, axis=1) - neg_scores                    # broadcasts to [B, B, 1]
    loss = jnp.mean(-jax.nn.log_sigmoid(diff))
    return (logits, loss)

if __name__ == "__main__":
    import jax
    _d = setup_inputs()
    print(jax.jit(kernel)(*tuple(_d.values())))

</pallas_src>

<mosaic_0001>
#map = affine_map<(d0, d1) -> (0)>
#map1 = affine_map<(d0, d1) -> (0, 0)>
module attributes {stable_mosaic.version = 14 : i64} {
  func.func @k(%arg0: i32, %arg1: i32, %arg2: memref<3584xi32, #tpu.memory_space<hbm>>, %arg3: memref<3584xi32, #tpu.memory_space<hbm>>, %arg4: memref<3584xi32, #tpu.memory_space<hbm>>, %arg5: memref<64x1000000xf32, #tpu.memory_space<hbm>>, %arg6: memref<64x1000000xf32, #tpu.memory_space<hbm>>, %arg7: memref<3584xf32, #tpu.memory_space<hbm>>, %arg8: memref<3584xf32, #tpu.memory_space<hbm>>, %arg9: memref<112xi32, #tpu.memory_space<vmem>>, %arg10: memref<112xi32, #tpu.memory_space<vmem>>, %arg11: memref<112xi32, #tpu.memory_space<vmem>>, %arg12: memref<64x128xf32, #tpu.memory_space<vmem>>, %arg13: memref<64x128xf32, #tpu.memory_space<vmem>>, %arg14: memref<64x128xf32, #tpu.memory_space<vmem>>, %arg15: memref<64x128xf32, #tpu.memory_space<vmem>>, %arg16: memref<64x128xf32, #tpu.memory_space<vmem>>, %arg17: memref<64x128xf32, #tpu.memory_space<vmem>>, %arg18: memref<64x128xf32, #tpu.memory_space<vmem>>, %arg19: memref<64x128xf32, #tpu.memory_space<vmem>>, %arg20: memref<64x128xf32, #tpu.memory_space<vmem>>, %arg21: memref<112xf32, #tpu.memory_space<vmem>>, %arg22: memref<112xf32, #tpu.memory_space<vmem>>, %arg23: memref<!tpu.dma_semaphore, #tpu.memory_space<semaphore_mem>>, %arg24: memref<!tpu.dma_semaphore, #tpu.memory_space<semaphore_mem>>, %arg25: memref<!tpu.dma_semaphore, #tpu.memory_space<semaphore_mem>>) attributes {dimension_semantics = [#tpu.dimension_semantics<core_parallel>, #tpu.dimension_semantics<subcore_parallel>], iteration_bounds = array<i64: 2, 16>, scalar_prefetch = 0 : i64, scratch_operands = 17 : i64, tpu.core_type = #tpu.core_type<sc_vector_subcore>, window_params = [{transform_indices = #map}, {transform_indices = #map}, {transform_indices = #map}, {transform_indices = #map1}, {transform_indices = #map1}, {transform_indices = #map}, {transform_indices = #map}]} {
    %mul3A = arith.constant 2 : i32
    %mul3A_0 = arith.muli %arg1, %mul3A : i32
    %add3A = arith.addi %mul3A_0, %arg0 : i32
    %mul3A_1 = arith.constant 112 : i32
    %mul3A_2 = arith.muli %add3A, %mul3A_1 : i32
    "tpu.region"() ({
      %run_scoped3A = tpu.sem_alloc : memref<!tpu.dma_semaphore, #tpu.memory_space<semaphore_mem>>
      %dma_start3A = tpu.memref_slice %arg2[%mul3A_2] : memref<3584xi32, #tpu.memory_space<hbm>> -> memref<112xi32, #tpu.memory_space<hbm>>
      %dma_start3A_24 = tpu.memref_slice %arg2[%mul3A_2] : memref<3584xi32, #tpu.memory_space<hbm>> -> memref<112xi32, #tpu.memory_space<hbm>>
      tpu.enqueue_dma source(%dma_start3A_24 : memref<112xi32, #tpu.memory_space<hbm>>) target(%arg9 : memref<112xi32, #tpu.memory_space<vmem>>) target_semaphore(%run_scoped3A : memref<!tpu.dma_semaphore, #tpu.memory_space<semaphore_mem>>)
      %dma_wait3A = tpu.memref_slice %arg2[%mul3A_2] : memref<3584xi32, #tpu.memory_space<hbm>> -> memref<112xi32, #tpu.memory_space<hbm>>
      %dma_wait3A_25 = tpu.memref_slice %arg2[%mul3A_2] : memref<3584xi32, #tpu.memory_space<hbm>> -> memref<112xi32, #tpu.memory_space<hbm>>
      tpu.wait_dma2 semaphore(%run_scoped3A : memref<!tpu.dma_semaphore, #tpu.memory_space<semaphore_mem>>) src(%dma_wait3A_25 : memref<112xi32, #tpu.memory_space<hbm>>) dst(%arg9 : memref<112xi32, #tpu.memory_space<vmem>>)
      tpu.yield
    }) : () -> ()
    "tpu.region"() ({
      %run_scoped3A = tpu.sem_alloc : memref<!tpu.dma_semaphore, #tpu.memory_space<semaphore_mem>>
      %dma_start3A = tpu.memref_slice %arg3[%mul3A_2] : memref<3584xi32, #tpu.memory_space<hbm>> -> memref<112xi32, #tpu.memory_space<hbm>>
      %dma_start3A_24 = tpu.memref_slice %arg3[%mul3A_2] : memref<3584xi32, #tpu.memory_space<hbm>> -> memref<112xi32, #tpu.memory_space<hbm>>
      tpu.enqueue_dma source(%dma_start3A_24 : memref<112xi32, #tpu.memory_space<hbm>>) target(%arg10 : memref<112xi32, #tpu.memory_space<vmem>>) target_semaphore(%run_scoped3A : memref<!tpu.dma_semaphore, #tpu.memory_space<semaphore_mem>>)
      %dma_wait3A = tpu.memref_slice %arg3[%mul3A_2] : memref<3584xi32, #tpu.memory_space<hbm>> -> memref<112xi32, #tpu.memory_space<hbm>>
      %dma_wait3A_25 = tpu.memref_slice %arg3[%mul3A_2] : memref<3584xi32, #tpu.memory_space<hbm>> -> memref<112xi32, #tpu.memory_space<hbm>>
      tpu.wait_dma2 semaphore(%run_scoped3A : memref<!tpu.dma_semaphore, #tpu.memory_space<semaphore_mem>>) src(%dma_wait3A_25 : memref<112xi32, #tpu.memory_space<hbm>>) dst(%arg10 : memref<112xi32, #tpu.memory_space<vmem>>)
      tpu.yield
    }) : () -> ()
    "tpu.region"() ({
      %run_scoped3A = tpu.sem_alloc : memref<!tpu.dma_semaphore, #tpu.memory_space<semaphore_mem>>
      %dma_start3A = tpu.memref_slice %arg4[%mul3A_2] : memref<3584xi32, #tpu.memory_space<hbm>> -> memref<112xi32, #tpu.memory_space<hbm>>
      %dma_start3A_24 = tpu.memref_slice %arg4[%mul3A_2] : memref<3584xi32, #tpu.memory_space<hbm>> -> memref<112xi32, #tpu.memory_space<hbm>>
      tpu.enqueue_dma source(%dma_start3A_24 : memref<112xi32, #tpu.memory_space<hbm>>) target(%arg11 : memref<112xi32, #tpu.memory_space<vmem>>) target_semaphore(%run_scoped3A : memref<!tpu.dma_semaphore, #tpu.memory_space<semaphore_mem>>)
      %dma_wait3A = tpu.memref_slice %arg4[%mul3A_2] : memref<3584xi32, #tpu.memory_space<hbm>> -> memref<112xi32, #tpu.memory_space<hbm>>
      %dma_wait3A_25 = tpu.memref_slice %arg4[%mul3A_2] : memref<3584xi32, #tpu.memory_space<hbm>> -> memref<112xi32, #tpu.memory_space<hbm>>
      tpu.wait_dma2 semaphore(%run_scoped3A : memref<!tpu.dma_semaphore, #tpu.memory_space<semaphore_mem>>) src(%dma_wait3A_25 : memref<112xi32, #tpu.memory_space<hbm>>) dst(%arg11 : memref<112xi32, #tpu.memory_space<vmem>>)
      tpu.yield
    }) : () -> ()
    %iota3A = tpu.iota {dimensions = array<i32: 0>} : vector<16xi32>
    %iota3A_3 = tpu.iota {dimensions = array<i32: 0>} : vector<16xi32>
    %add3A_4 = arith.constant 0 : i32
    %add3A_5 = vector.broadcast %add3A_4 : i32 to vector<16xi32>
    %add3A_6 = arith.addi %iota3A_3, %add3A_5 : vector<16xi32>
    %iota3A_7 = tpu.iota {dimensions = array<i32: 0>} : vector<16xi32>
    %add3A_8 = arith.constant 16 : i32
    %add3A_9 = vector.broadcast %add3A_8 : i32 to vector<16xi32>
    %add3A_10 = arith.addi %iota3A_7, %add3A_9 : vector<16xi32>
    %iota3A_11 = tpu.iota {dimensions = array<i32: 0>} : vector<16xi32>
    %add3A_12 = arith.constant 32 : i32
    %add3A_13 = vector.broadcast %add3A_12 : i32 to vector<16xi32>
    %add3A_14 = arith.addi %iota3A_11, %add3A_13 : vector<16xi32>
    %iota3A_15 = tpu.iota {dimensions = array<i32: 0>} : vector<16xi32>
    %add3A_16 = arith.constant 48 : i32
    %add3A_17 = vector.broadcast %add3A_16 : i32 to vector<16xi32>
    %add3A_18 = arith.addi %iota3A_15, %add3A_17 : vector<16xi32>
    %scan3A = arith.constant 0 : i32
    %scan3A_19 = arith.constant 0 : i32
    %scan3A_20 = arith.constant 7 : i32
    %scan3A_21 = arith.addi %scan3A_19, %scan3A_20 : i32
    %scan3A_22 = arith.constant 1 : i32
    scf.for %scan3A_24 = %scan3A_19 to %scan3A_21 step %scan3A_22  : i32 {
      %mul3A_25 = arith.constant 16 : i32
      %mul3A_26 = arith.muli %scan3A_24, %mul3A_25 : i32
      %get3A = arith.index_cast %mul3A_26 : i32 to index
      %get3A_27 = tpu.vector_load %arg9[%get3A] {strides = array<i32>} : memref<112xi32, #tpu.memory_space<vmem>>, vector<16xi32>,
      %get3A_28 = arith.index_cast %mul3A_26 : i32 to index
      %get3A_29 = tpu.vector_load %arg10[%get3A_28] {strides = array<i32>} : memref<112xi32, #tpu.memory_space<vmem>>, vector<16xi32>,
      %get3A_30 = arith.index_cast %mul3A_26 : i32 to index
      %get3A_31 = tpu.vector_load %arg11[%get3A_30] {strides = array<i32>} : memref<112xi32, #tpu.memory_space<vmem>>, vector<16xi32>,
      %broadcast_in_dim3A = arith.constant 0.000000e+00 : f32
      %broadcast_in_dim3A_32 = vector.broadcast %broadcast_in_dim3A : f32 to vector<16xf32>
      %broadcast_in_dim3A_33 = arith.constant 0.000000e+00 : f32
      %broadcast_in_dim3A_34 = vector.broadcast %broadcast_in_dim3A_33 : f32 to vector<16xf32>
      %slice3A = vector.extract_strided_slice %get3A_27 {offsets = [0], sizes = [1], strides = [1]} : vector<16xi32> to vector<1xi32>
      %squeeze3A = vector.extract %slice3A[0] : i32 from vector<1xi32>
      %slice3A_35 = vector.extract_strided_slice %get3A_29 {offsets = [0], sizes = [1], strides = [1]} : vector<16xi32> to vector<1xi32>
      %squeeze3A_36 = vector.extract %slice3A_35[0] : i32 from vector<1xi32>
      %slice3A_37 = vector.extract_strided_slice %get3A_31 {offsets = [0], sizes = [1], strides = [1]} : vector<16xi32> to vector<1xi32>
      %squeeze3A_38 = vector.extract %slice3A_37[0] : i32 from vector<1xi32>
      %and3A = arith.constant -128 : i32
      %and3A_39 = arith.andi %squeeze3A, %and3A : i32
      %and3A_40 = arith.constant -128 : i32
      %and3A_41 = arith.andi %squeeze3A_36, %and3A_40 : i32
      %and3A_42 = arith.constant -128 : i32
      %and3A_43 = arith.andi %squeeze3A_38, %and3A_42 : i32
      %multiple_of3A = tpu.assume_multiple %and3A_39, 128 : i32
      %dma_start3A = arith.constant 0 : i32
      %dma_start3A_44 = tpu.memref_slice %arg5[%dma_start3A, %multiple_of3A] : memref<64x1000000xf32, #tpu.memory_space<hbm>> -> memref<64x128xf32, #tpu.memory_space<hbm>>
      %dma_start3A_45 = arith.constant 0 : i32
      %dma_start3A_46 = tpu.memref_slice %arg5[%dma_start3A_45, %multiple_of3A] : memref<64x1000000xf32, #tpu.memory_space<hbm>> -> memref<64x128xf32, #tpu.memory_space<hbm>>
      tpu.enqueue_dma source(%dma_start3A_46 : memref<64x128xf32, #tpu.memory_space<hbm>>) target(%arg12 : memref<64x128xf32, #tpu.memory_space<vmem>>) target_semaphore(%arg23 : memref<!tpu.dma_semaphore, #tpu.memory_space<semaphore_mem>>)
      %multiple_of3A_47 = tpu.assume_multiple %and3A_41, 128 : i32
      %dma_start3A_48 = arith.constant 0 : i32
      %dma_start3A_49 = tpu.memref_slice %arg6[%dma_start3A_48, %multiple_of3A_47] : memref<64x1000000xf32, #tpu.memory_space<hbm>> -> memref<64x128xf32, #tpu.memory_space<hbm>>
      %dma_start3A_50 = arith.constant 0 : i32
      %dma_start3A_51 = tpu.memref_slice %arg6[%dma_start3A_50, %multiple_of3A_47] : memref<64x1000000xf32, #tpu.memory_space<hbm>> -> memref<64x128xf32, #tpu.memory_space<hbm>>
      tpu.enqueue_dma source(%dma_start3A_51 : memref<64x128xf32, #tpu.memory_space<hbm>>) target(%arg15 : memref<64x128xf32, #tpu.memory_space<vmem>>) target_semaphore(%arg23 : memref<!tpu.dma_semaphore, #tpu.memory_space<semaphore_mem>>)
      %multiple_of3A_52 = tpu.assume_multiple %and3A_43, 128 : i32
      %dma_start3A_53 = arith.constant 0 : i32
      %dma_start3A_54 = tpu.memref_slice %arg6[%dma_start3A_53, %multiple_of3A_52] : memref<64x1000000xf32, #tpu.memory_space<hbm>> -> memref<64x128xf32, #tpu.memory_space<hbm>>
      %dma_start3A_55 = arith.constant 0 : i32
      %dma_start3A_56 = tpu.memref_slice %arg6[%dma_start3A_55, %multiple_of3A_52] : memref<64x1000000xf32, #tpu.memory_space<hbm>> -> memref<64x128xf32, #tpu.memory_space<hbm>>
      tpu.enqueue_dma source(%dma_start3A_56 : memref<64x128xf32, #tpu.memory_space<hbm>>) target(%arg18 : memref<64x128xf32, #tpu.memory_space<vmem>>) target_semaphore(%arg23 : memref<!tpu.dma_semaphore, #tpu.memory_space<semaphore_mem>>)
      %sub3A = arith.subi %squeeze3A, %and3A_39 : i32
      %sub3A_57 = arith.subi %squeeze3A_36, %and3A_41 : i32
      %sub3A_58 = arith.subi %squeeze3A_38, %and3A_43 : i32
      %slice3A_59 = vector.extract_strided_slice %get3A_27 {offsets = [1], sizes = [1], strides = [1]} : vector<16xi32> to vector<1xi32>
      %squeeze3A_60 = vector.extract %slice3A_59[0] : i32 from vector<1xi32>
      %slice3A_61 = vector.extract_strided_slice %get3A_29 {offsets = [1], sizes = [1], strides = [1]} : vector<16xi32> to vector<1xi32>
      %squeeze3A_62 = vector.extract %slice3A_61[0] : i32 from vector<1xi32>
      %slice3A_63 = vector.extract_strided_slice %get3A_31 {offsets = [1], sizes = [1], strides = [1]} : vector<16xi32> to vector<1xi32>
      %squeeze3A_64 = vector.extract %slice3A_63[0] : i32 from vector<1xi32>
      %and3A_65 = arith.constant -128 : i32
      %and3A_66 = arith.andi %squeeze3A_60, %and3A_65 : i32
      %and3A_67 = arith.constant -128 : i32
      %and3A_68 = arith.andi %squeeze3A_62, %and3A_67 : i32
      %and3A_69 = arith.constant -128 : i32
      %and3A_70 = arith.andi %squeeze3A_64, %and3A_69 : i32
      %multiple_of3A_71 = tpu.assume_multiple %and3A_66, 128 : i32
      %dma_start3A_72 = arith.constant 0 : i32
      %dma_start3A_73 = tpu.memref_slice %arg5[%dma_start3A_72, %multiple_of3A_71] : memref<64x1000000xf32, #tpu.memory_space<hbm>> -> memref<64x128xf32, #tpu.memory_space<hbm>>
      %dma_start3A_74 = arith.constant 0 : i32
      %dma_start3A_75 = tpu.memref_slice %arg5[%dma_start3A_74, %multiple_of3A_71] : memref<64x1000000xf32, #tpu.memory_space<hbm>> -> memref<64x128xf32, #tpu.memory_space<hbm>>
      tpu.enqueue_dma source(%dma_start3A_75 : memref<64x128xf32, #tpu.memory_space<hbm>>) target(%arg13 : memref<64x128xf32, #tpu.memory_space<vmem>>) target_semaphore(%arg24 : memref<!tpu.dma_semaphore, #tpu.memory_space<semaphore_mem>>)
      %multiple_of3A_76 = tpu.assume_multiple %and3A_68, 128 : i32
      %dma_start3A_77 = arith.constant 0 : i32
      %dma_start3A_78 = tpu.memref_slice %arg6[%dma_start3A_77, %multiple_of3A_76] : memref<64x1000000xf32, #tpu.memory_space<hbm>> -> memref<64x128xf32, #tpu.memory_space<hbm>>
      %dma_start3A_79 = arith.constant 0 : i32
      %dma_start3A_80 = tpu.memref_slice %arg6[%dma_start3A_79, %multiple_of3A_76] : memref<64x1000000xf32, #tpu.memory_space<hbm>> -> memref<64x128xf32, #tpu.memory_space<hbm>>
      tpu.enqueue_dma source(%dma_start3A_80 : memref<64x128xf32, #tpu.memory_space<hbm>>) target(%arg16 : memref<64x128xf32, #tpu.memory_space<vmem>>) target_semaphore(%arg24 : memref<!tpu.dma_semaphore, #tpu.memory_space<semaphore_mem>>)
      %multiple_of3A_81 = tpu.assume_multiple %and3A_70, 128 : i32
      %dma_start3A_82 = arith.constant 0 : i32
      %dma_start3A_83 = tpu.memref_slice %arg6[%dma_start3A_82, %multiple_of3A_81] : memref<64x1000000xf32, #tpu.memory_space<hbm>> -> memref<64x128xf32, #tpu.memory_space<hbm>>
      %dma_start3A_84 = arith.constant 0 : i32
      %dma_start3A_85 = tpu.memref_slice %arg6[%dma_start3A_84, %multiple_of3A_81] : memref<64x1000000xf32, #tpu.memory_space<hbm>> -> memref<64x128xf32, #tpu.memory_space<hbm>>
      tpu.enqueue_dma source(%dma_start3A_85 : memref<64x128xf32, #tpu.memory_space<hbm>>) target(%arg19 : memref<64x128xf32, #tpu.memory_space<vmem>>) target_semaphore(%arg24 : memref<!tpu.dma_semaphore, #tpu.memory_space<semaphore_mem>>)
      %sub3A_86 = arith.subi %squeeze3A_60, %and3A_66 : i32
      %sub3A_87 = arith.subi %squeeze3A_62, %and3A_68 : i32
      %sub3A_88 = arith.subi %squeeze3A_64, %and3A_70 : i32
      %slice3A_89 = vector.extract_strided_slice %get3A_27 {offsets = [2], sizes = [1], strides = [1]} : vector<16xi32> to vector<1xi32>
      %squeeze3A_90 = vector.extract %slice3A_89[0] : i32 from vector<1xi32>
      %slice3A_91 = vector.extract_strided_slice %get3A_29 {offsets = [2], sizes = [1], strides = [1]} : vector<16xi32> to vector<1xi32>
      %squeeze3A_92 = vector.extract %slice3A_91[0] : i32 from vector<1xi32>
      %slice3A_93 = vector.extract_strided_slice %get3A_31 {offsets = [2], sizes = [1], strides = [1]} : vector<16xi32> to vector<1xi32>
      %squeeze3A_94 = vector.extract %slice3A_93[0] : i32 from vector<1xi32>
      %and3A_95 = arith.constant -128 : i32
      %and3A_96 = arith.andi %squeeze3A_90, %and3A_95 : i32
      %and3A_97 = arith.constant -128 : i32
      %and3A_98 = arith.andi %squeeze3A_92, %and3A_97 : i32
      %and3A_99 = arith.constant -128 : i32
      %and3A_100 = arith.andi %squeeze3A_94, %and3A_99 : i32
      %multiple_of3A_101 = tpu.assume_multiple %and3A_96, 128 : i32
      %dma_start3A_102 = arith.constant 0 : i32
      %dma_start3A_103 = tpu.memref_slice %arg5[%dma_start3A_102, %multiple_of3A_101] : memref<64x1000000xf32, #tpu.memory_space<hbm>> -> memref<64x128xf32, #tpu.memory_space<hbm>>
      %dma_start3A_104 = arith.constant 0 : i32
      %dma_start3A_105 = tpu.memref_slice %arg5[%dma_start3A_104, %multiple_of3A_101] : memref<64x1000000xf32, #tpu.memory_space<hbm>> -> memref<64x128xf32, #tpu.memory_space<hbm>>
      tpu.enqueue_dma source(%dma_start3A_105 : memref<64x128xf32, #tpu.memory_space<hbm>>) target(%arg14 : memref<64x128xf32, #tpu.memory_space<vmem>>) target_semaphore(%arg25 : memref<!tpu.dma_semaphore, #tpu.memory_space<semaphore_mem>>)
      %multiple_of3A_106 = tpu.assume_multiple %and3A_98, 128 : i32
      %dma_start3A_107 = arith.constant 0 : i32
      %dma_start3A_108 = tpu.memref_slice %arg6[%dma_start3A_107, %multiple_of3A_106] : memref<64x1000000xf32, #tpu.memory_space<hbm>> -> memref<64x128xf32, #tpu.memory_space<hbm>>
      %dma_start3A_109 = arith.constant 0 : i32
      %dma_start3A_110 = tpu.memref_slice %arg6[%dma_start3A_109, %multiple_of3A_106] : memref<64x1000000xf32, #tpu.memory_space<hbm>> -> memref<64x128xf32, #tpu.memory_space<hbm>>
      tpu.enqueue_dma source(%dma_start3A_110 : memref<64x128xf32, #tpu.memory_space<hbm>>) target(%arg17 : memref<64x128xf32, #tpu.memory_space<vmem>>) target_semaphore(%arg25 : memref<!tpu.dma_semaphore, #tpu.memory_space<semaphore_mem>>)
      %multiple_of3A_111 = tpu.assume_multiple %and3A_100, 128 : i32
      %dma_start3A_112 = arith.constant 0 : i32
      %dma_start3A_113 = tpu.memref_slice %arg6[%dma_start3A_112, %multiple_of3A_111] : memref<64x1000000xf32, #tpu.memory_space<hbm>> -> memref<64x128xf32, #tpu.memory_space<hbm>>
      %dma_start3A_114 = arith.constant 0 : i32
      %dma_start3A_115 = tpu.memref_slice %arg6[%dma_start3A_114, %multiple_of3A_111] : memref<64x1000000xf32, #tpu.memory_space<hbm>> -> memref<64x128xf32, #tpu.memory_space<hbm>>
      tpu.enqueue_dma source(%dma_start3A_115 : memref<64x128xf32, #tpu.memory_space<hbm>>) target(%arg20 : memref<64x128xf32, #tpu.memory_space<vmem>>) target_semaphore(%arg25 : memref<!tpu.dma_semaphore, #tpu.memory_space<semaphore_mem>>)
      %sub3A_116 = arith.subi %squeeze3A_90, %and3A_96 : i32
      %sub3A_117 = arith.subi %squeeze3A_92, %and3A_98 : i32
      %sub3A_118 = arith.subi %squeeze3A_94, %and3A_100 : i32
      %dma_wait3A = arith.constant 0 : i32
      %dma_wait3A_119 = tpu.memref_slice %arg5[%dma_wait3A, %multiple_of3A] : memref<64x1000000xf32, #tpu.memory_space<hbm>> -> memref<64x128xf32, #tpu.memory_space<hbm>>
      %dma_wait3A_120 = arith.constant 0 : i32
      %dma_wait3A_121 = tpu.memref_slice %arg5[%dma_wait3A_120, %multiple_of3A] : memref<64x1000000xf32, #tpu.memory_space<hbm>> -> memref<64x128xf32, #tpu.memory_space<hbm>>
      tpu.wait_dma2 semaphore(%arg23 : memref<!tpu.dma_semaphore, #tpu.memory_space<semaphore_mem>>) src(%dma_wait3A_121 : memref<64x128xf32, #tpu.memory_space<hbm>>) dst(%arg12 : memref<64x128xf32, #tpu.memory_space<vmem>>)
      %dma_wait3A_122 = arith.constant 0 : i32
      %dma_wait3A_123 = tpu.memref_slice %arg6[%dma_wait3A_122, %multiple_of3A_47] : memref<64x1000000xf32, #tpu.memory_space<hbm>> -> memref<64x128xf32, #tpu.memory_space<hbm>>
      %dma_wait3A_124 = arith.constant 0 : i32
      %dma_wait3A_125 = tpu.memref_slice %arg6[%dma_wait3A_124, %multiple_of3A_47] : memref<64x1000000xf32, #tpu.memory_space<hbm>> -> memref<64x128xf32, #tpu.memory_space<hbm>>
      tpu.wait_dma2 semaphore(%arg23 : memref<!tpu.dma_semaphore, #tpu.memory_space<semaphore_mem>>) src(%dma_wait3A_125 : memref<64x128xf32, #tpu.memory_space<hbm>>) dst(%arg15 : memref<64x128xf32, #tpu.memory_space<vmem>>)
      %dma_wait3A_126 = arith.constant 0 : i32
      %dma_wait3A_127 = tpu.memref_slice %arg6[%dma_wait3A_126, %multiple_of3A_52] : memref<64x1000000xf32, #tpu.memory_space<hbm>> -> memref<64x128xf32, #tpu.memory_space<hbm>>
      %dma_wait3A_128 = arith.constant 0 : i32
      %dma_wait3A_129 = tpu.memref_slice %arg6[%dma_wait3A_128, %multiple_of3A_52] : memref<64x1000000xf32, #tpu.memory_space<hbm>> -> memref<64x128xf32, #tpu.memory_space<hbm>>
      tpu.wait_dma2 semaphore(%arg23 : memref<!tpu.dma_semaphore, #tpu.memory_space<semaphore_mem>>) src(%dma_wait3A_129 : memref<64x128xf32, #tpu.memory_space<hbm>>) dst(%arg18 : memref<64x128xf32, #tpu.memory_space<vmem>>)
      %broadcast_in_dim3A_130 = vector.broadcast %sub3A : i32 to vector<16xi32>
      %broadcast_in_dim3A_131 = vector.broadcast %sub3A_57 : i32 to vector<16xi32>
      %broadcast_in_dim3A_132 = vector.broadcast %sub3A_58 : i32 to vector<16xi32>
      %broadcast_in_dim3A_133 = arith.constant 0.000000e+00 : f32
      %broadcast_in_dim3A_134 = vector.broadcast %broadcast_in_dim3A_133 : f32 to vector<16xf32>
      %broadcast_in_dim3A_135 = arith.constant 0.000000e+00 : f32
      %broadcast_in_dim3A_136 = vector.broadcast %broadcast_in_dim3A_135 : f32 to vector<16xf32>
      %gather3A = tpu.vector_load_idx %arg12[%add3A_6, %broadcast_in_dim3A_130] : memref<64x128xf32, #tpu.memory_space<vmem>>[vector<16xi32>, vector<16xi32>], vector<16xf32>,
      %gather3A_137 = tpu.vector_load_idx %arg15[%add3A_6, %broadcast_in_dim3A_131] : memref<64x128xf32, #tpu.memory_space<vmem>>[vector<16xi32>, vector<16xi32>], vector<16xf32>,
      %gather3A_138 = tpu.vector_load_idx %arg18[%add3A_6, %broadcast_in_dim3A_132] : memref<64x128xf32, #tpu.memory_space<vmem>>[vector<16xi32>, vector<16xi32>], vector<16xf32>,
      %mul3A_139 = arith.mulf %gather3A, %gather3A_137 : vector<16xf32>
      %add3A_140 = arith.addf %broadcast_in_dim3A_134, %mul3A_139 : vector<16xf32>
      %mul3A_141 = arith.mulf %gather3A, %gather3A_138 : vector<16xf32>
      %add3A_142 = arith.addf %broadcast_in_dim3A_136, %mul3A_141 : vector<16xf32>
      %gather3A_143 = tpu.vector_load_idx %arg12[%add3A_10, %broadcast_in_dim3A_130] : memref<64x128xf32, #tpu.memory_space<vmem>>[vector<16xi32>, vector<16xi32>], vector<16xf32>,
      %gather3A_144 = tpu.vector_load_idx %arg15[%add3A_10, %broadcast_in_dim3A_131] : memref<64x128xf32, #tpu.memory_space<vmem>>[vector<16xi32>, vector<16xi32>], vector<16xf32>,
      %gather3A_145 = tpu.vector_load_idx %arg18[%add3A_10, %broadcast_in_dim3A_132] : memref<64x128xf32, #tpu.memory_space<vmem>>[vector<16xi32>, vector<16xi32>], vector<16xf32>,
      %mul3A_146 = arith.mulf %gather3A_143, %gather3A_144 : vector<16xf32>
      %add3A_147 = arith.addf %add3A_140, %mul3A_146 : vector<16xf32>
      %mul3A_148 = arith.mulf %gather3A_143, %gather3A_145 : vector<16xf32>
      %add3A_149 = arith.addf %add3A_142, %mul3A_148 : vector<16xf32>
      %gather3A_150 = tpu.vector_load_idx %arg12[%add3A_14, %broadcast_in_dim3A_130] : memref<64x128xf32, #tpu.memory_space<vmem>>[vector<16xi32>, vector<16xi32>], vector<16xf32>,
      %gather3A_151 = tpu.vector_load_idx %arg15[%add3A_14, %broadcast_in_dim3A_131] : memref<64x128xf32, #tpu.memory_space<vmem>>[vector<16xi32>, vector<16xi32>], vector<16xf32>,
      %gather3A_152 = tpu.vector_load_idx %arg18[%add3A_14, %broadcast_in_dim3A_132] : memref<64x128xf32, #tpu.memory_space<vmem>>[vector<16xi32>, vector<16xi32>], vector<16xf32>,
      %mul3A_153 = arith.mulf %gather3A_150, %gather3A_151 : vector<16xf32>
      %add3A_154 = arith.addf %add3A_147, %mul3A_153 : vector<16xf32>
      %mul3A_155 = arith.mulf %gather3A_150, %gather3A_152 : vector<16xf32>
      %add3A_156 = arith.addf %add3A_149, %mul3A_155 : vector<16xf32>
      %gather3A_157 = tpu.vector_load_idx %arg12[%add3A_18, %broadcast_in_dim3A_130] : memref<64x128xf32, #tpu.memory_space<vmem>>[vector<16xi32>, vector<16xi32>], vector<16xf32>,
      %gather3A_158 = tpu.vector_load_idx %arg15[%add3A_18, %broadcast_in_dim3A_131] : memref<64x128xf32, #tpu.memory_space<vmem>>[vector<16xi32>, vector<16xi32>], vector<16xf32>,
      %gather3A_159 = tpu.vector_load_idx %arg18[%add3A_18, %broadcast_in_dim3A_132] : memref<64x128xf32, #tpu.memory_space<vmem>>[vector<16xi32>, vector<16xi32>], vector<16xf32>,
      %mul3A_160 = arith.mulf %gather3A_157, %gather3A_158 : vector<16xf32>
      %add3A_161 = arith.addf %add3A_154, %mul3A_160 : vector<16xf32>
      %mul3A_162 = arith.mulf %gather3A_157, %gather3A_159 : vector<16xf32>
      %add3A_163 = arith.addf %add3A_156, %mul3A_162 : vector<16xf32>
      %eq3A = arith.constant 0 : i32
      %eq3A_164 = vector.broadcast %eq3A : i32 to vector<16xi32>
      %eq3A_165 = arith.cmpi eq, %iota3A, %eq3A_164 : vector<16xi32>
      %reduce_sum3A = arith.constant true
      %reduce_sum3A_166 = vector.broadcast %reduce_sum3A : i1 to vector<16xi1>
      %reduce_sum3A_167 = tpu.scan <sum>, %add3A_161 masked %reduce_sum3A_166 : vector<16xf32>, vector<16xi1> -> vector<16xf32>
      %reduce_sum3A_168 = vector.extract %reduce_sum3A_167[15] : f32 from vector<16xf32>
      %broadcast_in_dim3A_169 = vector.broadcast %reduce_sum3A_168 : f32 to vector<16xf32>
      %select_n3A = arith.select %eq3A_165, %broadcast_in_dim3A_169, %broadcast_in_dim3A_32 : vector<16xi1>, vector<16xf32>
      %reduce_sum3A_170 = arith.constant true
      %reduce_sum3A_171 = vector.broadcast %reduce_sum3A_170 : i1 to vector<16xi1>
      %reduce_sum3A_172 = tpu.scan <sum>, %add3A_163 masked %reduce_sum3A_171 : vector<16xf32>, vector<16xi1> -> vector<16xf32>
      %reduce_sum3A_173 = vector.extract %reduce_sum3A_172[15] : f32 from vector<16xf32>
      %broadcast_in_dim3A_174 = vector.broadcast %reduce_sum3A_173 : f32 to vector<16xf32>
      %select_n3A_175 = arith.select %eq3A_165, %broadcast_in_dim3A_174, %broadcast_in_dim3A_34 : vector<16xi1>, vector<16xf32>
      %slice3A_176 = vector.extract_strided_slice %get3A_27 {offsets = [3], sizes = [1], strides = [1]} : vector<16xi32> to vector<1xi32>
      %squeeze3A_177 = vector.extract %slice3A_176[0] : i32 from vector<1xi32>
      %slice3A_178 = vector.extract_strided_slice %get3A_29 {offsets = [3], sizes = [1], strides = [1]} : vector<16xi32> to vector<1xi32>
      %squeeze3A_179 = vector.extract %slice3A_178[0] : i32 from vector<1xi32>
      %slice3A_180 = vector.extract_strided_slice %get3A_31 {offsets = [3], sizes = [1], strides = [1]} : vector<16xi32> to vector<1xi32>
      %squeeze3A_181 = vector.extract %slice3A_180[0] : i32 from vector<1xi32>
      %and3A_182 = arith.constant -128 : i32
      %and3A_183 = arith.andi %squeeze3A_177, %and3A_182 : i32
      %and3A_184 = arith.constant -128 : i32
      %and3A_185 = arith.andi %squeeze3A_179, %and3A_184 : i32
      %and3A_186 = arith.constant -128 : i32
      %and3A_187 = arith.andi %squeeze3A_181, %and3A_186 : i32
      %multiple_of3A_188 = tpu.assume_multiple %and3A_183, 128 : i32
      %dma_start3A_189 = arith.constant 0 : i32
      %dma_start3A_190 = tpu.memref_slice %arg5[%dma_start3A_189, %multiple_of3A_188] : memref<64x1000000xf32, #tpu.memory_space<hbm>> -> memref<64x128xf32, #tpu.memory_space<hbm>>
      %dma_start3A_191 = arith.constant 0 : i32
      %dma_start3A_192 = tpu.memref_slice %arg5[%dma_start3A_191, %multiple_of3A_188] : memref<64x1000000xf32, #tpu.memory_space<hbm>> -> memref<64x128xf32, #tpu.memory_space<hbm>>
      tpu.enqueue_dma source(%dma_start3A_192 : memref<64x128xf32, #tpu.memory_space<hbm>>) target(%arg12 : memref<64x128xf32, #tpu.memory_space<vmem>>) target_semaphore(%arg23 : memref<!tpu.dma_semaphore, #tpu.memory_space<semaphore_mem>>)
      %multiple_of3A_193 = tpu.assume_multiple %and3A_185, 128 : i32
      %dma_start3A_194 = arith.constant 0 : i32
      %dma_start3A_195 = tpu.memref_slice %arg6[%dma_start3A_194, %multiple_of3A_193] : memref<64x1000000xf32, #tpu.memory_space<hbm>> -> memref<64x128xf32, #tpu.memory_space<hbm>>
      %dma_start3A_196 = arith.constant 0 : i32
      %dma_start3A_197 = tpu.memref_slice %arg6[%dma_start3A_196, %multiple_of3A_193] : memref<64x1000000xf32, #tpu.memory_space<hbm>> -> memref<64x128xf32, #tpu.memory_space<hbm>>
      tpu.enqueue_dma source(%dma_start3A_197 : memref<64x128xf32, #tpu.memory_space<hbm>>) target(%arg15 : memref<64x128xf32, #tpu.memory_space<vmem>>) target_semaphore(%arg23 : memref<!tpu.dma_semaphore, #tpu.memory_space<semaphore_mem>>)
      %multiple_of3A_198 = tpu.assume_multiple %and3A_187, 128 : i32
      %dma_start3A_199 = arith.constant 0 : i32
      %dma_start3A_200 = tpu.memref_slice %arg6[%dma_start3A_199, %multiple_of3A_198] : memref<64x1000000xf32, #tpu.memory_space<hbm>> -> memref<64x128xf32, #tpu.memory_space<hbm>>
      %dma_start3A_201 = arith.constant 0 : i32
      %dma_start3A_202 = tpu.memref_slice %arg6[%dma_start3A_201, %multiple_of3A_198] : memref<64x1000000xf32, #tpu.memory_space<hbm>> -> memref<64x128xf32, #tpu.memory_space<hbm>>
      tpu.enqueue_dma source(%dma_start3A_202 : memref<64x128xf32, #tpu.memory_space<hbm>>) target(%arg18 : memref<64x128xf32, #tpu.memory_space<vmem>>) target_semaphore(%arg23 : memref<!tpu.dma_semaphore, #tpu.memory_space<semaphore_mem>>)
      %sub3A_203 = arith.subi %squeeze3A_177, %and3A_183 : i32
      %sub3A_204 = arith.subi %squeeze3A_179, %and3A_185 : i32
      %sub3A_205 = arith.subi %squeeze3A_181, %and3A_187 : i32
      %dma_wait3A_206 = arith.constant 0 : i32
      %dma_wait3A_207 = tpu.memref_slice %arg5[%dma_wait3A_206, %multiple_of3A_71] : memref<64x1000000xf32, #tpu.memory_space<hbm>> -> memref<64x128xf32, #tpu.memory_space<hbm>>
      %dma_wait3A_208 = arith.constant 0 : i32
      %dma_wait3A_209 = tpu.memref_slice %arg5[%dma_wait3A_208, %multiple_of3A_71] : memref<64x1000000xf32, #tpu.memory_space<hbm>> -> memref<64x128xf32, #tpu.memory_space<hbm>>
      tpu.wait_dma2 semaphore(%arg24 : memref<!tpu.dma_semaphore, #tpu.memory_space<semaphore_mem>>) src(%dma_wait3A_209 : memref<64x128xf32, #tpu.memory_space<hbm>>) dst(%arg13 : memref<64x128xf32, #tpu.memory_space<vmem>>)
      %dma_wait3A_210 = arith.constant 0 : i32
      %dma_wait3A_211 = tpu.memref_slice %arg6[%dma_wait3A_210, %multiple_of3A_76] : memref<64x1000000xf32, #tpu.memory_space<hbm>> -> memref<64x128xf32, #tpu.memory_space<hbm>>
      %dma_wait3A_212 = arith.constant 0 : i32
      %dma_wait3A_213 = tpu.memref_slice %arg6[%dma_wait3A_212, %multiple_of3A_76] : memref<64x1000000xf32, #tpu.memory_space<hbm>> -> memref<64x128xf32, #tpu.memory_space<hbm>>
      tpu.wait_dma2 semaphore(%arg24 : memref<!tpu.dma_semaphore, #tpu.memory_space<semaphore_mem>>) src(%dma_wait3A_213 : memref<64x128xf32, #tpu.memory_space<hbm>>) dst(%arg16 : memref<64x128xf32, #tpu.memory_space<vmem>>)
      %dma_wait3A_214 = arith.constant 0 : i32
      %dma_wait3A_215 = tpu.memref_slice %arg6[%dma_wait3A_214, %multiple_of3A_81] : memref<64x1000000xf32, #tpu.memory_space<hbm>> -> memref<64x128xf32, #tpu.memory_space<hbm>>
      %dma_wait3A_216 = arith.constant 0 : i32
      %dma_wait3A_217 = tpu.memref_slice %arg6[%dma_wait3A_216, %multiple_of3A_81] : memref<64x1000000xf32, #tpu.memory_space<hbm>> -> memref<64x128xf32, #tpu.memory_space<hbm>>
      tpu.wait_dma2 semaphore(%arg24 : memref<!tpu.dma_semaphore, #tpu.memory_space<semaphore_mem>>) src(%dma_wait3A_217 : memref<64x128xf32, #tpu.memory_space<hbm>>) dst(%arg19 : memref<64x128xf32, #tpu.memory_space<vmem>>)
      %broadcast_in_dim3A_218 = vector.broadcast %sub3A_86 : i32 to vector<16xi32>
      %broadcast_in_dim3A_219 = vector.broadcast %sub3A_87 : i32 to vector<16xi32>
      %broadcast_in_dim3A_220 = vector.broadcast %sub3A_88 : i32 to vector<16xi32>
      %broadcast_in_dim3A_221 = arith.constant 0.000000e+00 : f32
      %broadcast_in_dim3A_222 = vector.broadcast %broadcast_in_dim3A_221 : f32 to vector<16xf32>
      %broadcast_in_dim3A_223 = arith.constant 0.000000e+00 : f32
      %broadcast_in_dim3A_224 = vector.broadcast %broadcast_in_dim3A_223 : f32 to vector<16xf32>
      %gather3A_225 = tpu.vector_load_idx %arg13[%add3A_6, %broadcast_in_dim3A_218] : memref<64x128xf32, #tpu.memory_space<vmem>>[vector<16xi32>, vector<16xi32>], vector<16xf32>,
      %gather3A_226 = tpu.vector_load_idx %arg16[%add3A_6, %broadcast_in_dim3A_219] : memref<64x128xf32, #tpu.memory_space<vmem>>[vector<16xi32>, vector<16xi32>], vector<16xf32>,
      %gather3A_227 = tpu.vector_load_idx %arg19[%add3A_6, %broadcast_in_dim3A_220] : memref<64x128xf32, #tpu.memory_space<vmem>>[vector<16xi32>, vector<16xi32>], vector<16xf32>,
      %mul3A_228 = arith.mulf %gather3A_225, %gather3A_226 : vector<16xf32>
      %add3A_229 = arith.addf %broadcast_in_dim3A_222, %mul3A_228 : vector<16xf32>
      %mul3A_230 = arith.mulf %gather3A_225, %gather3A_227 : vector<16xf32>
      %add3A_231 = arith.addf %broadcast_in_dim3A_224, %mul3A_230 : vector<16xf32>
      %gather3A_232 = tpu.vector_load_idx %arg13[%add3A_10, %broadcast_in_dim3A_218] : memref<64x128xf32, #tpu.memory_space<vmem>>[vector<16xi32>, vector<16xi32>], vector<16xf32>,
      %gather3A_233 = tpu.vector_load_idx %arg16[%add3A_10, %broadcast_in_dim3A_219] : memref<64x128xf32, #tpu.memory_space<vmem>>[vector<16xi32>, vector<16xi32>], vector<16xf32>,
      %gather3A_234 = tpu.vector_load_idx %arg19[%add3A_10, %broadcast_in_dim3A_220] : memref<64x128xf32, #tpu.memory_space<vmem>>[vector<16xi32>, vector<16xi32>], vector<16xf32>,
      %mul3A_235 = arith.mulf %gather3A_232, %gather3A_233 : vector<16xf32>
      %add3A_236 = arith.addf %add3A_229, %mul3A_235 : vector<16xf32>
      %mul3A_237 = arith.mulf %gather3A_232, %gather3A_234 : vector<16xf32>
      %add3A_238 = arith.addf %add3A_231, %mul3A_237 : vector<16xf32>
      %gather3A_239 = tpu.vector_load_idx %arg13[%add3A_14, %broadcast_in_dim3A_218] : memref<64x128xf32, #tpu.memory_space<vmem>>[vector<16xi32>, vector<16xi32>], vector<16xf32>,
      %gather3A_240 = tpu.vector_load_idx %arg16[%add3A_14, %broadcast_in_dim3A_219] : memref<64x128xf32, #tpu.memory_space<vmem>>[vector<16xi32>, vector<16xi32>], vector<16xf32>,
      %gather3A_241 = tpu.vector_load_idx %arg19[%add3A_14, %broadcast_in_dim3A_220] : memref<64x128xf32, #tpu.memory_space<vmem>>[vector<16xi32>, vector<16xi32>], vector<16xf32>,
      %mul3A_242 = arith.mulf %gather3A_239, %gather3A_240 : vector<16xf32>
      %add3A_243 = arith.addf %add3A_236, %mul3A_242 : vector<16xf32>
      %mul3A_244 = arith.mulf %gather3A_239, %gather3A_241 : vector<16xf32>
      %add3A_245 = arith.addf %add3A_238, %mul3A_244 : vector<16xf32>
      %gather3A_246 = tpu.vector_load_idx %arg13[%add3A_18, %broadcast_in_dim3A_218] : memref<64x128xf32, #tpu.memory_space<vmem>>[vector<16xi32>, vector<16xi32>], vector<16xf32>,
      %gather3A_247 = tpu.vector_load_idx %arg16[%add3A_18, %broadcast_in_dim3A_219] : memref<64x128xf32, #tpu.memory_space<vmem>>[vector<16xi32>, vector<16xi32>], vector<16xf32>,
      %gather3A_248 = tpu.vector_load_idx %arg19[%add3A_18, %broadcast_in_dim3A_220] : memref<64x128xf32, #tpu.memory_space<vmem>>[vector<16xi32>, vector<16xi32>], vector<16xf32>,
      %mul3A_249 = arith.mulf %gather3A_246, %gather3A_247 : vector<16xf32>
      %add3A_250 = arith.addf %add3A_243, %mul3A_249 : vector<16xf32>
      %mul3A_251 = arith.mulf %gather3A_246, %gather3A_248 : vector<16xf32>
      %add3A_252 = arith.addf %add3A_245, %mul3A_251 : vector<16xf32>
      %eq3A_253 = arith.constant 1 : i32
      %eq3A_254 = vector.broadcast %eq3A_253 : i32 to vector<16xi32>
      %eq3A_255 = arith.cmpi eq, %iota3A, %eq3A_254 : vector<16xi32>
      %reduce_sum3A_256 = arith.constant true
      %reduce_sum3A_257 = vector.broadcast %reduce_sum3A_256 : i1 to vector<16xi1>
      %reduce_sum3A_258 = tpu.scan <sum>, %add3A_250 masked %reduce_sum3A_257 : vector<16xf32>, vector<16xi1> -> vector<16xf32>
      %reduce_sum3A_259 = vector.extract %reduce_sum3A_258[15] : f32 from vector<16xf32>
      %broadcast_in_dim3A_260 = vector.broadcast %reduce_sum3A_259 : f32 to vector<16xf32>
      %select_n3A_261 = arith.select %eq3A_255, %broadcast_in_dim3A_260, %select_n3A : vector<16xi1>, vector<16xf32>
      %reduce_sum3A_262 = arith.constant true
      %reduce_sum3A_263 = vector.broadcast %reduce_sum3A_262 : i1 to vector<16xi1>
      %reduce_sum3A_264 = tpu.scan <sum>, %add3A_252 masked %reduce_sum3A_263 : vector<16xf32>, vector<16xi1> -> vector<16xf32>
      %reduce_sum3A_265 = vector.extract %reduce_sum3A_264[15] : f32 from vector<16xf32>
      %broadcast_in_dim3A_266 = vector.broadcast %reduce_sum3A_265 : f32 to vector<16xf32>
      %select_n3A_267 = arith.select %eq3A_255, %broadcast_in_dim3A_266, %select_n3A_175 : vector<16xi1>, vector<16xf32>
      %slice3A_268 = vector.extract_strided_slice %get3A_27 {offsets = [4], sizes = [1], strides = [1]} : vector<16xi32> to vector<1xi32>
      %squeeze3A_269 = vector.extract %slice3A_268[0] : i32 from vector<1xi32>
      %slice3A_270 = vector.extract_strided_slice %get3A_29 {offsets = [4], sizes = [1], strides = [1]} : vector<16xi32> to vector<1xi32>
      %squeeze3A_271 = vector.extract %slice3A_270[0] : i32 from vector<1xi32>
      %slice3A_272 = vector.extract_strided_slice %get3A_31 {offsets = [4], sizes = [1], strides = [1]} : vector<16xi32> to vector<1xi32>
      %squeeze3A_273 = vector.extract %slice3A_272[0] : i32 from vector<1xi32>
      %and3A_274 = arith.constant -128 : i32
      %and3A_275 = arith.andi %squeeze3A_269, %and3A_274 : i32
      %and3A_276 = arith.constant -128 : i32
      %and3A_277 = arith.andi %squeeze3A_271, %and3A_276 : i32
      %and3A_278 = arith.constant -128 : i32
      %and3A_279 = arith.andi %squeeze3A_273, %and3A_278 : i32
      %multiple_of3A_280 = tpu.assume_multiple %and3A_275, 128 : i32
      %dma_start3A_281 = arith.constant 0 : i32
      %dma_start3A_282 = tpu.memref_slice %arg5[%dma_start3A_281, %multiple_of3A_280] : memref<64x1000000xf32, #tpu.memory_space<hbm>> -> memref<64x128xf32, #tpu.memory_space<hbm>>
      %dma_start3A_283 = arith.constant 0 : i32
      %dma_start3A_284 = tpu.memref_slice %arg5[%dma_start3A_283, %multiple_of3A_280] : memref<64x1000000xf32, #tpu.memory_space<hbm>> -> memref<64x128xf32, #tpu.memory_space<hbm>>
      tpu.enqueue_dma source(%dma_start3A_284 : memref<64x128xf32, #tpu.memory_space<hbm>>) target(%arg13 : memref<64x128xf32, #tpu.memory_space<vmem>>) target_semaphore(%arg24 : memref<!tpu.dma_semaphore, #tpu.memory_space<semaphore_mem>>)
      %multiple_of3A_285 = tpu.assume_multiple %and3A_277, 128 : i32
      %dma_start3A_286 = arith.constant 0 : i32
      %dma_start3A_287 = tpu.memref_slice %arg6[%dma_start3A_286, %multiple_of3A_285] : memref<64x1000000xf32, #tpu.memory_space<hbm>> -> memref<64x128xf32, #tpu.memory_space<hbm>>
      %dma_start3A_288 = arith.constant 0 : i32
      %dma_start3A_289 = tpu.memref_slice %arg6[%dma_start3A_288, %multiple_of3A_285] : memref<64x1000000xf32, #tpu.memory_space<hbm>> -> memref<64x128xf32, #tpu.memory_space<hbm>>
      tpu.enqueue_dma source(%dma_start3A_289 : memref<64x128xf32, #tpu.memory_space<hbm>>) target(%arg16 : memref<64x128xf32, #tpu.memory_space<vmem>>) target_semaphore(%arg24 : memref<!tpu.dma_semaphore, #tpu.memory_space<semaphore_mem>>)
      %multiple_of3A_290 = tpu.assume_multiple %and3A_279, 128 : i32
      %dma_start3A_291 = arith.constant 0 : i32
      %dma_start3A_292 = tpu.memref_slice %arg6[%dma_start3A_291, %multiple_of3A_290] : memref<64x1000000xf32, #tpu.memory_space<hbm>> -> memref<64x128xf32, #tpu.memory_space<hbm>>
      %dma_start3A_293 = arith.constant 0 : i32
      %dma_start3A_294 = tpu.memref_slice %arg6[%dma_start3A_293, %multiple_of3A_290] : memref<64x1000000xf32, #tpu.memory_space<hbm>> -> memref<64x128xf32, #tpu.memory_space<hbm>>
      tpu.enqueue_dma source(%dma_start3A_294 : memref<64x128xf32, #tpu.memory_space<hbm>>) target(%arg19 : memref<64x128xf32, #tpu.memory_space<vmem>>) target_semaphore(%arg24 : memref<!tpu.dma_semaphore, #tpu.memory_space<semaphore_mem>>)
      %sub3A_295 = arith.subi %squeeze3A_269, %and3A_275 : i32
      %sub3A_296 = arith.subi %squeeze3A_271, %and3A_277 : i32
      %sub3A_297 = arith.subi %squeeze3A_273, %and3A_279 : i32
      %dma_wait3A_298 = arith.constant 0 : i32
      %dma_wait3A_299 = tpu.memref_slice %arg5[%dma_wait3A_298, %multiple_of3A_101] : memref<64x1000000xf32, #tpu.memory_space<hbm>> -> memref<64x128xf32, #tpu.memory_space<hbm>>
      %dma_wait3A_300 = arith.constant 0 : i32
      %dma_wait3A_301 = tpu.memref_slice %arg5[%dma_wait3A_300, %multiple_of3A_101] : memref<64x1000000xf32, #tpu.memory_space<hbm>> -> memref<64x128xf32, #tpu.memory_space<hbm>>
      tpu.wait_dma2 semaphore(%arg25 : memref<!tpu.dma_semaphore, #tpu.memory_space<semaphore_mem>>) src(%dma_wait3A_301 : memref<64x128xf32, #tpu.memory_space<hbm>>) dst(%arg14 : memref<64x128xf32, #tpu.memory_space<vmem>>)
      %dma_wait3A_302 = arith.constant 0 : i32
      %dma_wait3A_303 = tpu.memref_slice %arg6[%dma_wait3A_302, %multiple_of3A_106] : memref<64x1000000xf32, #tpu.memory_space<hbm>> -> memref<64x128xf32, #tpu.memory_space<hbm>>
      %dma_wait3A_304 = arith.constant 0 : i32
      %dma_wait3A_305 = tpu.memref_slice %arg6[%dma_wait3A_304, %multiple_of3A_106] : memref<64x1000000xf32, #tpu.memory_space<hbm>> -> memref<64x128xf32, #tpu.memory_space<hbm>>
      tpu.wait_dma2 semaphore(%arg25 : memref<!tpu.dma_semaphore, #tpu.memory_space<semaphore_mem>>) src(%dma_wait3A_305 : memref<64x128xf32, #tpu.memory_space<hbm>>) dst(%arg17 : memref<64x128xf32, #tpu.memory_space<vmem>>)
      %dma_wait3A_306 = arith.constant 0 : i32
      %dma_wait3A_307 = tpu.memref_slice %arg6[%dma_wait3A_306, %multiple_of3A_111] : memref<64x1000000xf32, #tpu.memory_space<hbm>> -> memref<64x128xf32, #tpu.memory_space<hbm>>
      %dma_wait3A_308 = arith.constant 0 : i32
      %dma_wait3A_309 = tpu.memref_slice %arg6[%dma_wait3A_308, %multiple_of3A_111] : memref<64x1000000xf32, #tpu.memory_space<hbm>> -> memref<64x128xf32, #tpu.memory_space<hbm>>
      tpu.wait_dma2 semaphore(%arg25 : memref<!tpu.dma_semaphore, #tpu.memory_space<semaphore_mem>>) src(%dma_wait3A_309 : memref<64x128xf32, #tpu.memory_space<hbm>>) dst(%arg20 : memref<64x128xf32, #tpu.memory_space<vmem>>)
      %broadcast_in_dim3A_310 = vector.broadcast %sub3A_116 : i32 to vector<16xi32>
      %broadcast_in_dim3A_311 = vector.broadcast %sub3A_117 : i32 to vector<16xi32>
      %broadcast_in_dim3A_312 = vector.broadcast %sub3A_118 : i32 to vector<16xi32>
      %broadcast_in_dim3A_313 = arith.constant 0.000000e+00 : f32
      %broadcast_in_dim3A_314 = vector.broadcast %broadcast_in_dim3A_313 : f32 to vector<16xf32>
      %broadcast_in_dim3A_315 = arith.constant 0.000000e+00 : f32
      %broadcast_in_dim3A_316 = vector.broadcast %broadcast_in_dim3A_315 : f32 to vector<16xf32>
      %gather3A_317 = tpu.vector_load_idx %arg14[%add3A_6, %broadcast_in_dim3A_310] : memref<64x128xf32, #tpu.memory_space<vmem>>[vector<16xi32>, vector<16xi32>], vector<16xf32>,
      %gather3A_318 = tpu.vector_load_idx %arg17[%add3A_6, %broadcast_in_dim3A_311] : memref<64x128xf32, #tpu.memory_space<vmem>>[vector<16xi32>, vector<16xi32>], vector<16xf32>,
      %gather3A_319 = tpu.vector_load_idx %arg20[%add3A_6, %broadcast_in_dim3A_312] : memref<64x128xf32, #tpu.memory_space<vmem>>[vector<16xi32>, vector<16xi32>], vector<16xf32>,
      %mul3A_320 = arith.mulf %gather3A_317, %gather3A_318 : vector<16xf32>
      %add3A_321 = arith.addf %broadcast_in_dim3A_314, %mul3A_320 : vector<16xf32>
      %mul3A_322 = arith.mulf %gather3A_317, %gather3A_319 : vector<16xf32>
      %add3A_323 = arith.addf %broadcast_in_dim3A_316, %mul3A_322 : vector<16xf32>
      %gather3A_324 = tpu.vector_load_idx %arg14[%add3A_10, %broadcast_in_dim3A_310] : memref<64x128xf32, #tpu.memory_space<vmem>>[vector<16xi32>, vector<16xi32>], vector<16xf32>,
      %gather3A_325 = tpu.vector_load_idx %arg17[%add3A_10, %broadcast_in_dim3A_311] : memref<64x128xf32, #tpu.memory_space<vmem>>[vector<16xi32>, vector<16xi32>], vector<16xf32>,
      %gather3A_326 = tpu.vector_load_idx %arg20[%add3A_10, %broadcast_in_dim3A_312] : memref<64x128xf32, #tpu.memory_space<vmem>>[vector<16xi32>, vector<16xi32>], vector<16xf32>,
      %mul3A_327 = arith.mulf %gather3A_324, %gather3A_325 : vector<16xf32>
      %add3A_328 = arith.addf %add3A_321, %mul3A_327 : vector<16xf32>
      %mul3A_329 = arith.mulf %gather3A_324, %gather3A_326 : vector<16xf32>
      %add3A_330 = arith.addf %add3A_323, %mul3A_329 : vector<16xf32>
      %gather3A_331 = tpu.vector_load_idx %arg14[%add3A_14, %broadcast_in_dim3A_310] : memref<64x128xf32, #tpu.memory_space<vmem>>[vector<16xi32>, vector<16xi32>], vector<16xf32>,
      %gather3A_332 = tpu.vector_load_idx %arg17[%add3A_14, %broadcast_in_dim3A_311] : memref<64x128xf32, #tpu.memory_space<vmem>>[vector<16xi32>, vector<16xi32>], vector<16xf32>,
      %gather3A_333 = tpu.vector_load_idx %arg20[%add3A_14, %broadcast_in_dim3A_312] : memref<64x128xf32, #tpu.memory_space<vmem>>[vector<16xi32>, vector<16xi32>], vector<16xf32>,
      %mul3A_334 = arith.mulf %gather3A_331, %gather3A_332 : vector<16xf32>
      %add3A_335 = arith.addf %add3A_328, %mul3A_334 : vector<16xf32>
      %mul3A_336 = arith.mulf %gather3A_331, %gather3A_333 : vector<16xf32>
      %add3A_337 = arith.addf %add3A_330, %mul3A_336 : vector<16xf32>
      %gather3A_338 = tpu.vector_load_idx %arg14[%add3A_18, %broadcast_in_dim3A_310] : memref<64x128xf32, #tpu.memory_space<vmem>>[vector<16xi32>, vector<16xi32>], vector<16xf32>,
      %gather3A_339 = tpu.vector_load_idx %arg17[%add3A_18, %broadcast_in_dim3A_311] : memref<64x128xf32, #tpu.memory_space<vmem>>[vector<16xi32>, vector<16xi32>], vector<16xf32>,
      %gather3A_340 = tpu.vector_load_idx %arg20[%add3A_18, %broadcast_in_dim3A_312] : memref<64x128xf32, #tpu.memory_space<vmem>>[vector<16xi32>, vector<16xi32>], vector<16xf32>,
      %mul3A_341 = arith.mulf %gather3A_338, %gather3A_339 : vector<16xf32>
      %add3A_342 = arith.addf %add3A_335, %mul3A_341 : vector<16xf32>
      %mul3A_343 = arith.mulf %gather3A_338, %gather3A_340 : vector<16xf32>
      %add3A_344 = arith.addf %add3A_337, %mul3A_343 : vector<16xf32>
      %eq3A_345 = arith.constant 2 : i32
      %eq3A_346 = vector.broadcast %eq3A_345 : i32 to vector<16xi32>
      %eq3A_347 = arith.cmpi eq, %iota3A, %eq3A_346 : vector<16xi32>
      %reduce_sum3A_348 = arith.constant true
      %reduce_sum3A_349 = vector.broadcast %reduce_sum3A_348 : i1 to vector<16xi1>
      %reduce_sum3A_350 = tpu.scan <sum>, %add3A_342 masked %reduce_sum3A_349 : vector<16xf32>, vector<16xi1> -> vector<16xf32>
      %reduce_sum3A_351 = vector.extract %reduce_sum3A_350[15] : f32 from vector<16xf32>
      %broadcast_in_dim3A_352 = vector.broadcast %reduce_sum3A_351 : f32 to vector<16xf32>
      %select_n3A_353 = arith.select %eq3A_347, %broadcast_in_dim3A_352, %select_n3A_261 : vector<16xi1>, vector<16xf32>
      %reduce_sum3A_354 = arith.constant true
      %reduce_sum3A_355 = vector.broadcast %reduce_sum3A_354 : i1 to vector<16xi1>
      %reduce_sum3A_356 = tpu.scan <sum>, %add3A_344 masked %reduce_sum3A_355 : vector<16xf32>, vector<16xi1> -> vector<16xf32>
      %reduce_sum3A_357 = vector.extract %reduce_sum3A_356[15] : f32 from vector<16xf32>
      %broadcast_in_dim3A_358 = vector.broadcast %reduce_sum3A_357 : f32 to vector<16xf32>
      %select_n3A_359 = arith.select %eq3A_347, %broadcast_in_dim3A_358, %select_n3A_267 : vector<16xi1>, vector<16xf32>
      %slice3A_360 = vector.extract_strided_slice %get3A_27 {offsets = [5], sizes = [1], strides = [1]} : vector<16xi32> to vector<1xi32>
      %squeeze3A_361 = vector.extract %slice3A_360[0] : i32 from vector<1xi32>
      %slice3A_362 = vector.extract_strided_slice %get3A_29 {offsets = [5], sizes = [1], strides = [1]} : vector<16xi32> to vector<1xi32>
      %squeeze3A_363 = vector.extract %slice3A_362[0] : i32 from vector<1xi32>
      %slice3A_364 = vector.extract_strided_slice %get3A_31 {offsets = [5], sizes = [1], strides = [1]} : vector<16xi32> to vector<1xi32>
      %squeeze3A_365 = vector.extract %slice3A_364[0] : i32 from vector<1xi32>
      %and3A_366 = arith.constant -128 : i32
      %and3A_367 = arith.andi %squeeze3A_361, %and3A_366 : i32
      %and3A_368 = arith.constant -128 : i32
      %and3A_369 = arith.andi %squeeze3A_363, %and3A_368 : i32
      %and3A_370 = arith.constant -128 : i32
      %and3A_371 = arith.andi %squeeze3A_365, %and3A_370 : i32
      %multiple_of3A_372 = tpu.assume_multiple %and3A_367, 128 : i32
      %dma_start3A_373 = arith.constant 0 : i32
      %dma_start3A_374 = tpu.memref_slice %arg5[%dma_start3A_373, %multiple_of3A_372] : memref<64x1000000xf32, #tpu.memory_space<hbm>> -> memref<64x128xf32, #tpu.memory_space<hbm>>
      %dma_start3A_375 = arith.constant 0 : i32
      %dma_start3A_376 = tpu.memref_slice %arg5[%dma_start3A_375, %multiple_of3A_372] : memref<64x1000000xf32, #tpu.memory_space<hbm>> -> memref<64x128xf32, #tpu.memory_space<hbm>>
      tpu.enqueue_dma source(%dma_start3A_376 : memref<64x128xf32, #tpu.memory_space<hbm>>) target(%arg14 : memref<64x128xf32, #tpu.memory_space<vmem>>) target_semaphore(%arg25 : memref<!tpu.dma_semaphore, #tpu.memory_space<semaphore_mem>>)
      %multiple_of3A_377 = tpu.assume_multiple %and3A_369, 128 : i32
      %dma_start3A_378 = arith.constant 0 : i32
      %dma_start3A_379 = tpu.memref_slice %arg6[%dma_start3A_378, %multiple_of3A_377] : memref<64x1000000xf32, #tpu.memory_space<hbm>> -> memref<64x128xf32, #tpu.memory_space<hbm>>
      %dma_start3A_380 = arith.constant 0 : i32
      %dma_start3A_381 = tpu.memref_slice %arg6[%dma_start3A_380, %multiple_of3A_377] : memref<64x1000000xf32, #tpu.memory_space<hbm>> -> memref<64x128xf32, #tpu.memory_space<hbm>>
      tpu.enqueue_dma source(%dma_start3A_381 : memref<64x128xf32, #tpu.memory_space<hbm>>) target(%arg17 : memref<64x128xf32, #tpu.memory_space<vmem>>) target_semaphore(%arg25 : memref<!tpu.dma_semaphore, #tpu.memory_space<semaphore_mem>>)
      %multiple_of3A_382 = tpu.assume_multiple %and3A_371, 128 : i32
      %dma_start3A_383 = arith.constant 0 : i32
      %dma_start3A_384 = tpu.memref_slice %arg6[%dma_start3A_383, %multiple_of3A_382] : memref<64x1000000xf32, #tpu.memory_space<hbm>> -> memref<64x128xf32, #tpu.memory_space<hbm>>
      %dma_start3A_385 = arith.constant 0 : i32
      %dma_start3A_386 = tpu.memref_slice %arg6[%dma_start3A_385, %multiple_of3A_382] : memref<64x1000000xf32, #tpu.memory_space<hbm>> -> memref<64x128xf32, #tpu.memory_space<hbm>>
      tpu.enqueue_dma source(%dma_start3A_386 : memref<64x128xf32, #tpu.memory_space<hbm>>) target(%arg20 : memref<64x128xf32, #tpu.memory_space<vmem>>) target_semaphore(%arg25 : memref<!tpu.dma_semaphore, #tpu.memory_space<semaphore_mem>>)
      %sub3A_387 = arith.subi %squeeze3A_361, %and3A_367 : i32
      %sub3A_388 = arith.subi %squeeze3A_363, %and3A_369 : i32
      %sub3A_389 = arith.subi %squeeze3A_365, %and3A_371 : i32
      %dma_wait3A_390 = arith.constant 0 : i32
      %dma_wait3A_391 = tpu.memref_slice %arg5[%dma_wait3A_390, %multiple_of3A_188] : memref<64x1000000xf32, #tpu.memory_space<hbm>> -> memref<64x128xf32, #tpu.memory_space<hbm>>
      %dma_wait3A_392 = arith.constant 0 : i32
      %dma_wait3A_393 = tpu.memref_slice %arg5[%dma_wait3A_392, %multiple_of3A_188] : memref<64x1000000xf32, #tpu.memory_space<hbm>> -> memref<64x128xf32, #tpu.memory_space<hbm>>
      tpu.wait_dma2 semaphore(%arg23 : memref<!tpu.dma_semaphore, #tpu.memory_space<semaphore_mem>>) src(%dma_wait3A_393 : memref<64x128xf32, #tpu.memory_space<hbm>>) dst(%arg12 : memref<64x128xf32, #tpu.memory_space<vmem>>)
      %dma_wait3A_394 = arith.constant 0 : i32
      %dma_wait3A_395 = tpu.memref_slice %arg6[%dma_wait3A_394, %multiple_of3A_193] : memref<64x1000000xf32, #tpu.memory_space<hbm>> -> memref<64x128xf32, #tpu.memory_space<hbm>>
      %dma_wait3A_396 = arith.constant 0 : i32
      %dma_wait3A_397 = tpu.memref_slice %arg6[%dma_wait3A_396, %multiple_of3A_193] : memref<64x1000000xf32, #tpu.memory_space<hbm>> -> memref<64x128xf32, #tpu.memory_space<hbm>>
      tpu.wait_dma2 semaphore(%arg23 : memref<!tpu.dma_semaphore, #tpu.memory_space<semaphore_mem>>) src(%dma_wait3A_397 : memref<64x128xf32, #tpu.memory_space<hbm>>) dst(%arg15 : memref<64x128xf32, #tpu.memory_space<vmem>>)
      %dma_wait3A_398 = arith.constant 0 : i32
      %dma_wait3A_399 = tpu.memref_slice %arg6[%dma_wait3A_398, %multiple_of3A_198] : memref<64x1000000xf32, #tpu.memory_space<hbm>> -> memref<64x128xf32, #tpu.memory_space<hbm>>
      %dma_wait3A_400 = arith.constant 0 : i32
      %dma_wait3A_401 = tpu.memref_slice %arg6[%dma_wait3A_400, %multiple_of3A_198] : memref<64x1000000xf32, #tpu.memory_space<hbm>> -> memref<64x128xf32, #tpu.memory_space<hbm>>
      tpu.wait_dma2 semaphore(%arg23 : memref<!tpu.dma_semaphore, #tpu.memory_space<semaphore_mem>>) src(%dma_wait3A_401 : memref<64x128xf32, #tpu.memory_space<hbm>>) dst(%arg18 : memref<64x128xf32, #tpu.memory_space<vmem>>)
      %broadcast_in_dim3A_402 = vector.broadcast %sub3A_203 : i32 to vector<16xi32>
      %broadcast_in_dim3A_403 = vector.broadcast %sub3A_204 : i32 to vector<16xi32>
      %broadcast_in_dim3A_404 = vector.broadcast %sub3A_205 : i32 to vector<16xi32>
      %broadcast_in_dim3A_405 = arith.constant 0.000000e+00 : f32
      %broadcast_in_dim3A_406 = vector.broadcast %broadcast_in_dim3A_405 : f32 to vector<16xf32>
      %broadcast_in_dim3A_407 = arith.constant 0.000000e+00 : f32
      %broadcast_in_dim3A_408 = vector.broadcast %broadcast_in_dim3A_407 : f32 to vector<16xf32>
      %gather3A_409 = tpu.vector_load_idx %arg12[%add3A_6, %broadcast_in_dim3A_402] : memref<64x128xf32, #tpu.memory_space<vmem>>[vector<16xi32>, vector<16xi32>], vector<16xf32>,
      %gather3A_410 = tpu.vector_load_idx %arg15[%add3A_6, %broadcast_in_dim3A_403] : memref<64x128xf32, #tpu.memory_space<vmem>>[vector<16xi32>, vector<16xi32>], vector<16xf32>,
      %gather3A_411 = tpu.vector_load_idx %arg18[%add3A_6, %broadcast_in_dim3A_404] : memref<64x128xf32, #tpu.memory_space<vmem>>[vector<16xi32>, vector<16xi32>], vector<16xf32>,
      %mul3A_412 = arith.mulf %gather3A_409, %gather3A_410 : vector<16xf32>
      %add3A_413 = arith.addf %broadcast_in_dim3A_406, %mul3A_412 : vector<16xf32>
      %mul3A_414 = arith.mulf %gather3A_409, %gather3A_411 : vector<16xf32>
      %add3A_415 = arith.addf %broadcast_in_dim3A_408, %mul3A_414 : vector<16xf32>
      %gather3A_416 = tpu.vector_load_idx %arg12[%add3A_10, %broadcast_in_dim3A_402] : memref<64x128xf32, #tpu.memory_space<vmem>>[vector<16xi32>, vector<16xi32>], vector<16xf32>,
      %gather3A_417 = tpu.vector_load_idx %arg15[%add3A_10, %broadcast_in_dim3A_403] : memref<64x128xf32, #tpu.memory_space<vmem>>[vector<16xi32>, vector<16xi32>], vector<16xf32>,
      %gather3A_418 = tpu.vector_load_idx %arg18[%add3A_10, %broadcast_in_dim3A_404] : memref<64x128xf32, #tpu.memory_space<vmem>>[vector<16xi32>, vector<16xi32>], vector<16xf32>,
      %mul3A_419 = arith.mulf %gather3A_416, %gather3A_417 : vector<16xf32>
      %add3A_420 = arith.addf %add3A_413, %mul3A_419 : vector<16xf32>
      %mul3A_421 = arith.mulf %gather3A_416, %gather3A_418 : vector<16xf32>
      %add3A_422 = arith.addf %add3A_415, %mul3A_421 : vector<16xf32>
      %gather3A_423 = tpu.vector_load_idx %arg12[%add3A_14, %broadcast_in_dim3A_402] : memref<64x128xf32, #tpu.memory_space<vmem>>[vector<16xi32>, vector<16xi32>], vector<16xf32>,
      %gather3A_424 = tpu.vector_load_idx %arg15[%add3A_14, %broadcast_in_dim3A_403] : memref<64x128xf32, #tpu.memory_space<vmem>>[vector<16xi32>, vector<16xi32>], vector<16xf32>,
      %gather3A_425 = tpu.vector_load_idx %arg18[%add3A_14, %broadcast_in_dim3A_404] : memref<64x128xf32, #tpu.memory_space<vmem>>[vector<16xi32>, vector<16xi32>], vector<16xf32>,
      %mul3A_426 = arith.mulf %gather3A_423, %gather3A_424 : vector<16xf32>
      %add3A_427 = arith.addf %add3A_420, %mul3A_426 : vector<16xf32>
      %mul3A_428 = arith.mulf %gather3A_423, %gather3A_425 : vector<16xf32>
      %add3A_429 = arith.addf %add3A_422, %mul3A_428 : vector<16xf32>
      %gather3A_430 = tpu.vector_load_idx %arg12[%add3A_18, %broadcast_in_dim3A_402] : memref<64x128xf32, #tpu.memory_space<vmem>>[vector<16xi32>, vector<16xi32>], vector<16xf32>,
      %gather3A_431 = tpu.vector_load_idx %arg15[%add3A_18, %broadcast_in_dim3A_403] : memref<64x128xf32, #tpu.memory_space<vmem>>[vector<16xi32>, vector<16xi32>], vector<16xf32>,
      %gather3A_432 = tpu.vector_load_idx %arg18[%add3A_18, %broadcast_in_dim3A_404] : memref<64x128xf32, #tpu.memory_space<vmem>>[vector<16xi32>, vector<16xi32>], vector<16xf32>,
      %mul3A_433 = arith.mulf %gather3A_430, %gather3A_431 : vector<16xf32>
      %add3A_434 = arith.addf %add3A_427, %mul3A_433 : vector<16xf32>
      %mul3A_435 = arith.mulf %gather3A_430, %gather3A_432 : vector<16xf32>
      %add3A_436 = arith.addf %add3A_429, %mul3A_435 : vector<16xf32>
      %eq3A_437 = arith.constant 3 : i32
      %eq3A_438 = vector.broadcast %eq3A_437 : i32 to vector<16xi32>
      %eq3A_439 = arith.cmpi eq, %iota3A, %eq3A_438 : vector<16xi32>
      %reduce_sum3A_440 = arith.constant true
      %reduce_sum3A_441 = vector.broadcast %reduce_sum3A_440 : i1 to vector<16xi1>
      %reduce_sum3A_442 = tpu.scan <sum>, %add3A_434 masked %reduce_sum3A_441 : vector<16xf32>, vector<16xi1> -> vector<16xf32>
      %reduce_sum3A_443 = vector.extract %reduce_sum3A_442[15] : f32 from vector<16xf32>
      %broadcast_in_dim3A_444 = vector.broadcast %reduce_sum3A_443 : f32 to vector<16xf32>
      %select_n3A_445 = arith.select %eq3A_439, %broadcast_in_dim3A_444, %select_n3A_353 : vector<16xi1>, vector<16xf32>
      %reduce_sum3A_446 = arith.constant true
      %reduce_sum3A_447 = vector.broadcast %reduce_sum3A_446 : i1 to vector<16xi1>
      %reduce_sum3A_448 = tpu.scan <sum>, %add3A_436 masked %reduce_sum3A_447 : vector<16xf32>, vector<16xi1> -> vector<16xf32>
      %reduce_sum3A_449 = vector.extract %reduce_sum3A_448[15] : f32 from vector<16xf32>
      %broadcast_in_dim3A_450 = vector.broadcast %reduce_sum3A_449 : f32 to vector<16xf32>
      %select_n3A_451 = arith.select %eq3A_439, %broadcast_in_dim3A_450, %select_n3A_359 : vector<16xi1>, vector<16xf32>
      %slice3A_452 = vector.extract_strided_slice %get3A_27 {offsets = [6], sizes = [1], strides = [1]} : vector<16xi32> to vector<1xi32>
      %squeeze3A_453 = vector.extract %slice3A_452[0] : i32 from vector<1xi32>
      %slice3A_454 = vector.extract_strided_slice %get3A_29 {offsets = [6], sizes = [1], strides = [1]} : vector<16xi32> to vector<1xi32>
      %squeeze3A_455 = vector.extract %slice3A_454[0] : i32 from vector<1xi32>
      %slice3A_456 = vector.extract_strided_slice %get3A_31 {offsets = [6], sizes = [1], strides = [1]} : vector<16xi32> to vector<1xi32>
      %squeeze3A_457 = vector.extract %slice3A_456[0] : i32 from vector<1xi32>
      %and3A_458 = arith.constant -128 : i32
      %and3A_459 = arith.andi %squeeze3A_453, %and3A_458 : i32
      %and3A_460 = arith.constant -128 : i32
      %and3A_461 = arith.andi %squeeze3A_455, %and3A_460 : i32
      %and3A_462 = arith.constant -128 : i32
      %and3A_463 = arith.andi %squeeze3A_457, %and3A_462 : i32
      %multiple_of3A_464 = tpu.assume_multiple %and3A_459, 128 : i32
      %dma_start3A_465 = arith.constant 0 : i32
      %dma_start3A_466 = tpu.memref_slice %arg5[%dma_start3A_465, %multiple_of3A_464] : memref<64x1000000xf32, #tpu.memory_space<hbm>> -> memref<64x128xf32, #tpu.memory_space<hbm>>
      %dma_start3A_467 = arith.constant 0 : i32
      %dma_start3A_468 = tpu.memref_slice %arg5[%dma_start3A_467, %multiple_of3A_464] : memref<64x1000000xf32, #tpu.memory_space<hbm>> -> memref<64x128xf32, #tpu.memory_space<hbm>>
      tpu.enqueue_dma source(%dma_start3A_468 : memref<64x128xf32, #tpu.memory_space<hbm>>) target(%arg12 : memref<64x128xf32, #tpu.memory_space<vmem>>) target_semaphore(%arg23 : memref<!tpu.dma_semaphore, #tpu.memory_space<semaphore_mem>>)
      %multiple_of3A_469 = tpu.assume_multiple %and3A_461, 128 : i32
      %dma_start3A_470 = arith.constant 0 : i32
      %dma_start3A_471 = tpu.memref_slice %arg6[%dma_start3A_470, %multiple_of3A_469] : memref<64x1000000xf32, #tpu.memory_space<hbm>> -> memref<64x128xf32, #tpu.memory_space<hbm>>
      %dma_start3A_472 = arith.constant 0 : i32
      %dma_start3A_473 = tpu.memref_slice %arg6[%dma_start3A_472, %multiple_of3A_469] : memref<64x1000000xf32, #tpu.memory_space<hbm>> -> memref<64x128xf32, #tpu.memory_space<hbm>>
      tpu.enqueue_dma source(%dma_start3A_473 : memref<64x128xf32, #tpu.memory_space<hbm>>) target(%arg15 : memref<64x128xf32, #tpu.memory_space<vmem>>) target_semaphore(%arg23 : memref<!tpu.dma_semaphore, #tpu.memory_space<semaphore_mem>>)
      %multiple_of3A_474 = tpu.assume_multiple %and3A_463, 128 : i32
      %dma_start3A_475 = arith.constant 0 : i32
      %dma_start3A_476 = tpu.memref_slice %arg6[%dma_start3A_475, %multiple_of3A_474] : memref<64x1000000xf32, #tpu.memory_space<hbm>> -> memref<64x128xf32, #tpu.memory_space<hbm>>
      %dma_start3A_477 = arith.constant 0 : i32
      %dma_start3A_478 = tpu.memref_slice %arg6[%dma_start3A_477, %multiple_of3A_474] : memref<64x1000000xf32, #tpu.memory_space<hbm>> -> memref<64x128xf32, #tpu.memory_space<hbm>>
      tpu.enqueue_dma source(%dma_start3A_478 : memref<64x128xf32, #tpu.memory_space<hbm>>) target(%arg18 : memref<64x128xf32, #tpu.memory_space<vmem>>) target_semaphore(%arg23 : memref<!tpu.dma_semaphore, #tpu.memory_space<semaphore_mem>>)
      %sub3A_479 = arith.subi %squeeze3A_453, %and3A_459 : i32
      %sub3A_480 = arith.subi %squeeze3A_455, %and3A_461 : i32
      %sub3A_481 = arith.subi %squeeze3A_457, %and3A_463 : i32
      %dma_wait3A_482 = arith.constant 0 : i32
      %dma_wait3A_483 = tpu.memref_slice %arg5[%dma_wait3A_482, %multiple_of3A_280] : memref<64x1000000xf32, #tpu.memory_space<hbm>> -> memref<64x128xf32, #tpu.memory_space<hbm>>
      %dma_wait3A_484 = arith.constant 0 : i32
      %dma_wait3A_485 = tpu.memref_slice %arg5[%dma_wait3A_484, %multiple_of3A_280] : memref<64x1000000xf32, #tpu.memory_space<hbm>> -> memref<64x128xf32, #tpu.memory_space<hbm>>
      tpu.wait_dma2 semaphore(%arg24 : memref<!tpu.dma_semaphore, #tpu.memory_space<semaphore_mem>>) src(%dma_wait3A_485 : memref<64x128xf32, #tpu.memory_space<hbm>>) dst(%arg13 : memref<64x128xf32, #tpu.memory_space<vmem>>)
      %dma_wait3A_486 = arith.constant 0 : i32
      %dma_wait3A_487 = tpu.memref_slice %arg6[%dma_wait3A_486, %multiple_of3A_285] : memref<64x1000000xf32, #tpu.memory_space<hbm>> -> memref<64x128xf32, #tpu.memory_space<hbm>>
      %dma_wait3A_488 = arith.constant 0 : i32
      %dma_wait3A_489 = tpu.memref_slice %arg6[%dma_wait3A_488, %multiple_of3A_285] : memref<64x1000000xf32, #tpu.memory_space<hbm>> -> memref<64x128xf32, #tpu.memory_space<hbm>>
      tpu.wait_dma2 semaphore(%arg24 : memref<!tpu.dma_semaphore, #tpu.memory_space<semaphore_mem>>) src(%dma_wait3A_489 : memref<64x128xf32, #tpu.memory_space<hbm>>) dst(%arg16 : memref<64x128xf32, #tpu.memory_space<vmem>>)
      %dma_wait3A_490 = arith.constant 0 : i32
      %dma_wait3A_491 = tpu.memref_slice %arg6[%dma_wait3A_490, %multiple_of3A_290] : memref<64x1000000xf32, #tpu.memory_space<hbm>> -> memref<64x128xf32, #tpu.memory_space<hbm>>
      %dma_wait3A_492 = arith.constant 0 : i32
      %dma_wait3A_493 = tpu.memref_slice %arg6[%dma_wait3A_492, %multiple_of3A_290] : memref<64x1000000xf32, #tpu.memory_space<hbm>> -> memref<64x128xf32, #tpu.memory_space<hbm>>
      tpu.wait_dma2 semaphore(%arg24 : memref<!tpu.dma_semaphore, #tpu.memory_space<semaphore_mem>>) src(%dma_wait3A_493 : memref<64x128xf32, #tpu.memory_space<hbm>>) dst(%arg19 : memref<64x128xf32, #tpu.memory_space<vmem>>)
      %broadcast_in_dim3A_494 = vector.broadcast %sub3A_295 : i32 to vector<16xi32>
      %broadcast_in_dim3A_495 = vector.broadcast %sub3A_296 : i32 to vector<16xi32>
      %broadcast_in_dim3A_496 = vector.broadcast %sub3A_297 : i32 to vector<16xi32>
      %broadcast_in_dim3A_497 = arith.constant 0.000000e+00 : f32
      %broadcast_in_dim3A_498 = vector.broadcast %broadcast_in_dim3A_497 : f32 to vector<16xf32>
      %broadcast_in_dim3A_499 = arith.constant 0.000000e+00 : f32
      %broadcast_in_dim3A_500 = vector.broadcast %broadcast_in_dim3A_499 : f32 to vector<16xf32>
      %gather3A_501 = tpu.vector_load_idx %arg13[%add3A_6, %broadcast_in_dim3A_494] : memref<64x128xf32, #tpu.memory_space<vmem>>[vector<16xi32>, vector<16xi32>], vector<16xf32>,
      %gather3A_502 = tpu.vector_load_idx %arg16[%add3A_6, %broadcast_in_dim3A_495] : memref<64x128xf32, #tpu.memory_space<vmem>>[vector<16xi32>, vector<16xi32>], vector<16xf32>,
      %gather3A_503 = tpu.vector_load_idx %arg19[%add3A_6, %broadcast_in_dim3A_496] : memref<64x128xf32, #tpu.memory_space<vmem>>[vector<16xi32>, vector<16xi32>], vector<16xf32>,
      %mul3A_504 = arith.mulf %gather3A_501, %gather3A_502 : vector<16xf32>
      %add3A_505 = arith.addf %broadcast_in_dim3A_498, %mul3A_504 : vector<16xf32>
      %mul3A_506 = arith.mulf %gather3A_501, %gather3A_503 : vector<16xf32>
      %add3A_507 = arith.addf %broadcast_in_dim3A_500, %mul3A_506 : vector<16xf32>
      %gather3A_508 = tpu.vector_load_idx %arg13[%add3A_10, %broadcast_in_dim3A_494] : memref<64x128xf32, #tpu.memory_space<vmem>>[vector<16xi32>, vector<16xi32>], vector<16xf32>,
      %gather3A_509 = tpu.vector_load_idx %arg16[%add3A_10, %broadcast_in_dim3A_495] : memref<64x128xf32, #tpu.memory_space<vmem>>[vector<16xi32>, vector<16xi32>], vector<16xf32>,
      %gather3A_510 = tpu.vector_load_idx %arg19[%add3A_10, %broadcast_in_dim3A_496] : memref<64x128xf32, #tpu.memory_space<vmem>>[vector<16xi32>, vector<16xi32>], vector<16xf32>,
      %mul3A_511 = arith.mulf %gather3A_508, %gather3A_509 : vector<16xf32>
      %add3A_512 = arith.addf %add3A_505, %mul3A_511 : vector<16xf32>
      %mul3A_513 = arith.mulf %gather3A_508, %gather3A_510 : vector<16xf32>
      %add3A_514 = arith.addf %add3A_507, %mul3A_513 : vector<16xf32>
      %gather3A_515 = tpu.vector_load_idx %arg13[%add3A_14, %broadcast_in_dim3A_494] : memref<64x128xf32, #tpu.memory_space<vmem>>[vector<16xi32>, vector<16xi32>], vector<16xf32>,
      %gather3A_516 = tpu.vector_load_idx %arg16[%add3A_14, %broadcast_in_dim3A_495] : memref<64x128xf32, #tpu.memory_space<vmem>>[vector<16xi32>, vector<16xi32>], vector<16xf32>,
      %gather3A_517 = tpu.vector_load_idx %arg19[%add3A_14, %broadcast_in_dim3A_496] : memref<64x128xf32, #tpu.memory_space<vmem>>[vector<16xi32>, vector<16xi32>], vector<16xf32>,
      %mul3A_518 = arith.mulf %gather3A_515, %gather3A_516 : vector<16xf32>
      %add3A_519 = arith.addf %add3A_512, %mul3A_518 : vector<16xf32>
      %mul3A_520 = arith.mulf %gather3A_515, %gather3A_517 : vector<16xf32>
      %add3A_521 = arith.addf %add3A_514, %mul3A_520 : vector<16xf32>
      %gather3A_522 = tpu.vector_load_idx %arg13[%add3A_18, %broadcast_in_dim3A_494] : memref<64x128xf32, #tpu.memory_space<vmem>>[vector<16xi32>, vector<16xi32>], vector<16xf32>,
      %gather3A_523 = tpu.vector_load_idx %arg16[%add3A_18, %broadcast_in_dim3A_495] : memref<64x128xf32, #tpu.memory_space<vmem>>[vector<16xi32>, vector<16xi32>], vector<16xf32>,
      %gather3A_524 = tpu.vector_load_idx %arg19[%add3A_18, %broadcast_in_dim3A_496] : memref<64x128xf32, #tpu.memory_space<vmem>>[vector<16xi32>, vector<16xi32>], vector<16xf32>,
      %mul3A_525 = arith.mulf %gather3A_522, %gather3A_523 : vector<16xf32>
      %add3A_526 = arith.addf %add3A_519, %mul3A_525 : vector<16xf32>
      %mul3A_527 = arith.mulf %gather3A_522, %gather3A_524 : vector<16xf32>
      %add3A_528 = arith.addf %add3A_521, %mul3A_527 : vector<16xf32>
      %eq3A_529 = arith.constant 4 : i32
      %eq3A_530 = vector.broadcast %eq3A_529 : i32 to vector<16xi32>
      %eq3A_531 = arith.cmpi eq, %iota3A, %eq3A_530 : vector<16xi32>
      %reduce_sum3A_532 = arith.constant true
      %reduce_sum3A_533 = vector.broadcast %reduce_sum3A_532 : i1 to vector<16xi1>
      %reduce_sum3A_534 = tpu.scan <sum>, %add3A_526 masked %reduce_sum3A_533 : vector<16xf32>, vector<16xi1> -> vector<16xf32>
      %reduce_sum3A_535 = vector.extract %reduce_sum3A_534[15] : f32 from vector<16xf32>
      %broadcast_in_dim3A_536 = vector.broadcast %reduce_sum3A_535 : f32 to vector<16xf32>
      %select_n3A_537 = arith.select %eq3A_531, %broadcast_in_dim3A_536, %select_n3A_445 : vector<16xi1>, vector<16xf32>
      %reduce_sum3A_538 = arith.constant true
      %reduce_sum3A_539 = vector.broadcast %reduce_sum3A_538 : i1 to vector<16xi1>
      %reduce_sum3A_540 = tpu.scan <sum>, %add3A_528 masked %reduce_sum3A_539 : vector<16xf32>, vector<16xi1> -> vector<16xf32>
      %reduce_sum3A_541 = vector.extract %reduce_sum3A_540[15] : f32 from vector<16xf32>
      %broadcast_in_dim3A_542 = vector.broadcast %reduce_sum3A_541 : f32 to vector<16xf32>
      %select_n3A_543 = arith.select %eq3A_531, %broadcast_in_dim3A_542, %select_n3A_451 : vector<16xi1>, vector<16xf32>
      %slice3A_544 = vector.extract_strided_slice %get3A_27 {offsets = [7], sizes = [1], strides = [1]} : vector<16xi32> to vector<1xi32>
      %squeeze3A_545 = vector.extract %slice3A_544[0] : i32 from vector<1xi32>
      %slice3A_546 = vector.extract_strided_slice %get3A_29 {offsets = [7], sizes = [1], strides = [1]} : vector<16xi32> to vector<1xi32>
      %squeeze3A_547 = vector.extract %slice3A_546[0] : i32 from vector<1xi32>
      %slice3A_548 = vector.extract_strided_slice %get3A_31 {offsets = [7], sizes = [1], strides = [1]} : vector<16xi32> to vector<1xi32>
      %squeeze3A_549 = vector.extract %slice3A_548[0] : i32 from vector<1xi32>
      %and3A_550 = arith.constant -128 : i32
      %and3A_551 = arith.andi %squeeze3A_545, %and3A_550 : i32
      %and3A_552 = arith.constant -128 : i32
      %and3A_553 = arith.andi %squeeze3A_547, %and3A_552 : i32
      %and3A_554 = arith.constant -128 : i32
      %and3A_555 = arith.andi %squeeze3A_549, %and3A_554 : i32
      %multiple_of3A_556 = tpu.assume_multiple %and3A_551, 128 : i32
      %dma_start3A_557 = arith.constant 0 : i32
      %dma_start3A_558 = tpu.memref_slice %arg5[%dma_start3A_557, %multiple_of3A_556] : memref<64x1000000xf32, #tpu.memory_space<hbm>> -> memref<64x128xf32, #tpu.memory_space<hbm>>
      %dma_start3A_559 = arith.constant 0 : i32
      %dma_start3A_560 = tpu.memref_slice %arg5[%dma_start3A_559, %multiple_of3A_556] : memref<64x1000000xf32, #tpu.memory_space<hbm>> -> memref<64x128xf32, #tpu.memory_space<hbm>>
      tpu.enqueue_dma source(%dma_start3A_560 : memref<64x128xf32, #tpu.memory_space<hbm>>) target(%arg13 : memref<64x128xf32, #tpu.memory_space<vmem>>) target_semaphore(%arg24 : memref<!tpu.dma_semaphore, #tpu.memory_space<semaphore_mem>>)
      %multiple_of3A_561 = tpu.assume_multiple %and3A_553, 128 : i32
      %dma_start3A_562 = arith.constant 0 : i32
      %dma_start3A_563 = tpu.memref_slice %arg6[%dma_start3A_562, %multiple_of3A_561] : memref<64x1000000xf32, #tpu.memory_space<hbm>> -> memref<64x128xf32, #tpu.memory_space<hbm>>
      %dma_start3A_564 = arith.constant 0 : i32
      %dma_start3A_565 = tpu.memref_slice %arg6[%dma_start3A_564, %multiple_of3A_561] : memref<64x1000000xf32, #tpu.memory_space<hbm>> -> memref<64x128xf32, #tpu.memory_space<hbm>>
      tpu.enqueue_dma source(%dma_start3A_565 : memref<64x128xf32, #tpu.memory_space<hbm>>) target(%arg16 : memref<64x128xf32, #tpu.memory_space<vmem>>) target_semaphore(%arg24 : memref<!tpu.dma_semaphore, #tpu.memory_space<semaphore_mem>>)
      %multiple_of3A_566 = tpu.assume_multiple %and3A_555, 128 : i32
      %dma_start3A_567 = arith.constant 0 : i32
      %dma_start3A_568 = tpu.memref_slice %arg6[%dma_start3A_567, %multiple_of3A_566] : memref<64x1000000xf32, #tpu.memory_space<hbm>> -> memref<64x128xf32, #tpu.memory_space<hbm>>
      %dma_start3A_569 = arith.constant 0 : i32
      %dma_start3A_570 = tpu.memref_slice %arg6[%dma_start3A_569, %multiple_of3A_566] : memref<64x1000000xf32, #tpu.memory_space<hbm>> -> memref<64x128xf32, #tpu.memory_space<hbm>>
      tpu.enqueue_dma source(%dma_start3A_570 : memref<64x128xf32, #tpu.memory_space<hbm>>) target(%arg19 : memref<64x128xf32, #tpu.memory_space<vmem>>) target_semaphore(%arg24 : memref<!tpu.dma_semaphore, #tpu.memory_space<semaphore_mem>>)
      %sub3A_571 = arith.subi %squeeze3A_545, %and3A_551 : i32
      %sub3A_572 = arith.subi %squeeze3A_547, %and3A_553 : i32
      %sub3A_573 = arith.subi %squeeze3A_549, %and3A_555 : i32
      %dma_wait3A_574 = arith.constant 0 : i32
      %dma_wait3A_575 = tpu.memref_slice %arg5[%dma_wait3A_574, %multiple_of3A_372] : memref<64x1000000xf32, #tpu.memory_space<hbm>> -> memref<64x128xf32, #tpu.memory_space<hbm>>
      %dma_wait3A_576 = arith.constant 0 : i32
      %dma_wait3A_577 = tpu.memref_slice %arg5[%dma_wait3A_576, %multiple_of3A_372] : memref<64x1000000xf32, #tpu.memory_space<hbm>> -> memref<64x128xf32, #tpu.memory_space<hbm>>
      tpu.wait_dma2 semaphore(%arg25 : memref<!tpu.dma_semaphore, #tpu.memory_space<semaphore_mem>>) src(%dma_wait3A_577 : memref<64x128xf32, #tpu.memory_space<hbm>>) dst(%arg14 : memref<64x128xf32, #tpu.memory_space<vmem>>)
      %dma_wait3A_578 = arith.constant 0 : i32
      %dma_wait3A_579 = tpu.memref_slice %arg6[%dma_wait3A_578, %multiple_of3A_377] : memref<64x1000000xf32, #tpu.memory_space<hbm>> -> memref<64x128xf32, #tpu.memory_space<hbm>>
      %dma_wait3A_580 = arith.constant 0 : i32
      %dma_wait3A_581 = tpu.memref_slice %arg6[%dma_wait3A_580, %multiple_of3A_377] : memref<64x1000000xf32, #tpu.memory_space<hbm>> -> memref<64x128xf32, #tpu.memory_space<hbm>>
      tpu.wait_dma2 semaphore(%arg25 : memref<!tpu.dma_semaphore, #tpu.memory_space<semaphore_mem>>) src(%dma_wait3A_581 : memref<64x128xf32, #tpu.memory_space<hbm>>) dst(%arg17 : memref<64x128xf32, #tpu.memory_space<vmem>>)
      %dma_wait3A_582 = arith.constant 0 : i32
      %dma_wait3A_583 = tpu.memref_slice %arg6[%dma_wait3A_582, %multiple_of3A_382] : memref<64x1000000xf32, #tpu.memory_space<hbm>> -> memref<64x128xf32, #tpu.memory_space<hbm>>
      %dma_wait3A_584 = arith.constant 0 : i32
      %dma_wait3A_585 = tpu.memref_slice %arg6[%dma_wait3A_584, %multiple_of3A_382] : memref<64x1000000xf32, #tpu.memory_space<hbm>> -> memref<64x128xf32, #tpu.memory_space<hbm>>
      tpu.wait_dma2 semaphore(%arg25 : memref<!tpu.dma_semaphore, #tpu.memory_space<semaphore_mem>>) src(%dma_wait3A_585 : memref<64x128xf32, #tpu.memory_space<hbm>>) dst(%arg20 : memref<64x128xf32, #tpu.memory_space<vmem>>)
      %broadcast_in_dim3A_586 = vector.broadcast %sub3A_387 : i32 to vector<16xi32>
      %broadcast_in_dim3A_587 = vector.broadcast %sub3A_388 : i32 to vector<16xi32>
      %broadcast_in_dim3A_588 = vector.broadcast %sub3A_389 : i32 to vector<16xi32>
      %broadcast_in_dim3A_589 = arith.constant 0.000000e+00 : f32
      %broadcast_in_dim3A_590 = vector.broadcast %broadcast_in_dim3A_589 : f32 to vector<16xf32>
      %broadcast_in_dim3A_591 = arith.constant 0.000000e+00 : f32
      %broadcast_in_dim3A_592 = vector.broadcast %broadcast_in_dim3A_591 : f32 to vector<16xf32>
      %gather3A_593 = tpu.vector_load_idx %arg14[%add3A_6, %broadcast_in_dim3A_586] : memref<64x128xf32, #tpu.memory_space<vmem>>[vector<16xi32>, vector<16xi32>], vector<16xf32>,
      %gather3A_594 = tpu.vector_load_idx %arg17[%add3A_6, %broadcast_in_dim3A_587] : memref<64x128xf32, #tpu.memory_space<vmem>>[vector<16xi32>, vector<16xi32>], vector<16xf32>,
      %gather3A_595 = tpu.vector_load_idx %arg20[%add3A_6, %broadcast_in_dim3A_588] : memref<64x128xf32, #tpu.memory_space<vmem>>[vector<16xi32>, vector<16xi32>], vector<16xf32>,
      %mul3A_596 = arith.mulf %gather3A_593, %gather3A_594 : vector<16xf32>
      %add3A_597 = arith.addf %broadcast_in_dim3A_590, %mul3A_596 : vector<16xf32>
      %mul3A_598 = arith.mulf %gather3A_593, %gather3A_595 : vector<16xf32>
      %add3A_599 = arith.addf %broadcast_in_dim3A_592, %mul3A_598 : vector<16xf32>
      %gather3A_600 = tpu.vector_load_idx %arg14[%add3A_10, %broadcast_in_dim3A_586] : memref<64x128xf32, #tpu.memory_space<vmem>>[vector<16xi32>, vector<16xi32>], vector<16xf32>,
      %gather3A_601 = tpu.vector_load_idx %arg17[%add3A_10, %broadcast_in_dim3A_587] : memref<64x128xf32, #tpu.memory_space<vmem>>[vector<16xi32>, vector<16xi32>], vector<16xf32>,
      %gather3A_602 = tpu.vector_load_idx %arg20[%add3A_10, %broadcast_in_dim3A_588] : memref<64x128xf32, #tpu.memory_space<vmem>>[vector<16xi32>, vector<16xi32>], vector<16xf32>,
      %mul3A_603 = arith.mulf %gather3A_600, %gather3A_601 : vector<16xf32>
      %add3A_604 = arith.addf %add3A_597, %mul3A_603 : vector<16xf32>
      %mul3A_605 = arith.mulf %gather3A_600, %gather3A_602 : vector<16xf32>
      %add3A_606 = arith.addf %add3A_599, %mul3A_605 : vector<16xf32>
      %gather3A_607 = tpu.vector_load_idx %arg14[%add3A_14, %broadcast_in_dim3A_586] : memref<64x128xf32, #tpu.memory_space<vmem>>[vector<16xi32>, vector<16xi32>], vector<16xf32>,
      %gather3A_608 = tpu.vector_load_idx %arg17[%add3A_14, %broadcast_in_dim3A_587] : memref<64x128xf32, #tpu.memory_space<vmem>>[vector<16xi32>, vector<16xi32>], vector<16xf32>,
      %gather3A_609 = tpu.vector_load_idx %arg20[%add3A_14, %broadcast_in_dim3A_588] : memref<64x128xf32, #tpu.memory_space<vmem>>[vector<16xi32>, vector<16xi32>], vector<16xf32>,
      %mul3A_610 = arith.mulf %gather3A_607, %gather3A_608 : vector<16xf32>
      %add3A_611 = arith.addf %add3A_604, %mul3A_610 : vector<16xf32>
      %mul3A_612 = arith.mulf %gather3A_607, %gather3A_609 : vector<16xf32>
      %add3A_613 = arith.addf %add3A_606, %mul3A_612 : vector<16xf32>
      %gather3A_614 = tpu.vector_load_idx %arg14[%add3A_18, %broadcast_in_dim3A_586] : memref<64x128xf32, #tpu.memory_space<vmem>>[vector<16xi32>, vector<16xi32>], vector<16xf32>,
      %gather3A_615 = tpu.vector_load_idx %arg17[%add3A_18, %broadcast_in_dim3A_587] : memref<64x128xf32, #tpu.memory_space<vmem>>[vector<16xi32>, vector<16xi32>], vector<16xf32>,
      %gather3A_616 = tpu.vector_load_idx %arg20[%add3A_18, %broadcast_in_dim3A_588] : memref<64x128xf32, #tpu.memory_space<vmem>>[vector<16xi32>, vector<16xi32>], vector<16xf32>,
      %mul3A_617 = arith.mulf %gather3A_614, %gather3A_615 : vector<16xf32>
      %add3A_618 = arith.addf %add3A_611, %mul3A_617 : vector<16xf32>
      %mul3A_619 = arith.mulf %gather3A_614, %gather3A_616 : vector<16xf32>
      %add3A_620 = arith.addf %add3A_613, %mul3A_619 : vector<16xf32>
      %eq3A_621 = arith.constant 5 : i32
      %eq3A_622 = vector.broadcast %eq3A_621 : i32 to vector<16xi32>
      %eq3A_623 = arith.cmpi eq, %iota3A, %eq3A_622 : vector<16xi32>
      %reduce_sum3A_624 = arith.constant true
      %reduce_sum3A_625 = vector.broadcast %reduce_sum3A_624 : i1 to vector<16xi1>
      %reduce_sum3A_626 = tpu.scan <sum>, %add3A_618 masked %reduce_sum3A_625 : vector<16xf32>, vector<16xi1> -> vector<16xf32>
      %reduce_sum3A_627 = vector.extract %reduce_sum3A_626[15] : f32 from vector<16xf32>
      %broadcast_in_dim3A_628 = vector.broadcast %reduce_sum3A_627 : f32 to vector<16xf32>
      %select_n3A_629 = arith.select %eq3A_623, %broadcast_in_dim3A_628, %select_n3A_537 : vector<16xi1>, vector<16xf32>
      %reduce_sum3A_630 = arith.constant true
      %reduce_sum3A_631 = vector.broadcast %reduce_sum3A_630 : i1 to vector<16xi1>
      %reduce_sum3A_632 = tpu.scan <sum>, %add3A_620 masked %reduce_sum3A_631 : vector<16xf32>, vector<16xi1> -> vector<16xf32>
      %reduce_sum3A_633 = vector.extract %reduce_sum3A_632[15] : f32 from vector<16xf32>
      %broadcast_in_dim3A_634 = vector.broadcast %reduce_sum3A_633 : f32 to vector<16xf32>
      %select_n3A_635 = arith.select %eq3A_623, %broadcast_in_dim3A_634, %select_n3A_543 : vector<16xi1>, vector<16xf32>
      %slice3A_636 = vector.extract_strided_slice %get3A_27 {offsets = [8], sizes = [1], strides = [1]} : vector<16xi32> to vector<1xi32>
      %squeeze3A_637 = vector.extract %slice3A_636[0] : i32 from vector<1xi32>
      %slice3A_638 = vector.extract_strided_slice %get3A_29 {offsets = [8], sizes = [1], strides = [1]} : vector<16xi32> to vector<1xi32>
      %squeeze3A_639 = vector.extract %slice3A_638[0] : i32 from vector<1xi32>
      %slice3A_640 = vector.extract_strided_slice %get3A_31 {offsets = [8], sizes = [1], strides = [1]} : vector<16xi32> to vector<1xi32>
      %squeeze3A_641 = vector.extract %slice3A_640[0] : i32 from vector<1xi32>
      %and3A_642 = arith.constant -128 : i32
      %and3A_643 = arith.andi %squeeze3A_637, %and3A_642 : i32
      %and3A_644 = arith.constant -128 : i32
      %and3A_645 = arith.andi %squeeze3A_639, %and3A_644 : i32
      %and3A_646 = arith.constant -128 : i32
      %and3A_647 = arith.andi %squeeze3A_641, %and3A_646 : i32
      %multiple_of3A_648 = tpu.assume_multiple %and3A_643, 128 : i32
      %dma_start3A_649 = arith.constant 0 : i32
      %dma_start3A_650 = tpu.memref_slice %arg5[%dma_start3A_649, %multiple_of3A_648] : memref<64x1000000xf32, #tpu.memory_space<hbm>> -> memref<64x128xf32, #tpu.memory_space<hbm>>
      %dma_start3A_651 = arith.constant 0 : i32
      %dma_start3A_652 = tpu.memref_slice %arg5[%dma_start3A_651, %multiple_of3A_648] : memref<64x1000000xf32, #tpu.memory_space<hbm>> -> memref<64x128xf32, #tpu.memory_space<hbm>>
      tpu.enqueue_dma source(%dma_start3A_652 : memref<64x128xf32, #tpu.memory_space<hbm>>) target(%arg14 : memref<64x128xf32, #tpu.memory_space<vmem>>) target_semaphore(%arg25 : memref<!tpu.dma_semaphore, #tpu.memory_space<semaphore_mem>>)
      %multiple_of3A_653 = tpu.assume_multiple %and3A_645, 128 : i32
      %dma_start3A_654 = arith.constant 0 : i32
      %dma_start3A_655 = tpu.memref_slice %arg6[%dma_start3A_654, %multiple_of3A_653] : memref<64x1000000xf32, #tpu.memory_space<hbm>> -> memref<64x128xf32, #tpu.memory_space<hbm>>
      %dma_start3A_656 = arith.constant 0 : i32
      %dma_start3A_657 = tpu.memref_slice %arg6[%dma_start3A_656, %multiple_of3A_653] : memref<64x1000000xf32, #tpu.memory_space<hbm>> -> memref<64x128xf32, #tpu.memory_space<hbm>>
      tpu.enqueue_dma source(%dma_start3A_657 : memref<64x128xf32, #tpu.memory_space<hbm>>) target(%arg17 : memref<64x128xf32, #tpu.memory_space<vmem>>) target_semaphore(%arg25 : memref<!tpu.dma_semaphore, #tpu.memory_space<semaphore_mem>>)
      %multiple_of3A_658 = tpu.assume_multiple %and3A_647, 128 : i32
      %dma_start3A_659 = arith.constant 0 : i32
      %dma_start3A_660 = tpu.memref_slice %arg6[%dma_start3A_659, %multiple_of3A_658] : memref<64x1000000xf32, #tpu.memory_space<hbm>> -> memref<64x128xf32, #tpu.memory_space<hbm>>
      %dma_start3A_661 = arith.constant 0 : i32
      %dma_start3A_662 = tpu.memref_slice %arg6[%dma_start3A_661, %multiple_of3A_658] : memref<64x1000000xf32, #tpu.memory_space<hbm>> -> memref<64x128xf32, #tpu.memory_space<hbm>>
      tpu.enqueue_dma source(%dma_start3A_662 : memref<64x128xf32, #tpu.memory_space<hbm>>) target(%arg20 : memref<64x128xf32, #tpu.memory_space<vmem>>) target_semaphore(%arg25 : memref<!tpu.dma_semaphore, #tpu.memory_space<semaphore_mem>>)
      %sub3A_663 = arith.subi %squeeze3A_637, %and3A_643 : i32
      %sub3A_664 = arith.subi %squeeze3A_639, %and3A_645 : i32
      %sub3A_665 = arith.subi %squeeze3A_641, %and3A_647 : i32
      %dma_wait3A_666 = arith.constant 0 : i32
      %dma_wait3A_667 = tpu.memref_slice %arg5[%dma_wait3A_666, %multiple_of3A_464] : memref<64x1000000xf32, #tpu.memory_space<hbm>> -> memref<64x128xf32, #tpu.memory_space<hbm>>
      %dma_wait3A_668 = arith.constant 0 : i32
      %dma_wait3A_669 = tpu.memref_slice %arg5[%dma_wait3A_668, %multiple_of3A_464] : memref<64x1000000xf32, #tpu.memory_space<hbm>> -> memref<64x128xf32, #tpu.memory_space<hbm>>
      tpu.wait_dma2 semaphore(%arg23 : memref<!tpu.dma_semaphore, #tpu.memory_space<semaphore_mem>>) src(%dma_wait3A_669 : memref<64x128xf32, #tpu.memory_space<hbm>>) dst(%arg12 : memref<64x128xf32, #tpu.memory_space<vmem>>)
      %dma_wait3A_670 = arith.constant 0 : i32
      %dma_wait3A_671 = tpu.memref_slice %arg6[%dma_wait3A_670, %multiple_of3A_469] : memref<64x1000000xf32, #tpu.memory_space<hbm>> -> memref<64x128xf32, #tpu.memory_space<hbm>>
      %dma_wait3A_672 = arith.constant 0 : i32
      %dma_wait3A_673 = tpu.memref_slice %arg6[%dma_wait3A_672, %multiple_of3A_469] : memref<64x1000000xf32, #tpu.memory_space<hbm>> -> memref<64x128xf32, #tpu.memory_space<hbm>>
      tpu.wait_dma2 semaphore(%arg23 : memref<!tpu.dma_semaphore, #tpu.memory_space<semaphore_mem>>) src(%dma_wait3A_673 : memref<64x128xf32, #tpu.memory_space<hbm>>) dst(%arg15 : memref<64x128xf32, #tpu.memory_space<vmem>>)
      %dma_wait3A_674 = arith.constant 0 : i32
      %dma_wait3A_675 = tpu.memref_slice %arg6[%dma_wait3A_674, %multiple_of3A_474] : memref<64x1000000xf32, #tpu.memory_space<hbm>> -> memref<64x128xf32, #tpu.memory_space<hbm>>
      %dma_wait3A_676 = arith.constant 0 : i32
      %dma_wait3A_677 = tpu.memref_slice %arg6[%dma_wait3A_676, %multiple_of3A_474] : memref<64x1000000xf32, #tpu.memory_space<hbm>> -> memref<64x128xf32, #tpu.memory_space<hbm>>
      tpu.wait_dma2 semaphore(%arg23 : memref<!tpu.dma_semaphore, #tpu.memory_space<semaphore_mem>>) src(%dma_wait3A_677 : memref<64x128xf32, #tpu.memory_space<hbm>>) dst(%arg18 : memref<64x128xf32, #tpu.memory_space<vmem>>)
      %broadcast_in_dim3A_678 = vector.broadcast %sub3A_479 : i32 to vector<16xi32>
      %broadcast_in_dim3A_679 = vector.broadcast %sub3A_480 : i32 to vector<16xi32>
      %broadcast_in_dim3A_680 = vector.broadcast %sub3A_481 : i32 to vector<16xi32>
      %broadcast_in_dim3A_681 = arith.constant 0.000000e+00 : f32
      %broadcast_in_dim3A_682 = vector.broadcast %broadcast_in_dim3A_681 : f32 to vector<16xf32>
      %broadcast_in_dim3A_683 = arith.constant 0.000000e+00 : f32
      %broadcast_in_dim3A_684 = vector.broadcast %broadcast_in_dim3A_683 : f32 to vector<16xf32>
      %gather3A_685 = tpu.vector_load_idx %arg12[%add3A_6, %broadcast_in_dim3A_678] : memref<64x128xf32, #tpu.memory_space<vmem>>[vector<16xi32>, vector<16xi32>], vector<16xf32>,
      %gather3A_686 = tpu.vector_load_idx %arg15[%add3A_6, %broadcast_in_dim3A_679] : memref<64x128xf32, #tpu.memory_space<vmem>>[vector<16xi32>, vector<16xi32>], vector<16xf32>,
      %gather3A_687 = tpu.vector_load_idx %arg18[%add3A_6, %broadcast_in_dim3A_680] : memref<64x128xf32, #tpu.memory_space<vmem>>[vector<16xi32>, vector<16xi32>], vector<16xf32>,
      %mul3A_688 = arith.mulf %gather3A_685, %gather3A_686 : vector<16xf32>
      %add3A_689 = arith.addf %broadcast_in_dim3A_682, %mul3A_688 : vector<16xf32>
      %mul3A_690 = arith.mulf %gather3A_685, %gather3A_687 : vector<16xf32>
      %add3A_691 = arith.addf %broadcast_in_dim3A_684, %mul3A_690 : vector<16xf32>
      %gather3A_692 = tpu.vector_load_idx %arg12[%add3A_10, %broadcast_in_dim3A_678] : memref<64x128xf32, #tpu.memory_space<vmem>>[vector<16xi32>, vector<16xi32>], vector<16xf32>,
      %gather3A_693 = tpu.vector_load_idx %arg15[%add3A_10, %broadcast_in_dim3A_679] : memref<64x128xf32, #tpu.memory_space<vmem>>[vector<16xi32>, vector<16xi32>], vector<16xf32>,
      %gather3A_694 = tpu.vector_load_idx %arg18[%add3A_10, %broadcast_in_dim3A_680] : memref<64x128xf32, #tpu.memory_space<vmem>>[vector<16xi32>, vector<16xi32>], vector<16xf32>,
      %mul3A_695 = arith.mulf %gather3A_692, %gather3A_693 : vector<16xf32>
      %add3A_696 = arith.addf %add3A_689, %mul3A_695 : vector<16xf32>
      %mul3A_697 = arith.mulf %gather3A_692, %gather3A_694 : vector<16xf32>
      %add3A_698 = arith.addf %add3A_691, %mul3A_697 : vector<16xf32>
      %gather3A_699 = tpu.vector_load_idx %arg12[%add3A_14, %broadcast_in_dim3A_678] : memref<64x128xf32, #tpu.memory_space<vmem>>[vector<16xi32>, vector<16xi32>], vector<16xf32>,
      %gather3A_700 = tpu.vector_load_idx %arg15[%add3A_14, %broadcast_in_dim3A_679] : memref<64x128xf32, #tpu.memory_space<vmem>>[vector<16xi32>, vector<16xi32>], vector<16xf32>,
      %gather3A_701 = tpu.vector_load_idx %arg18[%add3A_14, %broadcast_in_dim3A_680] : memref<64x128xf32, #tpu.memory_space<vmem>>[vector<16xi32>, vector<16xi32>], vector<16xf32>,
      %mul3A_702 = arith.mulf %gather3A_699, %gather3A_700 : vector<16xf32>
      %add3A_703 = arith.addf %add3A_696, %mul3A_702 : vector<16xf32>
      %mul3A_704 = arith.mulf %gather3A_699, %gather3A_701 : vector<16xf32>
      %add3A_705 = arith.addf %add3A_698, %mul3A_704 : vector<16xf32>
      %gather3A_706 = tpu.vector_load_idx %arg12[%add3A_18, %broadcast_in_dim3A_678] : memref<64x128xf32, #tpu.memory_space<vmem>>[vector<16xi32>, vector<16xi32>], vector<16xf32>,
      %gather3A_707 = tpu.vector_load_idx %arg15[%add3A_18, %broadcast_in_dim3A_679] : memref<64x128xf32, #tpu.memory_space<vmem>>[vector<16xi32>, vector<16xi32>], vector<16xf32>,
      %gather3A_708 = tpu.vector_load_idx %arg18[%add3A_18, %broadcast_in_dim3A_680] : memref<64x128xf32, #tpu.memory_space<vmem>>[vector<16xi32>, vector<16xi32>], vector<16xf32>,
      %mul3A_709 = arith.mulf %gather3A_706, %gather3A_707 : vector<16xf32>
      %add3A_710 = arith.addf %add3A_703, %mul3A_709 : vector<16xf32>
      %mul3A_711 = arith.mulf %gather3A_706, %gather3A_708 : vector<16xf32>
      %add3A_712 = arith.addf %add3A_705, %mul3A_711 : vector<16xf32>
      %eq3A_713 = arith.constant 6 : i32
      %eq3A_714 = vector.broadcast %eq3A_713 : i32 to vector<16xi32>
      %eq3A_715 = arith.cmpi eq, %iota3A, %eq3A_714 : vector<16xi32>
      %reduce_sum3A_716 = arith.constant true
      %reduce_sum3A_717 = vector.broadcast %reduce_sum3A_716 : i1 to vector<16xi1>
      %reduce_sum3A_718 = tpu.scan <sum>, %add3A_710 masked %reduce_sum3A_717 : vector<16xf32>, vector<16xi1> -> vector<16xf32>
      %reduce_sum3A_719 = vector.extract %reduce_sum3A_718[15] : f32 from vector<16xf32>
      %broadcast_in_dim3A_720 = vector.broadcast %reduce_sum3A_719 : f32 to vector<16xf32>
      %select_n3A_721 = arith.select %eq3A_715, %broadcast_in_dim3A_720, %select_n3A_629 : vector<16xi1>, vector<16xf32>
      %reduce_sum3A_722 = arith.constant true
      %reduce_sum3A_723 = vector.broadcast %reduce_sum3A_722 : i1 to vector<16xi1>
      %reduce_sum3A_724 = tpu.scan <sum>, %add3A_712 masked %reduce_sum3A_723 : vector<16xf32>, vector<16xi1> -> vector<16xf32>
      %reduce_sum3A_725 = vector.extract %reduce_sum3A_724[15] : f32 from vector<16xf32>
      %broadcast_in_dim3A_726 = vector.broadcast %reduce_sum3A_725 : f32 to vector<16xf32>
      %select_n3A_727 = arith.select %eq3A_715, %broadcast_in_dim3A_726, %select_n3A_635 : vector<16xi1>, vector<16xf32>
      %slice3A_728 = vector.extract_strided_slice %get3A_27 {offsets = [9], sizes = [1], strides = [1]} : vector<16xi32> to vector<1xi32>
      %squeeze3A_729 = vector.extract %slice3A_728[0] : i32 from vector<1xi32>
      %slice3A_730 = vector.extract_strided_slice %get3A_29 {offsets = [9], sizes = [1], strides = [1]} : vector<16xi32> to vector<1xi32>
      %squeeze3A_731 = vector.extract %slice3A_730[0] : i32 from vector<1xi32>
      %slice3A_732 = vector.extract_strided_slice %get3A_31 {offsets = [9], sizes = [1], strides = [1]} : vector<16xi32> to vector<1xi32>
      %squeeze3A_733 = vector.extract %slice3A_732[0] : i32 from vector<1xi32>
      %and3A_734 = arith.constant -128 : i32
      %and3A_735 = arith.andi %squeeze3A_729, %and3A_734 : i32
      %and3A_736 = arith.constant -128 : i32
      %and3A_737 = arith.andi %squeeze3A_731, %and3A_736 : i32
      %and3A_738 = arith.constant -128 : i32
      %and3A_739 = arith.andi %squeeze3A_733, %and3A_738 : i32
      %multiple_of3A_740 = tpu.assume_multiple %and3A_735, 128 : i32
      %dma_start3A_741 = arith.constant 0 : i32
      %dma_start3A_742 = tpu.memref_slice %arg5[%dma_start3A_741, %multiple_of3A_740] : memref<64x1000000xf32, #tpu.memory_space<hbm>> -> memref<64x128xf32, #tpu.memory_space<hbm>>
      %dma_start3A_743 = arith.constant 0 : i32
      %dma_start3A_744 = tpu.memref_slice %arg5[%dma_start3A_743, %multiple_of3A_740] : memref<64x1000000xf32, #tpu.memory_space<hbm>> -> memref<64x128xf32, #tpu.memory_space<hbm>>
      tpu.enqueue_dma source(%dma_start3A_744 : memref<64x128xf32, #tpu.memory_space<hbm>>) target(%arg12 : memref<64x128xf32, #tpu.memory_space<vmem>>) target_semaphore(%arg23 : memref<!tpu.dma_semaphore, #tpu.memory_space<semaphore_mem>>)
      %multiple_of3A_745 = tpu.assume_multiple %and3A_737, 128 : i32
      %dma_start3A_746 = arith.constant 0 : i32
      %dma_start3A_747 = tpu.memref_slice %arg6[%dma_start3A_746, %multiple_of3A_745] : memref<64x1000000xf32, #tpu.memory_space<hbm>> -> memref<64x128xf32, #tpu.memory_space<hbm>>
      %dma_start3A_748 = arith.constant 0 : i32
      %dma_start3A_749 = tpu.memref_slice %arg6[%dma_start3A_748, %multiple_of3A_745] : memref<64x1000000xf32, #tpu.memory_space<hbm>> -> memref<64x128xf32, #tpu.memory_space<hbm>>
      tpu.enqueue_dma source(%dma_start3A_749 : memref<64x128xf32, #tpu.memory_space<hbm>>) target(%arg15 : memref<64x128xf32, #tpu.memory_space<vmem>>) target_semaphore(%arg23 : memref<!tpu.dma_semaphore, #tpu.memory_space<semaphore_mem>>)
      %multiple_of3A_750 = tpu.assume_multiple %and3A_739, 128 : i32
      %dma_start3A_751 = arith.constant 0 : i32
      %dma_start3A_752 = tpu.memref_slice %arg6[%dma_start3A_751, %multiple_of3A_750] : memref<64x1000000xf32, #tpu.memory_space<hbm>> -> memref<64x128xf32, #tpu.memory_space<hbm>>
      %dma_start3A_753 = arith.constant 0 : i32
      %dma_start3A_754 = tpu.memref_slice %arg6[%dma_start3A_753, %multiple_of3A_750] : memref<64x1000000xf32, #tpu.memory_space<hbm>> -> memref<64x128xf32, #tpu.memory_space<hbm>>
      tpu.enqueue_dma source(%dma_start3A_754 : memref<64x128xf32, #tpu.memory_space<hbm>>) target(%arg18 : memref<64x128xf32, #tpu.memory_space<vmem>>) target_semaphore(%arg23 : memref<!tpu.dma_semaphore, #tpu.memory_space<semaphore_mem>>)
      %sub3A_755 = arith.subi %squeeze3A_729, %and3A_735 : i32
      %sub3A_756 = arith.subi %squeeze3A_731, %and3A_737 : i32
      %sub3A_757 = arith.subi %squeeze3A_733, %and3A_739 : i32
      %dma_wait3A_758 = arith.constant 0 : i32
      %dma_wait3A_759 = tpu.memref_slice %arg5[%dma_wait3A_758, %multiple_of3A_556] : memref<64x1000000xf32, #tpu.memory_space<hbm>> -> memref<64x128xf32, #tpu.memory_space<hbm>>
      %dma_wait3A_760 = arith.constant 0 : i32
      %dma_wait3A_761 = tpu.memref_slice %arg5[%dma_wait3A_760, %multiple_of3A_556] : memref<64x1000000xf32, #tpu.memory_space<hbm>> -> memref<64x128xf32, #tpu.memory_space<hbm>>
      tpu.wait_dma2 semaphore(%arg24 : memref<!tpu.dma_semaphore, #tpu.memory_space<semaphore_mem>>) src(%dma_wait3A_761 : memref<64x128xf32, #tpu.memory_space<hbm>>) dst(%arg13 : memref<64x128xf32, #tpu.memory_space<vmem>>)
      %dma_wait3A_762 = arith.constant 0 : i32
      %dma_wait3A_763 = tpu.memref_slice %arg6[%dma_wait3A_762, %multiple_of3A_561] : memref<64x1000000xf32, #tpu.memory_space<hbm>> -> memref<64x128xf32, #tpu.memory_space<hbm>>
      %dma_wait3A_764 = arith.constant 0 : i32
      %dma_wait3A_765 = tpu.memref_slice %arg6[%dma_wait3A_764, %multiple_of3A_561] : memref<64x1000000xf32, #tpu.memory_space<hbm>> -> memref<64x128xf32, #tpu.memory_space<hbm>>
      tpu.wait_dma2 semaphore(%arg24 : memref<!tpu.dma_semaphore, #tpu.memory_space<semaphore_mem>>) src(%dma_wait3A_765 : memref<64x128xf32, #tpu.memory_space<hbm>>) dst(%arg16 : memref<64x128xf32, #tpu.memory_space<vmem>>)
      %dma_wait3A_766 = arith.constant 0 : i32
      %dma_wait3A_767 = tpu.memref_slice %arg6[%dma_wait3A_766, %multiple_of3A_566] : memref<64x1000000xf32, #tpu.memory_space<hbm>> -> memref<64x128xf32, #tpu.memory_space<hbm>>
      %dma_wait3A_768 = arith.constant 0 : i32
      %dma_wait3A_769 = tpu.memref_slice %arg6[%dma_wait3A_768, %multiple_of3A_566] : memref<64x1000000xf32, #tpu.memory_space<hbm>> -> memref<64x128xf32, #tpu.memory_space<hbm>>
      tpu.wait_dma2 semaphore(%arg24 : memref<!tpu.dma_semaphore, #tpu.memory_space<semaphore_mem>>) src(%dma_wait3A_769 : memref<64x128xf32, #tpu.memory_space<hbm>>) dst(%arg19 : memref<64x128xf32, #tpu.memory_space<vmem>>)
      %broadcast_in_dim3A_770 = vector.broadcast %sub3A_571 : i32 to vector<16xi32>
      %broadcast_in_dim3A_771 = vector.broadcast %sub3A_572 : i32 to vector<16xi32>
      %broadcast_in_dim3A_772 = vector.broadcast %sub3A_573 : i32 to vector<16xi32>
      %broadcast_in_dim3A_773 = arith.constant 0.000000e+00 : f32
      %broadcast_in_dim3A_774 = vector.broadcast %broadcast_in_dim3A_773 : f32 to vector<16xf32>
      %broadcast_in_dim3A_775 = arith.constant 0.000000e+00 : f32
      %broadcast_in_dim3A_776 = vector.broadcast %broadcast_in_dim3A_775 : f32 to vector<16xf32>
      %gather3A_777 = tpu.vector_load_idx %arg13[%add3A_6, %broadcast_in_dim3A_770] : memref<64x128xf32, #tpu.memory_space<vmem>>[vector<16xi32>, vector<16xi32>], vector<16xf32>,
      %gather3A_778 = tpu.vector_load_idx %arg16[%add3A_6, %broadcast_in_dim3A_771] : memref<64x128xf32, #tpu.memory_space<vmem>>[vector<16xi32>, vector<16xi32>], vector<16xf32>,
      %gather3A_779 = tpu.vector_load_idx %arg19[%add3A_6, %broadcast_in_dim3A_772] : memref<64x128xf32, #tpu.memory_space<vmem>>[vector<16xi32>, vector<16xi32>], vector<16xf32>,
      %mul3A_780 = arith.mulf %gather3A_777, %gather3A_778 : vector<16xf32>
      %add3A_781 = arith.addf %broadcast_in_dim3A_774, %mul3A_780 : vector<16xf32>
      %mul3A_782 = arith.mulf %gather3A_777, %gather3A_779 : vector<16xf32>
      %add3A_783 = arith.addf %broadcast_in_dim3A_776, %mul3A_782 : vector<16xf32>
      %gather3A_784 = tpu.vector_load_idx %arg13[%add3A_10, %broadcast_in_dim3A_770] : memref<64x128xf32, #tpu.memory_space<vmem>>[vector<16xi32>, vector<16xi32>], vector<16xf32>,
      %gather3A_785 = tpu.vector_load_idx %arg16[%add3A_10, %broadcast_in_dim3A_771] : memref<64x128xf32, #tpu.memory_space<vmem>>[vector<16xi32>, vector<16xi32>], vector<16xf32>,
      %gather3A_786 = tpu.vector_load_idx %arg19[%add3A_10, %broadcast_in_dim3A_772] : memref<64x128xf32, #tpu.memory_space<vmem>>[vector<16xi32>, vector<16xi32>], vector<16xf32>,
      %mul3A_787 = arith.mulf %gather3A_784, %gather3A_785 : vector<16xf32>
      %add3A_788 = arith.addf %add3A_781, %mul3A_787 : vector<16xf32>
      %mul3A_789 = arith.mulf %gather3A_784, %gather3A_786 : vector<16xf32>
      %add3A_790 = arith.addf %add3A_783, %mul3A_789 : vector<16xf32>
      %gather3A_791 = tpu.vector_load_idx %arg13[%add3A_14, %broadcast_in_dim3A_770] : memref<64x128xf32, #tpu.memory_space<vmem>>[vector<16xi32>, vector<16xi32>], vector<16xf32>,
      %gather3A_792 = tpu.vector_load_idx %arg16[%add3A_14, %broadcast_in_dim3A_771] : memref<64x128xf32, #tpu.memory_space<vmem>>[vector<16xi32>, vector<16xi32>], vector<16xf32>,
      %gather3A_793 = tpu.vector_load_idx %arg19[%add3A_14, %broadcast_in_dim3A_772] : memref<64x128xf32, #tpu.memory_space<vmem>>[vector<16xi32>, vector<16xi32>], vector<16xf32>,
      %mul3A_794 = arith.mulf %gather3A_791, %gather3A_792 : vector<16xf32>
      %add3A_795 = arith.addf %add3A_788, %mul3A_794 : vector<16xf32>
      %mul3A_796 = arith.mulf %gather3A_791, %gather3A_793 : vector<16xf32>
      %add3A_797 = arith.addf %add3A_790, %mul3A_796 : vector<16xf32>
      %gather3A_798 = tpu.vector_load_idx %arg13[%add3A_18, %broadcast_in_dim3A_770] : memref<64x128xf32, #tpu.memory_space<vmem>>[vector<16xi32>, vector<16xi32>], vector<16xf32>,
      %gather3A_799 = tpu.vector_load_idx %arg16[%add3A_18, %broadcast_in_dim3A_771] : memref<64x128xf32, #tpu.memory_space<vmem>>[vector<16xi32>, vector<16xi32>], vector<16xf32>,
      %gather3A_800 = tpu.vector_load_idx %arg19[%add3A_18, %broadcast_in_dim3A_772] : memref<64x128xf32, #tpu.memory_space<vmem>>[vector<16xi32>, vector<16xi32>], vector<16xf32>,
      %mul3A_801 = arith.mulf %gather3A_798, %gather3A_799 : vector<16xf32>
      %add3A_802 = arith.addf %add3A_795, %mul3A_801 : vector<16xf32>
      %mul3A_803 = arith.mulf %gather3A_798, %gather3A_800 : vector<16xf32>
      %add3A_804 = arith.addf %add3A_797, %mul3A_803 : vector<16xf32>
      %eq3A_805 = arith.constant 7 : i32
      %eq3A_806 = vector.broadcast %eq3A_805 : i32 to vector<16xi32>
      %eq3A_807 = arith.cmpi eq, %iota3A, %eq3A_806 : vector<16xi32>
      %reduce_sum3A_808 = arith.constant true
      %reduce_sum3A_809 = vector.broadcast %reduce_sum3A_808 : i1 to vector<16xi1>
      %reduce_sum3A_810 = tpu.scan <sum>, %add3A_802 masked %reduce_sum3A_809 : vector<16xf32>, vector<16xi1> -> vector<16xf32>
      %reduce_sum3A_811 = vector.extract %reduce_sum3A_810[15] : f32 from vector<16xf32>
      %broadcast_in_dim3A_812 = vector.broadcast %reduce_sum3A_811 : f32 to vector<16xf32>
      %select_n3A_813 = arith.select %eq3A_807, %broadcast_in_dim3A_812, %select_n3A_721 : vector<16xi1>, vector<16xf32>
      %reduce_sum3A_814 = arith.constant true
      %reduce_sum3A_815 = vector.broadcast %reduce_sum3A_814 : i1 to vector<16xi1>
      %reduce_sum3A_816 = tpu.scan <sum>, %add3A_804 masked %reduce_sum3A_815 : vector<16xf32>, vector<16xi1> -> vector<16xf32>
      %reduce_sum3A_817 = vector.extract %reduce_sum3A_816[15] : f32 from vector<16xf32>
      %broadcast_in_dim3A_818 = vector.broadcast %reduce_sum3A_817 : f32 to vector<16xf32>
      %select_n3A_819 = arith.select %eq3A_807, %broadcast_in_dim3A_818, %select_n3A_727 : vector<16xi1>, vector<16xf32>
      %slice3A_820 = vector.extract_strided_slice %get3A_27 {offsets = [10], sizes = [1], strides = [1]} : vector<16xi32> to vector<1xi32>
      %squeeze3A_821 = vector.extract %slice3A_820[0] : i32 from vector<1xi32>
      %slice3A_822 = vector.extract_strided_slice %get3A_29 {offsets = [10], sizes = [1], strides = [1]} : vector<16xi32> to vector<1xi32>
      %squeeze3A_823 = vector.extract %slice3A_822[0] : i32 from vector<1xi32>
      %slice3A_824 = vector.extract_strided_slice %get3A_31 {offsets = [10], sizes = [1], strides = [1]} : vector<16xi32> to vector<1xi32>
      %squeeze3A_825 = vector.extract %slice3A_824[0] : i32 from vector<1xi32>
      %and3A_826 = arith.constant -128 : i32
      %and3A_827 = arith.andi %squeeze3A_821, %and3A_826 : i32
      %and3A_828 = arith.constant -128 : i32
      %and3A_829 = arith.andi %squeeze3A_823, %and3A_828 : i32
      %and3A_830 = arith.constant -128 : i32
      %and3A_831 = arith.andi %squeeze3A_825, %and3A_830 : i32
      %multiple_of3A_832 = tpu.assume_multiple %and3A_827, 128 : i32
      %dma_start3A_833 = arith.constant 0 : i32
      %dma_start3A_834 = tpu.memref_slice %arg5[%dma_start3A_833, %multiple_of3A_832] : memref<64x1000000xf32, #tpu.memory_space<hbm>> -> memref<64x128xf32, #tpu.memory_space<hbm>>
      %dma_start3A_835 = arith.constant 0 : i32
      %dma_start3A_836 = tpu.memref_slice %arg5[%dma_start3A_835, %multiple_of3A_832] : memref<64x1000000xf32, #tpu.memory_space<hbm>> -> memref<64x128xf32, #tpu.memory_space<hbm>>
      tpu.enqueue_dma source(%dma_start3A_836 : memref<64x128xf32, #tpu.memory_space<hbm>>) target(%arg13 : memref<64x128xf32, #tpu.memory_space<vmem>>) target_semaphore(%arg24 : memref<!tpu.dma_semaphore, #tpu.memory_space<semaphore_mem>>)
      %multiple_of3A_837 = tpu.assume_multiple %and3A_829, 128 : i32
      %dma_start3A_838 = arith.constant 0 : i32
      %dma_start3A_839 = tpu.memref_slice %arg6[%dma_start3A_838, %multiple_of3A_837] : memref<64x1000000xf32, #tpu.memory_space<hbm>> -> memref<64x128xf32, #tpu.memory_space<hbm>>
      %dma_start3A_840 = arith.constant 0 : i32
      %dma_start3A_841 = tpu.memref_slice %arg6[%dma_start3A_840, %multiple_of3A_837] : memref<64x1000000xf32, #tpu.memory_space<hbm>> -> memref<64x128xf32, #tpu.memory_space<hbm>>
      tpu.enqueue_dma source(%dma_start3A_841 : memref<64x128xf32, #tpu.memory_space<hbm>>) target(%arg16 : memref<64x128xf32, #tpu.memory_space<vmem>>) target_semaphore(%arg24 : memref<!tpu.dma_semaphore, #tpu.memory_space<semaphore_mem>>)
      %multiple_of3A_842 = tpu.assume_multiple %and3A_831, 128 : i32
      %dma_start3A_843 = arith.constant 0 : i32
      %dma_start3A_844 = tpu.memref_slice %arg6[%dma_start3A_843, %multiple_of3A_842] : memref<64x1000000xf32, #tpu.memory_space<hbm>> -> memref<64x128xf32, #tpu.memory_space<hbm>>
      %dma_start3A_845 = arith.constant 0 : i32
      %dma_start3A_846 = tpu.memref_slice %arg6[%dma_start3A_845, %multiple_of3A_842] : memref<64x1000000xf32, #tpu.memory_space<hbm>> -> memref<64x128xf32, #tpu.memory_space<hbm>>
      tpu.enqueue_dma source(%dma_start3A_846 : memref<64x128xf32, #tpu.memory_space<hbm>>) target(%arg19 : memref<64x128xf32, #tpu.memory_space<vmem>>) target_semaphore(%arg24 : memref<!tpu.dma_semaphore, #tpu.memory_space<semaphore_mem>>)
      %sub3A_847 = arith.subi %squeeze3A_821, %and3A_827 : i32
      %sub3A_848 = arith.subi %squeeze3A_823, %and3A_829 : i32
      %sub3A_849 = arith.subi %squeeze3A_825, %and3A_831 : i32
      %dma_wait3A_850 = arith.constant 0 : i32
      %dma_wait3A_851 = tpu.memref_slice %arg5[%dma_wait3A_850, %multiple_of3A_648] : memref<64x1000000xf32, #tpu.memory_space<hbm>> -> memref<64x128xf32, #tpu.memory_space<hbm>>
      %dma_wait3A_852 = arith.constant 0 : i32
      %dma_wait3A_853 = tpu.memref_slice %arg5[%dma_wait3A_852, %multiple_of3A_648] : memref<64x1000000xf32, #tpu.memory_space<hbm>> -> memref<64x128xf32, #tpu.memory_space<hbm>>
      tpu.wait_dma2 semaphore(%arg25 : memref<!tpu.dma_semaphore, #tpu.memory_space<semaphore_mem>>) src(%dma_wait3A_853 : memref<64x128xf32, #tpu.memory_space<hbm>>) dst(%arg14 : memref<64x128xf32, #tpu.memory_space<vmem>>)
      %dma_wait3A_854 = arith.constant 0 : i32
      %dma_wait3A_855 = tpu.memref_slice %arg6[%dma_wait3A_854, %multiple_of3A_653] : memref<64x1000000xf32, #tpu.memory_space<hbm>> -> memref<64x128xf32, #tpu.memory_space<hbm>>
      %dma_wait3A_856 = arith.constant 0 : i32
      %dma_wait3A_857 = tpu.memref_slice %arg6[%dma_wait3A_856, %multiple_of3A_653] : memref<64x1000000xf32, #tpu.memory_space<hbm>> -> memref<64x128xf32, #tpu.memory_space<hbm>>
      tpu.wait_dma2 semaphore(%arg25 : memref<!tpu.dma_semaphore, #tpu.memory_space<semaphore_mem>>) src(%dma_wait3A_857 : memref<64x128xf32, #tpu.memory_space<hbm>>) dst(%arg17 : memref<64x128xf32, #tpu.memory_space<vmem>>)
      %dma_wait3A_858 = arith.constant 0 : i32
      %dma_wait3A_859 = tpu.memref_slice %arg6[%dma_wait3A_858, %multiple_of3A_658] : memref<64x1000000xf32, #tpu.memory_space<hbm>> -> memref<64x128xf32, #tpu.memory_space<hbm>>
      %dma_wait3A_860 = arith.constant 0 : i32
      %dma_wait3A_861 = tpu.memref_slice %arg6[%dma_wait3A_860, %multiple_of3A_658] : memref<64x1000000xf32, #tpu.memory_space<hbm>> -> memref<64x128xf32, #tpu.memory_space<hbm>>
      tpu.wait_dma2 semaphore(%arg25 : memref<!tpu.dma_semaphore, #tpu.memory_space<semaphore_mem>>) src(%dma_wait3A_861 : memref<64x128xf32, #tpu.memory_space<hbm>>) dst(%arg20 : memref<64x128xf32, #tpu.memory_space<vmem>>)
      %broadcast_in_dim3A_862 = vector.broadcast %sub3A_663 : i32 to vector<16xi32>
      %broadcast_in_dim3A_863 = vector.broadcast %sub3A_664 : i32 to vector<16xi32>
      %broadcast_in_dim3A_864 = vector.broadcast %sub3A_665 : i32 to vector<16xi32>
      %broadcast_in_dim3A_865 = arith.constant 0.000000e+00 : f32
      %broadcast_in_dim3A_866 = vector.broadcast %broadcast_in_dim3A_865 : f32 to vector<16xf32>
      %broadcast_in_dim3A_867 = arith.constant 0.000000e+00 : f32
      %broadcast_in_dim3A_868 = vector.broadcast %broadcast_in_dim3A_867 : f32 to vector<16xf32>
      %gather3A_869 = tpu.vector_load_idx %arg14[%add3A_6, %broadcast_in_dim3A_862] : memref<64x128xf32, #tpu.memory_space<vmem>>[vector<16xi32>, vector<16xi32>], vector<16xf32>,
      %gather3A_870 = tpu.vector_load_idx %arg17[%add3A_6, %broadcast_in_dim3A_863] : memref<64x128xf32, #tpu.memory_space<vmem>>[vector<16xi32>, vector<16xi32>], vector<16xf32>,
      %gather3A_871 = tpu.vector_load_idx %arg20[%add3A_6, %broadcast_in_dim3A_864] : memref<64x128xf32, #tpu.memory_space<vmem>>[vector<16xi32>, vector<16xi32>], vector<16xf32>,
      %mul3A_872 = arith.mulf %gather3A_869, %gather3A_870 : vector<16xf32>
      %add3A_873 = arith.addf %broadcast_in_dim3A_866, %mul3A_872 : vector<16xf32>
      %mul3A_874 = arith.mulf %gather3A_869, %gather3A_871 : vector<16xf32>
      %add3A_875 = arith.addf %broadcast_in_dim3A_868, %mul3A_874 : vector<16xf32>
      %gather3A_876 = tpu.vector_load_idx %arg14[%add3A_10, %broadcast_in_dim3A_862] : memref<64x128xf32, #tpu.memory_space<vmem>>[vector<16xi32>, vector<16xi32>], vector<16xf32>,
      %gather3A_877 = tpu.vector_load_idx %arg17[%add3A_10, %broadcast_in_dim3A_863] : memref<64x128xf32, #tpu.memory_space<vmem>>[vector<16xi32>, vector<16xi32>], vector<16xf32>,
      %gather3A_878 = tpu.vector_load_idx %arg20[%add3A_10, %broadcast_in_dim3A_864] : memref<64x128xf32, #tpu.memory_space<vmem>>[vector<16xi32>, vector<16xi32>], vector<16xf32>,
      %mul3A_879 = arith.mulf %gather3A_876, %gather3A_877 : vector<16xf32>
      %add3A_880 = arith.addf %add3A_873, %mul3A_879 : vector<16xf32>
      %mul3A_881 = arith.mulf %gather3A_876, %gather3A_878 : vector<16xf32>
      %add3A_882 = arith.addf %add3A_875, %mul3A_881 : vector<16xf32>
      %gather3A_883 = tpu.vector_load_idx %arg14[%add3A_14, %broadcast_in_dim3A_862] : memref<64x128xf32, #tpu.memory_space<vmem>>[vector<16xi32>, vector<16xi32>], vector<16xf32>,
      %gather3A_884 = tpu.vector_load_idx %arg17[%add3A_14, %broadcast_in_dim3A_863] : memref<64x128xf32, #tpu.memory_space<vmem>>[vector<16xi32>, vector<16xi32>], vector<16xf32>,
      %gather3A_885 = tpu.vector_load_idx %arg20[%add3A_14, %broadcast_in_dim3A_864] : memref<64x128xf32, #tpu.memory_space<vmem>>[vector<16xi32>, vector<16xi32>], vector<16xf32>,
      %mul3A_886 = arith.mulf %gather3A_883, %gather3A_884 : vector<16xf32>
      %add3A_887 = arith.addf %add3A_880, %mul3A_886 : vector<16xf32>
      %mul3A_888 = arith.mulf %gather3A_883, %gather3A_885 : vector<16xf32>
      %add3A_889 = arith.addf %add3A_882, %mul3A_888 : vector<16xf32>
      %gather3A_890 = tpu.vector_load_idx %arg14[%add3A_18, %broadcast_in_dim3A_862] : memref<64x128xf32, #tpu.memory_space<vmem>>[vector<16xi32>, vector<16xi32>], vector<16xf32>,
      %gather3A_891 = tpu.vector_load_idx %arg17[%add3A_18, %broadcast_in_dim3A_863] : memref<64x128xf32, #tpu.memory_space<vmem>>[vector<16xi32>, vector<16xi32>], vector<16xf32>,
      %gather3A_892 = tpu.vector_load_idx %arg20[%add3A_18, %broadcast_in_dim3A_864] : memref<64x128xf32, #tpu.memory_space<vmem>>[vector<16xi32>, vector<16xi32>], vector<16xf32>,
      %mul3A_893 = arith.mulf %gather3A_890, %gather3A_891 : vector<16xf32>
      %add3A_894 = arith.addf %add3A_887, %mul3A_893 : vector<16xf32>
      %mul3A_895 = arith.mulf %gather3A_890, %gather3A_892 : vector<16xf32>
      %add3A_896 = arith.addf %add3A_889, %mul3A_895 : vector<16xf32>
      %eq3A_897 = arith.constant 8 : i32
      %eq3A_898 = vector.broadcast %eq3A_897 : i32 to vector<16xi32>
      %eq3A_899 = arith.cmpi eq, %iota3A, %eq3A_898 : vector<16xi32>
      %reduce_sum3A_900 = arith.constant true
      %reduce_sum3A_901 = vector.broadcast %reduce_sum3A_900 : i1 to vector<16xi1>
      %reduce_sum3A_902 = tpu.scan <sum>, %add3A_894 masked %reduce_sum3A_901 : vector<16xf32>, vector<16xi1> -> vector<16xf32>
      %reduce_sum3A_903 = vector.extract %reduce_sum3A_902[15] : f32 from vector<16xf32>
      %broadcast_in_dim3A_904 = vector.broadcast %reduce_sum3A_903 : f32 to vector<16xf32>
      %select_n3A_905 = arith.select %eq3A_899, %broadcast_in_dim3A_904, %select_n3A_813 : vector<16xi1>, vector<16xf32>
      %reduce_sum3A_906 = arith.constant true
      %reduce_sum3A_907 = vector.broadcast %reduce_sum3A_906 : i1 to vector<16xi1>
      %reduce_sum3A_908 = tpu.scan <sum>, %add3A_896 masked %reduce_sum3A_907 : vector<16xf32>, vector<16xi1> -> vector<16xf32>
      %reduce_sum3A_909 = vector.extract %reduce_sum3A_908[15] : f32 from vector<16xf32>
      %broadcast_in_dim3A_910 = vector.broadcast %reduce_sum3A_909 : f32 to vector<16xf32>
      %select_n3A_911 = arith.select %eq3A_899, %broadcast_in_dim3A_910, %select_n3A_819 : vector<16xi1>, vector<16xf32>
      %slice3A_912 = vector.extract_strided_slice %get3A_27 {offsets = [11], sizes = [1], strides = [1]} : vector<16xi32> to vector<1xi32>
      %squeeze3A_913 = vector.extract %slice3A_912[0] : i32 from vector<1xi32>
      %slice3A_914 = vector.extract_strided_slice %get3A_29 {offsets = [11], sizes = [1], strides = [1]} : vector<16xi32> to vector<1xi32>
      %squeeze3A_915 = vector.extract %slice3A_914[0] : i32 from vector<1xi32>
      %slice3A_916 = vector.extract_strided_slice %get3A_31 {offsets = [11], sizes = [1], strides = [1]} : vector<16xi32> to vector<1xi32>
      %squeeze3A_917 = vector.extract %slice3A_916[0] : i32 from vector<1xi32>
      %and3A_918 = arith.constant -128 : i32
      %and3A_919 = arith.andi %squeeze3A_913, %and3A_918 : i32
      %and3A_920 = arith.constant -128 : i32
      %and3A_921 = arith.andi %squeeze3A_915, %and3A_920 : i32
      %and3A_922 = arith.constant -128 : i32
      %and3A_923 = arith.andi %squeeze3A_917, %and3A_922 : i32
      %multiple_of3A_924 = tpu.assume_multiple %and3A_919, 128 : i32
      %dma_start3A_925 = arith.constant 0 : i32
      %dma_start3A_926 = tpu.memref_slice %arg5[%dma_start3A_925, %multiple_of3A_924] : memref<64x1000000xf32, #tpu.memory_space<hbm>> -> memref<64x128xf32, #tpu.memory_space<hbm>>
      %dma_start3A_927 = arith.constant 0 : i32
      %dma_start3A_928 = tpu.memref_slice %arg5[%dma_start3A_927, %multiple_of3A_924] : memref<64x1000000xf32, #tpu.memory_space<hbm>> -> memref<64x128xf32, #tpu.memory_space<hbm>>
      tpu.enqueue_dma source(%dma_start3A_928 : memref<64x128xf32, #tpu.memory_space<hbm>>) target(%arg14 : memref<64x128xf32, #tpu.memory_space<vmem>>) target_semaphore(%arg25 : memref<!tpu.dma_semaphore, #tpu.memory_space<semaphore_mem>>)
      %multiple_of3A_929 = tpu.assume_multiple %and3A_921, 128 : i32
      %dma_start3A_930 = arith.constant 0 : i32
      %dma_start3A_931 = tpu.memref_slice %arg6[%dma_start3A_930, %multiple_of3A_929] : memref<64x1000000xf32, #tpu.memory_space<hbm>> -> memref<64x128xf32, #tpu.memory_space<hbm>>
      %dma_start3A_932 = arith.constant 0 : i32
      %dma_start3A_933 = tpu.memref_slice %arg6[%dma_start3A_932, %multiple_of3A_929] : memref<64x1000000xf32, #tpu.memory_space<hbm>> -> memref<64x128xf32, #tpu.memory_space<hbm>>
      tpu.enqueue_dma source(%dma_start3A_933 : memref<64x128xf32, #tpu.memory_space<hbm>>) target(%arg17 : memref<64x128xf32, #tpu.memory_space<vmem>>) target_semaphore(%arg25 : memref<!tpu.dma_semaphore, #tpu.memory_space<semaphore_mem>>)
      %multiple_of3A_934 = tpu.assume_multiple %and3A_923, 128 : i32
      %dma_start3A_935 = arith.constant 0 : i32
      %dma_start3A_936 = tpu.memref_slice %arg6[%dma_start3A_935, %multiple_of3A_934] : memref<64x1000000xf32, #tpu.memory_space<hbm>> -> memref<64x128xf32, #tpu.memory_space<hbm>>
      %dma_start3A_937 = arith.constant 0 : i32
      %dma_start3A_938 = tpu.memref_slice %arg6[%dma_start3A_937, %multiple_of3A_934] : memref<64x1000000xf32, #tpu.memory_space<hbm>> -> memref<64x128xf32, #tpu.memory_space<hbm>>
      tpu.enqueue_dma source(%dma_start3A_938 : memref<64x128xf32, #tpu.memory_space<hbm>>) target(%arg20 : memref<64x128xf32, #tpu.memory_space<vmem>>) target_semaphore(%arg25 : memref<!tpu.dma_semaphore, #tpu.memory_space<semaphore_mem>>)
      %sub3A_939 = arith.subi %squeeze3A_913, %and3A_919 : i32
      %sub3A_940 = arith.subi %squeeze3A_915, %and3A_921 : i32
      %sub3A_941 = arith.subi %squeeze3A_917, %and3A_923 : i32
      %dma_wait3A_942 = arith.constant 0 : i32
      %dma_wait3A_943 = tpu.memref_slice %arg5[%dma_wait3A_942, %multiple_of3A_740] : memref<64x1000000xf32, #tpu.memory_space<hbm>> -> memref<64x128xf32, #tpu.memory_space<hbm>>
      %dma_wait3A_944 = arith.constant 0 : i32
      %dma_wait3A_945 = tpu.memref_slice %arg5[%dma_wait3A_944, %multiple_of3A_740] : memref<64x1000000xf32, #tpu.memory_space<hbm>> -> memref<64x128xf32, #tpu.memory_space<hbm>>
      tpu.wait_dma2 semaphore(%arg23 : memref<!tpu.dma_semaphore, #tpu.memory_space<semaphore_mem>>) src(%dma_wait3A_945 : memref<64x128xf32, #tpu.memory_space<hbm>>) dst(%arg12 : memref<64x128xf32, #tpu.memory_space<vmem>>)
      %dma_wait3A_946 = arith.constant 0 : i32
      %dma_wait3A_947 = tpu.memref_slice %arg6[%dma_wait3A_946, %multiple_of3A_745] : memref<64x1000000xf32, #tpu.memory_space<hbm>> -> memref<64x128xf32, #tpu.memory_space<hbm>>
      %dma_wait3A_948 = arith.constant 0 : i32
      %dma_wait3A_949 = tpu.memref_slice %arg6[%dma_wait3A_948, %multiple_of3A_745] : memref<64x1000000xf32, #tpu.memory_space<hbm>> -> memref<64x128xf32, #tpu.memory_space<hbm>>
      tpu.wait_dma2 semaphore(%arg23 : memref<!tpu.dma_semaphore, #tpu.memory_space<semaphore_mem>>) src(%dma_wait3A_949 : memref<64x128xf32, #tpu.memory_space<hbm>>) dst(%arg15 : memref<64x128xf32, #tpu.memory_space<vmem>>)
      %dma_wait3A_950 = arith.constant 0 : i32
      %dma_wait3A_951 = tpu.memref_slice %arg6[%dma_wait3A_950, %multiple_of3A_750] : memref<64x1000000xf32, #tpu.memory_space<hbm>> -> memref<64x128xf32, #tpu.memory_space<hbm>>
      %dma_wait3A_952 = arith.constant 0 : i32
      %dma_wait3A_953 = tpu.memref_slice %arg6[%dma_wait3A_952, %multiple_of3A_750] : memref<64x1000000xf32, #tpu.memory_space<hbm>> -> memref<64x128xf32, #tpu.memory_space<hbm>>
      tpu.wait_dma2 semaphore(%arg23 : memref<!tpu.dma_semaphore, #tpu.memory_space<semaphore_mem>>) src(%dma_wait3A_953 : memref<64x128xf32, #tpu.memory_space<hbm>>) dst(%arg18 : memref<64x128xf32, #tpu.memory_space<vmem>>)
      %broadcast_in_dim3A_954 = vector.broadcast %sub3A_755 : i32 to vector<16xi32>
      %broadcast_in_dim3A_955 = vector.broadcast %sub3A_756 : i32 to vector<16xi32>
      %broadcast_in_dim3A_956 = vector.broadcast %sub3A_757 : i32 to vector<16xi32>
      %broadcast_in_dim3A_957 = arith.constant 0.000000e+00 : f32
      %broadcast_in_dim3A_958 = vector.broadcast %broadcast_in_dim3A_957 : f32 to vector<16xf32>
      %broadcast_in_dim3A_959 = arith.constant 0.000000e+00 : f32
      %broadcast_in_dim3A_960 = vector.broadcast %broadcast_in_dim3A_959 : f32 to vector<16xf32>
      %gather3A_961 = tpu.vector_load_idx %arg12[%add3A_6, %broadcast_in_dim3A_954] : memref<64x128xf32, #tpu.memory_space<vmem>>[vector<16xi32>, vector<16xi32>], vector<16xf32>,
      %gather3A_962 = tpu.vector_load_idx %arg15[%add3A_6, %broadcast_in_dim3A_955] : memref<64x128xf32, #tpu.memory_space<vmem>>[vector<16xi32>, vector<16xi32>], vector<16xf32>,
      %gather3A_963 = tpu.vector_load_idx %arg18[%add3A_6, %broadcast_in_dim3A_956] : memref<64x128xf32, #tpu.memory_space<vmem>>[vector<16xi32>, vector<16xi32>], vector<16xf32>,
      %mul3A_964 = arith.mulf %gather3A_961, %gather3A_962 : vector<16xf32>
      %add3A_965 = arith.addf %broadcast_in_dim3A_958, %mul3A_964 : vector<16xf32>
      %mul3A_966 = arith.mulf %gather3A_961, %gather3A_963 : vector<16xf32>
      %add3A_967 = arith.addf %broadcast_in_dim3A_960, %mul3A_966 : vector<16xf32>
      %gather3A_968 = tpu.vector_load_idx %arg12[%add3A_10, %broadcast_in_dim3A_954] : memref<64x128xf32, #tpu.memory_space<vmem>>[vector<16xi32>, vector<16xi32>], vector<16xf32>,
      %gather3A_969 = tpu.vector_load_idx %arg15[%add3A_10, %broadcast_in_dim3A_955] : memref<64x128xf32, #tpu.memory_space<vmem>>[vector<16xi32>, vector<16xi32>], vector<16xf32>,
      %gather3A_970 = tpu.vector_load_idx %arg18[%add3A_10, %broadcast_in_dim3A_956] : memref<64x128xf32, #tpu.memory_space<vmem>>[vector<16xi32>, vector<16xi32>], vector<16xf32>,
      %mul3A_971 = arith.mulf %gather3A_968, %gather3A_969 : vector<16xf32>
      %add3A_972 = arith.addf %add3A_965, %mul3A_971 : vector<16xf32>
      %mul3A_973 = arith.mulf %gather3A_968, %gather3A_970 : vector<16xf32>
      %add3A_974 = arith.addf %add3A_967, %mul3A_973 : vector<16xf32>
      %gather3A_975 = tpu.vector_load_idx %arg12[%add3A_14, %broadcast_in_dim3A_954] : memref<64x128xf32, #tpu.memory_space<vmem>>[vector<16xi32>, vector<16xi32>], vector<16xf32>,
      %gather3A_976 = tpu.vector_load_idx %arg15[%add3A_14, %broadcast_in_dim3A_955] : memref<64x128xf32, #tpu.memory_space<vmem>>[vector<16xi32>, vector<16xi32>], vector<16xf32>,
      %gather3A_977 = tpu.vector_load_idx %arg18[%add3A_14, %broadcast_in_dim3A_956] : memref<64x128xf32, #tpu.memory_space<vmem>>[vector<16xi32>, vector<16xi32>], vector<16xf32>,
      %mul3A_978 = arith.mulf %gather3A_975, %gather3A_976 : vector<16xf32>
      %add3A_979 = arith.addf %add3A_972, %mul3A_978 : vector<16xf32>
      %mul3A_980 = arith.mulf %gather3A_975, %gather3A_977 : vector<16xf32>
      %add3A_981 = arith.addf %add3A_974, %mul3A_980 : vector<16xf32>
      %gather3A_982 = tpu.vector_load_idx %arg12[%add3A_18, %broadcast_in_dim3A_954] : memref<64x128xf32, #tpu.memory_space<vmem>>[vector<16xi32>, vector<16xi32>], vector<16xf32>,
      %gather3A_983 = tpu.vector_load_idx %arg15[%add3A_18, %broadcast_in_dim3A_955] : memref<64x128xf32, #tpu.memory_space<vmem>>[vector<16xi32>, vector<16xi32>], vector<16xf32>,
      %gather3A_984 = tpu.vector_load_idx %arg18[%add3A_18, %broadcast_in_dim3A_956] : memref<64x128xf32, #tpu.memory_space<vmem>>[vector<16xi32>, vector<16xi32>], vector<16xf32>,
      %mul3A_985 = arith.mulf %gather3A_982, %gather3A_983 : vector<16xf32>
      %add3A_986 = arith.addf %add3A_979, %mul3A_985 : vector<16xf32>
      %mul3A_987 = arith.mulf %gather3A_982, %gather3A_984 : vector<16xf32>
      %add3A_988 = arith.addf %add3A_981, %mul3A_987 : vector<16xf32>
      %eq3A_989 = arith.constant 9 : i32
      %eq3A_990 = vector.broadcast %eq3A_989 : i32 to vector<16xi32>
      %eq3A_991 = arith.cmpi eq, %iota3A, %eq3A_990 : vector<16xi32>
      %reduce_sum3A_992 = arith.constant true
      %reduce_sum3A_993 = vector.broadcast %reduce_sum3A_992 : i1 to vector<16xi1>
      %reduce_sum3A_994 = tpu.scan <sum>, %add3A_986 masked %reduce_sum3A_993 : vector<16xf32>, vector<16xi1> -> vector<16xf32>
      %reduce_sum3A_995 = vector.extract %reduce_sum3A_994[15] : f32 from vector<16xf32>
      %broadcast_in_dim3A_996 = vector.broadcast %reduce_sum3A_995 : f32 to vector<16xf32>
      %select_n3A_997 = arith.select %eq3A_991, %broadcast_in_dim3A_996, %select_n3A_905 : vector<16xi1>, vector<16xf32>
      %reduce_sum3A_998 = arith.constant true
      %reduce_sum3A_999 = vector.broadcast %reduce_sum3A_998 : i1 to vector<16xi1>
      %reduce_sum3A_1000 = tpu.scan <sum>, %add3A_988 masked %reduce_sum3A_999 : vector<16xf32>, vector<16xi1> -> vector<16xf32>
      %reduce_sum3A_1001 = vector.extract %reduce_sum3A_1000[15] : f32 from vector<16xf32>
      %broadcast_in_dim3A_1002 = vector.broadcast %reduce_sum3A_1001 : f32 to vector<16xf32>
      %select_n3A_1003 = arith.select %eq3A_991, %broadcast_in_dim3A_1002, %select_n3A_911 : vector<16xi1>, vector<16xf32>
      %slice3A_1004 = vector.extract_strided_slice %get3A_27 {offsets = [12], sizes = [1], strides = [1]} : vector<16xi32> to vector<1xi32>
      %squeeze3A_1005 = vector.extract %slice3A_1004[0] : i32 from vector<1xi32>
      %slice3A_1006 = vector.extract_strided_slice %get3A_29 {offsets = [12], sizes = [1], strides = [1]} : vector<16xi32> to vector<1xi32>
      %squeeze3A_1007 = vector.extract %slice3A_1006[0] : i32 from vector<1xi32>
      %slice3A_1008 = vector.extract_strided_slice %get3A_31 {offsets = [12], sizes = [1], strides = [1]} : vector<16xi32> to vector<1xi32>
      %squeeze3A_1009 = vector.extract %slice3A_1008[0] : i32 from vector<1xi32>
      %and3A_1010 = arith.constant -128 : i32
      %and3A_1011 = arith.andi %squeeze3A_1005, %and3A_1010 : i32
      %and3A_1012 = arith.constant -128 : i32
      %and3A_1013 = arith.andi %squeeze3A_1007, %and3A_1012 : i32
      %and3A_1014 = arith.constant -128 : i32
      %and3A_1015 = arith.andi %squeeze3A_1009, %and3A_1014 : i32
      %multiple_of3A_1016 = tpu.assume_multiple %and3A_1011, 128 : i32
      %dma_start3A_1017 = arith.constant 0 : i32
      %dma_start3A_1018 = tpu.memref_slice %arg5[%dma_start3A_1017, %multiple_of3A_1016] : memref<64x1000000xf32, #tpu.memory_space<hbm>> -> memref<64x128xf32, #tpu.memory_space<hbm>>
      %dma_start3A_1019 = arith.constant 0 : i32
      %dma_start3A_1020 = tpu.memref_slice %arg5[%dma_start3A_1019, %multiple_of3A_1016] : memref<64x1000000xf32, #tpu.memory_space<hbm>> -> memref<64x128xf32, #tpu.memory_space<hbm>>
      tpu.enqueue_dma source(%dma_start3A_1020 : memref<64x128xf32, #tpu.memory_space<hbm>>) target(%arg12 : memref<64x128xf32, #tpu.memory_space<vmem>>) target_semaphore(%arg23 : memref<!tpu.dma_semaphore, #tpu.memory_space<semaphore_mem>>)
      %multiple_of3A_1021 = tpu.assume_multiple %and3A_1013, 128 : i32
      %dma_start3A_1022 = arith.constant 0 : i32
      %dma_start3A_1023 = tpu.memref_slice %arg6[%dma_start3A_1022, %multiple_of3A_1021] : memref<64x1000000xf32, #tpu.memory_space<hbm>> -> memref<64x128xf32, #tpu.memory_space<hbm>>
      %dma_start3A_1024 = arith.constant 0 : i32
      %dma_start3A_1025 = tpu.memref_slice %arg6[%dma_start3A_1024, %multiple_of3A_1021] : memref<64x1000000xf32, #tpu.memory_space<hbm>> -> memref<64x128xf32, #tpu.memory_space<hbm>>
      tpu.enqueue_dma source(%dma_start3A_1025 : memref<64x128xf32, #tpu.memory_space<hbm>>) target(%arg15 : memref<64x128xf32, #tpu.memory_space<vmem>>) target_semaphore(%arg23 : memref<!tpu.dma_semaphore, #tpu.memory_space<semaphore_mem>>)
      %multiple_of3A_1026 = tpu.assume_multiple %and3A_1015, 128 : i32
      %dma_start3A_1027 = arith.constant 0 : i32
      %dma_start3A_1028 = tpu.memref_slice %arg6[%dma_start3A_1027, %multiple_of3A_1026] : memref<64x1000000xf32, #tpu.memory_space<hbm>> -> memref<64x128xf32, #tpu.memory_space<hbm>>
      %dma_start3A_1029 = arith.constant 0 : i32
      %dma_start3A_1030 = tpu.memref_slice %arg6[%dma_start3A_1029, %multiple_of3A_1026] : memref<64x1000000xf32, #tpu.memory_space<hbm>> -> memref<64x128xf32, #tpu.memory_space<hbm>>
      tpu.enqueue_dma source(%dma_start3A_1030 : memref<64x128xf32, #tpu.memory_space<hbm>>) target(%arg18 : memref<64x128xf32, #tpu.memory_space<vmem>>) target_semaphore(%arg23 : memref<!tpu.dma_semaphore, #tpu.memory_space<semaphore_mem>>)
      %sub3A_1031 = arith.subi %squeeze3A_1005, %and3A_1011 : i32
      %sub3A_1032 = arith.subi %squeeze3A_1007, %and3A_1013 : i32
      %sub3A_1033 = arith.subi %squeeze3A_1009, %and3A_1015 : i32
      %dma_wait3A_1034 = arith.constant 0 : i32
      %dma_wait3A_1035 = tpu.memref_slice %arg5[%dma_wait3A_1034, %multiple_of3A_832] : memref<64x1000000xf32, #tpu.memory_space<hbm>> -> memref<64x128xf32, #tpu.memory_space<hbm>>
      %dma_wait3A_1036 = arith.constant 0 : i32
      %dma_wait3A_1037 = tpu.memref_slice %arg5[%dma_wait3A_1036, %multiple_of3A_832] : memref<64x1000000xf32, #tpu.memory_space<hbm>> -> memref<64x128xf32, #tpu.memory_space<hbm>>
      tpu.wait_dma2 semaphore(%arg24 : memref<!tpu.dma_semaphore, #tpu.memory_space<semaphore_mem>>) src(%dma_wait3A_1037 : memref<64x128xf32, #tpu.memory_space<hbm>>) dst(%arg13 : memref<64x128xf32, #tpu.memory_space<vmem>>)
      %dma_wait3A_1038 = arith.constant 0 : i32
      %dma_wait3A_1039 = tpu.memref_slice %arg6[%dma_wait3A_1038, %multiple_of3A_837] : memref<64x1000000xf32, #tpu.memory_space<hbm>> -> memref<64x128xf32, #tpu.memory_space<hbm>>
      %dma_wait3A_1040 = arith.constant 0 : i32
      %dma_wait3A_1041 = tpu.memref_slice %arg6[%dma_wait3A_1040, %multiple_of3A_837] : memref<64x1000000xf32, #tpu.memory_space<hbm>> -> memref<64x128xf32, #tpu.memory_space<hbm>>
      tpu.wait_dma2 semaphore(%arg24 : memref<!tpu.dma_semaphore, #tpu.memory_space<semaphore_mem>>) src(%dma_wait3A_1041 : memref<64x128xf32, #tpu.memory_space<hbm>>) dst(%arg16 : memref<64x128xf32, #tpu.memory_space<vmem>>)
      %dma_wait3A_1042 = arith.constant 0 : i32
      %dma_wait3A_1043 = tpu.memref_slice %arg6[%dma_wait3A_1042, %multiple_of3A_842] : memref<64x1000000xf32, #tpu.memory_space<hbm>> -> memref<64x128xf32, #tpu.memory_space<hbm>>
      %dma_wait3A_1044 = arith.constant 0 : i32
      %dma_wait3A_1045 = tpu.memref_slice %arg6[%dma_wait3A_1044, %multiple_of3A_842] : memref<64x1000000xf32, #tpu.memory_space<hbm>> -> memref<64x128xf32, #tpu.memory_space<hbm>>
      tpu.wait_dma2 semaphore(%arg24 : memref<!tpu.dma_semaphore, #tpu.memory_space<semaphore_mem>>) src(%dma_wait3A_1045 : memref<64x128xf32, #tpu.memory_space<hbm>>) dst(%arg19 : memref<64x128xf32, #tpu.memory_space<vmem>>)
      %broadcast_in_dim3A_1046 = vector.broadcast %sub3A_847 : i32 to vector<16xi32>
      %broadcast_in_dim3A_1047 = vector.broadcast %sub3A_848 : i32 to vector<16xi32>
      %broadcast_in_dim3A_1048 = vector.broadcast %sub3A_849 : i32 to vector<16xi32>
      %broadcast_in_dim3A_1049 = arith.constant 0.000000e+00 : f32
      %broadcast_in_dim3A_1050 = vector.broadcast %broadcast_in_dim3A_1049 : f32 to vector<16xf32>
      %broadcast_in_dim3A_1051 = arith.constant 0.000000e+00 : f32
      %broadcast_in_dim3A_1052 = vector.broadcast %broadcast_in_dim3A_1051 : f32 to vector<16xf32>
      %gather3A_1053 = tpu.vector_load_idx %arg13[%add3A_6, %broadcast_in_dim3A_1046] : memref<64x128xf32, #tpu.memory_space<vmem>>[vector<16xi32>, vector<16xi32>], vector<16xf32>,
      %gather3A_1054 = tpu.vector_load_idx %arg16[%add3A_6, %broadcast_in_dim3A_1047] : memref<64x128xf32, #tpu.memory_space<vmem>>[vector<16xi32>, vector<16xi32>], vector<16xf32>,
      %gather3A_1055 = tpu.vector_load_idx %arg19[%add3A_6, %broadcast_in_dim3A_1048] : memref<64x128xf32, #tpu.memory_space<vmem>>[vector<16xi32>, vector<16xi32>], vector<16xf32>,
      %mul3A_1056 = arith.mulf %gather3A_1053, %gather3A_1054 : vector<16xf32>
      %add3A_1057 = arith.addf %broadcast_in_dim3A_1050, %mul3A_1056 : vector<16xf32>
      %mul3A_1058 = arith.mulf %gather3A_1053, %gather3A_1055 : vector<16xf32>
      %add3A_1059 = arith.addf %broadcast_in_dim3A_1052, %mul3A_1058 : vector<16xf32>
      %gather3A_1060 = tpu.vector_load_idx %arg13[%add3A_10, %broadcast_in_dim3A_1046] : memref<64x128xf32, #tpu.memory_space<vmem>>[vector<16xi32>, vector<16xi32>], vector<16xf32>,
      %gather3A_1061 = tpu.vector_load_idx %arg16[%add3A_10, %broadcast_in_dim3A_1047] : memref<64x128xf32, #tpu.memory_space<vmem>>[vector<16xi32>, vector<16xi32>], vector<16xf32>,
      %gather3A_1062 = tpu.vector_load_idx %arg19[%add3A_10, %broadcast_in_dim3A_1048] : memref<64x128xf32, #tpu.memory_space<vmem>>[vector<16xi32>, vector<16xi32>], vector<16xf32>,
      %mul3A_1063 = arith.mulf %gather3A_1060, %gather3A_1061 : vector<16xf32>
      %add3A_1064 = arith.addf %add3A_1057, %mul3A_1063 : vector<16xf32>
      %mul3A_1065 = arith.mulf %gather3A_1060, %gather3A_1062 : vector<16xf32>
      %add3A_1066 = arith.addf %add3A_1059, %mul3A_1065 : vector<16xf32>
      %gather3A_1067 = tpu.vector_load_idx %arg13[%add3A_14, %broadcast_in_dim3A_1046] : memref<64x128xf32, #tpu.memory_space<vmem>>[vector<16xi32>, vector<16xi32>], vector<16xf32>,
      %gather3A_1068 = tpu.vector_load_idx %arg16[%add3A_14, %broadcast_in_dim3A_1047] : memref<64x128xf32, #tpu.memory_space<vmem>>[vector<16xi32>, vector<16xi32>], vector<16xf32>,
      %gather3A_1069 = tpu.vector_load_idx %arg19[%add3A_14, %broadcast_in_dim3A_1048] : memref<64x128xf32, #tpu.memory_space<vmem>>[vector<16xi32>, vector<16xi32>], vector<16xf32>,
      %mul3A_1070 = arith.mulf %gather3A_1067, %gather3A_1068 : vector<16xf32>
      %add3A_1071 = arith.addf %add3A_1064, %mul3A_1070 : vector<16xf32>
      %mul3A_1072 = arith.mulf %gather3A_1067, %gather3A_1069 : vector<16xf32>
      %add3A_1073 = arith.addf %add3A_1066, %mul3A_1072 : vector<16xf32>
      %gather3A_1074 = tpu.vector_load_idx %arg13[%add3A_18, %broadcast_in_dim3A_1046] : memref<64x128xf32, #tpu.memory_space<vmem>>[vector<16xi32>, vector<16xi32>], vector<16xf32>,
      %gather3A_1075 = tpu.vector_load_idx %arg16[%add3A_18, %broadcast_in_dim3A_1047] : memref<64x128xf32, #tpu.memory_space<vmem>>[vector<16xi32>, vector<16xi32>], vector<16xf32>,
      %gather3A_1076 = tpu.vector_load_idx %arg19[%add3A_18, %broadcast_in_dim3A_1048] : memref<64x128xf32, #tpu.memory_space<vmem>>[vector<16xi32>, vector<16xi32>], vector<16xf32>,
      %mul3A_1077 = arith.mulf %gather3A_1074, %gather3A_1075 : vector<16xf32>
      %add3A_1078 = arith.addf %add3A_1071, %mul3A_1077 : vector<16xf32>
      %mul3A_1079 = arith.mulf %gather3A_1074, %gather3A_1076 : vector<16xf32>
      %add3A_1080 = arith.addf %add3A_1073, %mul3A_1079 : vector<16xf32>
      %eq3A_1081 = arith.constant 10 : i32
      %eq3A_1082 = vector.broadcast %eq3A_1081 : i32 to vector<16xi32>
      %eq3A_1083 = arith.cmpi eq, %iota3A, %eq3A_1082 : vector<16xi32>
      %reduce_sum3A_1084 = arith.constant true
      %reduce_sum3A_1085 = vector.broadcast %reduce_sum3A_1084 : i1 to vector<16xi1>
      %reduce_sum3A_1086 = tpu.scan <sum>, %add3A_1078 masked %reduce_sum3A_1085 : vector<16xf32>, vector<16xi1> -> vector<16xf32>
      %reduce_sum3A_1087 = vector.extract %reduce_sum3A_1086[15] : f32 from vector<16xf32>
      %broadcast_in_dim3A_1088 = vector.broadcast %reduce_sum3A_1087 : f32 to vector<16xf32>
      %select_n3A_1089 = arith.select %eq3A_1083, %broadcast_in_dim3A_1088, %select_n3A_997 : vector<16xi1>, vector<16xf32>
      %reduce_sum3A_1090 = arith.constant true
      %reduce_sum3A_1091 = vector.broadcast %reduce_sum3A_1090 : i1 to vector<16xi1>
      %reduce_sum3A_1092 = tpu.scan <sum>, %add3A_1080 masked %reduce_sum3A_1091 : vector<16xf32>, vector<16xi1> -> vector<16xf32>
      %reduce_sum3A_1093 = vector.extract %reduce_sum3A_1092[15] : f32 from vector<16xf32>
      %broadcast_in_dim3A_1094 = vector.broadcast %reduce_sum3A_1093 : f32 to vector<16xf32>
      %select_n3A_1095 = arith.select %eq3A_1083, %broadcast_in_dim3A_1094, %select_n3A_1003 : vector<16xi1>, vector<16xf32>
      %slice3A_1096 = vector.extract_strided_slice %get3A_27 {offsets = [13], sizes = [1], strides = [1]} : vector<16xi32> to vector<1xi32>
      %squeeze3A_1097 = vector.extract %slice3A_1096[0] : i32 from vector<1xi32>
      %slice3A_1098 = vector.extract_strided_slice %get3A_29 {offsets = [13], sizes = [1], strides = [1]} : vector<16xi32> to vector<1xi32>
      %squeeze3A_1099 = vector.extract %slice3A_1098[0] : i32 from vector<1xi32>
      %slice3A_1100 = vector.extract_strided_slice %get3A_31 {offsets = [13], sizes = [1], strides = [1]} : vector<16xi32> to vector<1xi32>
      %squeeze3A_1101 = vector.extract %slice3A_1100[0] : i32 from vector<1xi32>
      %and3A_1102 = arith.constant -128 : i32
      %and3A_1103 = arith.andi %squeeze3A_1097, %and3A_1102 : i32
      %and3A_1104 = arith.constant -128 : i32
      %and3A_1105 = arith.andi %squeeze3A_1099, %and3A_1104 : i32
      %and3A_1106 = arith.constant -128 : i32
      %and3A_1107 = arith.andi %squeeze3A_1101, %and3A_1106 : i32
      %multiple_of3A_1108 = tpu.assume_multiple %and3A_1103, 128 : i32
      %dma_start3A_1109 = arith.constant 0 : i32
      %dma_start3A_1110 = tpu.memref_slice %arg5[%dma_start3A_1109, %multiple_of3A_1108] : memref<64x1000000xf32, #tpu.memory_space<hbm>> -> memref<64x128xf32, #tpu.memory_space<hbm>>
      %dma_start3A_1111 = arith.constant 0 : i32
      %dma_start3A_1112 = tpu.memref_slice %arg5[%dma_start3A_1111, %multiple_of3A_1108] : memref<64x1000000xf32, #tpu.memory_space<hbm>> -> memref<64x128xf32, #tpu.memory_space<hbm>>
      tpu.enqueue_dma source(%dma_start3A_1112 : memref<64x128xf32, #tpu.memory_space<hbm>>) target(%arg13 : memref<64x128xf32, #tpu.memory_space<vmem>>) target_semaphore(%arg24 : memref<!tpu.dma_semaphore, #tpu.memory_space<semaphore_mem>>)
      %multiple_of3A_1113 = tpu.assume_multiple %and3A_1105, 128 : i32
      %dma_start3A_1114 = arith.constant 0 : i32
      %dma_start3A_1115 = tpu.memref_slice %arg6[%dma_start3A_1114, %multiple_of3A_1113] : memref<64x1000000xf32, #tpu.memory_space<hbm>> -> memref<64x128xf32, #tpu.memory_space<hbm>>
      %dma_start3A_1116 = arith.constant 0 : i32
      %dma_start3A_1117 = tpu.memref_slice %arg6[%dma_start3A_1116, %multiple_of3A_1113] : memref<64x1000000xf32, #tpu.memory_space<hbm>> -> memref<64x128xf32, #tpu.memory_space<hbm>>
      tpu.enqueue_dma source(%dma_start3A_1117 : memref<64x128xf32, #tpu.memory_space<hbm>>) target(%arg16 : memref<64x128xf32, #tpu.memory_space<vmem>>) target_semaphore(%arg24 : memref<!tpu.dma_semaphore, #tpu.memory_space<semaphore_mem>>)
      %multiple_of3A_1118 = tpu.assume_multiple %and3A_1107, 128 : i32
      %dma_start3A_1119 = arith.constant 0 : i32
      %dma_start3A_1120 = tpu.memref_slice %arg6[%dma_start3A_1119, %multiple_of3A_1118] : memref<64x1000000xf32, #tpu.memory_space<hbm>> -> memref<64x128xf32, #tpu.memory_space<hbm>>
      %dma_start3A_1121 = arith.constant 0 : i32
      %dma_start3A_1122 = tpu.memref_slice %arg6[%dma_start3A_1121, %multiple_of3A_1118] : memref<64x1000000xf32, #tpu.memory_space<hbm>> -> memref<64x128xf32, #tpu.memory_space<hbm>>
      tpu.enqueue_dma source(%dma_start3A_1122 : memref<64x128xf32, #tpu.memory_space<hbm>>) target(%arg19 : memref<64x128xf32, #tpu.memory_space<vmem>>) target_semaphore(%arg24 : memref<!tpu.dma_semaphore, #tpu.memory_space<semaphore_mem>>)
      %sub3A_1123 = arith.subi %squeeze3A_1097, %and3A_1103 : i32
      %sub3A_1124 = arith.subi %squeeze3A_1099, %and3A_1105 : i32
      %sub3A_1125 = arith.subi %squeeze3A_1101, %and3A_1107 : i32
      %dma_wait3A_1126 = arith.constant 0 : i32
      %dma_wait3A_1127 = tpu.memref_slice %arg5[%dma_wait3A_1126, %multiple_of3A_924] : memref<64x1000000xf32, #tpu.memory_space<hbm>> -> memref<64x128xf32, #tpu.memory_space<hbm>>
      %dma_wait3A_1128 = arith.constant 0 : i32
      %dma_wait3A_1129 = tpu.memref_slice %arg5[%dma_wait3A_1128, %multiple_of3A_924] : memref<64x1000000xf32, #tpu.memory_space<hbm>> -> memref<64x128xf32, #tpu.memory_space<hbm>>
      tpu.wait_dma2 semaphore(%arg25 : memref<!tpu.dma_semaphore, #tpu.memory_space<semaphore_mem>>) src(%dma_wait3A_1129 : memref<64x128xf32, #tpu.memory_space<hbm>>) dst(%arg14 : memref<64x128xf32, #tpu.memory_space<vmem>>)
      %dma_wait3A_1130 = arith.constant 0 : i32
      %dma_wait3A_1131 = tpu.memref_slice %arg6[%dma_wait3A_1130, %multiple_of3A_929] : memref<64x1000000xf32, #tpu.memory_space<hbm>> -> memref<64x128xf32, #tpu.memory_space<hbm>>
      %dma_wait3A_1132 = arith.constant 0 : i32
      %dma_wait3A_1133 = tpu.memref_slice %arg6[%dma_wait3A_1132, %multiple_of3A_929] : memref<64x1000000xf32, #tpu.memory_space<hbm>> -> memref<64x128xf32, #tpu.memory_space<hbm>>
      tpu.wait_dma2 semaphore(%arg25 : memref<!tpu.dma_semaphore, #tpu.memory_space<semaphore_mem>>) src(%dma_wait3A_1133 : memref<64x128xf32, #tpu.memory_space<hbm>>) dst(%arg17 : memref<64x128xf32, #tpu.memory_space<vmem>>)
      %dma_wait3A_1134 = arith.constant 0 : i32
      %dma_wait3A_1135 = tpu.memref_slice %arg6[%dma_wait3A_1134, %multiple_of3A_934] : memref<64x1000000xf32, #tpu.memory_space<hbm>> -> memref<64x128xf32, #tpu.memory_space<hbm>>
      %dma_wait3A_1136 = arith.constant 0 : i32
      %dma_wait3A_1137 = tpu.memref_slice %arg6[%dma_wait3A_1136, %multiple_of3A_934] : memref<64x1000000xf32, #tpu.memory_space<hbm>> -> memref<64x128xf32, #tpu.memory_space<hbm>>
      tpu.wait_dma2 semaphore(%arg25 : memref<!tpu.dma_semaphore, #tpu.memory_space<semaphore_mem>>) src(%dma_wait3A_1137 : memref<64x128xf32, #tpu.memory_space<hbm>>) dst(%arg20 : memref<64x128xf32, #tpu.memory_space<vmem>>)
      %broadcast_in_dim3A_1138 = vector.broadcast %sub3A_939 : i32 to vector<16xi32>
      %broadcast_in_dim3A_1139 = vector.broadcast %sub3A_940 : i32 to vector<16xi32>
      %broadcast_in_dim3A_1140 = vector.broadcast %sub3A_941 : i32 to vector<16xi32>
      %broadcast_in_dim3A_1141 = arith.constant 0.000000e+00 : f32
      %broadcast_in_dim3A_1142 = vector.broadcast %broadcast_in_dim3A_1141 : f32 to vector<16xf32>
      %broadcast_in_dim3A_1143 = arith.constant 0.000000e+00 : f32
      %broadcast_in_dim3A_1144 = vector.broadcast %broadcast_in_dim3A_1143 : f32 to vector<16xf32>
      %gather3A_1145 = tpu.vector_load_idx %arg14[%add3A_6, %broadcast_in_dim3A_1138] : memref<64x128xf32, #tpu.memory_space<vmem>>[vector<16xi32>, vector<16xi32>], vector<16xf32>,
      %gather3A_1146 = tpu.vector_load_idx %arg17[%add3A_6, %broadcast_in_dim3A_1139] : memref<64x128xf32, #tpu.memory_space<vmem>>[vector<16xi32>, vector<16xi32>], vector<16xf32>,
      %gather3A_1147 = tpu.vector_load_idx %arg20[%add3A_6, %broadcast_in_dim3A_1140] : memref<64x128xf32, #tpu.memory_space<vmem>>[vector<16xi32>, vector<16xi32>], vector<16xf32>,
      %mul3A_1148 = arith.mulf %gather3A_1145, %gather3A_1146 : vector<16xf32>
      %add3A_1149 = arith.addf %broadcast_in_dim3A_1142, %mul3A_1148 : vector<16xf32>
      %mul3A_1150 = arith.mulf %gather3A_1145, %gather3A_1147 : vector<16xf32>
      %add3A_1151 = arith.addf %broadcast_in_dim3A_1144, %mul3A_1150 : vector<16xf32>
      %gather3A_1152 = tpu.vector_load_idx %arg14[%add3A_10, %broadcast_in_dim3A_1138] : memref<64x128xf32, #tpu.memory_space<vmem>>[vector<16xi32>, vector<16xi32>], vector<16xf32>,
      %gather3A_1153 = tpu.vector_load_idx %arg17[%add3A_10, %broadcast_in_dim3A_1139] : memref<64x128xf32, #tpu.memory_space<vmem>>[vector<16xi32>, vector<16xi32>], vector<16xf32>,
      %gather3A_1154 = tpu.vector_load_idx %arg20[%add3A_10, %broadcast_in_dim3A_1140] : memref<64x128xf32, #tpu.memory_space<vmem>>[vector<16xi32>, vector<16xi32>], vector<16xf32>,
      %mul3A_1155 = arith.mulf %gather3A_1152, %gather3A_1153 : vector<16xf32>
      %add3A_1156 = arith.addf %add3A_1149, %mul3A_1155 : vector<16xf32>
      %mul3A_1157 = arith.mulf %gather3A_1152, %gather3A_1154 : vector<16xf32>
      %add3A_1158 = arith.addf %add3A_1151, %mul3A_1157 : vector<16xf32>
      %gather3A_1159 = tpu.vector_load_idx %arg14[%add3A_14, %broadcast_in_dim3A_1138] : memref<64x128xf32, #tpu.memory_space<vmem>>[vector<16xi32>, vector<16xi32>], vector<16xf32>,
      %gather3A_1160 = tpu.vector_load_idx %arg17[%add3A_14, %broadcast_in_dim3A_1139] : memref<64x128xf32, #tpu.memory_space<vmem>>[vector<16xi32>, vector<16xi32>], vector<16xf32>,
      %gather3A_1161 = tpu.vector_load_idx %arg20[%add3A_14, %broadcast_in_dim3A_1140] : memref<64x128xf32, #tpu.memory_space<vmem>>[vector<16xi32>, vector<16xi32>], vector<16xf32>,
      %mul3A_1162 = arith.mulf %gather3A_1159, %gather3A_1160 : vector<16xf32>
      %add3A_1163 = arith.addf %add3A_1156, %mul3A_1162 : vector<16xf32>
      %mul3A_1164 = arith.mulf %gather3A_1159, %gather3A_1161 : vector<16xf32>
      %add3A_1165 = arith.addf %add3A_1158, %mul3A_1164 : vector<16xf32>
      %gather3A_1166 = tpu.vector_load_idx %arg14[%add3A_18, %broadcast_in_dim3A_1138] : memref<64x128xf32, #tpu.memory_space<vmem>>[vector<16xi32>, vector<16xi32>], vector<16xf32>,
      %gather3A_1167 = tpu.vector_load_idx %arg17[%add3A_18, %broadcast_in_dim3A_1139] : memref<64x128xf32, #tpu.memory_space<vmem>>[vector<16xi32>, vector<16xi32>], vector<16xf32>,
      %gather3A_1168 = tpu.vector_load_idx %arg20[%add3A_18, %broadcast_in_dim3A_1140] : memref<64x128xf32, #tpu.memory_space<vmem>>[vector<16xi32>, vector<16xi32>], vector<16xf32>,
      %mul3A_1169 = arith.mulf %gather3A_1166, %gather3A_1167 : vector<16xf32>
      %add3A_1170 = arith.addf %add3A_1163, %mul3A_1169 : vector<16xf32>
      %mul3A_1171 = arith.mulf %gather3A_1166, %gather3A_1168 : vector<16xf32>
      %add3A_1172 = arith.addf %add3A_1165, %mul3A_1171 : vector<16xf32>
      %eq3A_1173 = arith.constant 11 : i32
      %eq3A_1174 = vector.broadcast %eq3A_1173 : i32 to vector<16xi32>
      %eq3A_1175 = arith.cmpi eq, %iota3A, %eq3A_1174 : vector<16xi32>
      %reduce_sum3A_1176 = arith.constant true
      %reduce_sum3A_1177 = vector.broadcast %reduce_sum3A_1176 : i1 to vector<16xi1>
      %reduce_sum3A_1178 = tpu.scan <sum>, %add3A_1170 masked %reduce_sum3A_1177 : vector<16xf32>, vector<16xi1> -> vector<16xf32>
      %reduce_sum3A_1179 = vector.extract %reduce_sum3A_1178[15] : f32 from vector<16xf32>
      %broadcast_in_dim3A_1180 = vector.broadcast %reduce_sum3A_1179 : f32 to vector<16xf32>
      %select_n3A_1181 = arith.select %eq3A_1175, %broadcast_in_dim3A_1180, %select_n3A_1089 : vector<16xi1>, vector<16xf32>
      %reduce_sum3A_1182 = arith.constant true
      %reduce_sum3A_1183 = vector.broadcast %reduce_sum3A_1182 : i1 to vector<16xi1>
      %reduce_sum3A_1184 = tpu.scan <sum>, %add3A_1172 masked %reduce_sum3A_1183 : vector<16xf32>, vector<16xi1> -> vector<16xf32>
      %reduce_sum3A_1185 = vector.extract %reduce_sum3A_1184[15] : f32 from vector<16xf32>
      %broadcast_in_dim3A_1186 = vector.broadcast %reduce_sum3A_1185 : f32 to vector<16xf32>
      %select_n3A_1187 = arith.select %eq3A_1175, %broadcast_in_dim3A_1186, %select_n3A_1095 : vector<16xi1>, vector<16xf32>
      %slice3A_1188 = vector.extract_strided_slice %get3A_27 {offsets = [14], sizes = [1], strides = [1]} : vector<16xi32> to vector<1xi32>
      %squeeze3A_1189 = vector.extract %slice3A_1188[0] : i32 from vector<1xi32>
      %slice3A_1190 = vector.extract_strided_slice %get3A_29 {offsets = [14], sizes = [1], strides = [1]} : vector<16xi32> to vector<1xi32>
      %squeeze3A_1191 = vector.extract %slice3A_1190[0] : i32 from vector<1xi32>
      %slice3A_1192 = vector.extract_strided_slice %get3A_31 {offsets = [14], sizes = [1], strides = [1]} : vector<16xi32> to vector<1xi32>
      %squeeze3A_1193 = vector.extract %slice3A_1192[0] : i32 from vector<1xi32>
      %and3A_1194 = arith.constant -128 : i32
      %and3A_1195 = arith.andi %squeeze3A_1189, %and3A_1194 : i32
      %and3A_1196 = arith.constant -128 : i32
      %and3A_1197 = arith.andi %squeeze3A_1191, %and3A_1196 : i32
      %and3A_1198 = arith.constant -128 : i32
      %and3A_1199 = arith.andi %squeeze3A_1193, %and3A_1198 : i32
      %multiple_of3A_1200 = tpu.assume_multiple %and3A_1195, 128 : i32
      %dma_start3A_1201 = arith.constant 0 : i32
      %dma_start3A_1202 = tpu.memref_slice %arg5[%dma_start3A_1201, %multiple_of3A_1200] : memref<64x1000000xf32, #tpu.memory_space<hbm>> -> memref<64x128xf32, #tpu.memory_space<hbm>>
      %dma_start3A_1203 = arith.constant 0 : i32
      %dma_start3A_1204 = tpu.memref_slice %arg5[%dma_start3A_1203, %multiple_of3A_1200] : memref<64x1000000xf32, #tpu.memory_space<hbm>> -> memref<64x128xf32, #tpu.memory_space<hbm>>
      tpu.enqueue_dma source(%dma_start3A_1204 : memref<64x128xf32, #tpu.memory_space<hbm>>) target(%arg14 : memref<64x128xf32, #tpu.memory_space<vmem>>) target_semaphore(%arg25 : memref<!tpu.dma_semaphore, #tpu.memory_space<semaphore_mem>>)
      %multiple_of3A_1205 = tpu.assume_multiple %and3A_1197, 128 : i32
      %dma_start3A_1206 = arith.constant 0 : i32
      %dma_start3A_1207 = tpu.memref_slice %arg6[%dma_start3A_1206, %multiple_of3A_1205] : memref<64x1000000xf32, #tpu.memory_space<hbm>> -> memref<64x128xf32, #tpu.memory_space<hbm>>
      %dma_start3A_1208 = arith.constant 0 : i32
      %dma_start3A_1209 = tpu.memref_slice %arg6[%dma_start3A_1208, %multiple_of3A_1205] : memref<64x1000000xf32, #tpu.memory_space<hbm>> -> memref<64x128xf32, #tpu.memory_space<hbm>>
      tpu.enqueue_dma source(%dma_start3A_1209 : memref<64x128xf32, #tpu.memory_space<hbm>>) target(%arg17 : memref<64x128xf32, #tpu.memory_space<vmem>>) target_semaphore(%arg25 : memref<!tpu.dma_semaphore, #tpu.memory_space<semaphore_mem>>)
      %multiple_of3A_1210 = tpu.assume_multiple %and3A_1199, 128 : i32
      %dma_start3A_1211 = arith.constant 0 : i32
      %dma_start3A_1212 = tpu.memref_slice %arg6[%dma_start3A_1211, %multiple_of3A_1210] : memref<64x1000000xf32, #tpu.memory_space<hbm>> -> memref<64x128xf32, #tpu.memory_space<hbm>>
      %dma_start3A_1213 = arith.constant 0 : i32
      %dma_start3A_1214 = tpu.memref_slice %arg6[%dma_start3A_1213, %multiple_of3A_1210] : memref<64x1000000xf32, #tpu.memory_space<hbm>> -> memref<64x128xf32, #tpu.memory_space<hbm>>
      tpu.enqueue_dma source(%dma_start3A_1214 : memref<64x128xf32, #tpu.memory_space<hbm>>) target(%arg20 : memref<64x128xf32, #tpu.memory_space<vmem>>) target_semaphore(%arg25 : memref<!tpu.dma_semaphore, #tpu.memory_space<semaphore_mem>>)
      %sub3A_1215 = arith.subi %squeeze3A_1189, %and3A_1195 : i32
      %sub3A_1216 = arith.subi %squeeze3A_1191, %and3A_1197 : i32
      %sub3A_1217 = arith.subi %squeeze3A_1193, %and3A_1199 : i32
      %dma_wait3A_1218 = arith.constant 0 : i32
      %dma_wait3A_1219 = tpu.memref_slice %arg5[%dma_wait3A_1218, %multiple_of3A_1016] : memref<64x1000000xf32, #tpu.memory_space<hbm>> -> memref<64x128xf32, #tpu.memory_space<hbm>>
      %dma_wait3A_1220 = arith.constant 0 : i32
      %dma_wait3A_1221 = tpu.memref_slice %arg5[%dma_wait3A_1220, %multiple_of3A_1016] : memref<64x1000000xf32, #tpu.memory_space<hbm>> -> memref<64x128xf32, #tpu.memory_space<hbm>>
      tpu.wait_dma2 semaphore(%arg23 : memref<!tpu.dma_semaphore, #tpu.memory_space<semaphore_mem>>) src(%dma_wait3A_1221 : memref<64x128xf32, #tpu.memory_space<hbm>>) dst(%arg12 : memref<64x128xf32, #tpu.memory_space<vmem>>)
      %dma_wait3A_1222 = arith.constant 0 : i32
      %dma_wait3A_1223 = tpu.memref_slice %arg6[%dma_wait3A_1222, %multiple_of3A_1021] : memref<64x1000000xf32, #tpu.memory_space<hbm>> -> memref<64x128xf32, #tpu.memory_space<hbm>>
      %dma_wait3A_1224 = arith.constant 0 : i32
      %dma_wait3A_1225 = tpu.memref_slice %arg6[%dma_wait3A_1224, %multiple_of3A_1021] : memref<64x1000000xf32, #tpu.memory_space<hbm>> -> memref<64x128xf32, #tpu.memory_space<hbm>>
      tpu.wait_dma2 semaphore(%arg23 : memref<!tpu.dma_semaphore, #tpu.memory_space<semaphore_mem>>) src(%dma_wait3A_1225 : memref<64x128xf32, #tpu.memory_space<hbm>>) dst(%arg15 : memref<64x128xf32, #tpu.memory_space<vmem>>)
      %dma_wait3A_1226 = arith.constant 0 : i32
      %dma_wait3A_1227 = tpu.memref_slice %arg6[%dma_wait3A_1226, %multiple_of3A_1026] : memref<64x1000000xf32, #tpu.memory_space<hbm>> -> memref<64x128xf32, #tpu.memory_space<hbm>>
      %dma_wait3A_1228 = arith.constant 0 : i32
      %dma_wait3A_1229 = tpu.memref_slice %arg6[%dma_wait3A_1228, %multiple_of3A_1026] : memref<64x1000000xf32, #tpu.memory_space<hbm>> -> memref<64x128xf32, #tpu.memory_space<hbm>>
      tpu.wait_dma2 semaphore(%arg23 : memref<!tpu.dma_semaphore, #tpu.memory_space<semaphore_mem>>) src(%dma_wait3A_1229 : memref<64x128xf32, #tpu.memory_space<hbm>>) dst(%arg18 : memref<64x128xf32, #tpu.memory_space<vmem>>)
      %broadcast_in_dim3A_1230 = vector.broadcast %sub3A_1031 : i32 to vector<16xi32>
      %broadcast_in_dim3A_1231 = vector.broadcast %sub3A_1032 : i32 to vector<16xi32>
      %broadcast_in_dim3A_1232 = vector.broadcast %sub3A_1033 : i32 to vector<16xi32>
      %broadcast_in_dim3A_1233 = arith.constant 0.000000e+00 : f32
      %broadcast_in_dim3A_1234 = vector.broadcast %broadcast_in_dim3A_1233 : f32 to vector<16xf32>
      %broadcast_in_dim3A_1235 = arith.constant 0.000000e+00 : f32
      %broadcast_in_dim3A_1236 = vector.broadcast %broadcast_in_dim3A_1235 : f32 to vector<16xf32>
      %gather3A_1237 = tpu.vector_load_idx %arg12[%add3A_6, %broadcast_in_dim3A_1230] : memref<64x128xf32, #tpu.memory_space<vmem>>[vector<16xi32>, vector<16xi32>], vector<16xf32>,
      %gather3A_1238 = tpu.vector_load_idx %arg15[%add3A_6, %broadcast_in_dim3A_1231] : memref<64x128xf32, #tpu.memory_space<vmem>>[vector<16xi32>, vector<16xi32>], vector<16xf32>,
      %gather3A_1239 = tpu.vector_load_idx %arg18[%add3A_6, %broadcast_in_dim3A_1232] : memref<64x128xf32, #tpu.memory_space<vmem>>[vector<16xi32>, vector<16xi32>], vector<16xf32>,
      %mul3A_1240 = arith.mulf %gather3A_1237, %gather3A_1238 : vector<16xf32>
      %add3A_1241 = arith.addf %broadcast_in_dim3A_1234, %mul3A_1240 : vector<16xf32>
      %mul3A_1242 = arith.mulf %gather3A_1237, %gather3A_1239 : vector<16xf32>
      %add3A_1243 = arith.addf %broadcast_in_dim3A_1236, %mul3A_1242 : vector<16xf32>
      %gather3A_1244 = tpu.vector_load_idx %arg12[%add3A_10, %broadcast_in_dim3A_1230] : memref<64x128xf32, #tpu.memory_space<vmem>>[vector<16xi32>, vector<16xi32>], vector<16xf32>,
      %gather3A_1245 = tpu.vector_load_idx %arg15[%add3A_10, %broadcast_in_dim3A_1231] : memref<64x128xf32, #tpu.memory_space<vmem>>[vector<16xi32>, vector<16xi32>], vector<16xf32>,
      %gather3A_1246 = tpu.vector_load_idx %arg18[%add3A_10, %broadcast_in_dim3A_1232] : memref<64x128xf32, #tpu.memory_space<vmem>>[vector<16xi32>, vector<16xi32>], vector<16xf32>,
      %mul3A_1247 = arith.mulf %gather3A_1244, %gather3A_1245 : vector<16xf32>
      %add3A_1248 = arith.addf %add3A_1241, %mul3A_1247 : vector<16xf32>
      %mul3A_1249 = arith.mulf %gather3A_1244, %gather3A_1246 : vector<16xf32>
      %add3A_1250 = arith.addf %add3A_1243, %mul3A_1249 : vector<16xf32>
      %gather3A_1251 = tpu.vector_load_idx %arg12[%add3A_14, %broadcast_in_dim3A_1230] : memref<64x128xf32, #tpu.memory_space<vmem>>[vector<16xi32>, vector<16xi32>], vector<16xf32>,
      %gather3A_1252 = tpu.vector_load_idx %arg15[%add3A_14, %broadcast_in_dim3A_1231] : memref<64x128xf32, #tpu.memory_space<vmem>>[vector<16xi32>, vector<16xi32>], vector<16xf32>,
      %gather3A_1253 = tpu.vector_load_idx %arg18[%add3A_14, %broadcast_in_dim3A_1232] : memref<64x128xf32, #tpu.memory_space<vmem>>[vector<16xi32>, vector<16xi32>], vector<16xf32>,
      %mul3A_1254 = arith.mulf %gather3A_1251, %gather3A_1252 : vector<16xf32>
      %add3A_1255 = arith.addf %add3A_1248, %mul3A_1254 : vector<16xf32>
      %mul3A_1256 = arith.mulf %gather3A_1251, %gather3A_1253 : vector<16xf32>
      %add3A_1257 = arith.addf %add3A_1250, %mul3A_1256 : vector<16xf32>
      %gather3A_1258 = tpu.vector_load_idx %arg12[%add3A_18, %broadcast_in_dim3A_1230] : memref<64x128xf32, #tpu.memory_space<vmem>>[vector<16xi32>, vector<16xi32>], vector<16xf32>,
      %gather3A_1259 = tpu.vector_load_idx %arg15[%add3A_18, %broadcast_in_dim3A_1231] : memref<64x128xf32, #tpu.memory_space<vmem>>[vector<16xi32>, vector<16xi32>], vector<16xf32>,
      %gather3A_1260 = tpu.vector_load_idx %arg18[%add3A_18, %broadcast_in_dim3A_1232] : memref<64x128xf32, #tpu.memory_space<vmem>>[vector<16xi32>, vector<16xi32>], vector<16xf32>,
      %mul3A_1261 = arith.mulf %gather3A_1258, %gather3A_1259 : vector<16xf32>
      %add3A_1262 = arith.addf %add3A_1255, %mul3A_1261 : vector<16xf32>
      %mul3A_1263 = arith.mulf %gather3A_1258, %gather3A_1260 : vector<16xf32>
      %add3A_1264 = arith.addf %add3A_1257, %mul3A_1263 : vector<16xf32>
      %eq3A_1265 = arith.constant 12 : i32
      %eq3A_1266 = vector.broadcast %eq3A_1265 : i32 to vector<16xi32>
      %eq3A_1267 = arith.cmpi eq, %iota3A, %eq3A_1266 : vector<16xi32>
      %reduce_sum3A_1268 = arith.constant true
      %reduce_sum3A_1269 = vector.broadcast %reduce_sum3A_1268 : i1 to vector<16xi1>
      %reduce_sum3A_1270 = tpu.scan <sum>, %add3A_1262 masked %reduce_sum3A_1269 : vector<16xf32>, vector<16xi1> -> vector<16xf32>
      %reduce_sum3A_1271 = vector.extract %reduce_sum3A_1270[15] : f32 from vector<16xf32>
      %broadcast_in_dim3A_1272 = vector.broadcast %reduce_sum3A_1271 : f32 to vector<16xf32>
      %select_n3A_1273 = arith.select %eq3A_1267, %broadcast_in_dim3A_1272, %select_n3A_1181 : vector<16xi1>, vector<16xf32>
      %reduce_sum3A_1274 = arith.constant true
      %reduce_sum3A_1275 = vector.broadcast %reduce_sum3A_1274 : i1 to vector<16xi1>
      %reduce_sum3A_1276 = tpu.scan <sum>, %add3A_1264 masked %reduce_sum3A_1275 : vector<16xf32>, vector<16xi1> -> vector<16xf32>
      %reduce_sum3A_1277 = vector.extract %reduce_sum3A_1276[15] : f32 from vector<16xf32>
      %broadcast_in_dim3A_1278 = vector.broadcast %reduce_sum3A_1277 : f32 to vector<16xf32>
      %select_n3A_1279 = arith.select %eq3A_1267, %broadcast_in_dim3A_1278, %select_n3A_1187 : vector<16xi1>, vector<16xf32>
      %slice3A_1280 = vector.extract_strided_slice %get3A_27 {offsets = [15], sizes = [1], strides = [1]} : vector<16xi32> to vector<1xi32>
      %squeeze3A_1281 = vector.extract %slice3A_1280[0] : i32 from vector<1xi32>
      %slice3A_1282 = vector.extract_strided_slice %get3A_29 {offsets = [15], sizes = [1], strides = [1]} : vector<16xi32> to vector<1xi32>
      %squeeze3A_1283 = vector.extract %slice3A_1282[0] : i32 from vector<1xi32>
      %slice3A_1284 = vector.extract_strided_slice %get3A_31 {offsets = [15], sizes = [1], strides = [1]} : vector<16xi32> to vector<1xi32>
      %squeeze3A_1285 = vector.extract %slice3A_1284[0] : i32 from vector<1xi32>
      %and3A_1286 = arith.constant -128 : i32
      %and3A_1287 = arith.andi %squeeze3A_1281, %and3A_1286 : i32
      %and3A_1288 = arith.constant -128 : i32
      %and3A_1289 = arith.andi %squeeze3A_1283, %and3A_1288 : i32
      %and3A_1290 = arith.constant -128 : i32
      %and3A_1291 = arith.andi %squeeze3A_1285, %and3A_1290 : i32
      %multiple_of3A_1292 = tpu.assume_multiple %and3A_1287, 128 : i32
      %dma_start3A_1293 = arith.constant 0 : i32
      %dma_start3A_1294 = tpu.memref_slice %arg5[%dma_start3A_1293, %multiple_of3A_1292] : memref<64x1000000xf32, #tpu.memory_space<hbm>> -> memref<64x128xf32, #tpu.memory_space<hbm>>
      %dma_start3A_1295 = arith.constant 0 : i32
      %dma_start3A_1296 = tpu.memref_slice %arg5[%dma_start3A_1295, %multiple_of3A_1292] : memref<64x1000000xf32, #tpu.memory_space<hbm>> -> memref<64x128xf32, #tpu.memory_space<hbm>>
      tpu.enqueue_dma source(%dma_start3A_1296 : memref<64x128xf32, #tpu.memory_space<hbm>>) target(%arg12 : memref<64x128xf32, #tpu.memory_space<vmem>>) target_semaphore(%arg23 : memref<!tpu.dma_semaphore, #tpu.memory_space<semaphore_mem>>)
      %multiple_of3A_1297 = tpu.assume_multiple %and3A_1289, 128 : i32
      %dma_start3A_1298 = arith.constant 0 : i32
      %dma_start3A_1299 = tpu.memref_slice %arg6[%dma_start3A_1298, %multiple_of3A_1297] : memref<64x1000000xf32, #tpu.memory_space<hbm>> -> memref<64x128xf32, #tpu.memory_space<hbm>>
      %dma_start3A_1300 = arith.constant 0 : i32
      %dma_start3A_1301 = tpu.memref_slice %arg6[%dma_start3A_1300, %multiple_of3A_1297] : memref<64x1000000xf32, #tpu.memory_space<hbm>> -> memref<64x128xf32, #tpu.memory_space<hbm>>
      tpu.enqueue_dma source(%dma_start3A_1301 : memref<64x128xf32, #tpu.memory_space<hbm>>) target(%arg15 : memref<64x128xf32, #tpu.memory_space<vmem>>) target_semaphore(%arg23 : memref<!tpu.dma_semaphore, #tpu.memory_space<semaphore_mem>>)
      %multiple_of3A_1302 = tpu.assume_multiple %and3A_1291, 128 : i32
      %dma_start3A_1303 = arith.constant 0 : i32
      %dma_start3A_1304 = tpu.memref_slice %arg6[%dma_start3A_1303, %multiple_of3A_1302] : memref<64x1000000xf32, #tpu.memory_space<hbm>> -> memref<64x128xf32, #tpu.memory_space<hbm>>
      %dma_start3A_1305 = arith.constant 0 : i32
      %dma_start3A_1306 = tpu.memref_slice %arg6[%dma_start3A_1305, %multiple_of3A_1302] : memref<64x1000000xf32, #tpu.memory_space<hbm>> -> memref<64x128xf32, #tpu.memory_space<hbm>>
      tpu.enqueue_dma source(%dma_start3A_1306 : memref<64x128xf32, #tpu.memory_space<hbm>>) target(%arg18 : memref<64x128xf32, #tpu.memory_space<vmem>>) target_semaphore(%arg23 : memref<!tpu.dma_semaphore, #tpu.memory_space<semaphore_mem>>)
      %sub3A_1307 = arith.subi %squeeze3A_1281, %and3A_1287 : i32
      %sub3A_1308 = arith.subi %squeeze3A_1283, %and3A_1289 : i32
      %sub3A_1309 = arith.subi %squeeze3A_1285, %and3A_1291 : i32
      %dma_wait3A_1310 = arith.constant 0 : i32
      %dma_wait3A_1311 = tpu.memref_slice %arg5[%dma_wait3A_1310, %multiple_of3A_1108] : memref<64x1000000xf32, #tpu.memory_space<hbm>> -> memref<64x128xf32, #tpu.memory_space<hbm>>
      %dma_wait3A_1312 = arith.constant 0 : i32
      %dma_wait3A_1313 = tpu.memref_slice %arg5[%dma_wait3A_1312, %multiple_of3A_1108] : memref<64x1000000xf32, #tpu.memory_space<hbm>> -> memref<64x128xf32, #tpu.memory_space<hbm>>
      tpu.wait_dma2 semaphore(%arg24 : memref<!tpu.dma_semaphore, #tpu.memory_space<semaphore_mem>>) src(%dma_wait3A_1313 : memref<64x128xf32, #tpu.memory_space<hbm>>) dst(%arg13 : memref<64x128xf32, #tpu.memory_space<vmem>>)
      %dma_wait3A_1314 = arith.constant 0 : i32
      %dma_wait3A_1315 = tpu.memref_slice %arg6[%dma_wait3A_1314, %multiple_of3A_1113] : memref<64x1000000xf32, #tpu.memory_space<hbm>> -> memref<64x128xf32, #tpu.memory_space<hbm>>
      %dma_wait3A_1316 = arith.constant 0 : i32
      %dma_wait3A_1317 = tpu.memref_slice %arg6[%dma_wait3A_1316, %multiple_of3A_1113] : memref<64x1000000xf32, #tpu.memory_space<hbm>> -> memref<64x128xf32, #tpu.memory_space<hbm>>
      tpu.wait_dma2 semaphore(%arg24 : memref<!tpu.dma_semaphore, #tpu.memory_space<semaphore_mem>>) src(%dma_wait3A_1317 : memref<64x128xf32, #tpu.memory_space<hbm>>) dst(%arg16 : memref<64x128xf32, #tpu.memory_space<vmem>>)
      %dma_wait3A_1318 = arith.constant 0 : i32
      %dma_wait3A_1319 = tpu.memref_slice %arg6[%dma_wait3A_1318, %multiple_of3A_1118] : memref<64x1000000xf32, #tpu.memory_space<hbm>> -> memref<64x128xf32, #tpu.memory_space<hbm>>
      %dma_wait3A_1320 = arith.constant 0 : i32
      %dma_wait3A_1321 = tpu.memref_slice %arg6[%dma_wait3A_1320, %multiple_of3A_1118] : memref<64x1000000xf32, #tpu.memory_space<hbm>> -> memref<64x128xf32, #tpu.memory_space<hbm>>
      tpu.wait_dma2 semaphore(%arg24 : memref<!tpu.dma_semaphore, #tpu.memory_space<semaphore_mem>>) src(%dma_wait3A_1321 : memref<64x128xf32, #tpu.memory_space<hbm>>) dst(%arg19 : memref<64x128xf32, #tpu.memory_space<vmem>>)
      %broadcast_in_dim3A_1322 = vector.broadcast %sub3A_1123 : i32 to vector<16xi32>
      %broadcast_in_dim3A_1323 = vector.broadcast %sub3A_1124 : i32 to vector<16xi32>
      %broadcast_in_dim3A_1324 = vector.broadcast %sub3A_1125 : i32 to vector<16xi32>
      %broadcast_in_dim3A_1325 = arith.constant 0.000000e+00 : f32
      %broadcast_in_dim3A_1326 = vector.broadcast %broadcast_in_dim3A_1325 : f32 to vector<16xf32>
      %broadcast_in_dim3A_1327 = arith.constant 0.000000e+00 : f32
      %broadcast_in_dim3A_1328 = vector.broadcast %broadcast_in_dim3A_1327 : f32 to vector<16xf32>
      %gather3A_1329 = tpu.vector_load_idx %arg13[%add3A_6, %broadcast_in_dim3A_1322] : memref<64x128xf32, #tpu.memory_space<vmem>>[vector<16xi32>, vector<16xi32>], vector<16xf32>,
      %gather3A_1330 = tpu.vector_load_idx %arg16[%add3A_6, %broadcast_in_dim3A_1323] : memref<64x128xf32, #tpu.memory_space<vmem>>[vector<16xi32>, vector<16xi32>], vector<16xf32>,
      %gather3A_1331 = tpu.vector_load_idx %arg19[%add3A_6, %broadcast_in_dim3A_1324] : memref<64x128xf32, #tpu.memory_space<vmem>>[vector<16xi32>, vector<16xi32>], vector<16xf32>,
      %mul3A_1332 = arith.mulf %gather3A_1329, %gather3A_1330 : vector<16xf32>
      %add3A_1333 = arith.addf %broadcast_in_dim3A_1326, %mul3A_1332 : vector<16xf32>
      %mul3A_1334 = arith.mulf %gather3A_1329, %gather3A_1331 : vector<16xf32>
      %add3A_1335 = arith.addf %broadcast_in_dim3A_1328, %mul3A_1334 : vector<16xf32>
      %gather3A_1336 = tpu.vector_load_idx %arg13[%add3A_10, %broadcast_in_dim3A_1322] : memref<64x128xf32, #tpu.memory_space<vmem>>[vector<16xi32>, vector<16xi32>], vector<16xf32>,
      %gather3A_1337 = tpu.vector_load_idx %arg16[%add3A_10, %broadcast_in_dim3A_1323] : memref<64x128xf32, #tpu.memory_space<vmem>>[vector<16xi32>, vector<16xi32>], vector<16xf32>,
      %gather3A_1338 = tpu.vector_load_idx %arg19[%add3A_10, %broadcast_in_dim3A_1324] : memref<64x128xf32, #tpu.memory_space<vmem>>[vector<16xi32>, vector<16xi32>], vector<16xf32>,
      %mul3A_1339 = arith.mulf %gather3A_1336, %gather3A_1337 : vector<16xf32>
      %add3A_1340 = arith.addf %add3A_1333, %mul3A_1339 : vector<16xf32>
      %mul3A_1341 = arith.mulf %gather3A_1336, %gather3A_1338 : vector<16xf32>
      %add3A_1342 = arith.addf %add3A_1335, %mul3A_1341 : vector<16xf32>
      %gather3A_1343 = tpu.vector_load_idx %arg13[%add3A_14, %broadcast_in_dim3A_1322] : memref<64x128xf32, #tpu.memory_space<vmem>>[vector<16xi32>, vector<16xi32>], vector<16xf32>,
      %gather3A_1344 = tpu.vector_load_idx %arg16[%add3A_14, %broadcast_in_dim3A_1323] : memref<64x128xf32, #tpu.memory_space<vmem>>[vector<16xi32>, vector<16xi32>], vector<16xf32>,
      %gather3A_1345 = tpu.vector_load_idx %arg19[%add3A_14, %broadcast_in_dim3A_1324] : memref<64x128xf32, #tpu.memory_space<vmem>>[vector<16xi32>, vector<16xi32>], vector<16xf32>,
      %mul3A_1346 = arith.mulf %gather3A_1343, %gather3A_1344 : vector<16xf32>
      %add3A_1347 = arith.addf %add3A_1340, %mul3A_1346 : vector<16xf32>
      %mul3A_1348 = arith.mulf %gather3A_1343, %gather3A_1345 : vector<16xf32>
      %add3A_1349 = arith.addf %add3A_1342, %mul3A_1348 : vector<16xf32>
      %gather3A_1350 = tpu.vector_load_idx %arg13[%add3A_18, %broadcast_in_dim3A_1322] : memref<64x128xf32, #tpu.memory_space<vmem>>[vector<16xi32>, vector<16xi32>], vector<16xf32>,
      %gather3A_1351 = tpu.vector_load_idx %arg16[%add3A_18, %broadcast_in_dim3A_1323] : memref<64x128xf32, #tpu.memory_space<vmem>>[vector<16xi32>, vector<16xi32>], vector<16xf32>,
      %gather3A_1352 = tpu.vector_load_idx %arg19[%add3A_18, %broadcast_in_dim3A_1324] : memref<64x128xf32, #tpu.memory_space<vmem>>[vector<16xi32>, vector<16xi32>], vector<16xf32>,
      %mul3A_1353 = arith.mulf %gather3A_1350, %gather3A_1351 : vector<16xf32>
      %add3A_1354 = arith.addf %add3A_1347, %mul3A_1353 : vector<16xf32>
      %mul3A_1355 = arith.mulf %gather3A_1350, %gather3A_1352 : vector<16xf32>
      %add3A_1356 = arith.addf %add3A_1349, %mul3A_1355 : vector<16xf32>
      %eq3A_1357 = arith.constant 13 : i32
      %eq3A_1358 = vector.broadcast %eq3A_1357 : i32 to vector<16xi32>
      %eq3A_1359 = arith.cmpi eq, %iota3A, %eq3A_1358 : vector<16xi32>
      %reduce_sum3A_1360 = arith.constant true
      %reduce_sum3A_1361 = vector.broadcast %reduce_sum3A_1360 : i1 to vector<16xi1>
      %reduce_sum3A_1362 = tpu.scan <sum>, %add3A_1354 masked %reduce_sum3A_1361 : vector<16xf32>, vector<16xi1> -> vector<16xf32>
      %reduce_sum3A_1363 = vector.extract %reduce_sum3A_1362[15] : f32 from vector<16xf32>
      %broadcast_in_dim3A_1364 = vector.broadcast %reduce_sum3A_1363 : f32 to vector<16xf32>
      %select_n3A_1365 = arith.select %eq3A_1359, %broadcast_in_dim3A_1364, %select_n3A_1273 : vector<16xi1>, vector<16xf32>
      %reduce_sum3A_1366 = arith.constant true
      %reduce_sum3A_1367 = vector.broadcast %reduce_sum3A_1366 : i1 to vector<16xi1>
      %reduce_sum3A_1368 = tpu.scan <sum>, %add3A_1356 masked %reduce_sum3A_1367 : vector<16xf32>, vector<16xi1> -> vector<16xf32>
      %reduce_sum3A_1369 = vector.extract %reduce_sum3A_1368[15] : f32 from vector<16xf32>
      %broadcast_in_dim3A_1370 = vector.broadcast %reduce_sum3A_1369 : f32 to vector<16xf32>
      %select_n3A_1371 = arith.select %eq3A_1359, %broadcast_in_dim3A_1370, %select_n3A_1279 : vector<16xi1>, vector<16xf32>
      %dma_wait3A_1372 = arith.constant 0 : i32
      %dma_wait3A_1373 = tpu.memref_slice %arg5[%dma_wait3A_1372, %multiple_of3A_1200] : memref<64x1000000xf32, #tpu.memory_space<hbm>> -> memref<64x128xf32, #tpu.memory_space<hbm>>
      %dma_wait3A_1374 = arith.constant 0 : i32
      %dma_wait3A_1375 = tpu.memref_slice %arg5[%dma_wait3A_1374, %multiple_of3A_1200] : memref<64x1000000xf32, #tpu.memory_space<hbm>> -> memref<64x128xf32, #tpu.memory_space<hbm>>
      tpu.wait_dma2 semaphore(%arg25 : memref<!tpu.dma_semaphore, #tpu.memory_space<semaphore_mem>>) src(%dma_wait3A_1375 : memref<64x128xf32, #tpu.memory_space<hbm>>) dst(%arg14 : memref<64x128xf32, #tpu.memory_space<vmem>>)
      %dma_wait3A_1376 = arith.constant 0 : i32
      %dma_wait3A_1377 = tpu.memref_slice %arg6[%dma_wait3A_1376, %multiple_of3A_1205] : memref<64x1000000xf32, #tpu.memory_space<hbm>> -> memref<64x128xf32, #tpu.memory_space<hbm>>
      %dma_wait3A_1378 = arith.constant 0 : i32
      %dma_wait3A_1379 = tpu.memref_slice %arg6[%dma_wait3A_1378, %multiple_of3A_1205] : memref<64x1000000xf32, #tpu.memory_space<hbm>> -> memref<64x128xf32, #tpu.memory_space<hbm>>
      tpu.wait_dma2 semaphore(%arg25 : memref<!tpu.dma_semaphore, #tpu.memory_space<semaphore_mem>>) src(%dma_wait3A_1379 : memref<64x128xf32, #tpu.memory_space<hbm>>) dst(%arg17 : memref<64x128xf32, #tpu.memory_space<vmem>>)
      %dma_wait3A_1380 = arith.constant 0 : i32
      %dma_wait3A_1381 = tpu.memref_slice %arg6[%dma_wait3A_1380, %multiple_of3A_1210] : memref<64x1000000xf32, #tpu.memory_space<hbm>> -> memref<64x128xf32, #tpu.memory_space<hbm>>
      %dma_wait3A_1382 = arith.constant 0 : i32
      %dma_wait3A_1383 = tpu.memref_slice %arg6[%dma_wait3A_1382, %multiple_of3A_1210] : memref<64x1000000xf32, #tpu.memory_space<hbm>> -> memref<64x128xf32, #tpu.memory_space<hbm>>
      tpu.wait_dma2 semaphore(%arg25 : memref<!tpu.dma_semaphore, #tpu.memory_space<semaphore_mem>>) src(%dma_wait3A_1383 : memref<64x128xf32, #tpu.memory_space<hbm>>) dst(%arg20 : memref<64x128xf32, #tpu.memory_space<vmem>>)
      %broadcast_in_dim3A_1384 = vector.broadcast %sub3A_1215 : i32 to vector<16xi32>
      %broadcast_in_dim3A_1385 = vector.broadcast %sub3A_1216 : i32 to vector<16xi32>
      %broadcast_in_dim3A_1386 = vector.broadcast %sub3A_1217 : i32 to vector<16xi32>
      %broadcast_in_dim3A_1387 = arith.constant 0.000000e+00 : f32
      %broadcast_in_dim3A_1388 = vector.broadcast %broadcast_in_dim3A_1387 : f32 to vector<16xf32>
      %broadcast_in_dim3A_1389 = arith.constant 0.000000e+00 : f32
      %broadcast_in_dim3A_1390 = vector.broadcast %broadcast_in_dim3A_1389 : f32 to vector<16xf32>
      %gather3A_1391 = tpu.vector_load_idx %arg14[%add3A_6, %broadcast_in_dim3A_1384] : memref<64x128xf32, #tpu.memory_space<vmem>>[vector<16xi32>, vector<16xi32>], vector<16xf32>,
      %gather3A_1392 = tpu.vector_load_idx %arg17[%add3A_6, %broadcast_in_dim3A_1385] : memref<64x128xf32, #tpu.memory_space<vmem>>[vector<16xi32>, vector<16xi32>], vector<16xf32>,
      %gather3A_1393 = tpu.vector_load_idx %arg20[%add3A_6, %broadcast_in_dim3A_1386] : memref<64x128xf32, #tpu.memory_space<vmem>>[vector<16xi32>, vector<16xi32>], vector<16xf32>,
      %mul3A_1394 = arith.mulf %gather3A_1391, %gather3A_1392 : vector<16xf32>
      %add3A_1395 = arith.addf %broadcast_in_dim3A_1388, %mul3A_1394 : vector<16xf32>
      %mul3A_1396 = arith.mulf %gather3A_1391, %gather3A_1393 : vector<16xf32>
      %add3A_1397 = arith.addf %broadcast_in_dim3A_1390, %mul3A_1396 : vector<16xf32>
      %gather3A_1398 = tpu.vector_load_idx %arg14[%add3A_10, %broadcast_in_dim3A_1384] : memref<64x128xf32, #tpu.memory_space<vmem>>[vector<16xi32>, vector<16xi32>], vector<16xf32>,
      %gather3A_1399 = tpu.vector_load_idx %arg17[%add3A_10, %broadcast_in_dim3A_1385] : memref<64x128xf32, #tpu.memory_space<vmem>>[vector<16xi32>, vector<16xi32>], vector<16xf32>,
      %gather3A_1400 = tpu.vector_load_idx %arg20[%add3A_10, %broadcast_in_dim3A_1386] : memref<64x128xf32, #tpu.memory_space<vmem>>[vector<16xi32>, vector<16xi32>], vector<16xf32>,
      %mul3A_1401 = arith.mulf %gather3A_1398, %gather3A_1399 : vector<16xf32>
      %add3A_1402 = arith.addf %add3A_1395, %mul3A_1401 : vector<16xf32>
      %mul3A_1403 = arith.mulf %gather3A_1398, %gather3A_1400 : vector<16xf32>
      %add3A_1404 = arith.addf %add3A_1397, %mul3A_1403 : vector<16xf32>
      %gather3A_1405 = tpu.vector_load_idx %arg14[%add3A_14, %broadcast_in_dim3A_1384] : memref<64x128xf32, #tpu.memory_space<vmem>>[vector<16xi32>, vector<16xi32>], vector<16xf32>,
      %gather3A_1406 = tpu.vector_load_idx %arg17[%add3A_14, %broadcast_in_dim3A_1385] : memref<64x128xf32, #tpu.memory_space<vmem>>[vector<16xi32>, vector<16xi32>], vector<16xf32>,
      %gather3A_1407 = tpu.vector_load_idx %arg20[%add3A_14, %broadcast_in_dim3A_1386] : memref<64x128xf32, #tpu.memory_space<vmem>>[vector<16xi32>, vector<16xi32>], vector<16xf32>,
      %mul3A_1408 = arith.mulf %gather3A_1405, %gather3A_1406 : vector<16xf32>
      %add3A_1409 = arith.addf %add3A_1402, %mul3A_1408 : vector<16xf32>
      %mul3A_1410 = arith.mulf %gather3A_1405, %gather3A_1407 : vector<16xf32>
      %add3A_1411 = arith.addf %add3A_1404, %mul3A_1410 : vector<16xf32>
      %gather3A_1412 = tpu.vector_load_idx %arg14[%add3A_18, %broadcast_in_dim3A_1384] : memref<64x128xf32, #tpu.memory_space<vmem>>[vector<16xi32>, vector<16xi32>], vector<16xf32>,
      %gather3A_1413 = tpu.vector_load_idx %arg17[%add3A_18, %broadcast_in_dim3A_1385] : memref<64x128xf32, #tpu.memory_space<vmem>>[vector<16xi32>, vector<16xi32>], vector<16xf32>,
      %gather3A_1414 = tpu.vector_load_idx %arg20[%add3A_18, %broadcast_in_dim3A_1386] : memref<64x128xf32, #tpu.memory_space<vmem>>[vector<16xi32>, vector<16xi32>], vector<16xf32>,
      %mul3A_1415 = arith.mulf %gather3A_1412, %gather3A_1413 : vector<16xf32>
      %add3A_1416 = arith.addf %add3A_1409, %mul3A_1415 : vector<16xf32>
      %mul3A_1417 = arith.mulf %gather3A_1412, %gather3A_1414 : vector<16xf32>
      %add3A_1418 = arith.addf %add3A_1411, %mul3A_1417 : vector<16xf32>
      %eq3A_1419 = arith.constant 14 : i32
      %eq3A_1420 = vector.broadcast %eq3A_1419 : i32 to vector<16xi32>
      %eq3A_1421 = arith.cmpi eq, %iota3A, %eq3A_1420 : vector<16xi32>
      %reduce_sum3A_1422 = arith.constant true
      %reduce_sum3A_1423 = vector.broadcast %reduce_sum3A_1422 : i1 to vector<16xi1>
      %reduce_sum3A_1424 = tpu.scan <sum>, %add3A_1416 masked %reduce_sum3A_1423 : vector<16xf32>, vector<16xi1> -> vector<16xf32>
      %reduce_sum3A_1425 = vector.extract %reduce_sum3A_1424[15] : f32 from vector<16xf32>
      %broadcast_in_dim3A_1426 = vector.broadcast %reduce_sum3A_1425 : f32 to vector<16xf32>
      %select_n3A_1427 = arith.select %eq3A_1421, %broadcast_in_dim3A_1426, %select_n3A_1365 : vector<16xi1>, vector<16xf32>
      %reduce_sum3A_1428 = arith.constant true
      %reduce_sum3A_1429 = vector.broadcast %reduce_sum3A_1428 : i1 to vector<16xi1>
      %reduce_sum3A_1430 = tpu.scan <sum>, %add3A_1418 masked %reduce_sum3A_1429 : vector<16xf32>, vector<16xi1> -> vector<16xf32>
      %reduce_sum3A_1431 = vector.extract %reduce_sum3A_1430[15] : f32 from vector<16xf32>
      %broadcast_in_dim3A_1432 = vector.broadcast %reduce_sum3A_1431 : f32 to vector<16xf32>
      %select_n3A_1433 = arith.select %eq3A_1421, %broadcast_in_dim3A_1432, %select_n3A_1371 : vector<16xi1>, vector<16xf32>
      %dma_wait3A_1434 = arith.constant 0 : i32
      %dma_wait3A_1435 = tpu.memref_slice %arg5[%dma_wait3A_1434, %multiple_of3A_1292] : memref<64x1000000xf32, #tpu.memory_space<hbm>> -> memref<64x128xf32, #tpu.memory_space<hbm>>
      %dma_wait3A_1436 = arith.constant 0 : i32
      %dma_wait3A_1437 = tpu.memref_slice %arg5[%dma_wait3A_1436, %multiple_of3A_1292] : memref<64x1000000xf32, #tpu.memory_space<hbm>> -> memref<64x128xf32, #tpu.memory_space<hbm>>
      tpu.wait_dma2 semaphore(%arg23 : memref<!tpu.dma_semaphore, #tpu.memory_space<semaphore_mem>>) src(%dma_wait3A_1437 : memref<64x128xf32, #tpu.memory_space<hbm>>) dst(%arg12 : memref<64x128xf32, #tpu.memory_space<vmem>>)
      %dma_wait3A_1438 = arith.constant 0 : i32
      %dma_wait3A_1439 = tpu.memref_slice %arg6[%dma_wait3A_1438, %multiple_of3A_1297] : memref<64x1000000xf32, #tpu.memory_space<hbm>> -> memref<64x128xf32, #tpu.memory_space<hbm>>
      %dma_wait3A_1440 = arith.constant 0 : i32
      %dma_wait3A_1441 = tpu.memref_slice %arg6[%dma_wait3A_1440, %multiple_of3A_1297] : memref<64x1000000xf32, #tpu.memory_space<hbm>> -> memref<64x128xf32, #tpu.memory_space<hbm>>
      tpu.wait_dma2 semaphore(%arg23 : memref<!tpu.dma_semaphore, #tpu.memory_space<semaphore_mem>>) src(%dma_wait3A_1441 : memref<64x128xf32, #tpu.memory_space<hbm>>) dst(%arg15 : memref<64x128xf32, #tpu.memory_space<vmem>>)
      %dma_wait3A_1442 = arith.constant 0 : i32
      %dma_wait3A_1443 = tpu.memref_slice %arg6[%dma_wait3A_1442, %multiple_of3A_1302] : memref<64x1000000xf32, #tpu.memory_space<hbm>> -> memref<64x128xf32, #tpu.memory_space<hbm>>
      %dma_wait3A_1444 = arith.constant 0 : i32
      %dma_wait3A_1445 = tpu.memref_slice %arg6[%dma_wait3A_1444, %multiple_of3A_1302] : memref<64x1000000xf32, #tpu.memory_space<hbm>> -> memref<64x128xf32, #tpu.memory_space<hbm>>
      tpu.wait_dma2 semaphore(%arg23 : memref<!tpu.dma_semaphore, #tpu.memory_space<semaphore_mem>>) src(%dma_wait3A_1445 : memref<64x128xf32, #tpu.memory_space<hbm>>) dst(%arg18 : memref<64x128xf32, #tpu.memory_space<vmem>>)
      %broadcast_in_dim3A_1446 = vector.broadcast %sub3A_1307 : i32 to vector<16xi32>
      %broadcast_in_dim3A_1447 = vector.broadcast %sub3A_1308 : i32 to vector<16xi32>
      %broadcast_in_dim3A_1448 = vector.broadcast %sub3A_1309 : i32 to vector<16xi32>
      %broadcast_in_dim3A_1449 = arith.constant 0.000000e+00 : f32
      %broadcast_in_dim3A_1450 = vector.broadcast %broadcast_in_dim3A_1449 : f32 to vector<16xf32>
      %broadcast_in_dim3A_1451 = arith.constant 0.000000e+00 : f32
      %broadcast_in_dim3A_1452 = vector.broadcast %broadcast_in_dim3A_1451 : f32 to vector<16xf32>
      %gather3A_1453 = tpu.vector_load_idx %arg12[%add3A_6, %broadcast_in_dim3A_1446] : memref<64x128xf32, #tpu.memory_space<vmem>>[vector<16xi32>, vector<16xi32>], vector<16xf32>,
      %gather3A_1454 = tpu.vector_load_idx %arg15[%add3A_6, %broadcast_in_dim3A_1447] : memref<64x128xf32, #tpu.memory_space<vmem>>[vector<16xi32>, vector<16xi32>], vector<16xf32>,
      %gather3A_1455 = tpu.vector_load_idx %arg18[%add3A_6, %broadcast_in_dim3A_1448] : memref<64x128xf32, #tpu.memory_space<vmem>>[vector<16xi32>, vector<16xi32>], vector<16xf32>,
      %mul3A_1456 = arith.mulf %gather3A_1453, %gather3A_1454 : vector<16xf32>
      %add3A_1457 = arith.addf %broadcast_in_dim3A_1450, %mul3A_1456 : vector<16xf32>
      %mul3A_1458 = arith.mulf %gather3A_1453, %gather3A_1455 : vector<16xf32>
      %add3A_1459 = arith.addf %broadcast_in_dim3A_1452, %mul3A_1458 : vector<16xf32>
      %gather3A_1460 = tpu.vector_load_idx %arg12[%add3A_10, %broadcast_in_dim3A_1446] : memref<64x128xf32, #tpu.memory_space<vmem>>[vector<16xi32>, vector<16xi32>], vector<16xf32>,
      %gather3A_1461 = tpu.vector_load_idx %arg15[%add3A_10, %broadcast_in_dim3A_1447] : memref<64x128xf32, #tpu.memory_space<vmem>>[vector<16xi32>, vector<16xi32>], vector<16xf32>,
      %gather3A_1462 = tpu.vector_load_idx %arg18[%add3A_10, %broadcast_in_dim3A_1448] : memref<64x128xf32, #tpu.memory_space<vmem>>[vector<16xi32>, vector<16xi32>], vector<16xf32>,
      %mul3A_1463 = arith.mulf %gather3A_1460, %gather3A_1461 : vector<16xf32>
      %add3A_1464 = arith.addf %add3A_1457, %mul3A_1463 : vector<16xf32>
      %mul3A_1465 = arith.mulf %gather3A_1460, %gather3A_1462 : vector<16xf32>
      %add3A_1466 = arith.addf %add3A_1459, %mul3A_1465 : vector<16xf32>
      %gather3A_1467 = tpu.vector_load_idx %arg12[%add3A_14, %broadcast_in_dim3A_1446] : memref<64x128xf32, #tpu.memory_space<vmem>>[vector<16xi32>, vector<16xi32>], vector<16xf32>,
      %gather3A_1468 = tpu.vector_load_idx %arg15[%add3A_14, %broadcast_in_dim3A_1447] : memref<64x128xf32, #tpu.memory_space<vmem>>[vector<16xi32>, vector<16xi32>], vector<16xf32>,
      %gather3A_1469 = tpu.vector_load_idx %arg18[%add3A_14, %broadcast_in_dim3A_1448] : memref<64x128xf32, #tpu.memory_space<vmem>>[vector<16xi32>, vector<16xi32>], vector<16xf32>,
      %mul3A_1470 = arith.mulf %gather3A_1467, %gather3A_1468 : vector<16xf32>
      %add3A_1471 = arith.addf %add3A_1464, %mul3A_1470 : vector<16xf32>
      %mul3A_1472 = arith.mulf %gather3A_1467, %gather3A_1469 : vector<16xf32>
      %add3A_1473 = arith.addf %add3A_1466, %mul3A_1472 : vector<16xf32>
      %gather3A_1474 = tpu.vector_load_idx %arg12[%add3A_18, %broadcast_in_dim3A_1446] : memref<64x128xf32, #tpu.memory_space<vmem>>[vector<16xi32>, vector<16xi32>], vector<16xf32>,
      %gather3A_1475 = tpu.vector_load_idx %arg15[%add3A_18, %broadcast_in_dim3A_1447] : memref<64x128xf32, #tpu.memory_space<vmem>>[vector<16xi32>, vector<16xi32>], vector<16xf32>,
      %gather3A_1476 = tpu.vector_load_idx %arg18[%add3A_18, %broadcast_in_dim3A_1448] : memref<64x128xf32, #tpu.memory_space<vmem>>[vector<16xi32>, vector<16xi32>], vector<16xf32>,
      %mul3A_1477 = arith.mulf %gather3A_1474, %gather3A_1475 : vector<16xf32>
      %add3A_1478 = arith.addf %add3A_1471, %mul3A_1477 : vector<16xf32>
      %mul3A_1479 = arith.mulf %gather3A_1474, %gather3A_1476 : vector<16xf32>
      %add3A_1480 = arith.addf %add3A_1473, %mul3A_1479 : vector<16xf32>
      %eq3A_1481 = arith.constant 15 : i32
      %eq3A_1482 = vector.broadcast %eq3A_1481 : i32 to vector<16xi32>
      %eq3A_1483 = arith.cmpi eq, %iota3A, %eq3A_1482 : vector<16xi32>
      %reduce_sum3A_1484 = arith.constant true
      %reduce_sum3A_1485 = vector.broadcast %reduce_sum3A_1484 : i1 to vector<16xi1>
      %reduce_sum3A_1486 = tpu.scan <sum>, %add3A_1478 masked %reduce_sum3A_1485 : vector<16xf32>, vector<16xi1> -> vector<16xf32>
      %reduce_sum3A_1487 = vector.extract %reduce_sum3A_1486[15] : f32 from vector<16xf32>
      %broadcast_in_dim3A_1488 = vector.broadcast %reduce_sum3A_1487 : f32 to vector<16xf32>
      %select_n3A_1489 = arith.select %eq3A_1483, %broadcast_in_dim3A_1488, %select_n3A_1427 : vector<16xi1>, vector<16xf32>
      %reduce_sum3A_1490 = arith.constant true
      %reduce_sum3A_1491 = vector.broadcast %reduce_sum3A_1490 : i1 to vector<16xi1>
      %reduce_sum3A_1492 = tpu.scan <sum>, %add3A_1480 masked %reduce_sum3A_1491 : vector<16xf32>, vector<16xi1> -> vector<16xf32>
      %reduce_sum3A_1493 = vector.extract %reduce_sum3A_1492[15] : f32 from vector<16xf32>
      %broadcast_in_dim3A_1494 = vector.broadcast %reduce_sum3A_1493 : f32 to vector<16xf32>
      %select_n3A_1495 = arith.select %eq3A_1483, %broadcast_in_dim3A_1494, %select_n3A_1433 : vector<16xi1>, vector<16xf32>
      %swap3A = arith.index_cast %mul3A_26 : i32 to index
      %swap3A_1496 = tpu.vector_load %arg21[%swap3A] {strides = array<i32>} : memref<112xf32, #tpu.memory_space<vmem>>, vector<16xf32>,
      tpu.vector_store %arg21[%swap3A], %select_n3A_1489 {strides = array<i32>} : memref<112xf32, #tpu.memory_space<vmem>>, vector<16xf32>,
      %swap3A_1497 = arith.index_cast %mul3A_26 : i32 to index
      %swap3A_1498 = tpu.vector_load %arg22[%swap3A_1497] {strides = array<i32>} : memref<112xf32, #tpu.memory_space<vmem>>, vector<16xf32>,
      tpu.vector_store %arg22[%swap3A_1497], %select_n3A_1495 {strides = array<i32>} : memref<112xf32, #tpu.memory_space<vmem>>, vector<16xf32>,
    }
    %scan3A_23 = arith.constant 7 : i32
    "tpu.region"() ({
      %run_scoped3A = tpu.sem_alloc : memref<!tpu.dma_semaphore, #tpu.memory_space<semaphore_mem>>
      %dma_start3A = tpu.memref_slice %arg7[%mul3A_2] : memref<3584xf32, #tpu.memory_space<hbm>> -> memref<112xf32, #tpu.memory_space<hbm>>
      %dma_start3A_24 = tpu.memref_slice %arg7[%mul3A_2] : memref<3584xf32, #tpu.memory_space<hbm>> -> memref<112xf32, #tpu.memory_space<hbm>>
      tpu.enqueue_dma source(%arg21 : memref<112xf32, #tpu.memory_space<vmem>>) target(%dma_start3A_24 : memref<112xf32, #tpu.memory_space<hbm>>) target_semaphore(%run_scoped3A : memref<!tpu.dma_semaphore, #tpu.memory_space<semaphore_mem>>)
      %dma_wait3A = tpu.memref_slice %arg7[%mul3A_2] : memref<3584xf32, #tpu.memory_space<hbm>> -> memref<112xf32, #tpu.memory_space<hbm>>
      %dma_wait3A_25 = tpu.memref_slice %arg7[%mul3A_2] : memref<3584xf32, #tpu.memory_space<hbm>> -> memref<112xf32, #tpu.memory_space<hbm>>
      tpu.wait_dma2 semaphore(%run_scoped3A : memref<!tpu.dma_semaphore, #tpu.memory_space<semaphore_mem>>) src(%arg21 : memref<112xf32, #tpu.memory_space<vmem>>) dst(%dma_wait3A_25 : memref<112xf32, #tpu.memory_space<hbm>>)
      tpu.yield
    }) : () -> ()
    "tpu.region"() ({
      %run_scoped3A = tpu.sem_alloc : memref<!tpu.dma_semaphore, #tpu.memory_space<semaphore_mem>>
      %dma_start3A = tpu.memref_slice %arg8[%mul3A_2] : memref<3584xf32, #tpu.memory_space<hbm>> -> memref<112xf32, #tpu.memory_space<hbm>>
      %dma_start3A_24 = tpu.memref_slice %arg8[%mul3A_2] : memref<3584xf32, #tpu.memory_space<hbm>> -> memref<112xf32, #tpu.memory_space<hbm>>
      tpu.enqueue_dma source(%arg22 : memref<112xf32, #tpu.memory_space<vmem>>) target(%dma_start3A_24 : memref<112xf32, #tpu.memory_space<hbm>>) target_semaphore(%run_scoped3A : memref<!tpu.dma_semaphore, #tpu.memory_space<semaphore_mem>>)
      %dma_wait3A = tpu.memref_slice %arg8[%mul3A_2] : memref<3584xf32, #tpu.memory_space<hbm>> -> memref<112xf32, #tpu.memory_space<hbm>>
      %dma_wait3A_25 = tpu.memref_slice %arg8[%mul3A_2] : memref<3584xf32, #tpu.memory_space<hbm>> -> memref<112xf32, #tpu.memory_space<hbm>>
      tpu.wait_dma2 semaphore(%run_scoped3A : memref<!tpu.dma_semaphore, #tpu.memory_space<semaphore_mem>>) src(%arg22 : memref<112xf32, #tpu.memory_space<vmem>>) dst(%dma_wait3A_25 : memref<112xf32, #tpu.memory_space<hbm>>)
      tpu.yield
    }) : () -> ()
    return
  }
}

module attributes {stable_mosaic.version = 14 : i64} {
  func.func @body(%arg0: i32, %arg1: memref<512x1xf32, #tpu.memory_space<vmem>>, %arg2: memref<1x4096xf32, #tpu.memory_space<vmem>>, %arg3: memref<1x1xf32, #tpu.memory_space<vmem>>) attributes {dimension_semantics = [#tpu.dimension_semantics<arbitrary>], iteration_bounds = array<i64: 8>, scalar_prefetch = 0 : i64, scratch_operands = 0 : i64, tpu.core_type = #tpu.core_type<tc>, window_params = [{transform_indices = @transform_0, window_bounds = array<i64: 512, 1>}, {pipeline_mode = #tpu.pipeline_mode<synchronous>, transform_indices = @transform_1, window_bounds = array<i64: 1, 4096>}, {pipeline_mode = #tpu.pipeline_mode<synchronous>, transform_indices = @transform_2, window_bounds = array<i64: 1, 1>}]} {
    %get3A = arith.constant 0 : index
    %get3A_0 = arith.constant 0 : index
    %get3A_1 = vector.load %arg2[%get3A, %get3A_0] : memref<1x4096xf32, #tpu.memory_space<vmem>>, vector<1x4096xf32>
    %get3A_2 = arith.constant 0 : index
    %get3A_3 = arith.constant 0 : index
    %get3A_4 = vector.load %arg1[%get3A_2, %get3A_3] : memref<512x1xf32, #tpu.memory_space<vmem>>, vector<512x1xf32>
    %sub3A = vector.broadcast %get3A_1 : vector<1x4096xf32> to vector<512x4096xf32>
    %sub3A_5 = vector.broadcast %get3A_4 : vector<512x1xf32> to vector<512x4096xf32>
    %sub3A_6 = arith.subf %sub3A, %sub3A_5 : vector<512x4096xf32>
    %abs3A = math.absf %sub3A_6 : vector<512x4096xf32>
    %neg3A = arith.constant 0.000000e+00 : f32
    %neg3A_7 = vector.broadcast %neg3A : f32 to vector<512x4096xf32>
    %neg3A_8 = arith.subf %neg3A_7, %abs3A : vector<512x4096xf32>
    %exp3A = math.exp %neg3A_8 : vector<512x4096xf32>
    %add3A = arith.constant 1.000000e+00 : f32
    %add3A_9 = vector.broadcast %add3A : f32 to vector<512x4096xf32>
    %add3A_10 = arith.addf %add3A_9, %exp3A : vector<512x4096xf32>
    %slice3A = vector.extract_strided_slice %add3A_10 {offsets = [0, 0], sizes = [512, 128], strides = [1, 1]} : vector<512x4096xf32> to vector<512x128xf32>
    %slice3A_11 = vector.extract_strided_slice %add3A_10 {offsets = [0, 128], sizes = [512, 128], strides = [1, 1]} : vector<512x4096xf32> to vector<512x128xf32>
    %mul3A = arith.mulf %slice3A, %slice3A_11 : vector<512x128xf32>
    %slice3A_12 = vector.extract_strided_slice %add3A_10 {offsets = [0, 256], sizes = [512, 128], strides = [1, 1]} : vector<512x4096xf32> to vector<512x128xf32>
    %mul3A_13 = arith.mulf %mul3A, %slice3A_12 : vector<512x128xf32>
    %slice3A_14 = vector.extract_strided_slice %add3A_10 {offsets = [0, 384], sizes = [512, 128], strides = [1, 1]} : vector<512x4096xf32> to vector<512x128xf32>
    %mul3A_15 = arith.mulf %mul3A_13, %slice3A_14 : vector<512x128xf32>
    %slice3A_16 = vector.extract_strided_slice %add3A_10 {offsets = [0, 512], sizes = [512, 128], strides = [1, 1]} : vector<512x4096xf32> to vector<512x128xf32>
    %mul3A_17 = arith.mulf %mul3A_15, %slice3A_16 : vector<512x128xf32>
    %slice3A_18 = vector.extract_strided_slice %add3A_10 {offsets = [0, 640], sizes = [512, 128], strides = [1, 1]} : vector<512x4096xf32> to vector<512x128xf32>
    %mul3A_19 = arith.mulf %mul3A_17, %slice3A_18 : vector<512x128xf32>
    %slice3A_20 = vector.extract_strided_slice %add3A_10 {offsets = [0, 768], sizes = [512, 128], strides = [1, 1]} : vector<512x4096xf32> to vector<512x128xf32>
    %mul3A_21 = arith.mulf %mul3A_19, %slice3A_20 : vector<512x128xf32>
    %slice3A_22 = vector.extract_strided_slice %add3A_10 {offsets = [0, 896], sizes = [512, 128], strides = [1, 1]} : vector<512x4096xf32> to vector<512x128xf32>
    %mul3A_23 = arith.mulf %mul3A_21, %slice3A_22 : vector<512x128xf32>
    %slice3A_24 = vector.extract_strided_slice %add3A_10 {offsets = [0, 1024], sizes = [512, 128], strides = [1, 1]} : vector<512x4096xf32> to vector<512x128xf32>
    %mul3A_25 = arith.mulf %mul3A_23, %slice3A_24 : vector<512x128xf32>
    %slice3A_26 = vector.extract_strided_slice %add3A_10 {offsets = [0, 1152], sizes = [512, 128], strides = [1, 1]} : vector<512x4096xf32> to vector<512x128xf32>
    %mul3A_27 = arith.mulf %mul3A_25, %slice3A_26 : vector<512x128xf32>
    %slice3A_28 = vector.extract_strided_slice %add3A_10 {offsets = [0, 1280], sizes = [512, 128], strides = [1, 1]} : vector<512x4096xf32> to vector<512x128xf32>
    %mul3A_29 = arith.mulf %mul3A_27, %slice3A_28 : vector<512x128xf32>
    %slice3A_30 = vector.extract_strided_slice %add3A_10 {offsets = [0, 1408], sizes = [512, 128], strides = [1, 1]} : vector<512x4096xf32> to vector<512x128xf32>
    %mul3A_31 = arith.mulf %mul3A_29, %slice3A_30 : vector<512x128xf32>
    %slice3A_32 = vector.extract_strided_slice %add3A_10 {offsets = [0, 1536], sizes = [512, 128], strides = [1, 1]} : vector<512x4096xf32> to vector<512x128xf32>
    %mul3A_33 = arith.mulf %mul3A_31, %slice3A_32 : vector<512x128xf32>
    %slice3A_34 = vector.extract_strided_slice %add3A_10 {offsets = [0, 1664], sizes = [512, 128], strides = [1, 1]} : vector<512x4096xf32> to vector<512x128xf32>
    %mul3A_35 = arith.mulf %mul3A_33, %slice3A_34 : vector<512x128xf32>
    %slice3A_36 = vector.extract_strided_slice %add3A_10 {offsets = [0, 1792], sizes = [512, 128], strides = [1, 1]} : vector<512x4096xf32> to vector<512x128xf32>
    %mul3A_37 = arith.mulf %mul3A_35, %slice3A_36 : vector<512x128xf32>
    %slice3A_38 = vector.extract_strided_slice %add3A_10 {offsets = [0, 1920], sizes = [512, 128], strides = [1, 1]} : vector<512x4096xf32> to vector<512x128xf32>
    %mul3A_39 = arith.mulf %mul3A_37, %slice3A_38 : vector<512x128xf32>
    %slice3A_40 = vector.extract_strided_slice %add3A_10 {offsets = [0, 2048], sizes = [512, 128], strides = [1, 1]} : vector<512x4096xf32> to vector<512x128xf32>
    %mul3A_41 = arith.mulf %mul3A_39, %slice3A_40 : vector<512x128xf32>
    %slice3A_42 = vector.extract_strided_slice %add3A_10 {offsets = [0, 2176], sizes = [512, 128], strides = [1, 1]} : vector<512x4096xf32> to vector<512x128xf32>
    %mul3A_43 = arith.mulf %mul3A_41, %slice3A_42 : vector<512x128xf32>
    %slice3A_44 = vector.extract_strided_slice %add3A_10 {offsets = [0, 2304], sizes = [512, 128], strides = [1, 1]} : vector<512x4096xf32> to vector<512x128xf32>
    %mul3A_45 = arith.mulf %mul3A_43, %slice3A_44 : vector<512x128xf32>
    %slice3A_46 = vector.extract_strided_slice %add3A_10 {offsets = [0, 2432], sizes = [512, 128], strides = [1, 1]} : vector<512x4096xf32> to vector<512x128xf32>
    %mul3A_47 = arith.mulf %mul3A_45, %slice3A_46 : vector<512x128xf32>
    %slice3A_48 = vector.extract_strided_slice %add3A_10 {offsets = [0, 2560], sizes = [512, 128], strides = [1, 1]} : vector<512x4096xf32> to vector<512x128xf32>
    %mul3A_49 = arith.mulf %mul3A_47, %slice3A_48 : vector<512x128xf32>
    %slice3A_50 = vector.extract_strided_slice %add3A_10 {offsets = [0, 2688], sizes = [512, 128], strides = [1, 1]} : vector<512x4096xf32> to vector<512x128xf32>
    %mul3A_51 = arith.mulf %mul3A_49, %slice3A_50 : vector<512x128xf32>
    %slice3A_52 = vector.extract_strided_slice %add3A_10 {offsets = [0, 2816], sizes = [512, 128], strides = [1, 1]} : vector<512x4096xf32> to vector<512x128xf32>
    %mul3A_53 = arith.mulf %mul3A_51, %slice3A_52 : vector<512x128xf32>
    %slice3A_54 = vector.extract_strided_slice %add3A_10 {offsets = [0, 2944], sizes = [512, 128], strides = [1, 1]} : vector<512x4096xf32> to vector<512x128xf32>
    %mul3A_55 = arith.mulf %mul3A_53, %slice3A_54 : vector<512x128xf32>
    %slice3A_56 = vector.extract_strided_slice %add3A_10 {offsets = [0, 3072], sizes = [512, 128], strides = [1, 1]} : vector<512x4096xf32> to vector<512x128xf32>
    %mul3A_57 = arith.mulf %mul3A_55, %slice3A_56 : vector<512x128xf32>
    %slice3A_58 = vector.extract_strided_slice %add3A_10 {offsets = [0, 3200], sizes = [512, 128], strides = [1, 1]} : vector<512x4096xf32> to vector<512x128xf32>
    %mul3A_59 = arith.mulf %mul3A_57, %slice3A_58 : vector<512x128xf32>
    %slice3A_60 = vector.extract_strided_slice %add3A_10 {offsets = [0, 3328], sizes = [512, 128], strides = [1, 1]} : vector<512x4096xf32> to vector<512x128xf32>
    %mul3A_61 = arith.mulf %mul3A_59, %slice3A_60 : vector<512x128xf32>
    %slice3A_62 = vector.extract_strided_slice %add3A_10 {offsets = [0, 3456], sizes = [512, 128], strides = [1, 1]} : vector<512x4096xf32> to vector<512x128xf32>
    %mul3A_63 = arith.mulf %mul3A_61, %slice3A_62 : vector<512x128xf32>
    %slice3A_64 = vector.extract_strided_slice %add3A_10 {offsets = [0, 3584], sizes = [512, 128], strides = [1, 1]} : vector<512x4096xf32> to vector<512x128xf32>
    %mul3A_65 = arith.mulf %mul3A_63, %slice3A_64 : vector<512x128xf32>
    %slice3A_66 = vector.extract_strided_slice %add3A_10 {offsets = [0, 3712], sizes = [512, 128], strides = [1, 1]} : vector<512x4096xf32> to vector<512x128xf32>
    %mul3A_67 = arith.mulf %mul3A_65, %slice3A_66 : vector<512x128xf32>
    %slice3A_68 = vector.extract_strided_slice %add3A_10 {offsets = [0, 3840], sizes = [512, 128], strides = [1, 1]} : vector<512x4096xf32> to vector<512x128xf32>
    %mul3A_69 = arith.mulf %mul3A_67, %slice3A_68 : vector<512x128xf32>
    %slice3A_70 = vector.extract_strided_slice %add3A_10 {offsets = [0, 3968], sizes = [512, 128], strides = [1, 1]} : vector<512x4096xf32> to vector<512x128xf32>
    %mul3A_71 = arith.mulf %mul3A_69, %slice3A_70 : vector<512x128xf32>
    %get3A_72 = arith.constant 0 : index
    %get3A_73 = arith.constant 0 : index
    %get3A_74 = vector.load %arg2[%get3A_72, %get3A_73] : memref<1x4096xf32, #tpu.memory_space<vmem>>, vector<1x4096xf32>
    %reduce_sum3A = vector.shape_cast %get3A_74 : vector<1x4096xf32> to vector<1x1x4096xf32>
    %reduce_sum3A_75 = arith.constant dense<0.000000e+00> : vector<1xf32>
    %reduce_sum3A_76 = vector.multi_reduction <add>, %reduce_sum3A, %reduce_sum3A_75 [1, 2] : vector<1x1x4096xf32> to vector<1xf32>
    %reduce_sum3A_77 = vector.shape_cast %reduce_sum3A_76 : vector<1xf32> to vector<1x1x1xf32>
    %reduce_sum3A_78 = vector.extract %reduce_sum3A_77[0, 0, 0] : f32 from vector<1x1x1xf32>
    %mul3A_79 = arith.constant 5.120000e+02 : f32
    %mul3A_80 = arith.mulf %mul3A_79, %reduce_sum3A_78 : f32
    %get3A_81 = arith.constant 0 : index
    %get3A_82 = arith.constant 0 : index
    %get3A_83 = vector.load %arg1[%get3A_81, %get3A_82] : memref<512x1xf32, #tpu.memory_space<vmem>>, vector<512x1xf32>
    %reduce_sum3A_84 = vector.shape_cast %get3A_83 : vector<512x1xf32> to vector<1x512x1xf32>
    %reduce_sum3A_85 = arith.constant dense<0.000000e+00> : vector<1xf32>
    %reduce_sum3A_86 = vector.multi_reduction <add>, %reduce_sum3A_84, %reduce_sum3A_85 [1, 2] : vector<1x512x1xf32> to vector<1xf32>
    %reduce_sum3A_87 = vector.shape_cast %reduce_sum3A_86 : vector<1xf32> to vector<1x1x1xf32>
    %reduce_sum3A_88 = vector.extract %reduce_sum3A_87[0, 0, 0] : f32 from vector<1x1x1xf32>
    %mul3A_89 = arith.constant 4.096000e+03 : f32
    %mul3A_90 = arith.mulf %mul3A_89, %reduce_sum3A_88 : f32
    %sub3A_91 = arith.subf %mul3A_80, %mul3A_90 : f32
    %reduce_sum3A_92 = vector.shape_cast %abs3A : vector<512x4096xf32> to vector<1x512x4096xf32>
    %reduce_sum3A_93 = arith.constant dense<0.000000e+00> : vector<1xf32>
    %reduce_sum3A_94 = vector.multi_reduction <add>, %reduce_sum3A_92, %reduce_sum3A_93 [1, 2] : vector<1x512x4096xf32> to vector<1xf32>
    %reduce_sum3A_95 = vector.shape_cast %reduce_sum3A_94 : vector<1xf32> to vector<1x1x1xf32>
    %reduce_sum3A_96 = vector.extract %reduce_sum3A_95[0, 0, 0] : f32 from vector<1x1x1xf32>
    %add3A_97 = arith.addf %sub3A_91, %reduce_sum3A_96 : f32
    %mul3A_98 = arith.constant 5.000000e-01 : f32
    %mul3A_99 = arith.mulf %mul3A_98, %add3A_97 : f32
    %log3A = math.log %mul3A_71 : vector<512x128xf32>
    %reduce_sum3A_100 = vector.shape_cast %log3A : vector<512x128xf32> to vector<1x512x128xf32>
    %reduce_sum3A_101 = arith.constant dense<0.000000e+00> : vector<1xf32>
    %reduce_sum3A_102 = vector.multi_reduction <add>, %reduce_sum3A_100, %reduce_sum3A_101 [1, 2] : vector<1x512x128xf32> to vector<1xf32>
    %reduce_sum3A_103 = vector.shape_cast %reduce_sum3A_102 : vector<1xf32> to vector<1x1x1xf32>
    %reduce_sum3A_104 = vector.extract %reduce_sum3A_103[0, 0, 0] : f32 from vector<1x1x1xf32>
    %add3A_105 = arith.addf %mul3A_99, %reduce_sum3A_104 : f32
    %eq3A = arith.constant 0 : i32
    %eq3A_106 = arith.cmpi eq, %arg0, %eq3A : i32
    %convert_element_type3A = arith.extui %eq3A_106 : i1 to i32
    %cond3A = arith.constant 0 : i32
    %cond3A_107 = arith.cmpi ne, %convert_element_type3A, %cond3A : i32
    scf.if %cond3A_107 {
      %broadcast_in_dim3A = arith.constant 0.000000e+00 : f32
      %broadcast_in_dim3A_114 = vector.broadcast %broadcast_in_dim3A : f32 to vector<1x1xf32>
      %swap3A_115 = arith.constant 0 : index
      %swap3A_116 = arith.constant 0 : index
      %swap3A_117 = vector.load %arg3[%swap3A_115, %swap3A_116] : memref<1x1xf32, #tpu.memory_space<vmem>>, vector<1x1xf32>
      tpu.vector_store %arg3[%swap3A_115, %swap3A_116], %broadcast_in_dim3A_114 {strides = array<i32>} : memref<1x1xf32, #tpu.memory_space<vmem>>, vector<1x1xf32>,
    } else {
    }
    %get3A_108 = arith.constant 0 : index
    %get3A_109 = arith.constant 0 : index
    %get3A_110 = vector.load %arg3[%get3A_108, %get3A_109] : memref<1x1xf32, #tpu.memory_space<vmem>>, vector<1x1xf32>
    %reshape3A = vector.broadcast %add3A_105 : f32 to vector<1x1xf32>
    %add3A_111 = arith.addf %get3A_110, %reshape3A : vector<1x1xf32>
    %swap3A = arith.constant 0 : index
    %swap3A_112 = arith.constant 0 : index
    %swap3A_113 = vector.load %arg3[%swap3A, %swap3A_112] : memref<1x1xf32, #tpu.memory_space<vmem>>, vector<1x1xf32>
    tpu.vector_store %arg3[%swap3A, %swap3A_112], %add3A_111 {strides = array<i32>} : memref<1x1xf32, #tpu.memory_space<vmem>>, vector<1x1xf32>,
    return
  }
  func.func @transform_0(%arg0: i32) -> (i32, i32) {
    %c0_i32 = arith.constant 0 : i32
    %c0_i32_0 = arith.constant 0 : i32
    return %arg0, %c0_i32 : i32, i32
  }
  func.func @transform_1(%arg0: i32) -> (i32, i32) {
    %c0_i32 = arith.constant 0 : i32
    %c0_i32_0 = arith.constant 0 : i32
    %c0_i32_1 = arith.constant 0 : i32
    return %c0_i32, %c0_i32_0 : i32, i32
  }
  func.func @transform_2(%arg0: i32) -> (i32, i32) {
    %c0_i32 = arith.constant 0 : i32
    %c0_i32_0 = arith.constant 0 : i32
    %c0_i32_1 = arith.constant 0 : i32
    return %c0_i32, %c0_i32_0 : i32, i32
  }
}

module attributes {stable_mosaic.version = 14 : i64} {
  func.func @body(%arg0: i32, %arg1: memref<512xi32, #tpu.memory_space<smem>>, %arg2: memref<512xi32, #tpu.memory_space<smem>>, %arg3: memref<512xi32, #tpu.memory_space<smem>>, %arg4: memref<64x128xf32, #tpu.memory_space<vmem>>, %arg5: memref<64x128xf32, #tpu.memory_space<vmem>>, %arg6: memref<64x128xf32, #tpu.memory_space<vmem>>, %arg7: memref<64x128xf32, #tpu.memory_space<vmem>>, %arg8: memref<64x128xf32, #tpu.memory_space<vmem>>, %arg9: memref<64x128xf32, #tpu.memory_space<vmem>>, %arg10: memref<64x128xf32, #tpu.memory_space<vmem>>, %arg11: memref<64x128xf32, #tpu.memory_space<vmem>>, %arg12: memref<64x128xf32, #tpu.memory_space<vmem>>, %arg13: memref<64x128xf32, #tpu.memory_space<vmem>>, %arg14: memref<64x128xf32, #tpu.memory_space<vmem>>, %arg15: memref<64x128xf32, #tpu.memory_space<vmem>>, %arg16: memref<64x128xf32, #tpu.memory_space<vmem>>, %arg17: memref<64x128xf32, #tpu.memory_space<vmem>>, %arg18: memref<64x128xf32, #tpu.memory_space<vmem>>, %arg19: memref<64x128xf32, #tpu.memory_space<vmem>>, %arg20: memref<64x128xf32, #tpu.memory_space<vmem>>, %arg21: memref<64x128xf32, #tpu.memory_space<vmem>>, %arg22: memref<64x128xf32, #tpu.memory_space<vmem>>, %arg23: memref<64x128xf32, #tpu.memory_space<vmem>>, %arg24: memref<64x128xf32, #tpu.memory_space<vmem>>, %arg25: memref<64x128xf32, #tpu.memory_space<vmem>>, %arg26: memref<64x128xf32, #tpu.memory_space<vmem>>, %arg27: memref<64x128xf32, #tpu.memory_space<vmem>>, %arg28: memref<8x1xf32, #tpu.memory_space<vmem>>, %arg29: memref<8x1xf32, #tpu.memory_space<vmem>>) attributes {dimension_semantics = [#tpu.dimension_semantics<arbitrary>], iteration_bounds = array<i64: 64>, scalar_prefetch = 3 : i64, scratch_operands = 0 : i64, tpu.core_type = #tpu.core_type<tc>, window_params = [{transform_indices = @transform_0, window_bounds = array<i64: 64, 128>}, {transform_indices = @transform_1, window_bounds = array<i64: 64, 128>}, {transform_indices = @transform_2, window_bounds = array<i64: 64, 128>}, {transform_indices = @transform_3, window_bounds = array<i64: 64, 128>}, {transform_indices = @transform_4, window_bounds = array<i64: 64, 128>}, {transform_indices = @transform_5, window_bounds = array<i64: 64, 128>}, {transform_indices = @transform_6, window_bounds = array<i64: 64, 128>}, {transform_indices = @transform_7, window_bounds = array<i64: 64, 128>}, {transform_indices = @transform_8, window_bounds = array<i64: 64, 128>}, {transform_indices = @transform_9, window_bounds = array<i64: 64, 128>}, {transform_indices = @transform_10, window_bounds = array<i64: 64, 128>}, {transform_indices = @transform_11, window_bounds = array<i64: 64, 128>}, {transform_indices = @transform_12, window_bounds = array<i64: 64, 128>}, {transform_indices = @transform_13, window_bounds = array<i64: 64, 128>}, {transform_indices = @transform_14, window_bounds = array<i64: 64, 128>}, {transform_indices = @transform_15, window_bounds = array<i64: 64, 128>}, {transform_indices = @transform_16, window_bounds = array<i64: 64, 128>}, {transform_indices = @transform_17, window_bounds = array<i64: 64, 128>}, {transform_indices = @transform_18, window_bounds = array<i64: 64, 128>}, {transform_indices = @transform_19, window_bounds = array<i64: 64, 128>}, {transform_indices = @transform_20, window_bounds = array<i64: 64, 128>}, {transform_indices = @transform_21, window_bounds = array<i64: 64, 128>}, {transform_indices = @transform_22, window_bounds = array<i64: 64, 128>}, {transform_indices = @transform_23, window_bounds = array<i64: 64, 128>}, {transform_indices = @transform_24, window_bounds = array<i64: 8, 1>}, {transform_indices = @transform_25, window_bounds = array<i64: 8, 1>}]} {
    %iota3A = tpu.iota {dimensions = array<i32: 1>} : vector<1x128xi32>
    %mul3A = arith.constant 8 : i32
    %mul3A_0 = arith.muli %arg0, %mul3A : i32
    %add3A = arith.constant 0 : i32
    %add3A_1 = arith.addi %mul3A_0, %add3A : i32
    %get3A = arith.index_cast %add3A_1 : i32 to index
    %get3A_2 = memref.load %arg1[%get3A] : memref<512xi32, #tpu.memory_space<smem>>
    %and3A = arith.constant 127 : i32
    %and3A_3 = arith.andi %get3A_2, %and3A : i32
    %get3A_4 = arith.index_cast %add3A_1 : i32 to index
    %get3A_5 = memref.load %arg2[%get3A_4] : memref<512xi32, #tpu.memory_space<smem>>
    %and3A_6 = arith.constant 127 : i32
    %and3A_7 = arith.andi %get3A_5, %and3A_6 : i32
    %get3A_8 = arith.index_cast %add3A_1 : i32 to index
    %get3A_9 = memref.load %arg3[%get3A_8] : memref<512xi32, #tpu.memory_space<smem>>
    %and3A_10 = arith.constant 127 : i32
    %and3A_11 = arith.andi %get3A_9, %and3A_10 : i32
    %eq3A = vector.broadcast %and3A_3 : i32 to vector<1x128xi32>
    %eq3A_12 = arith.cmpi eq, %iota3A, %eq3A : vector<1x128xi32>
    %get3A_13 = arith.constant 0 : index
    %get3A_14 = arith.constant 0 : index
    %get3A_15 = vector.load %arg4[%get3A_13, %get3A_14] : memref<64x128xf32, #tpu.memory_space<vmem>>, vector<64x128xf32>
    %jit3A = arith.constant 0.000000e+00 : f32
    %broadcast_in_dim3A = vector.shape_cast %eq3A_12 : vector<1x128xi1> to vector<1x128xi1>
    %broadcast_in_dim3A_16 = vector.broadcast %broadcast_in_dim3A : vector<1x128xi1> to vector<64x128xi1>
    %broadcast_in_dim3A_17 = vector.broadcast %jit3A : f32 to vector<64x128xf32>
    %select_n3A = arith.select %broadcast_in_dim3A_16, %get3A_15, %broadcast_in_dim3A_17 : vector<64x128xi1>, vector<64x128xf32>
    %reduce_sum3A = arith.constant dense<0.000000e+00> : vector<64xf32>
    %reduce_sum3A_18 = vector.multi_reduction <add>, %select_n3A, %reduce_sum3A [1] : vector<64x128xf32> to vector<64xf32>
    %broadcast_in_dim3A_19 = vector.shape_cast %reduce_sum3A_18 : vector<64xf32> to vector<64x1xf32>
    %eq3A_20 = vector.broadcast %and3A_7 : i32 to vector<1x128xi32>
    %eq3A_21 = arith.cmpi eq, %iota3A, %eq3A_20 : vector<1x128xi32>
    %get3A_22 = arith.constant 0 : index
    %get3A_23 = arith.constant 0 : index
    %get3A_24 = vector.load %arg12[%get3A_22, %get3A_23] : memref<64x128xf32, #tpu.memory_space<vmem>>, vector<64x128xf32>
    %jit3A_25 = arith.constant 0.000000e+00 : f32
    %broadcast_in_dim3A_26 = vector.shape_cast %eq3A_21 : vector<1x128xi1> to vector<1x128xi1>
    %broadcast_in_dim3A_27 = vector.broadcast %broadcast_in_dim3A_26 : vector<1x128xi1> to vector<64x128xi1>
    %broadcast_in_dim3A_28 = vector.broadcast %jit3A_25 : f32 to vector<64x128xf32>
    %select_n3A_29 = arith.select %broadcast_in_dim3A_27, %get3A_24, %broadcast_in_dim3A_28 : vector<64x128xi1>, vector<64x128xf32>
    %reduce_sum3A_30 = arith.constant dense<0.000000e+00> : vector<64xf32>
    %reduce_sum3A_31 = vector.multi_reduction <add>, %select_n3A_29, %reduce_sum3A_30 [1] : vector<64x128xf32> to vector<64xf32>
    %broadcast_in_dim3A_32 = vector.shape_cast %reduce_sum3A_31 : vector<64xf32> to vector<64x1xf32>
    %eq3A_33 = vector.broadcast %and3A_11 : i32 to vector<1x128xi32>
    %eq3A_34 = arith.cmpi eq, %iota3A, %eq3A_33 : vector<1x128xi32>
    %get3A_35 = arith.constant 0 : index
    %get3A_36 = arith.constant 0 : index
    %get3A_37 = vector.load %arg20[%get3A_35, %get3A_36] : memref<64x128xf32, #tpu.memory_space<vmem>>, vector<64x128xf32>
    %jit3A_38 = arith.constant 0.000000e+00 : f32
    %broadcast_in_dim3A_39 = vector.shape_cast %eq3A_34 : vector<1x128xi1> to vector<1x128xi1>
    %broadcast_in_dim3A_40 = vector.broadcast %broadcast_in_dim3A_39 : vector<1x128xi1> to vector<64x128xi1>
    %broadcast_in_dim3A_41 = vector.broadcast %jit3A_38 : f32 to vector<64x128xf32>
    %select_n3A_42 = arith.select %broadcast_in_dim3A_40, %get3A_37, %broadcast_in_dim3A_41 : vector<64x128xi1>, vector<64x128xf32>
    %reduce_sum3A_43 = arith.constant dense<0.000000e+00> : vector<64xf32>
    %reduce_sum3A_44 = vector.multi_reduction <add>, %select_n3A_42, %reduce_sum3A_43 [1] : vector<64x128xf32> to vector<64xf32>
    %broadcast_in_dim3A_45 = vector.shape_cast %reduce_sum3A_44 : vector<64xf32> to vector<64x1xf32>
    %mul3A_46 = arith.mulf %broadcast_in_dim3A_19, %broadcast_in_dim3A_32 : vector<64x1xf32>
    %reduce_sum3A_47 = vector.shape_cast %mul3A_46 : vector<64x1xf32> to vector<1x64x1xf32>
    %reduce_sum3A_48 = arith.constant dense<0.000000e+00> : vector<1xf32>
    %reduce_sum3A_49 = vector.multi_reduction <add>, %reduce_sum3A_47, %reduce_sum3A_48 [1, 2] : vector<1x64x1xf32> to vector<1xf32>
    %reduce_sum3A_50 = vector.shape_cast %reduce_sum3A_49 : vector<1xf32> to vector<1x1x1xf32>
    %reduce_sum3A_51 = vector.extract %reduce_sum3A_50[0, 0, 0] : f32 from vector<1x1x1xf32>
    %reshape3A = vector.broadcast %reduce_sum3A_51 : f32 to vector<1x1xf32>
    %mul3A_52 = arith.mulf %broadcast_in_dim3A_19, %broadcast_in_dim3A_45 : vector<64x1xf32>
    %reduce_sum3A_53 = vector.shape_cast %mul3A_52 : vector<64x1xf32> to vector<1x64x1xf32>
    %reduce_sum3A_54 = arith.constant dense<0.000000e+00> : vector<1xf32>
    %reduce_sum3A_55 = vector.multi_reduction <add>, %reduce_sum3A_53, %reduce_sum3A_54 [1, 2] : vector<1x64x1xf32> to vector<1xf32>
    %reduce_sum3A_56 = vector.shape_cast %reduce_sum3A_55 : vector<1xf32> to vector<1x1x1xf32>
    %reduce_sum3A_57 = vector.extract %reduce_sum3A_56[0, 0, 0] : f32 from vector<1x1x1xf32>
    %reshape3A_58 = vector.broadcast %reduce_sum3A_57 : f32 to vector<1x1xf32>
    %mul3A_59 = arith.constant 8 : i32
    %mul3A_60 = arith.muli %arg0, %mul3A_59 : i32
    %add3A_61 = arith.constant 1 : i32
    %add3A_62 = arith.addi %mul3A_60, %add3A_61 : i32
    %get3A_63 = arith.index_cast %add3A_62 : i32 to index
    %get3A_64 = memref.load %arg1[%get3A_63] : memref<512xi32, #tpu.memory_space<smem>>
    %and3A_65 = arith.constant 127 : i32
    %and3A_66 = arith.andi %get3A_64, %and3A_65 : i32
    %get3A_67 = arith.index_cast %add3A_62 : i32 to index
    %get3A_68 = memref.load %arg2[%get3A_67] : memref<512xi32, #tpu.memory_space<smem>>
    %and3A_69 = arith.constant 127 : i32
    %and3A_70 = arith.andi %get3A_68, %and3A_69 : i32
    %get3A_71 = arith.index_cast %add3A_62 : i32 to index
    %get3A_72 = memref.load %arg3[%get3A_71] : memref<512xi32, #tpu.memory_space<smem>>
    %and3A_73 = arith.constant 127 : i32
    %and3A_74 = arith.andi %get3A_72, %and3A_73 : i32
    %eq3A_75 = vector.broadcast %and3A_66 : i32 to vector<1x128xi32>
    %eq3A_76 = arith.cmpi eq, %iota3A, %eq3A_75 : vector<1x128xi32>
    %get3A_77 = arith.constant 0 : index
    %get3A_78 = arith.constant 0 : index
    %get3A_79 = vector.load %arg5[%get3A_77, %get3A_78] : memref<64x128xf32, #tpu.memory_space<vmem>>, vector<64x128xf32>
    %jit3A_80 = arith.constant 0.000000e+00 : f32
    %broadcast_in_dim3A_81 = vector.shape_cast %eq3A_76 : vector<1x128xi1> to vector<1x128xi1>
    %broadcast_in_dim3A_82 = vector.broadcast %broadcast_in_dim3A_81 : vector<1x128xi1> to vector<64x128xi1>
    %broadcast_in_dim3A_83 = vector.broadcast %jit3A_80 : f32 to vector<64x128xf32>
    %select_n3A_84 = arith.select %broadcast_in_dim3A_82, %get3A_79, %broadcast_in_dim3A_83 : vector<64x128xi1>, vector<64x128xf32>
    %reduce_sum3A_85 = arith.constant dense<0.000000e+00> : vector<64xf32>
    %reduce_sum3A_86 = vector.multi_reduction <add>, %select_n3A_84, %reduce_sum3A_85 [1] : vector<64x128xf32> to vector<64xf32>
    %broadcast_in_dim3A_87 = vector.shape_cast %reduce_sum3A_86 : vector<64xf32> to vector<64x1xf32>
    %eq3A_88 = vector.broadcast %and3A_70 : i32 to vector<1x128xi32>
    %eq3A_89 = arith.cmpi eq, %iota3A, %eq3A_88 : vector<1x128xi32>
    %get3A_90 = arith.constant 0 : index
    %get3A_91 = arith.constant 0 : index
    %get3A_92 = vector.load %arg13[%get3A_90, %get3A_91] : memref<64x128xf32, #tpu.memory_space<vmem>>, vector<64x128xf32>
    %jit3A_93 = arith.constant 0.000000e+00 : f32
    %broadcast_in_dim3A_94 = vector.shape_cast %eq3A_89 : vector<1x128xi1> to vector<1x128xi1>
    %broadcast_in_dim3A_95 = vector.broadcast %broadcast_in_dim3A_94 : vector<1x128xi1> to vector<64x128xi1>
    %broadcast_in_dim3A_96 = vector.broadcast %jit3A_93 : f32 to vector<64x128xf32>
    %select_n3A_97 = arith.select %broadcast_in_dim3A_95, %get3A_92, %broadcast_in_dim3A_96 : vector<64x128xi1>, vector<64x128xf32>
    %reduce_sum3A_98 = arith.constant dense<0.000000e+00> : vector<64xf32>
    %reduce_sum3A_99 = vector.multi_reduction <add>, %select_n3A_97, %reduce_sum3A_98 [1] : vector<64x128xf32> to vector<64xf32>
    %broadcast_in_dim3A_100 = vector.shape_cast %reduce_sum3A_99 : vector<64xf32> to vector<64x1xf32>
    %eq3A_101 = vector.broadcast %and3A_74 : i32 to vector<1x128xi32>
    %eq3A_102 = arith.cmpi eq, %iota3A, %eq3A_101 : vector<1x128xi32>
    %get3A_103 = arith.constant 0 : index
    %get3A_104 = arith.constant 0 : index
    %get3A_105 = vector.load %arg21[%get3A_103, %get3A_104] : memref<64x128xf32, #tpu.memory_space<vmem>>, vector<64x128xf32>
    %jit3A_106 = arith.constant 0.000000e+00 : f32
    %broadcast_in_dim3A_107 = vector.shape_cast %eq3A_102 : vector<1x128xi1> to vector<1x128xi1>
    %broadcast_in_dim3A_108 = vector.broadcast %broadcast_in_dim3A_107 : vector<1x128xi1> to vector<64x128xi1>
    %broadcast_in_dim3A_109 = vector.broadcast %jit3A_106 : f32 to vector<64x128xf32>
    %select_n3A_110 = arith.select %broadcast_in_dim3A_108, %get3A_105, %broadcast_in_dim3A_109 : vector<64x128xi1>, vector<64x128xf32>
    %reduce_sum3A_111 = arith.constant dense<0.000000e+00> : vector<64xf32>
    %reduce_sum3A_112 = vector.multi_reduction <add>, %select_n3A_110, %reduce_sum3A_111 [1] : vector<64x128xf32> to vector<64xf32>
    %broadcast_in_dim3A_113 = vector.shape_cast %reduce_sum3A_112 : vector<64xf32> to vector<64x1xf32>
    %mul3A_114 = arith.mulf %broadcast_in_dim3A_87, %broadcast_in_dim3A_100 : vector<64x1xf32>
    %reduce_sum3A_115 = vector.shape_cast %mul3A_114 : vector<64x1xf32> to vector<1x64x1xf32>
    %reduce_sum3A_116 = arith.constant dense<0.000000e+00> : vector<1xf32>
    %reduce_sum3A_117 = vector.multi_reduction <add>, %reduce_sum3A_115, %reduce_sum3A_116 [1, 2] : vector<1x64x1xf32> to vector<1xf32>
    %reduce_sum3A_118 = vector.shape_cast %reduce_sum3A_117 : vector<1xf32> to vector<1x1x1xf32>
    %reduce_sum3A_119 = vector.extract %reduce_sum3A_118[0, 0, 0] : f32 from vector<1x1x1xf32>
    %reshape3A_120 = vector.broadcast %reduce_sum3A_119 : f32 to vector<1x1xf32>
    %mul3A_121 = arith.mulf %broadcast_in_dim3A_87, %broadcast_in_dim3A_113 : vector<64x1xf32>
    %reduce_sum3A_122 = vector.shape_cast %mul3A_121 : vector<64x1xf32> to vector<1x64x1xf32>
    %reduce_sum3A_123 = arith.constant dense<0.000000e+00> : vector<1xf32>
    %reduce_sum3A_124 = vector.multi_reduction <add>, %reduce_sum3A_122, %reduce_sum3A_123 [1, 2] : vector<1x64x1xf32> to vector<1xf32>
    %reduce_sum3A_125 = vector.shape_cast %reduce_sum3A_124 : vector<1xf32> to vector<1x1x1xf32>
    %reduce_sum3A_126 = vector.extract %reduce_sum3A_125[0, 0, 0] : f32 from vector<1x1x1xf32>
    %reshape3A_127 = vector.broadcast %reduce_sum3A_126 : f32 to vector<1x1xf32>
    %mul3A_128 = arith.constant 8 : i32
    %mul3A_129 = arith.muli %arg0, %mul3A_128 : i32
    %add3A_130 = arith.constant 2 : i32
    %add3A_131 = arith.addi %mul3A_129, %add3A_130 : i32
    %get3A_132 = arith.index_cast %add3A_131 : i32 to index
    %get3A_133 = memref.load %arg1[%get3A_132] : memref<512xi32, #tpu.memory_space<smem>>
    %and3A_134 = arith.constant 127 : i32
    %and3A_135 = arith.andi %get3A_133, %and3A_134 : i32
    %get3A_136 = arith.index_cast %add3A_131 : i32 to index
    %get3A_137 = memref.load %arg2[%get3A_136] : memref<512xi32, #tpu.memory_space<smem>>
    %and3A_138 = arith.constant 127 : i32
    %and3A_139 = arith.andi %get3A_137, %and3A_138 : i32
    %get3A_140 = arith.index_cast %add3A_131 : i32 to index
    %get3A_141 = memref.load %arg3[%get3A_140] : memref<512xi32, #tpu.memory_space<smem>>
    %and3A_142 = arith.constant 127 : i32
    %and3A_143 = arith.andi %get3A_141, %and3A_142 : i32
    %eq3A_144 = vector.broadcast %and3A_135 : i32 to vector<1x128xi32>
    %eq3A_145 = arith.cmpi eq, %iota3A, %eq3A_144 : vector<1x128xi32>
    %get3A_146 = arith.constant 0 : index
    %get3A_147 = arith.constant 0 : index
    %get3A_148 = vector.load %arg6[%get3A_146, %get3A_147] : memref<64x128xf32, #tpu.memory_space<vmem>>, vector<64x128xf32>
    %jit3A_149 = arith.constant 0.000000e+00 : f32
    %broadcast_in_dim3A_150 = vector.shape_cast %eq3A_145 : vector<1x128xi1> to vector<1x128xi1>
    %broadcast_in_dim3A_151 = vector.broadcast %broadcast_in_dim3A_150 : vector<1x128xi1> to vector<64x128xi1>
    %broadcast_in_dim3A_152 = vector.broadcast %jit3A_149 : f32 to vector<64x128xf32>
    %select_n3A_153 = arith.select %broadcast_in_dim3A_151, %get3A_148, %broadcast_in_dim3A_152 : vector<64x128xi1>, vector<64x128xf32>
    %reduce_sum3A_154 = arith.constant dense<0.000000e+00> : vector<64xf32>
    %reduce_sum3A_155 = vector.multi_reduction <add>, %select_n3A_153, %reduce_sum3A_154 [1] : vector<64x128xf32> to vector<64xf32>
    %broadcast_in_dim3A_156 = vector.shape_cast %reduce_sum3A_155 : vector<64xf32> to vector<64x1xf32>
    %eq3A_157 = vector.broadcast %and3A_139 : i32 to vector<1x128xi32>
    %eq3A_158 = arith.cmpi eq, %iota3A, %eq3A_157 : vector<1x128xi32>
    %get3A_159 = arith.constant 0 : index
    %get3A_160 = arith.constant 0 : index
    %get3A_161 = vector.load %arg14[%get3A_159, %get3A_160] : memref<64x128xf32, #tpu.memory_space<vmem>>, vector<64x128xf32>
    %jit3A_162 = arith.constant 0.000000e+00 : f32
    %broadcast_in_dim3A_163 = vector.shape_cast %eq3A_158 : vector<1x128xi1> to vector<1x128xi1>
    %broadcast_in_dim3A_164 = vector.broadcast %broadcast_in_dim3A_163 : vector<1x128xi1> to vector<64x128xi1>
    %broadcast_in_dim3A_165 = vector.broadcast %jit3A_162 : f32 to vector<64x128xf32>
    %select_n3A_166 = arith.select %broadcast_in_dim3A_164, %get3A_161, %broadcast_in_dim3A_165 : vector<64x128xi1>, vector<64x128xf32>
    %reduce_sum3A_167 = arith.constant dense<0.000000e+00> : vector<64xf32>
    %reduce_sum3A_168 = vector.multi_reduction <add>, %select_n3A_166, %reduce_sum3A_167 [1] : vector<64x128xf32> to vector<64xf32>
    %broadcast_in_dim3A_169 = vector.shape_cast %reduce_sum3A_168 : vector<64xf32> to vector<64x1xf32>
    %eq3A_170 = vector.broadcast %and3A_143 : i32 to vector<1x128xi32>
    %eq3A_171 = arith.cmpi eq, %iota3A, %eq3A_170 : vector<1x128xi32>
    %get3A_172 = arith.constant 0 : index
    %get3A_173 = arith.constant 0 : index
    %get3A_174 = vector.load %arg22[%get3A_172, %get3A_173] : memref<64x128xf32, #tpu.memory_space<vmem>>, vector<64x128xf32>
    %jit3A_175 = arith.constant 0.000000e+00 : f32
    %broadcast_in_dim3A_176 = vector.shape_cast %eq3A_171 : vector<1x128xi1> to vector<1x128xi1>
    %broadcast_in_dim3A_177 = vector.broadcast %broadcast_in_dim3A_176 : vector<1x128xi1> to vector<64x128xi1>
    %broadcast_in_dim3A_178 = vector.broadcast %jit3A_175 : f32 to vector<64x128xf32>
    %select_n3A_179 = arith.select %broadcast_in_dim3A_177, %get3A_174, %broadcast_in_dim3A_178 : vector<64x128xi1>, vector<64x128xf32>
    %reduce_sum3A_180 = arith.constant dense<0.000000e+00> : vector<64xf32>
    %reduce_sum3A_181 = vector.multi_reduction <add>, %select_n3A_179, %reduce_sum3A_180 [1] : vector<64x128xf32> to vector<64xf32>
    %broadcast_in_dim3A_182 = vector.shape_cast %reduce_sum3A_181 : vector<64xf32> to vector<64x1xf32>
    %mul3A_183 = arith.mulf %broadcast_in_dim3A_156, %broadcast_in_dim3A_169 : vector<64x1xf32>
    %reduce_sum3A_184 = vector.shape_cast %mul3A_183 : vector<64x1xf32> to vector<1x64x1xf32>
    %reduce_sum3A_185 = arith.constant dense<0.000000e+00> : vector<1xf32>
    %reduce_sum3A_186 = vector.multi_reduction <add>, %reduce_sum3A_184, %reduce_sum3A_185 [1, 2] : vector<1x64x1xf32> to vector<1xf32>
    %reduce_sum3A_187 = vector.shape_cast %reduce_sum3A_186 : vector<1xf32> to vector<1x1x1xf32>
    %reduce_sum3A_188 = vector.extract %reduce_sum3A_187[0, 0, 0] : f32 from vector<1x1x1xf32>
    %reshape3A_189 = vector.broadcast %reduce_sum3A_188 : f32 to vector<1x1xf32>
    %mul3A_190 = arith.mulf %broadcast_in_dim3A_156, %broadcast_in_dim3A_182 : vector<64x1xf32>
    %reduce_sum3A_191 = vector.shape_cast %mul3A_190 : vector<64x1xf32> to vector<1x64x1xf32>
    %reduce_sum3A_192 = arith.constant dense<0.000000e+00> : vector<1xf32>
    %reduce_sum3A_193 = vector.multi_reduction <add>, %reduce_sum3A_191, %reduce_sum3A_192 [1, 2] : vector<1x64x1xf32> to vector<1xf32>
    %reduce_sum3A_194 = vector.shape_cast %reduce_sum3A_193 : vector<1xf32> to vector<1x1x1xf32>
    %reduce_sum3A_195 = vector.extract %reduce_sum3A_194[0, 0, 0] : f32 from vector<1x1x1xf32>
    %reshape3A_196 = vector.broadcast %reduce_sum3A_195 : f32 to vector<1x1xf32>
    %mul3A_197 = arith.constant 8 : i32
    %mul3A_198 = arith.muli %arg0, %mul3A_197 : i32
    %add3A_199 = arith.constant 3 : i32
    %add3A_200 = arith.addi %mul3A_198, %add3A_199 : i32
    %get3A_201 = arith.index_cast %add3A_200 : i32 to index
    %get3A_202 = memref.load %arg1[%get3A_201] : memref<512xi32, #tpu.memory_space<smem>>
    %and3A_203 = arith.constant 127 : i32
    %and3A_204 = arith.andi %get3A_202, %and3A_203 : i32
    %get3A_205 = arith.index_cast %add3A_200 : i32 to index
    %get3A_206 = memref.load %arg2[%get3A_205] : memref<512xi32, #tpu.memory_space<smem>>
    %and3A_207 = arith.constant 127 : i32
    %and3A_208 = arith.andi %get3A_206, %and3A_207 : i32
    %get3A_209 = arith.index_cast %add3A_200 : i32 to index
    %get3A_210 = memref.load %arg3[%get3A_209] : memref<512xi32, #tpu.memory_space<smem>>
    %and3A_211 = arith.constant 127 : i32
    %and3A_212 = arith.andi %get3A_210, %and3A_211 : i32
    %eq3A_213 = vector.broadcast %and3A_204 : i32 to vector<1x128xi32>
    %eq3A_214 = arith.cmpi eq, %iota3A, %eq3A_213 : vector<1x128xi32>
    %get3A_215 = arith.constant 0 : index
    %get3A_216 = arith.constant 0 : index
    %get3A_217 = vector.load %arg7[%get3A_215, %get3A_216] : memref<64x128xf32, #tpu.memory_space<vmem>>, vector<64x128xf32>
    %jit3A_218 = arith.constant 0.000000e+00 : f32
    %broadcast_in_dim3A_219 = vector.shape_cast %eq3A_214 : vector<1x128xi1> to vector<1x128xi1>
    %broadcast_in_dim3A_220 = vector.broadcast %broadcast_in_dim3A_219 : vector<1x128xi1> to vector<64x128xi1>
    %broadcast_in_dim3A_221 = vector.broadcast %jit3A_218 : f32 to vector<64x128xf32>
    %select_n3A_222 = arith.select %broadcast_in_dim3A_220, %get3A_217, %broadcast_in_dim3A_221 : vector<64x128xi1>, vector<64x128xf32>
    %reduce_sum3A_223 = arith.constant dense<0.000000e+00> : vector<64xf32>
    %reduce_sum3A_224 = vector.multi_reduction <add>, %select_n3A_222, %reduce_sum3A_223 [1] : vector<64x128xf32> to vector<64xf32>
    %broadcast_in_dim3A_225 = vector.shape_cast %reduce_sum3A_224 : vector<64xf32> to vector<64x1xf32>
    %eq3A_226 = vector.broadcast %and3A_208 : i32 to vector<1x128xi32>
    %eq3A_227 = arith.cmpi eq, %iota3A, %eq3A_226 : vector<1x128xi32>
    %get3A_228 = arith.constant 0 : index
    %get3A_229 = arith.constant 0 : index
    %get3A_230 = vector.load %arg15[%get3A_228, %get3A_229] : memref<64x128xf32, #tpu.memory_space<vmem>>, vector<64x128xf32>
    %jit3A_231 = arith.constant 0.000000e+00 : f32
    %broadcast_in_dim3A_232 = vector.shape_cast %eq3A_227 : vector<1x128xi1> to vector<1x128xi1>
    %broadcast_in_dim3A_233 = vector.broadcast %broadcast_in_dim3A_232 : vector<1x128xi1> to vector<64x128xi1>
    %broadcast_in_dim3A_234 = vector.broadcast %jit3A_231 : f32 to vector<64x128xf32>
    %select_n3A_235 = arith.select %broadcast_in_dim3A_233, %get3A_230, %broadcast_in_dim3A_234 : vector<64x128xi1>, vector<64x128xf32>
    %reduce_sum3A_236 = arith.constant dense<0.000000e+00> : vector<64xf32>
    %reduce_sum3A_237 = vector.multi_reduction <add>, %select_n3A_235, %reduce_sum3A_236 [1] : vector<64x128xf32> to vector<64xf32>
    %broadcast_in_dim3A_238 = vector.shape_cast %reduce_sum3A_237 : vector<64xf32> to vector<64x1xf32>
    %eq3A_239 = vector.broadcast %and3A_212 : i32 to vector<1x128xi32>
    %eq3A_240 = arith.cmpi eq, %iota3A, %eq3A_239 : vector<1x128xi32>
    %get3A_241 = arith.constant 0 : index
    %get3A_242 = arith.constant 0 : index
    %get3A_243 = vector.load %arg23[%get3A_241, %get3A_242] : memref<64x128xf32, #tpu.memory_space<vmem>>, vector<64x128xf32>
    %jit3A_244 = arith.constant 0.000000e+00 : f32
    %broadcast_in_dim3A_245 = vector.shape_cast %eq3A_240 : vector<1x128xi1> to vector<1x128xi1>
    %broadcast_in_dim3A_246 = vector.broadcast %broadcast_in_dim3A_245 : vector<1x128xi1> to vector<64x128xi1>
    %broadcast_in_dim3A_247 = vector.broadcast %jit3A_244 : f32 to vector<64x128xf32>
    %select_n3A_248 = arith.select %broadcast_in_dim3A_246, %get3A_243, %broadcast_in_dim3A_247 : vector<64x128xi1>, vector<64x128xf32>
    %reduce_sum3A_249 = arith.constant dense<0.000000e+00> : vector<64xf32>
    %reduce_sum3A_250 = vector.multi_reduction <add>, %select_n3A_248, %reduce_sum3A_249 [1] : vector<64x128xf32> to vector<64xf32>
    %broadcast_in_dim3A_251 = vector.shape_cast %reduce_sum3A_250 : vector<64xf32> to vector<64x1xf32>
    %mul3A_252 = arith.mulf %broadcast_in_dim3A_225, %broadcast_in_dim3A_238 : vector<64x1xf32>
    %reduce_sum3A_253 = vector.shape_cast %mul3A_252 : vector<64x1xf32> to vector<1x64x1xf32>
    %reduce_sum3A_254 = arith.constant dense<0.000000e+00> : vector<1xf32>
    %reduce_sum3A_255 = vector.multi_reduction <add>, %reduce_sum3A_253, %reduce_sum3A_254 [1, 2] : vector<1x64x1xf32> to vector<1xf32>
    %reduce_sum3A_256 = vector.shape_cast %reduce_sum3A_255 : vector<1xf32> to vector<1x1x1xf32>
    %reduce_sum3A_257 = vector.extract %reduce_sum3A_256[0, 0, 0] : f32 from vector<1x1x1xf32>
    %reshape3A_258 = vector.broadcast %reduce_sum3A_257 : f32 to vector<1x1xf32>
    %mul3A_259 = arith.mulf %broadcast_in_dim3A_225, %broadcast_in_dim3A_251 : vector<64x1xf32>
    %reduce_sum3A_260 = vector.shape_cast %mul3A_259 : vector<64x1xf32> to vector<1x64x1xf32>
    %reduce_sum3A_261 = arith.constant dense<0.000000e+00> : vector<1xf32>
    %reduce_sum3A_262 = vector.multi_reduction <add>, %reduce_sum3A_260, %reduce_sum3A_261 [1, 2] : vector<1x64x1xf32> to vector<1xf32>
    %reduce_sum3A_263 = vector.shape_cast %reduce_sum3A_262 : vector<1xf32> to vector<1x1x1xf32>
    %reduce_sum3A_264 = vector.extract %reduce_sum3A_263[0, 0, 0] : f32 from vector<1x1x1xf32>
    %reshape3A_265 = vector.broadcast %reduce_sum3A_264 : f32 to vector<1x1xf32>
    %mul3A_266 = arith.constant 8 : i32
    %mul3A_267 = arith.muli %arg0, %mul3A_266 : i32
    %add3A_268 = arith.constant 4 : i32
    %add3A_269 = arith.addi %mul3A_267, %add3A_268 : i32
    %get3A_270 = arith.index_cast %add3A_269 : i32 to index
    %get3A_271 = memref.load %arg1[%get3A_270] : memref<512xi32, #tpu.memory_space<smem>>
    %and3A_272 = arith.constant 127 : i32
    %and3A_273 = arith.andi %get3A_271, %and3A_272 : i32
    %get3A_274 = arith.index_cast %add3A_269 : i32 to index
    %get3A_275 = memref.load %arg2[%get3A_274] : memref<512xi32, #tpu.memory_space<smem>>
    %and3A_276 = arith.constant 127 : i32
    %and3A_277 = arith.andi %get3A_275, %and3A_276 : i32
    %get3A_278 = arith.index_cast %add3A_269 : i32 to index
    %get3A_279 = memref.load %arg3[%get3A_278] : memref<512xi32, #tpu.memory_space<smem>>
    %and3A_280 = arith.constant 127 : i32
    %and3A_281 = arith.andi %get3A_279, %and3A_280 : i32
    %eq3A_282 = vector.broadcast %and3A_273 : i32 to vector<1x128xi32>
    %eq3A_283 = arith.cmpi eq, %iota3A, %eq3A_282 : vector<1x128xi32>
    %get3A_284 = arith.constant 0 : index
    %get3A_285 = arith.constant 0 : index
    %get3A_286 = vector.load %arg8[%get3A_284, %get3A_285] : memref<64x128xf32, #tpu.memory_space<vmem>>, vector<64x128xf32>
    %jit3A_287 = arith.constant 0.000000e+00 : f32
    %broadcast_in_dim3A_288 = vector.shape_cast %eq3A_283 : vector<1x128xi1> to vector<1x128xi1>
    %broadcast_in_dim3A_289 = vector.broadcast %broadcast_in_dim3A_288 : vector<1x128xi1> to vector<64x128xi1>
    %broadcast_in_dim3A_290 = vector.broadcast %jit3A_287 : f32 to vector<64x128xf32>
    %select_n3A_291 = arith.select %broadcast_in_dim3A_289, %get3A_286, %broadcast_in_dim3A_290 : vector<64x128xi1>, vector<64x128xf32>
    %reduce_sum3A_292 = arith.constant dense<0.000000e+00> : vector<64xf32>
    %reduce_sum3A_293 = vector.multi_reduction <add>, %select_n3A_291, %reduce_sum3A_292 [1] : vector<64x128xf32> to vector<64xf32>
    %broadcast_in_dim3A_294 = vector.shape_cast %reduce_sum3A_293 : vector<64xf32> to vector<64x1xf32>
    %eq3A_295 = vector.broadcast %and3A_277 : i32 to vector<1x128xi32>
    %eq3A_296 = arith.cmpi eq, %iota3A, %eq3A_295 : vector<1x128xi32>
    %get3A_297 = arith.constant 0 : index
    %get3A_298 = arith.constant 0 : index
    %get3A_299 = vector.load %arg16[%get3A_297, %get3A_298] : memref<64x128xf32, #tpu.memory_space<vmem>>, vector<64x128xf32>
    %jit3A_300 = arith.constant 0.000000e+00 : f32
    %broadcast_in_dim3A_301 = vector.shape_cast %eq3A_296 : vector<1x128xi1> to vector<1x128xi1>
    %broadcast_in_dim3A_302 = vector.broadcast %broadcast_in_dim3A_301 : vector<1x128xi1> to vector<64x128xi1>
    %broadcast_in_dim3A_303 = vector.broadcast %jit3A_300 : f32 to vector<64x128xf32>
    %select_n3A_304 = arith.select %broadcast_in_dim3A_302, %get3A_299, %broadcast_in_dim3A_303 : vector<64x128xi1>, vector<64x128xf32>
    %reduce_sum3A_305 = arith.constant dense<0.000000e+00> : vector<64xf32>
    %reduce_sum3A_306 = vector.multi_reduction <add>, %select_n3A_304, %reduce_sum3A_305 [1] : vector<64x128xf32> to vector<64xf32>
    %broadcast_in_dim3A_307 = vector.shape_cast %reduce_sum3A_306 : vector<64xf32> to vector<64x1xf32>
    %eq3A_308 = vector.broadcast %and3A_281 : i32 to vector<1x128xi32>
    %eq3A_309 = arith.cmpi eq, %iota3A, %eq3A_308 : vector<1x128xi32>
    %get3A_310 = arith.constant 0 : index
    %get3A_311 = arith.constant 0 : index
    %get3A_312 = vector.load %arg24[%get3A_310, %get3A_311] : memref<64x128xf32, #tpu.memory_space<vmem>>, vector<64x128xf32>
    %jit3A_313 = arith.constant 0.000000e+00 : f32
    %broadcast_in_dim3A_314 = vector.shape_cast %eq3A_309 : vector<1x128xi1> to vector<1x128xi1>
    %broadcast_in_dim3A_315 = vector.broadcast %broadcast_in_dim3A_314 : vector<1x128xi1> to vector<64x128xi1>
    %broadcast_in_dim3A_316 = vector.broadcast %jit3A_313 : f32 to vector<64x128xf32>
    %select_n3A_317 = arith.select %broadcast_in_dim3A_315, %get3A_312, %broadcast_in_dim3A_316 : vector<64x128xi1>, vector<64x128xf32>
    %reduce_sum3A_318 = arith.constant dense<0.000000e+00> : vector<64xf32>
    %reduce_sum3A_319 = vector.multi_reduction <add>, %select_n3A_317, %reduce_sum3A_318 [1] : vector<64x128xf32> to vector<64xf32>
    %broadcast_in_dim3A_320 = vector.shape_cast %reduce_sum3A_319 : vector<64xf32> to vector<64x1xf32>
    %mul3A_321 = arith.mulf %broadcast_in_dim3A_294, %broadcast_in_dim3A_307 : vector<64x1xf32>
    %reduce_sum3A_322 = vector.shape_cast %mul3A_321 : vector<64x1xf32> to vector<1x64x1xf32>
    %reduce_sum3A_323 = arith.constant dense<0.000000e+00> : vector<1xf32>
    %reduce_sum3A_324 = vector.multi_reduction <add>, %reduce_sum3A_322, %reduce_sum3A_323 [1, 2] : vector<1x64x1xf32> to vector<1xf32>
    %reduce_sum3A_325 = vector.shape_cast %reduce_sum3A_324 : vector<1xf32> to vector<1x1x1xf32>
    %reduce_sum3A_326 = vector.extract %reduce_sum3A_325[0, 0, 0] : f32 from vector<1x1x1xf32>
    %reshape3A_327 = vector.broadcast %reduce_sum3A_326 : f32 to vector<1x1xf32>
    %mul3A_328 = arith.mulf %broadcast_in_dim3A_294, %broadcast_in_dim3A_320 : vector<64x1xf32>
    %reduce_sum3A_329 = vector.shape_cast %mul3A_328 : vector<64x1xf32> to vector<1x64x1xf32>
    %reduce_sum3A_330 = arith.constant dense<0.000000e+00> : vector<1xf32>
    %reduce_sum3A_331 = vector.multi_reduction <add>, %reduce_sum3A_329, %reduce_sum3A_330 [1, 2] : vector<1x64x1xf32> to vector<1xf32>
    %reduce_sum3A_332 = vector.shape_cast %reduce_sum3A_331 : vector<1xf32> to vector<1x1x1xf32>
    %reduce_sum3A_333 = vector.extract %reduce_sum3A_332[0, 0, 0] : f32 from vector<1x1x1xf32>
    %reshape3A_334 = vector.broadcast %reduce_sum3A_333 : f32 to vector<1x1xf32>
    %mul3A_335 = arith.constant 8 : i32
    %mul3A_336 = arith.muli %arg0, %mul3A_335 : i32
    %add3A_337 = arith.constant 5 : i32
    %add3A_338 = arith.addi %mul3A_336, %add3A_337 : i32
    %get3A_339 = arith.index_cast %add3A_338 : i32 to index
    %get3A_340 = memref.load %arg1[%get3A_339] : memref<512xi32, #tpu.memory_space<smem>>
    %and3A_341 = arith.constant 127 : i32
    %and3A_342 = arith.andi %get3A_340, %and3A_341 : i32
    %get3A_343 = arith.index_cast %add3A_338 : i32 to index
    %get3A_344 = memref.load %arg2[%get3A_343] : memref<512xi32, #tpu.memory_space<smem>>
    %and3A_345 = arith.constant 127 : i32
    %and3A_346 = arith.andi %get3A_344, %and3A_345 : i32
    %get3A_347 = arith.index_cast %add3A_338 : i32 to index
    %get3A_348 = memref.load %arg3[%get3A_347] : memref<512xi32, #tpu.memory_space<smem>>
    %and3A_349 = arith.constant 127 : i32
    %and3A_350 = arith.andi %get3A_348, %and3A_349 : i32
    %eq3A_351 = vector.broadcast %and3A_342 : i32 to vector<1x128xi32>
    %eq3A_352 = arith.cmpi eq, %iota3A, %eq3A_351 : vector<1x128xi32>
    %get3A_353 = arith.constant 0 : index
    %get3A_354 = arith.constant 0 : index
    %get3A_355 = vector.load %arg9[%get3A_353, %get3A_354] : memref<64x128xf32, #tpu.memory_space<vmem>>, vector<64x128xf32>
    %jit3A_356 = arith.constant 0.000000e+00 : f32
    %broadcast_in_dim3A_357 = vector.shape_cast %eq3A_352 : vector<1x128xi1> to vector<1x128xi1>
    %broadcast_in_dim3A_358 = vector.broadcast %broadcast_in_dim3A_357 : vector<1x128xi1> to vector<64x128xi1>
    %broadcast_in_dim3A_359 = vector.broadcast %jit3A_356 : f32 to vector<64x128xf32>
    %select_n3A_360 = arith.select %broadcast_in_dim3A_358, %get3A_355, %broadcast_in_dim3A_359 : vector<64x128xi1>, vector<64x128xf32>
    %reduce_sum3A_361 = arith.constant dense<0.000000e+00> : vector<64xf32>
    %reduce_sum3A_362 = vector.multi_reduction <add>, %select_n3A_360, %reduce_sum3A_361 [1] : vector<64x128xf32> to vector<64xf32>
    %broadcast_in_dim3A_363 = vector.shape_cast %reduce_sum3A_362 : vector<64xf32> to vector<64x1xf32>
    %eq3A_364 = vector.broadcast %and3A_346 : i32 to vector<1x128xi32>
    %eq3A_365 = arith.cmpi eq, %iota3A, %eq3A_364 : vector<1x128xi32>
    %get3A_366 = arith.constant 0 : index
    %get3A_367 = arith.constant 0 : index
    %get3A_368 = vector.load %arg17[%get3A_366, %get3A_367] : memref<64x128xf32, #tpu.memory_space<vmem>>, vector<64x128xf32>
    %jit3A_369 = arith.constant 0.000000e+00 : f32
    %broadcast_in_dim3A_370 = vector.shape_cast %eq3A_365 : vector<1x128xi1> to vector<1x128xi1>
    %broadcast_in_dim3A_371 = vector.broadcast %broadcast_in_dim3A_370 : vector<1x128xi1> to vector<64x128xi1>
    %broadcast_in_dim3A_372 = vector.broadcast %jit3A_369 : f32 to vector<64x128xf32>
    %select_n3A_373 = arith.select %broadcast_in_dim3A_371, %get3A_368, %broadcast_in_dim3A_372 : vector<64x128xi1>, vector<64x128xf32>
    %reduce_sum3A_374 = arith.constant dense<0.000000e+00> : vector<64xf32>
    %reduce_sum3A_375 = vector.multi_reduction <add>, %select_n3A_373, %reduce_sum3A_374 [1] : vector<64x128xf32> to vector<64xf32>
    %broadcast_in_dim3A_376 = vector.shape_cast %reduce_sum3A_375 : vector<64xf32> to vector<64x1xf32>
    %eq3A_377 = vector.broadcast %and3A_350 : i32 to vector<1x128xi32>
    %eq3A_378 = arith.cmpi eq, %iota3A, %eq3A_377 : vector<1x128xi32>
    %get3A_379 = arith.constant 0 : index
    %get3A_380 = arith.constant 0 : index
    %get3A_381 = vector.load %arg25[%get3A_379, %get3A_380] : memref<64x128xf32, #tpu.memory_space<vmem>>, vector<64x128xf32>
    %jit3A_382 = arith.constant 0.000000e+00 : f32
    %broadcast_in_dim3A_383 = vector.shape_cast %eq3A_378 : vector<1x128xi1> to vector<1x128xi1>
    %broadcast_in_dim3A_384 = vector.broadcast %broadcast_in_dim3A_383 : vector<1x128xi1> to vector<64x128xi1>
    %broadcast_in_dim3A_385 = vector.broadcast %jit3A_382 : f32 to vector<64x128xf32>
    %select_n3A_386 = arith.select %broadcast_in_dim3A_384, %get3A_381, %broadcast_in_dim3A_385 : vector<64x128xi1>, vector<64x128xf32>
    %reduce_sum3A_387 = arith.constant dense<0.000000e+00> : vector<64xf32>
    %reduce_sum3A_388 = vector.multi_reduction <add>, %select_n3A_386, %reduce_sum3A_387 [1] : vector<64x128xf32> to vector<64xf32>
    %broadcast_in_dim3A_389 = vector.shape_cast %reduce_sum3A_388 : vector<64xf32> to vector<64x1xf32>
    %mul3A_390 = arith.mulf %broadcast_in_dim3A_363, %broadcast_in_dim3A_376 : vector<64x1xf32>
    %reduce_sum3A_391 = vector.shape_cast %mul3A_390 : vector<64x1xf32> to vector<1x64x1xf32>
    %reduce_sum3A_392 = arith.constant dense<0.000000e+00> : vector<1xf32>
    %reduce_sum3A_393 = vector.multi_reduction <add>, %reduce_sum3A_391, %reduce_sum3A_392 [1, 2] : vector<1x64x1xf32> to vector<1xf32>
    %reduce_sum3A_394 = vector.shape_cast %reduce_sum3A_393 : vector<1xf32> to vector<1x1x1xf32>
    %reduce_sum3A_395 = vector.extract %reduce_sum3A_394[0, 0, 0] : f32 from vector<1x1x1xf32>
    %reshape3A_396 = vector.broadcast %reduce_sum3A_395 : f32 to vector<1x1xf32>
    %mul3A_397 = arith.mulf %broadcast_in_dim3A_363, %broadcast_in_dim3A_389 : vector<64x1xf32>
    %reduce_sum3A_398 = vector.shape_cast %mul3A_397 : vector<64x1xf32> to vector<1x64x1xf32>
    %reduce_sum3A_399 = arith.constant dense<0.000000e+00> : vector<1xf32>
    %reduce_sum3A_400 = vector.multi_reduction <add>, %reduce_sum3A_398, %reduce_sum3A_399 [1, 2] : vector<1x64x1xf32> to vector<1xf32>
    %reduce_sum3A_401 = vector.shape_cast %reduce_sum3A_400 : vector<1xf32> to vector<1x1x1xf32>
    %reduce_sum3A_402 = vector.extract %reduce_sum3A_401[0, 0, 0] : f32 from vector<1x1x1xf32>
    %reshape3A_403 = vector.broadcast %reduce_sum3A_402 : f32 to vector<1x1xf32>
    %mul3A_404 = arith.constant 8 : i32
    %mul3A_405 = arith.muli %arg0, %mul3A_404 : i32
    %add3A_406 = arith.constant 6 : i32
    %add3A_407 = arith.addi %mul3A_405, %add3A_406 : i32
    %get3A_408 = arith.index_cast %add3A_407 : i32 to index
    %get3A_409 = memref.load %arg1[%get3A_408] : memref<512xi32, #tpu.memory_space<smem>>
    %and3A_410 = arith.constant 127 : i32
    %and3A_411 = arith.andi %get3A_409, %and3A_410 : i32
    %get3A_412 = arith.index_cast %add3A_407 : i32 to index
    %get3A_413 = memref.load %arg2[%get3A_412] : memref<512xi32, #tpu.memory_space<smem>>
    %and3A_414 = arith.constant 127 : i32
    %and3A_415 = arith.andi %get3A_413, %and3A_414 : i32
    %get3A_416 = arith.index_cast %add3A_407 : i32 to index
    %get3A_417 = memref.load %arg3[%get3A_416] : memref<512xi32, #tpu.memory_space<smem>>
    %and3A_418 = arith.constant 127 : i32
    %and3A_419 = arith.andi %get3A_417, %and3A_418 : i32
    %eq3A_420 = vector.broadcast %and3A_411 : i32 to vector<1x128xi32>
    %eq3A_421 = arith.cmpi eq, %iota3A, %eq3A_420 : vector<1x128xi32>
    %get3A_422 = arith.constant 0 : index
    %get3A_423 = arith.constant 0 : index
    %get3A_424 = vector.load %arg10[%get3A_422, %get3A_423] : memref<64x128xf32, #tpu.memory_space<vmem>>, vector<64x128xf32>
    %jit3A_425 = arith.constant 0.000000e+00 : f32
    %broadcast_in_dim3A_426 = vector.shape_cast %eq3A_421 : vector<1x128xi1> to vector<1x128xi1>
    %broadcast_in_dim3A_427 = vector.broadcast %broadcast_in_dim3A_426 : vector<1x128xi1> to vector<64x128xi1>
    %broadcast_in_dim3A_428 = vector.broadcast %jit3A_425 : f32 to vector<64x128xf32>
    %select_n3A_429 = arith.select %broadcast_in_dim3A_427, %get3A_424, %broadcast_in_dim3A_428 : vector<64x128xi1>, vector<64x128xf32>
    %reduce_sum3A_430 = arith.constant dense<0.000000e+00> : vector<64xf32>
    %reduce_sum3A_431 = vector.multi_reduction <add>, %select_n3A_429, %reduce_sum3A_430 [1] : vector<64x128xf32> to vector<64xf32>
    %broadcast_in_dim3A_432 = vector.shape_cast %reduce_sum3A_431 : vector<64xf32> to vector<64x1xf32>
    %eq3A_433 = vector.broadcast %and3A_415 : i32 to vector<1x128xi32>
    %eq3A_434 = arith.cmpi eq, %iota3A, %eq3A_433 : vector<1x128xi32>
    %get3A_435 = arith.constant 0 : index
    %get3A_436 = arith.constant 0 : index
    %get3A_437 = vector.load %arg18[%get3A_435, %get3A_436] : memref<64x128xf32, #tpu.memory_space<vmem>>, vector<64x128xf32>
    %jit3A_438 = arith.constant 0.000000e+00 : f32
    %broadcast_in_dim3A_439 = vector.shape_cast %eq3A_434 : vector<1x128xi1> to vector<1x128xi1>
    %broadcast_in_dim3A_440 = vector.broadcast %broadcast_in_dim3A_439 : vector<1x128xi1> to vector<64x128xi1>
    %broadcast_in_dim3A_441 = vector.broadcast %jit3A_438 : f32 to vector<64x128xf32>
    %select_n3A_442 = arith.select %broadcast_in_dim3A_440, %get3A_437, %broadcast_in_dim3A_441 : vector<64x128xi1>, vector<64x128xf32>
    %reduce_sum3A_443 = arith.constant dense<0.000000e+00> : vector<64xf32>
    %reduce_sum3A_444 = vector.multi_reduction <add>, %select_n3A_442, %reduce_sum3A_443 [1] : vector<64x128xf32> to vector<64xf32>
    %broadcast_in_dim3A_445 = vector.shape_cast %reduce_sum3A_444 : vector<64xf32> to vector<64x1xf32>
    %eq3A_446 = vector.broadcast %and3A_419 : i32 to vector<1x128xi32>
    %eq3A_447 = arith.cmpi eq, %iota3A, %eq3A_446 : vector<1x128xi32>
    %get3A_448 = arith.constant 0 : index
    %get3A_449 = arith.constant 0 : index
    %get3A_450 = vector.load %arg26[%get3A_448, %get3A_449] : memref<64x128xf32, #tpu.memory_space<vmem>>, vector<64x128xf32>
    %jit3A_451 = arith.constant 0.000000e+00 : f32
    %broadcast_in_dim3A_452 = vector.shape_cast %eq3A_447 : vector<1x128xi1> to vector<1x128xi1>
    %broadcast_in_dim3A_453 = vector.broadcast %broadcast_in_dim3A_452 : vector<1x128xi1> to vector<64x128xi1>
    %broadcast_in_dim3A_454 = vector.broadcast %jit3A_451 : f32 to vector<64x128xf32>
    %select_n3A_455 = arith.select %broadcast_in_dim3A_453, %get3A_450, %broadcast_in_dim3A_454 : vector<64x128xi1>, vector<64x128xf32>
    %reduce_sum3A_456 = arith.constant dense<0.000000e+00> : vector<64xf32>
    %reduce_sum3A_457 = vector.multi_reduction <add>, %select_n3A_455, %reduce_sum3A_456 [1] : vector<64x128xf32> to vector<64xf32>
    %broadcast_in_dim3A_458 = vector.shape_cast %reduce_sum3A_457 : vector<64xf32> to vector<64x1xf32>
    %mul3A_459 = arith.mulf %broadcast_in_dim3A_432, %broadcast_in_dim3A_445 : vector<64x1xf32>
    %reduce_sum3A_460 = vector.shape_cast %mul3A_459 : vector<64x1xf32> to vector<1x64x1xf32>
    %reduce_sum3A_461 = arith.constant dense<0.000000e+00> : vector<1xf32>
    %reduce_sum3A_462 = vector.multi_reduction <add>, %reduce_sum3A_460, %reduce_sum3A_461 [1, 2] : vector<1x64x1xf32> to vector<1xf32>
    %reduce_sum3A_463 = vector.shape_cast %reduce_sum3A_462 : vector<1xf32> to vector<1x1x1xf32>
    %reduce_sum3A_464 = vector.extract %reduce_sum3A_463[0, 0, 0] : f32 from vector<1x1x1xf32>
    %reshape3A_465 = vector.broadcast %reduce_sum3A_464 : f32 to vector<1x1xf32>
    %mul3A_466 = arith.mulf %broadcast_in_dim3A_432, %broadcast_in_dim3A_458 : vector<64x1xf32>
    %reduce_sum3A_467 = vector.shape_cast %mul3A_466 : vector<64x1xf32> to vector<1x64x1xf32>
    %reduce_sum3A_468 = arith.constant dense<0.000000e+00> : vector<1xf32>
    %reduce_sum3A_469 = vector.multi_reduction <add>, %reduce_sum3A_467, %reduce_sum3A_468 [1, 2] : vector<1x64x1xf32> to vector<1xf32>
    %reduce_sum3A_470 = vector.shape_cast %reduce_sum3A_469 : vector<1xf32> to vector<1x1x1xf32>
    %reduce_sum3A_471 = vector.extract %reduce_sum3A_470[0, 0, 0] : f32 from vector<1x1x1xf32>
    %reshape3A_472 = vector.broadcast %reduce_sum3A_471 : f32 to vector<1x1xf32>
    %mul3A_473 = arith.constant 8 : i32
    %mul3A_474 = arith.muli %arg0, %mul3A_473 : i32
    %add3A_475 = arith.constant 7 : i32
    %add3A_476 = arith.addi %mul3A_474, %add3A_475 : i32
    %get3A_477 = arith.index_cast %add3A_476 : i32 to index
    %get3A_478 = memref.load %arg1[%get3A_477] : memref<512xi32, #tpu.memory_space<smem>>
    %and3A_479 = arith.constant 127 : i32
    %and3A_480 = arith.andi %get3A_478, %and3A_479 : i32
    %get3A_481 = arith.index_cast %add3A_476 : i32 to index
    %get3A_482 = memref.load %arg2[%get3A_481] : memref<512xi32, #tpu.memory_space<smem>>
    %and3A_483 = arith.constant 127 : i32
    %and3A_484 = arith.andi %get3A_482, %and3A_483 : i32
    %get3A_485 = arith.index_cast %add3A_476 : i32 to index
    %get3A_486 = memref.load %arg3[%get3A_485] : memref<512xi32, #tpu.memory_space<smem>>
    %and3A_487 = arith.constant 127 : i32
    %and3A_488 = arith.andi %get3A_486, %and3A_487 : i32
    %eq3A_489 = vector.broadcast %and3A_480 : i32 to vector<1x128xi32>
    %eq3A_490 = arith.cmpi eq, %iota3A, %eq3A_489 : vector<1x128xi32>
    %get3A_491 = arith.constant 0 : index
    %get3A_492 = arith.constant 0 : index
    %get3A_493 = vector.load %arg11[%get3A_491, %get3A_492] : memref<64x128xf32, #tpu.memory_space<vmem>>, vector<64x128xf32>
    %jit3A_494 = arith.constant 0.000000e+00 : f32
    %broadcast_in_dim3A_495 = vector.shape_cast %eq3A_490 : vector<1x128xi1> to vector<1x128xi1>
    %broadcast_in_dim3A_496 = vector.broadcast %broadcast_in_dim3A_495 : vector<1x128xi1> to vector<64x128xi1>
    %broadcast_in_dim3A_497 = vector.broadcast %jit3A_494 : f32 to vector<64x128xf32>
    %select_n3A_498 = arith.select %broadcast_in_dim3A_496, %get3A_493, %broadcast_in_dim3A_497 : vector<64x128xi1>, vector<64x128xf32>
    %reduce_sum3A_499 = arith.constant dense<0.000000e+00> : vector<64xf32>
    %reduce_sum3A_500 = vector.multi_reduction <add>, %select_n3A_498, %reduce_sum3A_499 [1] : vector<64x128xf32> to vector<64xf32>
    %broadcast_in_dim3A_501 = vector.shape_cast %reduce_sum3A_500 : vector<64xf32> to vector<64x1xf32>
    %eq3A_502 = vector.broadcast %and3A_484 : i32 to vector<1x128xi32>
    %eq3A_503 = arith.cmpi eq, %iota3A, %eq3A_502 : vector<1x128xi32>
    %get3A_504 = arith.constant 0 : index
    %get3A_505 = arith.constant 0 : index
    %get3A_506 = vector.load %arg19[%get3A_504, %get3A_505] : memref<64x128xf32, #tpu.memory_space<vmem>>, vector<64x128xf32>
    %jit3A_507 = arith.constant 0.000000e+00 : f32
    %broadcast_in_dim3A_508 = vector.shape_cast %eq3A_503 : vector<1x128xi1> to vector<1x128xi1>
    %broadcast_in_dim3A_509 = vector.broadcast %broadcast_in_dim3A_508 : vector<1x128xi1> to vector<64x128xi1>
    %broadcast_in_dim3A_510 = vector.broadcast %jit3A_507 : f32 to vector<64x128xf32>
    %select_n3A_511 = arith.select %broadcast_in_dim3A_509, %get3A_506, %broadcast_in_dim3A_510 : vector<64x128xi1>, vector<64x128xf32>
    %reduce_sum3A_512 = arith.constant dense<0.000000e+00> : vector<64xf32>
    %reduce_sum3A_513 = vector.multi_reduction <add>, %select_n3A_511, %reduce_sum3A_512 [1] : vector<64x128xf32> to vector<64xf32>
    %broadcast_in_dim3A_514 = vector.shape_cast %reduce_sum3A_513 : vector<64xf32> to vector<64x1xf32>
    %eq3A_515 = vector.broadcast %and3A_488 : i32 to vector<1x128xi32>
    %eq3A_516 = arith.cmpi eq, %iota3A, %eq3A_515 : vector<1x128xi32>
    %get3A_517 = arith.constant 0 : index
    %get3A_518 = arith.constant 0 : index
    %get3A_519 = vector.load %arg27[%get3A_517, %get3A_518] : memref<64x128xf32, #tpu.memory_space<vmem>>, vector<64x128xf32>
    %jit3A_520 = arith.constant 0.000000e+00 : f32
    %broadcast_in_dim3A_521 = vector.shape_cast %eq3A_516 : vector<1x128xi1> to vector<1x128xi1>
    %broadcast_in_dim3A_522 = vector.broadcast %broadcast_in_dim3A_521 : vector<1x128xi1> to vector<64x128xi1>
    %broadcast_in_dim3A_523 = vector.broadcast %jit3A_520 : f32 to vector<64x128xf32>
    %select_n3A_524 = arith.select %broadcast_in_dim3A_522, %get3A_519, %broadcast_in_dim3A_523 : vector<64x128xi1>, vector<64x128xf32>
    %reduce_sum3A_525 = arith.constant dense<0.000000e+00> : vector<64xf32>
    %reduce_sum3A_526 = vector.multi_reduction <add>, %select_n3A_524, %reduce_sum3A_525 [1] : vector<64x128xf32> to vector<64xf32>
    %broadcast_in_dim3A_527 = vector.shape_cast %reduce_sum3A_526 : vector<64xf32> to vector<64x1xf32>
    %mul3A_528 = arith.mulf %broadcast_in_dim3A_501, %broadcast_in_dim3A_514 : vector<64x1xf32>
    %reduce_sum3A_529 = vector.shape_cast %mul3A_528 : vector<64x1xf32> to vector<1x64x1xf32>
    %reduce_sum3A_530 = arith.constant dense<0.000000e+00> : vector<1xf32>
    %reduce_sum3A_531 = vector.multi_reduction <add>, %reduce_sum3A_529, %reduce_sum3A_530 [1, 2] : vector<1x64x1xf32> to vector<1xf32>
    %reduce_sum3A_532 = vector.shape_cast %reduce_sum3A_531 : vector<1xf32> to vector<1x1x1xf32>
    %reduce_sum3A_533 = vector.extract %reduce_sum3A_532[0, 0, 0] : f32 from vector<1x1x1xf32>
    %reshape3A_534 = vector.broadcast %reduce_sum3A_533 : f32 to vector<1x1xf32>
    %mul3A_535 = arith.mulf %broadcast_in_dim3A_501, %broadcast_in_dim3A_527 : vector<64x1xf32>
    %reduce_sum3A_536 = vector.shape_cast %mul3A_535 : vector<64x1xf32> to vector<1x64x1xf32>
    %reduce_sum3A_537 = arith.constant dense<0.000000e+00> : vector<1xf32>
    %reduce_sum3A_538 = vector.multi_reduction <add>, %reduce_sum3A_536, %reduce_sum3A_537 [1, 2] : vector<1x64x1xf32> to vector<1xf32>
    %reduce_sum3A_539 = vector.shape_cast %reduce_sum3A_538 : vector<1xf32> to vector<1x1x1xf32>
    %reduce_sum3A_540 = vector.extract %reduce_sum3A_539[0, 0, 0] : f32 from vector<1x1x1xf32>
    %reshape3A_541 = vector.broadcast %reduce_sum3A_540 : f32 to vector<1x1xf32>
    %concatenate3A = tpu.concatenate %reshape3A, %reshape3A_120, %reshape3A_189, %reshape3A_258, %reshape3A_327, %reshape3A_396, %reshape3A_465, %reshape3A_534 in 0 : vector<1x1xf32>, vector<1x1xf32>, vector<1x1xf32>, vector<1x1xf32>, vector<1x1xf32>, vector<1x1xf32>, vector<1x1xf32>, vector<1x1xf32> -> vector<8x1xf32>
    %swap3A = arith.constant 0 : index
    %swap3A_542 = arith.constant 0 : index
    %swap3A_543 = vector.load %arg28[%swap3A, %swap3A_542] : memref<8x1xf32, #tpu.memory_space<vmem>>, vector<8x1xf32>
    tpu.vector_store %arg28[%swap3A, %swap3A_542], %concatenate3A {strides = array<i32>} : memref<8x1xf32, #tpu.memory_space<vmem>>, vector<8x1xf32>,
    %concatenate3A_544 = tpu.concatenate %reshape3A_58, %reshape3A_127, %reshape3A_196, %reshape3A_265, %reshape3A_334, %reshape3A_403, %reshape3A_472, %reshape3A_541 in 0 : vector<1x1xf32>, vector<1x1xf32>, vector<1x1xf32>, vector<1x1xf32>, vector<1x1xf32>, vector<1x1xf32>, vector<1x1xf32>, vector<1x1xf32> -> vector<8x1xf32>
    %swap3A_545 = arith.constant 0 : index
    %swap3A_546 = arith.constant 0 : index
    %swap3A_547 = vector.load %arg29[%swap3A_545, %swap3A_546] : memref<8x1xf32, #tpu.memory_space<vmem>>, vector<8x1xf32>
    tpu.vector_store %arg29[%swap3A_545, %swap3A_546], %concatenate3A_544 {strides = array<i32>} : memref<8x1xf32, #tpu.memory_space<vmem>>, vector<8x1xf32>,
    return
  }
  func.func @transform_0(%arg0: i32, %arg1: memref<512xi32, #tpu.memory_space<smem>>, %arg2: memref<512xi32, #tpu.memory_space<smem>>, %arg3: memref<512xi32, #tpu.memory_space<smem>>) -> (i32, i32) {
    %mul3A = arith.constant 8 : i32
    %mul3A_0 = arith.muli %arg0, %mul3A : i32
    %add3A = arith.constant 0 : i32
    %add3A_1 = arith.addi %mul3A_0, %add3A : i32
    %get3A = arith.index_cast %add3A_1 : i32 to index
    %get3A_2 = memref.load %arg1[%get3A] : memref<512xi32, #tpu.memory_space<smem>>
    %jit3A = arith.constant 128 : i32
    %div3A = arith.divsi %get3A_2, %jit3A : i32
    %sign3A = arith.constant 0 : i32
    %sign3A_3 = arith.cmpi sgt, %get3A_2, %sign3A : i32
    %sign3A_4 = arith.extui %sign3A_3 : i1 to i32
    %sign3A_5 = arith.constant 0 : i32
    %sign3A_6 = arith.cmpi slt, %get3A_2, %sign3A_5 : i32
    %sign3A_7 = arith.extui %sign3A_6 : i1 to i32
    %sign3A_8 = arith.subi %sign3A_4, %sign3A_7 : i32
    %sign3A_9 = arith.constant 0 : i32
    %sign3A_10 = arith.cmpi sgt, %jit3A, %sign3A_9 : i32
    %sign3A_11 = arith.extui %sign3A_10 : i1 to i32
    %sign3A_12 = arith.constant 0 : i32
    %sign3A_13 = arith.cmpi slt, %jit3A, %sign3A_12 : i32
    %sign3A_14 = arith.extui %sign3A_13 : i1 to i32
    %sign3A_15 = arith.subi %sign3A_11, %sign3A_14 : i32
    %ne3A = arith.cmpi ne, %sign3A_8, %sign3A_15 : i32
    %rem3A = arith.remsi %get3A_2, %jit3A : i32
    %ne3A_16 = arith.constant 0 : i32
    %ne3A_17 = arith.cmpi ne, %rem3A, %ne3A_16 : i32
    %and3A = arith.andi %ne3A, %ne3A_17 : i1
    %sub3A = arith.constant 1 : i32
    %sub3A_18 = arith.subi %div3A, %sub3A : i32
    %select_n3A = arith.select %and3A, %sub3A_18, %div3A : i32
    %c0_i32 = arith.constant 0 : i32
    %c0_i32_19 = arith.constant 0 : i32
    return %c0_i32, %select_n3A : i32, i32
  }
  func.func @transform_1(%arg0: i32, %arg1: memref<512xi32, #tpu.memory_space<smem>>, %arg2: memref<512xi32, #tpu.memory_space<smem>>, %arg3: memref<512xi32, #tpu.memory_space<smem>>) -> (i32, i32) {
    %mul3A = arith.constant 8 : i32
    %mul3A_0 = arith.muli %arg0, %mul3A : i32
    %add3A = arith.constant 1 : i32
    %add3A_1 = arith.addi %mul3A_0, %add3A : i32
    %get3A = arith.index_cast %add3A_1 : i32 to index
    %get3A_2 = memref.load %arg1[%get3A] : memref<512xi32, #tpu.memory_space<smem>>
    %jit3A = arith.constant 128 : i32
    %div3A = arith.divsi %get3A_2, %jit3A : i32
    %sign3A = arith.constant 0 : i32
    %sign3A_3 = arith.cmpi sgt, %get3A_2, %sign3A : i32
    %sign3A_4 = arith.extui %sign3A_3 : i1 to i32
    %sign3A_5 = arith.constant 0 : i32
    %sign3A_6 = arith.cmpi slt, %get3A_2, %sign3A_5 : i32
    %sign3A_7 = arith.extui %sign3A_6 : i1 to i32
    %sign3A_8 = arith.subi %sign3A_4, %sign3A_7 : i32
    %sign3A_9 = arith.constant 0 : i32
    %sign3A_10 = arith.cmpi sgt, %jit3A, %sign3A_9 : i32
    %sign3A_11 = arith.extui %sign3A_10 : i1 to i32
    %sign3A_12 = arith.constant 0 : i32
    %sign3A_13 = arith.cmpi slt, %jit3A, %sign3A_12 : i32
    %sign3A_14 = arith.extui %sign3A_13 : i1 to i32
    %sign3A_15 = arith.subi %sign3A_11, %sign3A_14 : i32
    %ne3A = arith.cmpi ne, %sign3A_8, %sign3A_15 : i32
    %rem3A = arith.remsi %get3A_2, %jit3A : i32
    %ne3A_16 = arith.constant 0 : i32
    %ne3A_17 = arith.cmpi ne, %rem3A, %ne3A_16 : i32
    %and3A = arith.andi %ne3A, %ne3A_17 : i1
    %sub3A = arith.constant 1 : i32
    %sub3A_18 = arith.subi %div3A, %sub3A : i32
    %select_n3A = arith.select %and3A, %sub3A_18, %div3A : i32
    %c0_i32 = arith.constant 0 : i32
    %c0_i32_19 = arith.constant 0 : i32
    return %c0_i32, %select_n3A : i32, i32
  }
  func.func @transform_2(%arg0: i32, %arg1: memref<512xi32, #tpu.memory_space<smem>>, %arg2: memref<512xi32, #tpu.memory_space<smem>>, %arg3: memref<512xi32, #tpu.memory_space<smem>>) -> (i32, i32) {
    %mul3A = arith.constant 8 : i32
    %mul3A_0 = arith.muli %arg0, %mul3A : i32
    %add3A = arith.constant 2 : i32
    %add3A_1 = arith.addi %mul3A_0, %add3A : i32
    %get3A = arith.index_cast %add3A_1 : i32 to index
    %get3A_2 = memref.load %arg1[%get3A] : memref<512xi32, #tpu.memory_space<smem>>
    %jit3A = arith.constant 128 : i32
    %div3A = arith.divsi %get3A_2, %jit3A : i32
    %sign3A = arith.constant 0 : i32
    %sign3A_3 = arith.cmpi sgt, %get3A_2, %sign3A : i32
    %sign3A_4 = arith.extui %sign3A_3 : i1 to i32
    %sign3A_5 = arith.constant 0 : i32
    %sign3A_6 = arith.cmpi slt, %get3A_2, %sign3A_5 : i32
    %sign3A_7 = arith.extui %sign3A_6 : i1 to i32
    %sign3A_8 = arith.subi %sign3A_4, %sign3A_7 : i32
    %sign3A_9 = arith.constant 0 : i32
    %sign3A_10 = arith.cmpi sgt, %jit3A, %sign3A_9 : i32
    %sign3A_11 = arith.extui %sign3A_10 : i1 to i32
    %sign3A_12 = arith.constant 0 : i32
    %sign3A_13 = arith.cmpi slt, %jit3A, %sign3A_12 : i32
    %sign3A_14 = arith.extui %sign3A_13 : i1 to i32
    %sign3A_15 = arith.subi %sign3A_11, %sign3A_14 : i32
    %ne3A = arith.cmpi ne, %sign3A_8, %sign3A_15 : i32
    %rem3A = arith.remsi %get3A_2, %jit3A : i32
    %ne3A_16 = arith.constant 0 : i32
    %ne3A_17 = arith.cmpi ne, %rem3A, %ne3A_16 : i32
    %and3A = arith.andi %ne3A, %ne3A_17 : i1
    %sub3A = arith.constant 1 : i32
    %sub3A_18 = arith.subi %div3A, %sub3A : i32
    %select_n3A = arith.select %and3A, %sub3A_18, %div3A : i32
    %c0_i32 = arith.constant 0 : i32
    %c0_i32_19 = arith.constant 0 : i32
    return %c0_i32, %select_n3A : i32, i32
  }
  func.func @transform_3(%arg0: i32, %arg1: memref<512xi32, #tpu.memory_space<smem>>, %arg2: memref<512xi32, #tpu.memory_space<smem>>, %arg3: memref<512xi32, #tpu.memory_space<smem>>) -> (i32, i32) {
    %mul3A = arith.constant 8 : i32
    %mul3A_0 = arith.muli %arg0, %mul3A : i32
    %add3A = arith.constant 3 : i32
    %add3A_1 = arith.addi %mul3A_0, %add3A : i32
    %get3A = arith.index_cast %add3A_1 : i32 to index
    %get3A_2 = memref.load %arg1[%get3A] : memref<512xi32, #tpu.memory_space<smem>>
    %jit3A = arith.constant 128 : i32
    %div3A = arith.divsi %get3A_2, %jit3A : i32
    %sign3A = arith.constant 0 : i32
    %sign3A_3 = arith.cmpi sgt, %get3A_2, %sign3A : i32
    %sign3A_4 = arith.extui %sign3A_3 : i1 to i32
    %sign3A_5 = arith.constant 0 : i32
    %sign3A_6 = arith.cmpi slt, %get3A_2, %sign3A_5 : i32
    %sign3A_7 = arith.extui %sign3A_6 : i1 to i32
    %sign3A_8 = arith.subi %sign3A_4, %sign3A_7 : i32
    %sign3A_9 = arith.constant 0 : i32
    %sign3A_10 = arith.cmpi sgt, %jit3A, %sign3A_9 : i32
    %sign3A_11 = arith.extui %sign3A_10 : i1 to i32
    %sign3A_12 = arith.constant 0 : i32
    %sign3A_13 = arith.cmpi slt, %jit3A, %sign3A_12 : i32
    %sign3A_14 = arith.extui %sign3A_13 : i1 to i32
    %sign3A_15 = arith.subi %sign3A_11, %sign3A_14 : i32
    %ne3A = arith.cmpi ne, %sign3A_8, %sign3A_15 : i32
    %rem3A = arith.remsi %get3A_2, %jit3A : i32
    %ne3A_16 = arith.constant 0 : i32
    %ne3A_17 = arith.cmpi ne, %rem3A, %ne3A_16 : i32
    %and3A = arith.andi %ne3A, %ne3A_17 : i1
    %sub3A = arith.constant 1 : i32
    %sub3A_18 = arith.subi %div3A, %sub3A : i32
    %select_n3A = arith.select %and3A, %sub3A_18, %div3A : i32
    %c0_i32 = arith.constant 0 : i32
    %c0_i32_19 = arith.constant 0 : i32
    return %c0_i32, %select_n3A : i32, i32
  }
  func.func @transform_4(%arg0: i32, %arg1: memref<512xi32, #tpu.memory_space<smem>>, %arg2: memref<512xi32, #tpu.memory_space<smem>>, %arg3: memref<512xi32, #tpu.memory_space<smem>>) -> (i32, i32) {
    %mul3A = arith.constant 8 : i32
    %mul3A_0 = arith.muli %arg0, %mul3A : i32
    %add3A = arith.constant 4 : i32
    %add3A_1 = arith.addi %mul3A_0, %add3A : i32
    %get3A = arith.index_cast %add3A_1 : i32 to index
    %get3A_2 = memref.load %arg1[%get3A] : memref<512xi32, #tpu.memory_space<smem>>
    %jit3A = arith.constant 128 : i32
    %div3A = arith.divsi %get3A_2, %jit3A : i32
    %sign3A = arith.constant 0 : i32
    %sign3A_3 = arith.cmpi sgt, %get3A_2, %sign3A : i32
    %sign3A_4 = arith.extui %sign3A_3 : i1 to i32
    %sign3A_5 = arith.constant 0 : i32
    %sign3A_6 = arith.cmpi slt, %get3A_2, %sign3A_5 : i32
    %sign3A_7 = arith.extui %sign3A_6 : i1 to i32
    %sign3A_8 = arith.subi %sign3A_4, %sign3A_7 : i32
    %sign3A_9 = arith.constant 0 : i32
    %sign3A_10 = arith.cmpi sgt, %jit3A, %sign3A_9 : i32
    %sign3A_11 = arith.extui %sign3A_10 : i1 to i32
    %sign3A_12 = arith.constant 0 : i32
    %sign3A_13 = arith.cmpi slt, %jit3A, %sign3A_12 : i32
    %sign3A_14 = arith.extui %sign3A_13 : i1 to i32
    %sign3A_15 = arith.subi %sign3A_11, %sign3A_14 : i32
    %ne3A = arith.cmpi ne, %sign3A_8, %sign3A_15 : i32
    %rem3A = arith.remsi %get3A_2, %jit3A : i32
    %ne3A_16 = arith.constant 0 : i32
    %ne3A_17 = arith.cmpi ne, %rem3A, %ne3A_16 : i32
    %and3A = arith.andi %ne3A, %ne3A_17 : i1
    %sub3A = arith.constant 1 : i32
    %sub3A_18 = arith.subi %div3A, %sub3A : i32
    %select_n3A = arith.select %and3A, %sub3A_18, %div3A : i32
    %c0_i32 = arith.constant 0 : i32
    %c0_i32_19 = arith.constant 0 : i32
    return %c0_i32, %select_n3A : i32, i32
  }
  func.func @transform_5(%arg0: i32, %arg1: memref<512xi32, #tpu.memory_space<smem>>, %arg2: memref<512xi32, #tpu.memory_space<smem>>, %arg3: memref<512xi32, #tpu.memory_space<smem>>) -> (i32, i32) {
    %mul3A = arith.constant 8 : i32
    %mul3A_0 = arith.muli %arg0, %mul3A : i32
    %add3A = arith.constant 5 : i32
    %add3A_1 = arith.addi %mul3A_0, %add3A : i32
    %get3A = arith.index_cast %add3A_1 : i32 to index
    %get3A_2 = memref.load %arg1[%get3A] : memref<512xi32, #tpu.memory_space<smem>>
    %jit3A = arith.constant 128 : i32
    %div3A = arith.divsi %get3A_2, %jit3A : i32
    %sign3A = arith.constant 0 : i32
    %sign3A_3 = arith.cmpi sgt, %get3A_2, %sign3A : i32
    %sign3A_4 = arith.extui %sign3A_3 : i1 to i32
    %sign3A_5 = arith.constant 0 : i32
    %sign3A_6 = arith.cmpi slt, %get3A_2, %sign3A_5 : i32
    %sign3A_7 = arith.extui %sign3A_6 : i1 to i32
    %sign3A_8 = arith.subi %sign3A_4, %sign3A_7 : i32
    %sign3A_9 = arith.constant 0 : i32
    %sign3A_10 = arith.cmpi sgt, %jit3A, %sign3A_9 : i32
    %sign3A_11 = arith.extui %sign3A_10 : i1 to i32
    %sign3A_12 = arith.constant 0 : i32
    %sign3A_13 = arith.cmpi slt, %jit3A, %sign3A_12 : i32
    %sign3A_14 = arith.extui %sign3A_13 : i1 to i32
    %sign3A_15 = arith.subi %sign3A_11, %sign3A_14 : i32
    %ne3A = arith.cmpi ne, %sign3A_8, %sign3A_15 : i32
    %rem3A = arith.remsi %get3A_2, %jit3A : i32
    %ne3A_16 = arith.constant 0 : i32
    %ne3A_17 = arith.cmpi ne, %rem3A, %ne3A_16 : i32
    %and3A = arith.andi %ne3A, %ne3A_17 : i1
    %sub3A = arith.constant 1 : i32
    %sub3A_18 = arith.subi %div3A, %sub3A : i32
    %select_n3A = arith.select %and3A, %sub3A_18, %div3A : i32
    %c0_i32 = arith.constant 0 : i32
    %c0_i32_19 = arith.constant 0 : i32
    return %c0_i32, %select_n3A : i32, i32
  }
  func.func @transform_6(%arg0: i32, %arg1: memref<512xi32, #tpu.memory_space<smem>>, %arg2: memref<512xi32, #tpu.memory_space<smem>>, %arg3: memref<512xi32, #tpu.memory_space<smem>>) -> (i32, i32) {
    %mul3A = arith.constant 8 : i32
    %mul3A_0 = arith.muli %arg0, %mul3A : i32
    %add3A = arith.constant 6 : i32
    %add3A_1 = arith.addi %mul3A_0, %add3A : i32
    %get3A = arith.index_cast %add3A_1 : i32 to index
    %get3A_2 = memref.load %arg1[%get3A] : memref<512xi32, #tpu.memory_space<smem>>
    %jit3A = arith.constant 128 : i32
    %div3A = arith.divsi %get3A_2, %jit3A : i32
    %sign3A = arith.constant 0 : i32
    %sign3A_3 = arith.cmpi sgt, %get3A_2, %sign3A : i32
    %sign3A_4 = arith.extui %sign3A_3 : i1 to i32
    %sign3A_5 = arith.constant 0 : i32
    %sign3A_6 = arith.cmpi slt, %get3A_2, %sign3A_5 : i32
    %sign3A_7 = arith.extui %sign3A_6 : i1 to i32
    %sign3A_8 = arith.subi %sign3A_4, %sign3A_7 : i32
    %sign3A_9 = arith.constant 0 : i32
    %sign3A_10 = arith.cmpi sgt, %jit3A, %sign3A_9 : i32
    %sign3A_11 = arith.extui %sign3A_10 : i1 to i32
    %sign3A_12 = arith.constant 0 : i32
    %sign3A_13 = arith.cmpi slt, %jit3A, %sign3A_12 : i32
    %sign3A_14 = arith.extui %sign3A_13 : i1 to i32
    %sign3A_15 = arith.subi %sign3A_11, %sign3A_14 : i32
    %ne3A = arith.cmpi ne, %sign3A_8, %sign3A_15 : i32
    %rem3A = arith.remsi %get3A_2, %jit3A : i32
    %ne3A_16 = arith.constant 0 : i32
    %ne3A_17 = arith.cmpi ne, %rem3A, %ne3A_16 : i32
    %and3A = arith.andi %ne3A, %ne3A_17 : i1
    %sub3A = arith.constant 1 : i32
    %sub3A_18 = arith.subi %div3A, %sub3A : i32
    %select_n3A = arith.select %and3A, %sub3A_18, %div3A : i32
    %c0_i32 = arith.constant 0 : i32
    %c0_i32_19 = arith.constant 0 : i32
    return %c0_i32, %select_n3A : i32, i32
  }
  func.func @transform_7(%arg0: i32, %arg1: memref<512xi32, #tpu.memory_space<smem>>, %arg2: memref<512xi32, #tpu.memory_space<smem>>, %arg3: memref<512xi32, #tpu.memory_space<smem>>) -> (i32, i32) {
    %mul3A = arith.constant 8 : i32
    %mul3A_0 = arith.muli %arg0, %mul3A : i32
    %add3A = arith.constant 7 : i32
    %add3A_1 = arith.addi %mul3A_0, %add3A : i32
    %get3A = arith.index_cast %add3A_1 : i32 to index
    %get3A_2 = memref.load %arg1[%get3A] : memref<512xi32, #tpu.memory_space<smem>>
    %jit3A = arith.constant 128 : i32
    %div3A = arith.divsi %get3A_2, %jit3A : i32
    %sign3A = arith.constant 0 : i32
    %sign3A_3 = arith.cmpi sgt, %get3A_2, %sign3A : i32
    %sign3A_4 = arith.extui %sign3A_3 : i1 to i32
    %sign3A_5 = arith.constant 0 : i32
    %sign3A_6 = arith.cmpi slt, %get3A_2, %sign3A_5 : i32
    %sign3A_7 = arith.extui %sign3A_6 : i1 to i32
    %sign3A_8 = arith.subi %sign3A_4, %sign3A_7 : i32
    %sign3A_9 = arith.constant 0 : i32
    %sign3A_10 = arith.cmpi sgt, %jit3A, %sign3A_9 : i32
    %sign3A_11 = arith.extui %sign3A_10 : i1 to i32
    %sign3A_12 = arith.constant 0 : i32
    %sign3A_13 = arith.cmpi slt, %jit3A, %sign3A_12 : i32
    %sign3A_14 = arith.extui %sign3A_13 : i1 to i32
    %sign3A_15 = arith.subi %sign3A_11, %sign3A_14 : i32
    %ne3A = arith.cmpi ne, %sign3A_8, %sign3A_15 : i32
    %rem3A = arith.remsi %get3A_2, %jit3A : i32
    %ne3A_16 = arith.constant 0 : i32
    %ne3A_17 = arith.cmpi ne, %rem3A, %ne3A_16 : i32
    %and3A = arith.andi %ne3A, %ne3A_17 : i1
    %sub3A = arith.constant 1 : i32
    %sub3A_18 = arith.subi %div3A, %sub3A : i32
    %select_n3A = arith.select %and3A, %sub3A_18, %div3A : i32
    %c0_i32 = arith.constant 0 : i32
    %c0_i32_19 = arith.constant 0 : i32
    return %c0_i32, %select_n3A : i32, i32
  }
  func.func @transform_8(%arg0: i32, %arg1: memref<512xi32, #tpu.memory_space<smem>>, %arg2: memref<512xi32, #tpu.memory_space<smem>>, %arg3: memref<512xi32, #tpu.memory_space<smem>>) -> (i32, i32) {
    %mul3A = arith.constant 8 : i32
    %mul3A_0 = arith.muli %arg0, %mul3A : i32
    %add3A = arith.constant 0 : i32
    %add3A_1 = arith.addi %mul3A_0, %add3A : i32
    %get3A = arith.index_cast %add3A_1 : i32 to index
    %get3A_2 = memref.load %arg2[%get3A] : memref<512xi32, #tpu.memory_space<smem>>
    %jit3A = arith.constant 128 : i32
    %div3A = arith.divsi %get3A_2, %jit3A : i32
    %sign3A = arith.constant 0 : i32
    %sign3A_3 = arith.cmpi sgt, %get3A_2, %sign3A : i32
    %sign3A_4 = arith.extui %sign3A_3 : i1 to i32
    %sign3A_5 = arith.constant 0 : i32
    %sign3A_6 = arith.cmpi slt, %get3A_2, %sign3A_5 : i32
    %sign3A_7 = arith.extui %sign3A_6 : i1 to i32
    %sign3A_8 = arith.subi %sign3A_4, %sign3A_7 : i32
    %sign3A_9 = arith.constant 0 : i32
    %sign3A_10 = arith.cmpi sgt, %jit3A, %sign3A_9 : i32
    %sign3A_11 = arith.extui %sign3A_10 : i1 to i32
    %sign3A_12 = arith.constant 0 : i32
    %sign3A_13 = arith.cmpi slt, %jit3A, %sign3A_12 : i32
    %sign3A_14 = arith.extui %sign3A_13 : i1 to i32
    %sign3A_15 = arith.subi %sign3A_11, %sign3A_14 : i32
    %ne3A = arith.cmpi ne, %sign3A_8, %sign3A_15 : i32
    %rem3A = arith.remsi %get3A_2, %jit3A : i32
    %ne3A_16 = arith.constant 0 : i32
    %ne3A_17 = arith.cmpi ne, %rem3A, %ne3A_16 : i32
    %and3A = arith.andi %ne3A, %ne3A_17 : i1
    %sub3A = arith.constant 1 : i32
    %sub3A_18 = arith.subi %div3A, %sub3A : i32
    %select_n3A = arith.select %and3A, %sub3A_18, %div3A : i32
    %c0_i32 = arith.constant 0 : i32
    %c0_i32_19 = arith.constant 0 : i32
    return %c0_i32, %select_n3A : i32, i32
  }
  func.func @transform_9(%arg0: i32, %arg1: memref<512xi32, #tpu.memory_space<smem>>, %arg2: memref<512xi32, #tpu.memory_space<smem>>, %arg3: memref<512xi32, #tpu.memory_space<smem>>) -> (i32, i32) {
    %mul3A = arith.constant 8 : i32
    %mul3A_0 = arith.muli %arg0, %mul3A : i32
    %add3A = arith.constant 1 : i32
    %add3A_1 = arith.addi %mul3A_0, %add3A : i32
    %get3A = arith.index_cast %add3A_1 : i32 to index
    %get3A_2 = memref.load %arg2[%get3A] : memref<512xi32, #tpu.memory_space<smem>>
    %jit3A = arith.constant 128 : i32
    %div3A = arith.divsi %get3A_2, %jit3A : i32
    %sign3A = arith.constant 0 : i32
    %sign3A_3 = arith.cmpi sgt, %get3A_2, %sign3A : i32
    %sign3A_4 = arith.extui %sign3A_3 : i1 to i32
    %sign3A_5 = arith.constant 0 : i32
    %sign3A_6 = arith.cmpi slt, %get3A_2, %sign3A_5 : i32
    %sign3A_7 = arith.extui %sign3A_6 : i1 to i32
    %sign3A_8 = arith.subi %sign3A_4, %sign3A_7 : i32
    %sign3A_9 = arith.constant 0 : i32
    %sign3A_10 = arith.cmpi sgt, %jit3A, %sign3A_9 : i32
    %sign3A_11 = arith.extui %sign3A_10 : i1 to i32
    %sign3A_12 = arith.constant 0 : i32
    %sign3A_13 = arith.cmpi slt, %jit3A, %sign3A_12 : i32
    %sign3A_14 = arith.extui %sign3A_13 : i1 to i32
    %sign3A_15 = arith.subi %sign3A_11, %sign3A_14 : i32
    %ne3A = arith.cmpi ne, %sign3A_8, %sign3A_15 : i32
    %rem3A = arith.remsi %get3A_2, %jit3A : i32
    %ne3A_16 = arith.constant 0 : i32
    %ne3A_17 = arith.cmpi ne, %rem3A, %ne3A_16 : i32
    %and3A = arith.andi %ne3A, %ne3A_17 : i1
    %sub3A = arith.constant 1 : i32
    %sub3A_18 = arith.subi %div3A, %sub3A : i32
    %select_n3A = arith.select %and3A, %sub3A_18, %div3A : i32
    %c0_i32 = arith.constant 0 : i32
    %c0_i32_19 = arith.constant 0 : i32
    return %c0_i32, %select_n3A : i32, i32
  }
  func.func @transform_10(%arg0: i32, %arg1: memref<512xi32, #tpu.memory_space<smem>>, %arg2: memref<512xi32, #tpu.memory_space<smem>>, %arg3: memref<512xi32, #tpu.memory_space<smem>>) -> (i32, i32) {
    %mul3A = arith.constant 8 : i32
    %mul3A_0 = arith.muli %arg0, %mul3A : i32
    %add3A = arith.constant 2 : i32
    %add3A_1 = arith.addi %mul3A_0, %add3A : i32
    %get3A = arith.index_cast %add3A_1 : i32 to index
    %get3A_2 = memref.load %arg2[%get3A] : memref<512xi32, #tpu.memory_space<smem>>
    %jit3A = arith.constant 128 : i32
    %div3A = arith.divsi %get3A_2, %jit3A : i32
    %sign3A = arith.constant 0 : i32
    %sign3A_3 = arith.cmpi sgt, %get3A_2, %sign3A : i32
    %sign3A_4 = arith.extui %sign3A_3 : i1 to i32
    %sign3A_5 = arith.constant 0 : i32
    %sign3A_6 = arith.cmpi slt, %get3A_2, %sign3A_5 : i32
    %sign3A_7 = arith.extui %sign3A_6 : i1 to i32
    %sign3A_8 = arith.subi %sign3A_4, %sign3A_7 : i32
    %sign3A_9 = arith.constant 0 : i32
    %sign3A_10 = arith.cmpi sgt, %jit3A, %sign3A_9 : i32
    %sign3A_11 = arith.extui %sign3A_10 : i1 to i32
    %sign3A_12 = arith.constant 0 : i32
    %sign3A_13 = arith.cmpi slt, %jit3A, %sign3A_12 : i32
    %sign3A_14 = arith.extui %sign3A_13 : i1 to i32
    %sign3A_15 = arith.subi %sign3A_11, %sign3A_14 : i32
    %ne3A = arith.cmpi ne, %sign3A_8, %sign3A_15 : i32
    %rem3A = arith.remsi %get3A_2, %jit3A : i32
    %ne3A_16 = arith.constant 0 : i32
    %ne3A_17 = arith.cmpi ne, %rem3A, %ne3A_16 : i32
    %and3A = arith.andi %ne3A, %ne3A_17 : i1
    %sub3A = arith.constant 1 : i32
    %sub3A_18 = arith.subi %div3A, %sub3A : i32
    %select_n3A = arith.select %and3A, %sub3A_18, %div3A : i32
    %c0_i32 = arith.constant 0 : i32
    %c0_i32_19 = arith.constant 0 : i32
    return %c0_i32, %select_n3A : i32, i32
  }
  func.func @transform_11(%arg0: i32, %arg1: memref<512xi32, #tpu.memory_space<smem>>, %arg2: memref<512xi32, #tpu.memory_space<smem>>, %arg3: memref<512xi32, #tpu.memory_space<smem>>) -> (i32, i32) {
    %mul3A = arith.constant 8 : i32
    %mul3A_0 = arith.muli %arg0, %mul3A : i32
    %add3A = arith.constant 3 : i32
    %add3A_1 = arith.addi %mul3A_0, %add3A : i32
    %get3A = arith.index_cast %add3A_1 : i32 to index
    %get3A_2 = memref.load %arg2[%get3A] : memref<512xi32, #tpu.memory_space<smem>>
    %jit3A = arith.constant 128 : i32
    %div3A = arith.divsi %get3A_2, %jit3A : i32
    %sign3A = arith.constant 0 : i32
    %sign3A_3 = arith.cmpi sgt, %get3A_2, %sign3A : i32
    %sign3A_4 = arith.extui %sign3A_3 : i1 to i32
    %sign3A_5 = arith.constant 0 : i32
    %sign3A_6 = arith.cmpi slt, %get3A_2, %sign3A_5 : i32
    %sign3A_7 = arith.extui %sign3A_6 : i1 to i32
    %sign3A_8 = arith.subi %sign3A_4, %sign3A_7 : i32
    %sign3A_9 = arith.constant 0 : i32
    %sign3A_10 = arith.cmpi sgt, %jit3A, %sign3A_9 : i32
    %sign3A_11 = arith.extui %sign3A_10 : i1 to i32
    %sign3A_12 = arith.constant 0 : i32
    %sign3A_13 = arith.cmpi slt, %jit3A, %sign3A_12 : i32
    %sign3A_14 = arith.extui %sign3A_13 : i1 to i32
    %sign3A_15 = arith.subi %sign3A_11, %sign3A_14 : i32
    %ne3A = arith.cmpi ne, %sign3A_8, %sign3A_15 : i32
    %rem3A = arith.remsi %get3A_2, %jit3A : i32
    %ne3A_16 = arith.constant 0 : i32
    %ne3A_17 = arith.cmpi ne, %rem3A, %ne3A_16 : i32
    %and3A = arith.andi %ne3A, %ne3A_17 : i1
    %sub3A = arith.constant 1 : i32
    %sub3A_18 = arith.subi %div3A, %sub3A : i32
    %select_n3A = arith.select %and3A, %sub3A_18, %div3A : i32
    %c0_i32 = arith.constant 0 : i32
    %c0_i32_19 = arith.constant 0 : i32
    return %c0_i32, %select_n3A : i32, i32
  }
  func.func @transform_12(%arg0: i32, %arg1: memref<512xi32, #tpu.memory_space<smem>>, %arg2: memref<512xi32, #tpu.memory_space<smem>>, %arg3: memref<512xi32, #tpu.memory_space<smem>>) -> (i32, i32) {
    %mul3A = arith.constant 8 : i32
    %mul3A_0 = arith.muli %arg0, %mul3A : i32
    %add3A = arith.constant 4 : i32
    %add3A_1 = arith.addi %mul3A_0, %add3A : i32
    %get3A = arith.index_cast %add3A_1 : i32 to index
    %get3A_2 = memref.load %arg2[%get3A] : memref<512xi32, #tpu.memory_space<smem>>
    %jit3A = arith.constant 128 : i32
    %div3A = arith.divsi %get3A_2, %jit3A : i32
    %sign3A = arith.constant 0 : i32
    %sign3A_3 = arith.cmpi sgt, %get3A_2, %sign3A : i32
    %sign3A_4 = arith.extui %sign3A_3 : i1 to i32
    %sign3A_5 = arith.constant 0 : i32
    %sign3A_6 = arith.cmpi slt, %get3A_2, %sign3A_5 : i32
    %sign3A_7 = arith.extui %sign3A_6 : i1 to i32
    %sign3A_8 = arith.subi %sign3A_4, %sign3A_7 : i32
    %sign3A_9 = arith.constant 0 : i32
    %sign3A_10 = arith.cmpi sgt, %jit3A, %sign3A_9 : i32
    %sign3A_11 = arith.extui %sign3A_10 : i1 to i32
    %sign3A_12 = arith.constant 0 : i32
    %sign3A_13 = arith.cmpi slt, %jit3A, %sign3A_12 : i32
    %sign3A_14 = arith.extui %sign3A_13 : i1 to i32
    %sign3A_15 = arith.subi %sign3A_11, %sign3A_14 : i32
    %ne3A = arith.cmpi ne, %sign3A_8, %sign3A_15 : i32
    %rem3A = arith.remsi %get3A_2, %jit3A : i32
    %ne3A_16 = arith.constant 0 : i32
    %ne3A_17 = arith.cmpi ne, %rem3A, %ne3A_16 : i32
    %and3A = arith.andi %ne3A, %ne3A_17 : i1
    %sub3A = arith.constant 1 : i32
    %sub3A_18 = arith.subi %div3A, %sub3A : i32
    %select_n3A = arith.select %and3A, %sub3A_18, %div3A : i32
    %c0_i32 = arith.constant 0 : i32
    %c0_i32_19 = arith.constant 0 : i32
    return %c0_i32, %select_n3A : i32, i32
  }
  func.func @transform_13(%arg0: i32, %arg1: memref<512xi32, #tpu.memory_space<smem>>, %arg2: memref<512xi32, #tpu.memory_space<smem>>, %arg3: memref<512xi32, #tpu.memory_space<smem>>) -> (i32, i32) {
    %mul3A = arith.constant 8 : i32
    %mul3A_0 = arith.muli %arg0, %mul3A : i32
    %add3A = arith.constant 5 : i32
    %add3A_1 = arith.addi %mul3A_0, %add3A : i32
    %get3A = arith.index_cast %add3A_1 : i32 to index
    %get3A_2 = memref.load %arg2[%get3A] : memref<512xi32, #tpu.memory_space<smem>>
    %jit3A = arith.constant 128 : i32
    %div3A = arith.divsi %get3A_2, %jit3A : i32
    %sign3A = arith.constant 0 : i32
    %sign3A_3 = arith.cmpi sgt, %get3A_2, %sign3A : i32
    %sign3A_4 = arith.extui %sign3A_3 : i1 to i32
    %sign3A_5 = arith.constant 0 : i32
    %sign3A_6 = arith.cmpi slt, %get3A_2, %sign3A_5 : i32
    %sign3A_7 = arith.extui %sign3A_6 : i1 to i32
    %sign3A_8 = arith.subi %sign3A_4, %sign3A_7 : i32
    %sign3A_9 = arith.constant 0 : i32
    %sign3A_10 = arith.cmpi sgt, %jit3A, %sign3A_9 : i32
    %sign3A_11 = arith.extui %sign3A_10 : i1 to i32
    %sign3A_12 = arith.constant 0 : i32
    %sign3A_13 = arith.cmpi slt, %jit3A, %sign3A_12 : i32
    %sign3A_14 = arith.extui %sign3A_13 : i1 to i32
    %sign3A_15 = arith.subi %sign3A_11, %sign3A_14 : i32
    %ne3A = arith.cmpi ne, %sign3A_8, %sign3A_15 : i32
    %rem3A = arith.remsi %get3A_2, %jit3A : i32
    %ne3A_16 = arith.constant 0 : i32
    %ne3A_17 = arith.cmpi ne, %rem3A, %ne3A_16 : i32
    %and3A = arith.andi %ne3A, %ne3A_17 : i1
    %sub3A = arith.constant 1 : i32
    %sub3A_18 = arith.subi %div3A, %sub3A : i32
    %select_n3A = arith.select %and3A, %sub3A_18, %div3A : i32
    %c0_i32 = arith.constant 0 : i32
    %c0_i32_19 = arith.constant 0 : i32
    return %c0_i32, %select_n3A : i32, i32
  }
  func.func @transform_14(%arg0: i32, %arg1: memref<512xi32, #tpu.memory_space<smem>>, %arg2: memref<512xi32, #tpu.memory_space<smem>>, %arg3: memref<512xi32, #tpu.memory_space<smem>>) -> (i32, i32) {
    %mul3A = arith.constant 8 : i32
    %mul3A_0 = arith.muli %arg0, %mul3A : i32
    %add3A = arith.constant 6 : i32
    %add3A_1 = arith.addi %mul3A_0, %add3A : i32
    %get3A = arith.index_cast %add3A_1 : i32 to index
    %get3A_2 = memref.load %arg2[%get3A] : memref<512xi32, #tpu.memory_space<smem>>
    %jit3A = arith.constant 128 : i32
    %div3A = arith.divsi %get3A_2, %jit3A : i32
    %sign3A = arith.constant 0 : i32
    %sign3A_3 = arith.cmpi sgt, %get3A_2, %sign3A : i32
    %sign3A_4 = arith.extui %sign3A_3 : i1 to i32
    %sign3A_5 = arith.constant 0 : i32
    %sign3A_6 = arith.cmpi slt, %get3A_2, %sign3A_5 : i32
    %sign3A_7 = arith.extui %sign3A_6 : i1 to i32
    %sign3A_8 = arith.subi %sign3A_4, %sign3A_7 : i32
    %sign3A_9 = arith.constant 0 : i32
    %sign3A_10 = arith.cmpi sgt, %jit3A, %sign3A_9 : i32
    %sign3A_11 = arith.extui %sign3A_10 : i1 to i32
    %sign3A_12 = arith.constant 0 : i32
    %sign3A_13 = arith.cmpi slt, %jit3A, %sign3A_12 : i32
    %sign3A_14 = arith.extui %sign3A_13 : i1 to i32
    %sign3A_15 = arith.subi %sign3A_11, %sign3A_14 : i32
    %ne3A = arith.cmpi ne, %sign3A_8, %sign3A_15 : i32
    %rem3A = arith.remsi %get3A_2, %jit3A : i32
    %ne3A_16 = arith.constant 0 : i32
    %ne3A_17 = arith.cmpi ne, %rem3A, %ne3A_16 : i32
    %and3A = arith.andi %ne3A, %ne3A_17 : i1
    %sub3A = arith.constant 1 : i32
    %sub3A_18 = arith.subi %div3A, %sub3A : i32
    %select_n3A = arith.select %and3A, %sub3A_18, %div3A : i32
    %c0_i32 = arith.constant 0 : i32
    %c0_i32_19 = arith.constant 0 : i32
    return %c0_i32, %select_n3A : i32, i32
  }
  func.func @transform_15(%arg0: i32, %arg1: memref<512xi32, #tpu.memory_space<smem>>, %arg2: memref<512xi32, #tpu.memory_space<smem>>, %arg3: memref<512xi32, #tpu.memory_space<smem>>) -> (i32, i32) {
    %mul3A = arith.constant 8 : i32
    %mul3A_0 = arith.muli %arg0, %mul3A : i32
    %add3A = arith.constant 7 : i32
    %add3A_1 = arith.addi %mul3A_0, %add3A : i32
    %get3A = arith.index_cast %add3A_1 : i32 to index
    %get3A_2 = memref.load %arg2[%get3A] : memref<512xi32, #tpu.memory_space<smem>>
    %jit3A = arith.constant 128 : i32
    %div3A = arith.divsi %get3A_2, %jit3A : i32
    %sign3A = arith.constant 0 : i32
    %sign3A_3 = arith.cmpi sgt, %get3A_2, %sign3A : i32
    %sign3A_4 = arith.extui %sign3A_3 : i1 to i32
    %sign3A_5 = arith.constant 0 : i32
    %sign3A_6 = arith.cmpi slt, %get3A_2, %sign3A_5 : i32
    %sign3A_7 = arith.extui %sign3A_6 : i1 to i32
    %sign3A_8 = arith.subi %sign3A_4, %sign3A_7 : i32
    %sign3A_9 = arith.constant 0 : i32
    %sign3A_10 = arith.cmpi sgt, %jit3A, %sign3A_9 : i32
    %sign3A_11 = arith.extui %sign3A_10 : i1 to i32
    %sign3A_12 = arith.constant 0 : i32
    %sign3A_13 = arith.cmpi slt, %jit3A, %sign3A_12 : i32
    %sign3A_14 = arith.extui %sign3A_13 : i1 to i32
    %sign3A_15 = arith.subi %sign3A_11, %sign3A_14 : i32
    %ne3A = arith.cmpi ne, %sign3A_8, %sign3A_15 : i32
    %rem3A = arith.remsi %get3A_2, %jit3A : i32
    %ne3A_16 = arith.constant 0 : i32
    %ne3A_17 = arith.cmpi ne, %rem3A, %ne3A_16 : i32
    %and3A = arith.andi %ne3A, %ne3A_17 : i1
    %sub3A = arith.constant 1 : i32
    %sub3A_18 = arith.subi %div3A, %sub3A : i32
    %select_n3A = arith.select %and3A, %sub3A_18, %div3A : i32
    %c0_i32 = arith.constant 0 : i32
    %c0_i32_19 = arith.constant 0 : i32
    return %c0_i32, %select_n3A : i32, i32
  }
  func.func @transform_16(%arg0: i32, %arg1: memref<512xi32, #tpu.memory_space<smem>>, %arg2: memref<512xi32, #tpu.memory_space<smem>>, %arg3: memref<512xi32, #tpu.memory_space<smem>>) -> (i32, i32) {
    %mul3A = arith.constant 8 : i32
    %mul3A_0 = arith.muli %arg0, %mul3A : i32
    %add3A = arith.constant 0 : i32
    %add3A_1 = arith.addi %mul3A_0, %add3A : i32
    %get3A = arith.index_cast %add3A_1 : i32 to index
    %get3A_2 = memref.load %arg3[%get3A] : memref<512xi32, #tpu.memory_space<smem>>
    %jit3A = arith.constant 128 : i32
    %div3A = arith.divsi %get3A_2, %jit3A : i32
    %sign3A = arith.constant 0 : i32
    %sign3A_3 = arith.cmpi sgt, %get3A_2, %sign3A : i32
    %sign3A_4 = arith.extui %sign3A_3 : i1 to i32
    %sign3A_5 = arith.constant 0 : i32
    %sign3A_6 = arith.cmpi slt, %get3A_2, %sign3A_5 : i32
    %sign3A_7 = arith.extui %sign3A_6 : i1 to i32
    %sign3A_8 = arith.subi %sign3A_4, %sign3A_7 : i32
    %sign3A_9 = arith.constant 0 : i32
    %sign3A_10 = arith.cmpi sgt, %jit3A, %sign3A_9 : i32
    %sign3A_11 = arith.extui %sign3A_10 : i1 to i32
    %sign3A_12 = arith.constant 0 : i32
    %sign3A_13 = arith.cmpi slt, %jit3A, %sign3A_12 : i32
    %sign3A_14 = arith.extui %sign3A_13 : i1 to i32
    %sign3A_15 = arith.subi %sign3A_11, %sign3A_14 : i32
    %ne3A = arith.cmpi ne, %sign3A_8, %sign3A_15 : i32
    %rem3A = arith.remsi %get3A_2, %jit3A : i32
    %ne3A_16 = arith.constant 0 : i32
    %ne3A_17 = arith.cmpi ne, %rem3A, %ne3A_16 : i32
    %and3A = arith.andi %ne3A, %ne3A_17 : i1
    %sub3A = arith.constant 1 : i32
    %sub3A_18 = arith.subi %div3A, %sub3A : i32
    %select_n3A = arith.select %and3A, %sub3A_18, %div3A : i32
    %c0_i32 = arith.constant 0 : i32
    %c0_i32_19 = arith.constant 0 : i32
    return %c0_i32, %select_n3A : i32, i32
  }
  func.func @transform_17(%arg0: i32, %arg1: memref<512xi32, #tpu.memory_space<smem>>, %arg2: memref<512xi32, #tpu.memory_space<smem>>, %arg3: memref<512xi32, #tpu.memory_space<smem>>) -> (i32, i32) {
    %mul3A = arith.constant 8 : i32
    %mul3A_0 = arith.muli %arg0, %mul3A : i32
    %add3A = arith.constant 1 : i32
    %add3A_1 = arith.addi %mul3A_0, %add3A : i32
    %get3A = arith.index_cast %add3A_1 : i32 to index
    %get3A_2 = memref.load %arg3[%get3A] : memref<512xi32, #tpu.memory_space<smem>>
    %jit3A = arith.constant 128 : i32
    %div3A = arith.divsi %get3A_2, %jit3A : i32
    %sign3A = arith.constant 0 : i32
    %sign3A_3 = arith.cmpi sgt, %get3A_2, %sign3A : i32
    %sign3A_4 = arith.extui %sign3A_3 : i1 to i32
    %sign3A_5 = arith.constant 0 : i32
    %sign3A_6 = arith.cmpi slt, %get3A_2, %sign3A_5 : i32
    %sign3A_7 = arith.extui %sign3A_6 : i1 to i32
    %sign3A_8 = arith.subi %sign3A_4, %sign3A_7 : i32
    %sign3A_9 = arith.constant 0 : i32
    %sign3A_10 = arith.cmpi sgt, %jit3A, %sign3A_9 : i32
    %sign3A_11 = arith.extui %sign3A_10 : i1 to i32
    %sign3A_12 = arith.constant 0 : i32
    %sign3A_13 = arith.cmpi slt, %jit3A, %sign3A_12 : i32
    %sign3A_14 = arith.extui %sign3A_13 : i1 to i32
    %sign3A_15 = arith.subi %sign3A_11, %sign3A_14 : i32
    %ne3A = arith.cmpi ne, %sign3A_8, %sign3A_15 : i32
    %rem3A = arith.remsi %get3A_2, %jit3A : i32
    %ne3A_16 = arith.constant 0 : i32
    %ne3A_17 = arith.cmpi ne, %rem3A, %ne3A_16 : i32
    %and3A = arith.andi %ne3A, %ne3A_17 : i1
    %sub3A = arith.constant 1 : i32
    %sub3A_18 = arith.subi %div3A, %sub3A : i32
    %select_n3A = arith.select %and3A, %sub3A_18, %div3A : i32
    %c0_i32 = arith.constant 0 : i32
    %c0_i32_19 = arith.constant 0 : i32
    return %c0_i32, %select_n3A : i32, i32
  }
  func.func @transform_18(%arg0: i32, %arg1: memref<512xi32, #tpu.memory_space<smem>>, %arg2: memref<512xi32, #tpu.memory_space<smem>>, %arg3: memref<512xi32, #tpu.memory_space<smem>>) -> (i32, i32) {
    %mul3A = arith.constant 8 : i32
    %mul3A_0 = arith.muli %arg0, %mul3A : i32
    %add3A = arith.constant 2 : i32
    %add3A_1 = arith.addi %mul3A_0, %add3A : i32
    %get3A = arith.index_cast %add3A_1 : i32 to index
    %get3A_2 = memref.load %arg3[%get3A] : memref<512xi32, #tpu.memory_space<smem>>
    %jit3A = arith.constant 128 : i32
    %div3A = arith.divsi %get3A_2, %jit3A : i32
    %sign3A = arith.constant 0 : i32
    %sign3A_3 = arith.cmpi sgt, %get3A_2, %sign3A : i32
    %sign3A_4 = arith.extui %sign3A_3 : i1 to i32
    %sign3A_5 = arith.constant 0 : i32
    %sign3A_6 = arith.cmpi slt, %get3A_2, %sign3A_5 : i32
    %sign3A_7 = arith.extui %sign3A_6 : i1 to i32
    %sign3A_8 = arith.subi %sign3A_4, %sign3A_7 : i32
    %sign3A_9 = arith.constant 0 : i32
    %sign3A_10 = arith.cmpi sgt, %jit3A, %sign3A_9 : i32
    %sign3A_11 = arith.extui %sign3A_10 : i1 to i32
    %sign3A_12 = arith.constant 0 : i32
    %sign3A_13 = arith.cmpi slt, %jit3A, %sign3A_12 : i32
    %sign3A_14 = arith.extui %sign3A_13 : i1 to i32
    %sign3A_15 = arith.subi %sign3A_11, %sign3A_14 : i32
    %ne3A = arith.cmpi ne, %sign3A_8, %sign3A_15 : i32
    %rem3A = arith.remsi %get3A_2, %jit3A : i32
    %ne3A_16 = arith.constant 0 : i32
    %ne3A_17 = arith.cmpi ne, %rem3A, %ne3A_16 : i32
    %and3A = arith.andi %ne3A, %ne3A_17 : i1
    %sub3A = arith.constant 1 : i32
    %sub3A_18 = arith.subi %div3A, %sub3A : i32
    %select_n3A = arith.select %and3A, %sub3A_18, %div3A : i32
    %c0_i32 = arith.constant 0 : i32
    %c0_i32_19 = arith.constant 0 : i32
    return %c0_i32, %select_n3A : i32, i32
  }
  func.func @transform_19(%arg0: i32, %arg1: memref<512xi32, #tpu.memory_space<smem>>, %arg2: memref<512xi32, #tpu.memory_space<smem>>, %arg3: memref<512xi32, #tpu.memory_space<smem>>) -> (i32, i32) {
    %mul3A = arith.constant 8 : i32
    %mul3A_0 = arith.muli %arg0, %mul3A : i32
    %add3A = arith.constant 3 : i32
    %add3A_1 = arith.addi %mul3A_0, %add3A : i32
    %get3A = arith.index_cast %add3A_1 : i32 to index
    %get3A_2 = memref.load %arg3[%get3A] : memref<512xi32, #tpu.memory_space<smem>>
    %jit3A = arith.constant 128 : i32
    %div3A = arith.divsi %get3A_2, %jit3A : i32
    %sign3A = arith.constant 0 : i32
    %sign3A_3 = arith.cmpi sgt, %get3A_2, %sign3A : i32
    %sign3A_4 = arith.extui %sign3A_3 : i1 to i32
    %sign3A_5 = arith.constant 0 : i32
    %sign3A_6 = arith.cmpi slt, %get3A_2, %sign3A_5 : i32
    %sign3A_7 = arith.extui %sign3A_6 : i1 to i32
    %sign3A_8 = arith.subi %sign3A_4, %sign3A_7 : i32
    %sign3A_9 = arith.constant 0 : i32
    %sign3A_10 = arith.cmpi sgt, %jit3A, %sign3A_9 : i32
    %sign3A_11 = arith.extui %sign3A_10 : i1 to i32
    %sign3A_12 = arith.constant 0 : i32
    %sign3A_13 = arith.cmpi slt, %jit3A, %sign3A_12 : i32
    %sign3A_14 = arith.extui %sign3A_13 : i1 to i32
    %sign3A_15 = arith.subi %sign3A_11, %sign3A_14 : i32
    %ne3A = arith.cmpi ne, %sign3A_8, %sign3A_15 : i32
    %rem3A = arith.remsi %get3A_2, %jit3A : i32
    %ne3A_16 = arith.constant 0 : i32
    %ne3A_17 = arith.cmpi ne, %rem3A, %ne3A_16 : i32
    %and3A = arith.andi %ne3A, %ne3A_17 : i1
    %sub3A = arith.constant 1 : i32
    %sub3A_18 = arith.subi %div3A, %sub3A : i32
    %select_n3A = arith.select %and3A, %sub3A_18, %div3A : i32
    %c0_i32 = arith.constant 0 : i32
    %c0_i32_19 = arith.constant 0 : i32
    return %c0_i32, %select_n3A : i32, i32
  }
  func.func @transform_20(%arg0: i32, %arg1: memref<512xi32, #tpu.memory_space<smem>>, %arg2: memref<512xi32, #tpu.memory_space<smem>>, %arg3: memref<512xi32, #tpu.memory_space<smem>>) -> (i32, i32) {
    %mul3A = arith.constant 8 : i32
    %mul3A_0 = arith.muli %arg0, %mul3A : i32
    %add3A = arith.constant 4 : i32
    %add3A_1 = arith.addi %mul3A_0, %add3A : i32
    %get3A = arith.index_cast %add3A_1 : i32 to index
    %get3A_2 = memref.load %arg3[%get3A] : memref<512xi32, #tpu.memory_space<smem>>
    %jit3A = arith.constant 128 : i32
    %div3A = arith.divsi %get3A_2, %jit3A : i32
    %sign3A = arith.constant 0 : i32
    %sign3A_3 = arith.cmpi sgt, %get3A_2, %sign3A : i32
    %sign3A_4 = arith.extui %sign3A_3 : i1 to i32
    %sign3A_5 = arith.constant 0 : i32
    %sign3A_6 = arith.cmpi slt, %get3A_2, %sign3A_5 : i32
    %sign3A_7 = arith.extui %sign3A_6 : i1 to i32
    %sign3A_8 = arith.subi %sign3A_4, %sign3A_7 : i32
    %sign3A_9 = arith.constant 0 : i32
    %sign3A_10 = arith.cmpi sgt, %jit3A, %sign3A_9 : i32
    %sign3A_11 = arith.extui %sign3A_10 : i1 to i32
    %sign3A_12 = arith.constant 0 : i32
    %sign3A_13 = arith.cmpi slt, %jit3A, %sign3A_12 : i32
    %sign3A_14 = arith.extui %sign3A_13 : i1 to i32
    %sign3A_15 = arith.subi %sign3A_11, %sign3A_14 : i32
    %ne3A = arith.cmpi ne, %sign3A_8, %sign3A_15 : i32
    %rem3A = arith.remsi %get3A_2, %jit3A : i32
    %ne3A_16 = arith.constant 0 : i32
    %ne3A_17 = arith.cmpi ne, %rem3A, %ne3A_16 : i32
    %and3A = arith.andi %ne3A, %ne3A_17 : i1
    %sub3A = arith.constant 1 : i32
    %sub3A_18 = arith.subi %div3A, %sub3A : i32
    %select_n3A = arith.select %and3A, %sub3A_18, %div3A : i32
    %c0_i32 = arith.constant 0 : i32
    %c0_i32_19 = arith.constant 0 : i32
    return %c0_i32, %select_n3A : i32, i32
  }
  func.func @transform_21(%arg0: i32, %arg1: memref<512xi32, #tpu.memory_space<smem>>, %arg2: memref<512xi32, #tpu.memory_space<smem>>, %arg3: memref<512xi32, #tpu.memory_space<smem>>) -> (i32, i32) {
    %mul3A = arith.constant 8 : i32
    %mul3A_0 = arith.muli %arg0, %mul3A : i32
    %add3A = arith.constant 5 : i32
    %add3A_1 = arith.addi %mul3A_0, %add3A : i32
    %get3A = arith.index_cast %add3A_1 : i32 to index
    %get3A_2 = memref.load %arg3[%get3A] : memref<512xi32, #tpu.memory_space<smem>>
    %jit3A = arith.constant 128 : i32
    %div3A = arith.divsi %get3A_2, %jit3A : i32
    %sign3A = arith.constant 0 : i32
    %sign3A_3 = arith.cmpi sgt, %get3A_2, %sign3A : i32
    %sign3A_4 = arith.extui %sign3A_3 : i1 to i32
    %sign3A_5 = arith.constant 0 : i32
    %sign3A_6 = arith.cmpi slt, %get3A_2, %sign3A_5 : i32
    %sign3A_7 = arith.extui %sign3A_6 : i1 to i32
    %sign3A_8 = arith.subi %sign3A_4, %sign3A_7 : i32
    %sign3A_9 = arith.constant 0 : i32
    %sign3A_10 = arith.cmpi sgt, %jit3A, %sign3A_9 : i32
    %sign3A_11 = arith.extui %sign3A_10 : i1 to i32
    %sign3A_12 = arith.constant 0 : i32
    %sign3A_13 = arith.cmpi slt, %jit3A, %sign3A_12 : i32
    %sign3A_14 = arith.extui %sign3A_13 : i1 to i32
    %sign3A_15 = arith.subi %sign3A_11, %sign3A_14 : i32
    %ne3A = arith.cmpi ne, %sign3A_8, %sign3A_15 : i32
    %rem3A = arith.remsi %get3A_2, %jit3A : i32
    %ne3A_16 = arith.constant 0 : i32
    %ne3A_17 = arith.cmpi ne, %rem3A, %ne3A_16 : i32
    %and3A = arith.andi %ne3A, %ne3A_17 : i1
    %sub3A = arith.constant 1 : i32
    %sub3A_18 = arith.subi %div3A, %sub3A : i32
    %select_n3A = arith.select %and3A, %sub3A_18, %div3A : i32
    %c0_i32 = arith.constant 0 : i32
    %c0_i32_19 = arith.constant 0 : i32
    return %c0_i32, %select_n3A : i32, i32
  }
  func.func @transform_22(%arg0: i32, %arg1: memref<512xi32, #tpu.memory_space<smem>>, %arg2: memref<512xi32, #tpu.memory_space<smem>>, %arg3: memref<512xi32, #tpu.memory_space<smem>>) -> (i32, i32) {
    %mul3A = arith.constant 8 : i32
    %mul3A_0 = arith.muli %arg0, %mul3A : i32
    %add3A = arith.constant 6 : i32
    %add3A_1 = arith.addi %mul3A_0, %add3A : i32
    %get3A = arith.index_cast %add3A_1 : i32 to index
    %get3A_2 = memref.load %arg3[%get3A] : memref<512xi32, #tpu.memory_space<smem>>
    %jit3A = arith.constant 128 : i32
    %div3A = arith.divsi %get3A_2, %jit3A : i32
    %sign3A = arith.constant 0 : i32
    %sign3A_3 = arith.cmpi sgt, %get3A_2, %sign3A : i32
    %sign3A_4 = arith.extui %sign3A_3 : i1 to i32
    %sign3A_5 = arith.constant 0 : i32
    %sign3A_6 = arith.cmpi slt, %get3A_2, %sign3A_5 : i32
    %sign3A_7 = arith.extui %sign3A_6 : i1 to i32
    %sign3A_8 = arith.subi %sign3A_4, %sign3A_7 : i32
    %sign3A_9 = arith.constant 0 : i32
    %sign3A_10 = arith.cmpi sgt, %jit3A, %sign3A_9 : i32
    %sign3A_11 = arith.extui %sign3A_10 : i1 to i32
    %sign3A_12 = arith.constant 0 : i32
    %sign3A_13 = arith.cmpi slt, %jit3A, %sign3A_12 : i32
    %sign3A_14 = arith.extui %sign3A_13 : i1 to i32
    %sign3A_15 = arith.subi %sign3A_11, %sign3A_14 : i32
    %ne3A = arith.cmpi ne, %sign3A_8, %sign3A_15 : i32
    %rem3A = arith.remsi %get3A_2, %jit3A : i32
    %ne3A_16 = arith.constant 0 : i32
    %ne3A_17 = arith.cmpi ne, %rem3A, %ne3A_16 : i32
    %and3A = arith.andi %ne3A, %ne3A_17 : i1
    %sub3A = arith.constant 1 : i32
    %sub3A_18 = arith.subi %div3A, %sub3A : i32
    %select_n3A = arith.select %and3A, %sub3A_18, %div3A : i32
    %c0_i32 = arith.constant 0 : i32
    %c0_i32_19 = arith.constant 0 : i32
    return %c0_i32, %select_n3A : i32, i32
  }
  func.func @transform_23(%arg0: i32, %arg1: memref<512xi32, #tpu.memory_space<smem>>, %arg2: memref<512xi32, #tpu.memory_space<smem>>, %arg3: memref<512xi32, #tpu.memory_space<smem>>) -> (i32, i32) {
    %mul3A = arith.constant 8 : i32
    %mul3A_0 = arith.muli %arg0, %mul3A : i32
    %add3A = arith.constant 7 : i32
    %add3A_1 = arith.addi %mul3A_0, %add3A : i32
    %get3A = arith.index_cast %add3A_1 : i32 to index
    %get3A_2 = memref.load %arg3[%get3A] : memref<512xi32, #tpu.memory_space<smem>>
    %jit3A = arith.constant 128 : i32
    %div3A = arith.divsi %get3A_2, %jit3A : i32
    %sign3A = arith.constant 0 : i32
    %sign3A_3 = arith.cmpi sgt, %get3A_2, %sign3A : i32
    %sign3A_4 = arith.extui %sign3A_3 : i1 to i32
    %sign3A_5 = arith.constant 0 : i32
    %sign3A_6 = arith.cmpi slt, %get3A_2, %sign3A_5 : i32
    %sign3A_7 = arith.extui %sign3A_6 : i1 to i32
    %sign3A_8 = arith.subi %sign3A_4, %sign3A_7 : i32
    %sign3A_9 = arith.constant 0 : i32
    %sign3A_10 = arith.cmpi sgt, %jit3A, %sign3A_9 : i32
    %sign3A_11 = arith.extui %sign3A_10 : i1 to i32
    %sign3A_12 = arith.constant 0 : i32
    %sign3A_13 = arith.cmpi slt, %jit3A, %sign3A_12 : i32
    %sign3A_14 = arith.extui %sign3A_13 : i1 to i32
    %sign3A_15 = arith.subi %sign3A_11, %sign3A_14 : i32
    %ne3A = arith.cmpi ne, %sign3A_8, %sign3A_15 : i32
    %rem3A = arith.remsi %get3A_2, %jit3A : i32
    %ne3A_16 = arith.constant 0 : i32
    %ne3A_17 = arith.cmpi ne, %rem3A, %ne3A_16 : i32
    %and3A = arith.andi %ne3A, %ne3A_17 : i1
    %sub3A = arith.constant 1 : i32
    %sub3A_18 = arith.subi %div3A, %sub3A : i32
    %select_n3A = arith.select %and3A, %sub3A_18, %div3A : i32
    %c0_i32 = arith.constant 0 : i32
    %c0_i32_19 = arith.constant 0 : i32
    return %c0_i32, %select_n3A : i32, i32
  }
  func.func @transform_24(%arg0: i32, %arg1: memref<512xi32, #tpu.memory_space<smem>>, %arg2: memref<512xi32, #tpu.memory_space<smem>>, %arg3: memref<512xi32, #tpu.memory_space<smem>>) -> (i32, i32) {
    %c0_i32 = arith.constant 0 : i32
    %c0_i32_0 = arith.constant 0 : i32
    return %arg0, %c0_i32 : i32, i32
  }
  func.func @transform_25(%arg0: i32, %arg1: memref<512xi32, #tpu.memory_space<smem>>, %arg2: memref<512xi32, #tpu.memory_space<smem>>, %arg3: memref<512xi32, #tpu.memory_space<smem>>) -> (i32, i32) {
    %c0_i32 = arith.constant 0 : i32
    %c0_i32_0 = arith.constant 0 : i32
    return %arg0, %c0_i32 : i32, i32
  }
}

</mosaic_0001>

<sc_bundles>
// kernel: kernel.5.cloned.1.call-start
scs
__scs_entry_jumppad:
0x0: {  	(pc) =	sbr.rel $0x88, $3  }
0x1: {  	(tag) =	ssettag $0x0;
	lr =	simm.s32 $0x1  }
0x2: {  	[smem:$0x3F9C] =	sst lr;
	_ =	strace $0xD0000000  }
0x3: {  	_ = 	snop  }
0x4: {  	_ = 	snop  }
0x5: {  	_ = 	snop  }
0x6: {  	_ = 	snop  }
0x7: {  	_ = 	snop  }
__scs_overlays_trampoline_lowered:
0x8: {  	[smem:$0x3FAB] =	sst s0  }
0x9: {  	[smem:$0x3FAC] =	sst s1  }
0xa: {  	[smem:$0x3FAD] =	sst s2  }
0xb: {  	[smem:$0x3FAE] =	sst s3  }
0xc: {  	[smem:$0x3FAF] =	sst s4  }
0xd: {  	[smem:$0x3FB0] =	sst s5  }
0xe: {  	[smem:$0x3FB1] =	sst s6  }
0xf: {  	[smem:$0x3FB2] =	sst s7  }
0x10: {  	[smem:$0x3FB3] =	sst s8  }
0x11: {  	[smem:$0x3FB4] =	sst s9;
	s0 =	simm.s32 @!p0 $0x0  }
0x12: {  	s1 =	sld [smem:$0x3F9A];
	s0 =	simm.s32 @p0 $0x1  }
0x13: {  	[smem:$0x3FB5] =	sst s0;
	s0 =	simm.s32 @!p1 $0x0  }
0x14: {  	s2 =	sld [smem:$0x3F99];
	s0 =	simm.s32 @p1 $0x1  }
0x15: {  	[smem:$0x3FB6] =	sst s0;
	s0 =	simm.s32 @!p2 $0x0  }
0x16: {  	s3 =	sld [smem:$0x3FDB];
	s0 =	simm.s32 @p2 $0x1  }
0x17: {  	s4 =	simm.s32 $0x1BF5;
	[smem:$0x3FB8] =	sst s0  }
0x18: {  	s0 =	sld [smem:$0x3F9B];
	_ =	swait.ge [sflag:s4], $0x0  }
0x19: {  	s7 =	sld [smem:$0x3F9C]  }
0x1a: {  	s8 =	sadd.s32 $0xFFFFE003, lr  }
0x1b: {  	s9 =	sadd.s32 $0xFFFFFEF7, lr;
	s5 =	simm.s32 $0xFFFFFFFF;
	p2 =	slt.u32 s8, $0xFFFFF086  }
0x1c: {  	p1 =	slt.u32 s9, $0xF7A;
	s5 =	simm.s32 @!p2 $0x0  }
0x1d: {  	s5 =	simm.s32 @p1 $0x1;
	p0 =	seq.s32 s7, s2  }
0x1e: {  	s7 =	smul.u32 @!p0 $0xF7A, s2;
	p2 =	seq.s32 @!p0 s5, $0x0  }
0x1f: {  	s9 =	smul.u32 $0xF7A, s1;
	s8 =	simm.s32 @!p0 $0x1BF5;
	p2 =	por !p2, p0  }
0x20: {  	[sflag:s8] =	ssyncset.s32 @!p0 $0xFFFFF086;
	s6 =	sadd.s32 @!p0 s3, s7;
	s7 =	simm.s32 @!p0 $0x108  }
0x21: {  	s3 =	sadd.s32 s3, s9;
	s6 =	sadd.s32 @!p0 $0x88, s6;
	s7 =	simm.s32 @p2 $0x1082  }
0x22: {  	[simem:s7], [sflag:s8] =	dma.local @!p0 [hbm:s6], $0xF7A  }
0x23: {  	s9 =	sor.u32 $0xD0000000, s2;
	s6 =	simm.s32 $0x108;
	_ =	swait.ge @!p0 [sflag:s8], $0x0  }
0x24: {  	s3 =	sadd.s32 $0x88, s3;
	s6 =	simm.s32 @!p1 $0x1082;
	[sflag:s4] =	ssyncset.s32 $0xFFFFF086  }
0x25: {  	[simem:s6], [sflag:s4] =	dma.local [hbm:s3], $0xF7A  }
0x26: {  	[smem:$0x3F9C] =	sst s1;
	(tag) =	ssettag s2;
	_ =	strace s9  }
0x27: {  	s1 =	sld [smem:$0x3FAC]  }
0x28: {  	s2 =	sld [smem:$0x3FAD]  }
0x29: {  	s4 =	sld [smem:$0x3FAF]  }
0x2a: {  	p0 =	seq.s32 s5, $0x0;
	s5 =	sld [smem:$0x3FB0]  }
0x2b: {  	s6 =	sld [smem:$0x3FB1]  }
0x2c: {  	s7 =	sld [smem:$0x3FB2]  }
0x2d: {  	s3 =	simm.s32 $0x108;
	s8 =	sld [smem:$0x3FB3]  }
0x2e: {  	s3 =	simm.s32 @!p0 $0x1082;
	s9 =	sld [smem:$0x3FB4]  }
0x2f: {  	lr =	sadd.s32 s0, s3;
	s0 =	sld [smem:$0x3FAB]  }
0x30: {  	s3 =	sld [smem:$0x3FAE]  }
0x31: {  	[smem:$0x3FB7] =	sst s10  }
0x32: {  	s10 =	sld [smem:$0x3FB5];
	_ =	sdelay $0x3  }
0x33: {  	p0 =	seq.s32 s10, $0x1;
	s10 =	sld [smem:$0x3FB7];
	_ =	sdelay $0x3  }
0x34: {  	[smem:$0x3FB7] =	sst s10  }
0x35: {  	s10 =	sld [smem:$0x3FB6];
	_ =	sdelay $0x3  }
0x36: {  	p1 =	seq.s32 s10, $0x1;
	s10 =	sld [smem:$0x3FB7];
	_ =	sdelay $0x3  }
0x37: {  	[smem:$0x3FB7] =	sst s10  }
0x38: {  	s10 =	sld [smem:$0x3FB8]  }
0x39: {  	_ = 	snop;
	(pc) =	sbr.ind lr, $3  }
0x3a: {  	_ = 	snop  }
0x3b: {  	_ = 	snop  }
0x3c: {  	p2 =	seq.s32 s10, $0x1;
	s10 =	sld [smem:$0x3FB7]  }
0x3d: {  	_ =	shalt  }
0x3e: {  	_ =	shalt  }
0x3f: {  	_ =	shalt  }
0x40: {  	_ =	shalt  }
0x41: {  	_ =	shalt  }
0x42: {  	_ =	shalt  }
0x43: {  	_ =	shalt  }
0x44: {  	_ =	shalt  }
0x45: {  	_ =	shalt  }
0x46: {  	_ =	shalt  }
0x47: {  	_ =	shalt  }
0x48: {  	_ =	shalt  }
0x49: {  	_ =	shalt  }
0x4a: {  	_ =	shalt  }
0x4b: {  	_ =	shalt  }
0x4c: {  	_ =	shalt  }
0x4d: {  	_ =	shalt  }
0x4e: {  	_ =	shalt  }
0x4f: {  	_ =	shalt  }
0x50: {  	_ =	shalt  }
0x51: {  	_ =	shalt  }
0x52: {  	_ =	shalt  }
0x53: {  	_ =	shalt  }
0x54: {  	_ =	shalt  }
0x55: {  	_ =	shalt  }
0x56: {  	_ =	shalt  }
0x57: {  	_ =	shalt  }
0x58: {  	_ =	shalt  }
0x59: {  	_ =	shalt  }
0x5a: {  	_ =	shalt  }
0x5b: {  	_ =	shalt  }
0x5c: {  	_ =	shalt  }
0x5d: {  	_ =	shalt  }
0x5e: {  	_ =	shalt  }
0x5f: {  	_ =	shalt  }
0x60: {  	_ =	shalt  }
0x61: {  	_ =	shalt  }
0x62: {  	_ =	shalt  }
0x63: {  	_ =	shalt  }
0x64: {  	_ =	shalt  }
0x65: {  	_ =	shalt  }
0x66: {  	_ =	shalt  }
0x67: {  	_ =	shalt  }
0x68: {  	_ =	shalt  }
0x69: {  	_ =	shalt  }
0x6a: {  	_ =	shalt  }
0x6b: {  	_ =	shalt  }
0x6c: {  	_ =	shalt  }
0x6d: {  	_ =	shalt  }
0x6e: {  	_ =	shalt  }
0x6f: {  	_ =	shalt  }
0x70: {  	_ =	shalt  }
0x71: {  	_ =	shalt  }
0x72: {  	_ =	shalt  }
0x73: {  	_ =	shalt  }
0x74: {  	_ =	shalt  }
0x75: {  	_ =	shalt  }
0x76: {  	_ =	shalt  }
0x77: {  	_ =	shalt  }
0x78: {  	_ =	shalt  }
0x79: {  	_ =	shalt  }
0x7a: {  	_ =	shalt  }
0x7b: {  	_ =	shalt  }
0x7c: {  	_ =	shalt  }
0x7d: {  	_ =	shalt  }
0x7e: {  	_ =	shalt  }
0x7f: {  	_ =	shalt  }
0x80: {  	_ =	shalt  }
0x81: {  	_ =	shalt  }
0x82: {  	_ =	shalt  }
0x83: {  	_ =	shalt  }
0x84: {  	_ =	shalt  }
0x85: {  	_ =	shalt  }
0x86: {  	_ =	shalt  }
0x87: {  	_ =	shalt  }
.Lfunc_end0:
.L_simem_size_0:
called_computation_lowered:
.L_overlay_start_0:
0x88: {  	s2 =	sld [smem:$0x3FD9]  }
0x89: {  	s3 =	sld [smem:$0x3FFE];
	_ =	sdelay $0x1  }
0x8a: {  	s1 =	srdreg.scid  }
0x8b: {  	s0 =	sand.u32 $0x1, s1  }
0x8c: {  	s14 =	sshll.u32 s0, $0xA;
	s2 =	sadd.s32 s3, s2  }
0x8d: {  	s2 =	sadd.s32 s2, s14  }
0x8e: {  	[smem:$0x3FC3] =	sst s2  }
0x8f: {  	_ = 	snop  }
0x90: {  	s2 =	sld [smem:$0x3FC9]  }
0x91: {  	s15 =	sld [smem:$0x3FD0]  }
0x92: {  	s4 =	sld [smem:$0x3FC8]  }
0x93: {  	s5 =	sld [smem:$0x3FC6]  }
0x94: {  	s7 =	simm.s32 $0xA;
	s8 =	simm.s32 $0x10;
	s6 =	sld [smem:$0x3FC5]  }
0x95: {  	[smem:s8], [sflag:s7] =	dma.local [hbm:s15], $0x1  }
0x96: {  	_ =	swait.eq [sflag:s7], $0x1  }
0x97: {  	[sflag:s7] =	ssyncset.done $0x0  }
0x98: {  	[sflag:s7] =	ssyncadd.s32 $0xFFFFFFFF  }
0x99: {  	s16 =	sld [smem:$0x10];
	(tm) =	ssettm $0x1  }
0x9a: {  	s17 =	sld [smem:$0x3FFB];
	_ =	sdelay $0x3  }
0x9b: {  	_ =	strace s17  }
0x9c: {  	s7 =	sld [smem:$0x3FFC];
	_ =	sdelay $0x3  }
0x9d: {  	_ =	strace s7  }
0x9e: {  	s7 =	sld [smem:$0x3FFD];
	_ =	sdelay $0x3  }
0x9f: {  	_ =	strace s7  }
0xa0: {  	_ =	strace $0x8FFFFFFF  }
0xa1: {  	s18 =	sld [smem:$0x3FDB];
	_ =	sdelay $0x1  }
0xa2: {  	s19 =	simm.s32 $_scs_section_size  }
0xa3: {  	s9 =	simm.s32 $_size__tile_overlayer_lowered;
	s10 =	simm.s32 $_tile_overlayer_lowered  }
0xa4: {  	s22 =	simm.s32 $0x1BFF;
	s21 =	sshll.u32 s10, $0x1;
	s7 =	sadd.s32 s19, s18  }
0xa5: {  	s11 =	simm.s32 $0x0;
	s20 =	sshll.u32 s9, $0x1;
	s9 =	sadd.s32 s21, s7  }
0xa6: {  	[timem:s11], [sflag:s22] =	dma.local [hbm:s9], s20  }
0xa7: {  	_ =	swait.ge [sflag:s22], s20  }
0xa8: {  	s8 =	ssub.s32 $0x0, s20;
	[sflag:s22] =	ssyncset.done $0x0  }
0xa9: {  	[sflag:s22] =	ssyncadd.s32 s8;
	_ =	sdelay $0x1  }
0xaa: {  	s23 =	simm.s32 $0x1B8B  }
0xab: {  	_ =	swait.ge [sflag:s23], $0x1  }
0xac: {  	[sflag:s23] =	ssyncset.done $0x0  }
0xad: {  	s25 =	simm.s32 $0x1B8E;
	s24 =	sld [smem:$0x3FFE];
	[sflag:s23] =	ssyncadd.s32 $0xFFFFFFFF  }
0xae: {  	s26 =	simm.s32 $execute0_lowered;
	[smem:$0x3FD2] =	sst s25  }
0xaf: {  	s9 =	sshll.u32 s26, $0x1;
	_ =	strace $0x80000046;
	[dreg:$0x1] =	wrdreg $0xFFFFFFFF  }
0xb0: {  	s28 =	simm.s32 $_size_execute0_lowered;
	s7 =	sadd.s32 s7, s9;
	[dreg:$0x0] =	wrdreg $0x0  }
0xb1: {  	s9 =	sshll.u32 s28, $0x1;
	[dreg:$0x2] =	wrdreg s7  }
0xb2: {  	[dreg:$0x3] =	wrdreg s9  }
0xb3: {  	[dreg:$0x4] =	wrdreg $0xC0  }
0xb4: {  	_ =	task [dreg:s11], $0x5FFFF  }
0xb5: {  	[dreg:$0x1] =	wrdreg $0xFFFFFFFF  }
0xb6: {  	[dreg:$0x0] =	wrdreg $0x60  }
0xb7: {  	[dreg:$0x2] =	wrdreg s2  }
0xb8: {  	[dreg:$0x3] =	wrdreg s4  }
0xb9: {  	[dreg:$0x4] =	wrdreg s16  }
0xba: {  	[dreg:$0x5] =	wrdreg s5  }
0xbb: {  	[dreg:$0x6] =	wrdreg s6  }
0xbc: {  	[dreg:$0x7] =	wrdreg s24  }
0xbd: {  	[dreg:$0x8] =	wrdreg $0x9  }
0xbe: {  	_ =	task.clear_ibuf [dreg:s11], $0x9FFFF;
	_ =	strace $0x90000046  }
0xbf: {  	s29 =	simm.s32 $0x9;
	_ =	strace $0x80000048  }
0xc0: {  	_ =	swait.ge [sflag:s29], $0x1  }
0xc1: {  	[sflag:s29] =	ssyncadd.s32 $0xFFFFFFFF  }
0xc2: {  	_ =	strace $0x90000048  }
0xc3: {  	_ =	sfence  }
0xc4: {  	s30 =	sld [smem:$0x0];
	_ =	sdelay $0x2  }
0xc5: {  	s31 =	sshll.u32 s1, $0xD;
	s1 =	sshrl.u32 s1, $0x2  }
0xc6: {  	s3 =	sand.u32 $0x4000, s31;
	s1 =	sadd.s32 s1, s30  }
0xc7: {  	s0 =	sor.u32 s3, s0;
	s1 =	sshll.u32 s1, $0x11  }
0xc8: {  	s0 =	sor.u32 s1, s0  }
0xc9: {  	s0 =	sadd.s32 $0x8F2B, s0  }
0xca: {  	[sflag:s0] =	ssyncadd.remote.s32 $0x1  }
0xcb: {  	_ =	sfence.sel $0xFFFF  }
0xcc: {  	[dreg:$0x0] =	wrdreg $0xFFFFFFFF;
	(pc) =	sbr.abs _section_cstart, $3  }
0xcd: {  	[dreg:$0x1] =	wrdreg $0xFFFFFFFF  }
0xce: {  	_ =	task.clear_ibuf [dreg:s11], $0x2FFFF;
	_ =	strace $0x9FFFFFFF  }
0xcf: {  	(tm) =	ssettm $0x7FFFFFFF  }
tec
execute0_lowered:
.L_overlay_start_1:
0x0: {  	(tag) =	ssettag $0x1  }
0x1: {  	s0 =	rddreg [dreg:$0x0]  }
0x2: {  	s2 =	rddreg [dreg:$0x1]  }
0x3: {  	s5 =	rddreg [dreg:$0x2]  }
0x4: {  	s1 =	rddreg [dreg:$0x3]  }
0x5: {  	s3 =	rddreg [dreg:$0x4]  }
0x6: {  	s4 =	srdreg.scid;
	s8 =	stileid.u32  }
0x7: {  	s6 =	rddreg [dreg:$0x5];
	s11 =	simm.s32 $0x4;
	s14 =	simm.s32 $0x400  }
0x8: {  	s15 =	simm.s32 $0x7A1400;
	s16 =	simm.s32 $0x180;
	s17 =	simm.s32 $0x6180  }
0x9: {  	s18 =	simm.s32 $0xC180;
	s7 =	sand.u32 $0x1, s4;
	s8 =	sshll.u32 s8, $0x1  }
0xa: {  	s19 =	simm.s32 $0x2180;
	s20 =	simm.s32 $0x8180;
	s8 =	sor.u32 s7, s8  }
0xb: {  	s21 =	simm.s32 $0xE180;
	s22 =	simm.s32 $0x4180;
	s8 =	smul.u32 $0xE, s8  }
0xc: {  	s23 =	simm.s32 $0xA180;
	s24 =	simm.s32 $0x10180;
	s4 =	simm.s32 $0x0  }
0xd: {  	v0 =	vlaneseq.u32;
	vm0 =	vmmov $0x1;
	[smem:$0x7FF] =	sst s4;
	s7 =	ssub.s32 $0x2, s7;
	s0 =	sadd.s32 s0, s8  }
0xe: {  	vm1 =	vmmov $0x3;
	vm2 =	vmmov $0x7;
	vm3 =	vmmov $0xf;
	_ =	strace $0x80000047;
	s2 =	sadd.s32 s2, s8;
	[dreg:$0x7] =	wrdreg s0  }
0xf: {  	vm4 =	vmmov $0x1f;
	vm5 =	vmmov $0x3f;
	vm6 =	vmmov $0x7f;
	s9 =	sshrl.u32 s7, $0x1;
	s29 =	sadd.s32 s5, s8;
	[dreg:$0x9] =	wrdreg s2  }
0x10: {  	vm7 =	vmmov $0xff;
	vm8 =	vmmov $0x1ff;
	vm9 =	vmmov $0x3ff;
	s7 =	ssub.s32 s7, s9;
	s26 =	sadd.s32 s6, s8;
	[dreg:$0xa] =	wrdreg s29  }
0x11: {  	s25 =	simm.s32 $0x1;
	vm10 =	vmmov $0x7ff;
	vm11 =	vmmov $0xfff;
	v0 =	vmul.u32 $0x80, v0;
	s30 =	smax.u32 s7, $0x1;
	[dreg:$0x8] =	wrdreg s26  }
0x12: {  	s28 =	simm.s32 $0x3;
	vm12 =	vmmov $0x1fff;
	vm13 =	vmmov $0x3fff;
	vm14 =	vmmov $0x7fff;
	s0 =	sadd.s32 $0x200, s26;
	[dreg:$0xc] =	wrdreg s30  }
0x13: {  	s31 =	simm.s32 $0x0;
	v1 =	vor.u32 $0x800, v0;
	v2 =	vor.u32 $0x1000, v0;
	v3 =	vor.u32 $0x1800, v0;
	s26 =	simm.s32 $0x2;
	[dreg:$0xb] =	wrdreg s0  }
.LBB2_1:
0x14: {  	s0 =	rddreg [dreg:$0x7]  }
0x15: {  	[tilespmem:s4], [sflag:$0x4] =	stream.linear.gather [hbm4b:s0+s4], $0x70, $0x38;
	[tilespmem:$0x12280] =	vst v63  }
0x16: {  	_ =	swait.ge [sflag:s11], $0x70  }
0x17: {  	[sflag:s11] =	ssyncset.done $0x0  }
0x18: {  	s2 =	simm.s32 $0x80;
	s13 =	rddreg [dreg:$0x9];
	[sflag:s11] =	ssyncadd.s32 $0xFFFFFF90  }
0x19: {  	[tilespmem:s2], [sflag:$0x4] =	stream.linear.gather [hbm4b:s13+s4], $0x70, $0x38;
	[tilespmem:$0x12280] =	vst v63  }
0x1a: {  	_ =	swait.ge [sflag:s11], $0x70  }
0x1b: {  	[sflag:s11] =	ssyncset.done $0x0  }
0x1c: {  	s30 =	simm.s32 $0x100;
	s29 =	rddreg [dreg:$0xa];
	[sflag:s11] =	ssyncadd.s32 $0xFFFFFF90  }
0x1d: {  	[tilespmem:s30], [sflag:$0x4] =	stream.linear.gather [hbm4b:s29+s4], $0x70, $0x38;
	[tilespmem:$0x12280] =	vst v63  }
0x1e: {  	_ =	swait.ge [sflag:s11], $0x70  }
0x1f: {  	[sflag:s11] =	ssyncset.done $0x0  }
0x20: {  	s2 =	simm.s32 $0x0;
	[sflag:s11] =	ssyncadd.s32 $0xFFFFFF90  }
.LBB2_2:
0x21: {  	s0 =	sshra.s32 s2, $0x2  }
0x22: {  	v8 =	vld [tilespmem:s0+$0x0];
	_ =	sdelay $0x3  }
0x23: {  	v7 =	vld [tilespmem:s0+$0x80]  }
0x24: {  	v6 =	vld [tilespmem:s0+$0x100];
	(v2sf) =	vpush v8, $0x0;
	_ =	sdelay $0x3  }
0x25: {  	(v2sf) =	vpush v7, $0x0  }
0x26: {  	(v2sf) =	vpush v6, $0x0;
	_ =	sdelay $0x1  }
0x27: {  	(v2sf) =	vpush v8, $0x1;
	_ =	sdelay $0x1  }
0x28: {  	(v2sf) =	vpush v7, $0x1;
	_ =	sdelay $0x5  }
0x29: {  	s8 =	spop (v2sf);
	(v2sf) =	vpush v6, $0x1;
	_ =	sdelay $0x3  }
0x2a: {  	s5 =	sand.u32 $0xFFFFF80, s8;
	s12 =	spop (v2sf);
	(v2sf) =	vpush v8, $0x2  }
0x2b: {  	s5 =	sadd.s32 s1, s5;
	s10 =	sand.u32 $0xFFFFF80, s12;
	s13 =	spop (v2sf);
	(v2sf) =	vpush v7, $0x2  }
0x2c: {  	[tilespmem:s16], [sflag:$0x1] =	stream.strided.gather [hbm4b:s5+s14], $0x2000, s15, s14, $0x38;
	[tilespmem:$0x12280] =	vst v63  }
0x2d: {  	s5 =	sadd.s32 s3, s10;
	s29 =	sand.u32 $0xFFFFF80, s13;
	s9 =	spop (v2sf)  }
0x2e: {  	(v2sf) =	vpush v6, $0x2;
	[tilespmem:s17], [sflag:$0x1] =	stream.strided.gather [hbm4b:s5+s14], $0x2000, s15, s14, $0x38;
	[tilespmem:$0x12280] =	vst v63  }
0x2f: {  	s30 =	sand.u32 $0xFFFFF80, s9;
	s5 =	sadd.s32 s3, s29;
	s29 =	spop (v2sf)  }
0x30: {  	[tilespmem:s18], [sflag:$0x1] =	stream.strided.gather [hbm4b:s5+s14], $0x2000, s15, s14, $0x38;
	[tilespmem:$0x12280] =	vst v63  }
0x31: {  	s6 =	sand.u32 $0xFFFFF80, s29;
	s5 =	sadd.s32 s1, s30  }
0x32: {  	[tilespmem:s19], [sflag:$0x2] =	stream.strided.gather [hbm4b:s5+s14], $0x2000, s15, s14, $0x38;
	[tilespmem:$0x12280] =	vst v63  }
0x33: {  	s5 =	sadd.s32 s3, s6  }
0x34: {  	[tilespmem:s20], [sflag:$0x2] =	stream.strided.gather [hbm4b:s5+s14], $0x2000, s15, s14, $0x38;
	[tilespmem:$0x12280] =	vst v63  }
0x35: {  	s30 =	spop (v2sf)  }
0x36: {  	s7 =	sand.u32 $0xFFFFF80, s30  }
0x37: {  	s5 =	sadd.s32 s3, s7  }
0x38: {  	[tilespmem:s21], [sflag:$0x2] =	stream.strided.gather [hbm4b:s5+s14], $0x2000, s15, s14, $0x38;
	[tilespmem:$0x12280] =	vst v63  }
0x39: {  	s5 =	spop (v2sf)  }
0x3a: {  	s10 =	sand.u32 $0xFFFFF80, s5;
	s7 =	spop (v2sf)  }
0x3b: {  	s10 =	sadd.s32 s1, s10;
	s6 =	sand.u32 $0xFFFFF80, s7  }
0x3c: {  	[tilespmem:s22], [sflag:$0x3] =	stream.strided.gather [hbm4b:s10+s14], $0x2000, s15, s14, $0x38;
	[tilespmem:$0x12280] =	vst v63  }
0x3d: {  	s10 =	spop (v2sf);
	s6 =	sadd.s32 s3, s6  }
0x3e: {  	[tilespmem:s23], [sflag:$0x3] =	stream.strided.gather [hbm4b:s6+s14], $0x2000, s15, s14, $0x38;
	[tilespmem:$0x12280] =	vst v63  }
0x3f: {  	s6 =	sand.u32 $0xFFFFF80, s10  }
0x40: {  	s6 =	sadd.s32 s3, s6  }
0x41: {  	[tilespmem:s24], [sflag:$0x3] =	stream.strided.gather [hbm4b:s6+s14], $0x2000, s15, s14, $0x38;
	[tilespmem:$0x12280] =	vst v63  }
0x42: {  	_ =	swait.ge [sflag:s25], $0x2000  }
0x43: {  	[sflag:s25] =	ssyncset.done $0x0  }
0x44: {  	[sflag:s25] =	ssyncadd.s32 $0xFFFFE000  }
0x45: {  	s8 =	sand.u32 $0x7F, s8;
	_ =	swait.ge [sflag:s25], $0x2000  }
0x46: {  	s12 =	sand.u32 $0x7F, s12;
	v4 =	vor.u32 s8, v0;
	[sflag:s25] =	ssyncset.done $0x0  }
0x47: {  	s13 =	sand.u32 $0x7F, s13;
	v5 =	vor.u32 s12, v0;
	[sflag:s25] =	ssyncadd.s32 $0xFFFFE000  }
0x48: {  	v9 =	vor.u32 s13, v0;
	_ =	swait.ge [sflag:s25], $0x2000  }
0x49: {  	v10 =	vor.u32 s8, v1;
	[sflag:s25] =	ssyncset.done $0x0  }
0x4a: {  	v11 =	vor.u32 s12, v1;
	[sflag:s25] =	ssyncadd.s32 $0xFFFFE000  }
0x4b: {  	v12 =	vor.u32 s13, v1;
	v4 =	vld.idx.msk [tilespmem:v4+s16+$0x0], $0xffff  }
0x4c: {  	v13 =	vor.u32 s8, v2;
	v5 =	vld.idx.msk [tilespmem:v5+s17+$0x0], $0xffff  }
0x4d: {  	v14 =	vor.u32 s12, v2;
	v9 =	vld.idx.msk [tilespmem:v9+s18+$0x0], $0xffff  }
0x4e: {  	v15 =	vor.u32 s13, v2;
	v10 =	vld.idx.msk [tilespmem:v10+s16+$0x0], $0xffff  }
0x4f: {  	v16 =	vor.u32 s8, v3;
	v11 =	vld.idx.msk [tilespmem:v11+s17+$0x0], $0xffff  }
0x50: {  	v17 =	vor.u32 s12, v3;
	v12 =	vld.idx.msk [tilespmem:v12+s18+$0x0], $0xffff  }
0x51: {  	v18 =	vor.u32 s13, v3;
	(v2sf) =	vpush v8, $0x3;
	v13 =	vld.idx.msk [tilespmem:v13+s16+$0x0], $0xffff  }
0x52: {  	v14 =	vld.idx.msk [tilespmem:v14+s17+$0x0], $0xffff  }
0x53: {  	(v2sf) =	vpush v7, $0x3;
	v15 =	vld.idx.msk [tilespmem:v15+s18+$0x0], $0xffff  }
0x54: {  	v16 =	vld.idx.msk [tilespmem:v16+s16+$0x0], $0xffff;
	v5 =	vmul.f32 v5, v4  }
0x55: {  	v62 =	vld.idx.msk [tilespmem:v17+s17+$0x0], $0xffff;
	v4 =	vmul.f32 v9, v4  }
0x56: {  	v63 =	vld.idx.msk [tilespmem:v18+s18+$0x0], $0xffff;
	(v2sf) =	vpush v6, $0x3;
	v11 =	vmul.f32 v11, v10;
	v5 =	vadd.f32 $0.0e+00, v5  }
0x57: {  	v10 =	vmul.f32 v12, v10;
	v4 =	vadd.f32 $0.0e+00, v4  }
0x58: {  	v19 =	vmul.f32 v14, v13;
	v5 =	vadd.f32 v11, v5  }
0x59: {  	v20 =	vmul.f32 v15, v13;
	v4 =	vadd.f32 v10, v4  }
0x5a: {  	v9 =	vmul.f32 v62, v16;
	v5 =	vadd.f32 v19, v5  }
0x5b: {  	v21 =	vmul.f32 v63, v16;
	v4 =	vadd.f32 v20, v4  }
0x5c: {  	v5 =	vadd.f32 v9, v5  }
0x5d: {  	v4 =	vadd.f32 v21, v4  }
0x5e: {  	(xrf2) =	vadd.scan.msk.f32 $0xffff, v5  }
0x5f: {  	(xrf2) =	vadd.scan.msk.f32 $0xffff, v4  }
0x60: {  	s12 =	spop (v2sf)  }
0x61: {  	s8 =	sand.u32 $0xFFFFF80, s12  }
0x62: {  	s13 =	spop (v2sf);
	s6 =	sadd.s32 s1, s8  }
0x63: {  	[tilespmem:s16], [sflag:$0x1] =	stream.strided.gather [hbm4b:s6+s14], $0x2000, s15, s14, $0x38;
	[tilespmem:$0x12280] =	vst v63  }
0x64: {  	s6 =	sand.u32 $0xFFFFF80, s13  }
0x65: {  	s8 =	spop (v2sf);
	s6 =	sadd.s32 s3, s6  }
0x66: {  	[tilespmem:s17], [sflag:$0x1] =	stream.strided.gather [hbm4b:s6+s14], $0x2000, s15, s14, $0x38;
	[tilespmem:$0x12280] =	vst v63  }
0x67: {  	s6 =	sand.u32 $0xFFFFF80, s8  }
0x68: {  	s6 =	sadd.s32 s3, s6;
	v5, _, _ =	vpop (xrf2)  }
0x69: {  	[tilespmem:s18], [sflag:$0x1] =	stream.strided.gather [hbm4b:s6+s14], $0x2000, s15, s14, $0x38;
	v4, _, _ =	vpop (xrf2);
	[tilespmem:$0x12280] =	vst v63  }
0x6a: {  	_ =	swait.ge [sflag:s26], $0x2000  }
0x6b: {  	[sflag:s26] =	ssyncset.done $0x0  }
0x6c: {  	[sflag:s26] =	ssyncadd.s32 $0xFFFFE000  }
0x6d: {  	s6 =	sand.u32 $0x7F, s9;
	_ =	swait.ge [sflag:s26], $0x2000  }
0x6e: {  	s9 =	sand.u32 $0x7F, s29;
	v22 =	vor.u32 s6, v0;
	[sflag:s26] =	ssyncset.done $0x0  }
0x6f: {  	s30 =	sand.u32 $0x7F, s30;
	v23 =	vor.u32 s9, v0;
	[sflag:s26] =	ssyncadd.s32 $0xFFFFE000  }
0x70: {  	v24 =	vor.u32 s30, v0;
	_ =	swait.ge [sflag:s26], $0x2000  }
0x71: {  	v25 =	vor.u32 s6, v1;
	[sflag:s26] =	ssyncset.done $0x0  }
0x72: {  	v26 =	vor.u32 s9, v1;
	[sflag:s26] =	ssyncadd.s32 $0xFFFFE000  }
0x73: {  	v27 =	vor.u32 s30, v1;
	v9 =	vld.idx.msk [tilespmem:v22+s19+$0x0], $0xffff  }
0x74: {  	v28 =	vor.u32 s6, v2;
	v10 =	vld.idx.msk [tilespmem:v23+s20+$0x0], $0xffff  }
0x75: {  	v29 =	vor.u32 s9, v2;
	v11 =	vld.idx.msk [tilespmem:v24+s21+$0x0], $0xffff  }
0x76: {  	v30 =	vor.u32 s30, v2;
	v12 =	vld.idx.msk [tilespmem:v25+s19+$0x0], $0xffff  }
0x77: {  	v31 =	vor.u32 s6, v3;
	v13 =	vld.idx.msk [tilespmem:v26+s20+$0x0], $0xffff  }
0x78: {  	v19 =	vor.u32 s9, v3;
	v14 =	vld.idx.msk [tilespmem:v27+s21+$0x0], $0xffff  }
0x79: {  	v20 =	vor.u32 s30, v3;
	(v2sf) =	vpush v8, $0x4;
	v15 =	vld.idx.msk [tilespmem:v28+s19+$0x0], $0xffff  }
0x7a: {  	v16 =	vld.idx.msk [tilespmem:v29+s20+$0x0], $0xffff  }
0x7b: {  	(v2sf) =	vpush v7, $0x4;
	v17 =	vld.idx.msk [tilespmem:v30+s21+$0x0], $0xffff  }
0x7c: {  	v18 =	vld.idx.msk [tilespmem:v31+s19+$0x0], $0xffff;
	v10 =	vmul.f32 v10, v9  }
0x7d: {  	v32 =	vld.idx.msk [tilespmem:v19+s20+$0x0], $0xffff;
	v9 =	vmul.f32 v11, v9  }
0x7e: {  	v33 =	vld.idx.msk [tilespmem:v20+s21+$0x0], $0xffff;
	(v2sf) =	vpush v6, $0x4;
	v13 =	vmul.f32 v13, v12;
	v10 =	vadd.f32 $0.0e+00, v10  }
0x7f: {  	v12 =	vmul.f32 v14, v12;
	v9 =	vadd.f32 $0.0e+00, v9  }
0x80: {  	v34 =	vmul.f32 v16, v15;
	v10 =	vadd.f32 v13, v10  }
0x81: {  	v35 =	vmul.f32 v17, v15;
	v9 =	vadd.f32 v12, v9  }
0x82: {  	v11 =	vmul.f32 v32, v18;
	v10 =	vadd.f32 v34, v10  }
0x83: {  	v36 =	vmul.f32 v33, v18;
	v9 =	vadd.f32 v35, v9  }
0x84: {  	v10 =	vadd.f32 v11, v10  }
0x85: {  	v9 =	vadd.f32 v36, v9  }
0x86: {  	(xrf2) =	vadd.scan.msk.f32 $0xffff, v10  }
0x87: {  	(xrf2) =	vadd.scan.msk.f32 $0xffff, v9  }
0x88: {  	s29 =	spop (v2sf)  }
0x89: {  	s9 =	sand.u32 $0xFFFFF80, s29  }
0x8a: {  	s30 =	spop (v2sf);
	s6 =	sadd.s32 s1, s9  }
0x8b: {  	[tilespmem:s19], [sflag:$0x2] =	stream.strided.gather [hbm4b:s6+s14], $0x2000, s15, s14, $0x38;
	[tilespmem:$0x12280] =	vst v63  }
0x8c: {  	s6 =	sand.u32 $0xFFFFF80, s30  }
0x8d: {  	s9 =	spop (v2sf);
	s6 =	sadd.s32 s3, s6  }
0x8e: {  	[tilespmem:s20], [sflag:$0x2] =	stream.strided.gather [hbm4b:s6+s14], $0x2000, s15, s14, $0x38;
	[tilespmem:$0x12280] =	vst v63  }
0x8f: {  	s6 =	sand.u32 $0xFFFFF80, s9  }
0x90: {  	s6 =	sadd.s32 s3, s6;
	v10, _, _ =	vpop (xrf2)  }
0x91: {  	[tilespmem:s21], [sflag:$0x2] =	stream.strided.gather [hbm4b:s6+s14], $0x2000, s15, s14, $0x38;
	v9, _, _ =	vpop (xrf2);
	[tilespmem:$0x12280] =	vst v63  }
0x92: {  	_ =	swait.ge [sflag:s28], $0x2000  }
0x93: {  	[sflag:s28] =	ssyncset.done $0x0  }
0x94: {  	[sflag:s28] =	ssyncadd.s32 $0xFFFFE000  }
0x95: {  	s5 =	sand.u32 $0x7F, s5;
	_ =	swait.ge [sflag:s28], $0x2000  }
0x96: {  	s7 =	sand.u32 $0x7F, s7;
	v37 =	vor.u32 s5, v0;
	[sflag:s28] =	ssyncset.done $0x0  }
0x97: {  	v38 =	vor.u32 s7, v0;
	s10 =	sand.u32 $0x7F, s10;
	[sflag:s28] =	ssyncadd.s32 $0xFFFFE000  }
0x98: {  	v39 =	vor.u32 s10, v0;
	_ =	swait.ge [sflag:s28], $0x2000  }
0x99: {  	v40 =	vor.u32 s5, v1;
	[sflag:s28] =	ssyncset.done $0x0  }
0x9a: {  	v41 =	vor.u32 s7, v1;
	[sflag:s28] =	ssyncadd.s32 $0xFFFFE000  }
0x9b: {  	v42 =	vor.u32 s10, v1;
	v11 =	vld.idx.msk [tilespmem:v37+s22+$0x0], $0xffff  }
0x9c: {  	v43 =	vor.u32 s5, v2;
	v12 =	vld.idx.msk [tilespmem:v38+s23+$0x0], $0xffff  }
0x9d: {  	v44 =	vor.u32 s7, v2;
	v13 =	vld.idx.msk [tilespmem:v39+s24+$0x0], $0xffff  }
0x9e: {  	v45 =	vor.u32 s10, v2;
	v14 =	vld.idx.msk [tilespmem:v40+s22+$0x0], $0xffff  }
0x9f: {  	v46 =	vor.u32 s5, v3;
	v15 =	vld.idx.msk [tilespmem:v41+s23+$0x0], $0xffff  }
0xa0: {  	v21 =	vor.u32 s7, v3;
	v16 =	vld.idx.msk [tilespmem:v42+s24+$0x0], $0xffff  }
0xa1: {  	v22 =	vor.u32 s10, v3;
	(v2sf) =	vpush v8, $0x5;
	v17 =	vld.idx.msk [tilespmem:v43+s22+$0x0], $0xffff  }
0xa2: {  	v18 =	vld.idx.msk [tilespmem:v44+s23+$0x0], $0xffff  }
0xa3: {  	(v2sf) =	vpush v7, $0x5;
	v19 =	vld.idx.msk [tilespmem:v45+s24+$0x0], $0xffff  }
0xa4: {  	v20 =	vld.idx.msk [tilespmem:v46+s22+$0x0], $0xffff;
	v12 =	vmul.f32 v12, v11  }
0xa5: {  	v47 =	vld.idx.msk [tilespmem:v21+s23+$0x0], $0xffff;
	v11 =	vmul.f32 v13, v11  }
0xa6: {  	v48 =	vld.idx.msk [tilespmem:v22+s24+$0x0], $0xffff;
	(v2sf) =	vpush v6, $0x5;
	v15 =	vmul.f32 v15, v14;
	v12 =	vadd.f32 $0.0e+00, v12  }
0xa7: {  	v14 =	vmul.f32 v16, v14;
	v11 =	vadd.f32 $0.0e+00, v11  }
0xa8: {  	v49 =	vmul.f32 v18, v17;
	v12 =	vadd.f32 v15, v12  }
0xa9: {  	v50 =	vmul.f32 v19, v17;
	v11 =	vadd.f32 v14, v11  }
0xaa: {  	v13 =	vmul.f32 v47, v20;
	v12 =	vadd.f32 v49, v12  }
0xab: {  	v51 =	vmul.f32 v48, v20;
	v11 =	vadd.f32 v50, v11  }
0xac: {  	v12 =	vadd.f32 v13, v12  }
0xad: {  	v11 =	vadd.f32 v51, v11  }
0xae: {  	(xrf2) =	vadd.scan.msk.f32 $0xffff, v12  }
0xaf: {  	(xrf2) =	vadd.scan.msk.f32 $0xffff, v11  }
0xb0: {  	s5 =	spop (v2sf)  }
0xb1: {  	s10 =	sand.u32 $0xFFFFF80, s5  }
0xb2: {  	s7 =	spop (v2sf);
	s6 =	sadd.s32 s1, s10  }
0xb3: {  	[tilespmem:s22], [sflag:$0x3] =	stream.strided.gather [hbm4b:s6+s14], $0x2000, s15, s14, $0x38;
	[tilespmem:$0x12280] =	vst v63  }
0xb4: {  	s6 =	sand.u32 $0xFFFFF80, s7  }
0xb5: {  	s10 =	spop (v2sf);
	s6 =	sadd.s32 s3, s6  }
0xb6: {  	[tilespmem:s23], [sflag:$0x3] =	stream.strided.gather [hbm4b:s6+s14], $0x2000, s15, s14, $0x38;
	[tilespmem:$0x12280] =	vst v63  }
0xb7: {  	s6 =	sand.u32 $0xFFFFF80, s10  }
0xb8: {  	s6 =	sadd.s32 s3, s6;
	v12, _, _ =	vpop (xrf2)  }
0xb9: {  	[tilespmem:s24], [sflag:$0x3] =	stream.strided.gather [hbm4b:s6+s14], $0x2000, s15, s14, $0x38;
	v11, _, _ =	vpop (xrf2);
	[tilespmem:$0x12280] =	vst v63  }
0xba: {  	_ =	swait.ge [sflag:s25], $0x2000  }
0xbb: {  	[sflag:s25] =	ssyncset.done $0x0  }
0xbc: {  	[sflag:s25] =	ssyncadd.s32 $0xFFFFE000  }
0xbd: {  	s12 =	sand.u32 $0x7F, s12;
	_ =	swait.ge [sflag:s25], $0x2000  }
0xbe: {  	v52 =	vor.u32 s12, v0;
	s13 =	sand.u32 $0x7F, s13;
	[sflag:s25] =	ssyncset.done $0x0  }
0xbf: {  	v53 =	vor.u32 s13, v0;
	s8 =	sand.u32 $0x7F, s8;
	[sflag:s25] =	ssyncadd.s32 $0xFFFFE000  }
0xc0: {  	v54 =	vor.u32 s8, v0;
	_ =	swait.ge [sflag:s25], $0x2000  }
0xc1: {  	v55 =	vor.u32 s12, v1;
	[sflag:s25] =	ssyncset.done $0x0  }
0xc2: {  	v56 =	vor.u32 s13, v1;
	[sflag:s25] =	ssyncadd.s32 $0xFFFFE000  }
0xc3: {  	v57 =	vor.u32 s8, v1;
	v13 =	vld.idx.msk [tilespmem:v52+s16+$0x0], $0xffff  }
0xc4: {  	v58 =	vor.u32 s12, v2;
	v14 =	vld.idx.msk [tilespmem:v53+s17+$0x0], $0xffff  }
0xc5: {  	v59 =	vor.u32 s13, v2;
	v15 =	vld.idx.msk [tilespmem:v54+s18+$0x0], $0xffff  }
0xc6: {  	v60 =	vor.u32 s8, v2;
	v16 =	vld.idx.msk [tilespmem:v55+s16+$0x0], $0xffff  }
0xc7: {  	v61 =	vor.u32 s12, v3;
	v17 =	vld.idx.msk [tilespmem:v56+s17+$0x0], $0xffff  }
0xc8: {  	v23 =	vor.u32 s13, v3;
	v18 =	vld.idx.msk [tilespmem:v57+s18+$0x0], $0xffff  }
0xc9: {  	v24 =	vor.u32 s8, v3;
	(v2sf) =	vpush v8, $0x6;
	v19 =	vld.idx.msk [tilespmem:v58+s16+$0x0], $0xffff  }
0xca: {  	v20 =	vld.idx.msk [tilespmem:v59+s17+$0x0], $0xffff  }
0xcb: {  	(v2sf) =	vpush v7, $0x6;
	v21 =	vld.idx.msk [tilespmem:v60+s18+$0x0], $0xffff  }
0xcc: {  	v22 =	vld.idx.msk [tilespmem:v61+s16+$0x0], $0xffff;
	v14 =	vmul.f32 v14, v13  }
0xcd: {  	v62 =	vld.idx.msk [tilespmem:v23+s17+$0x0], $0xffff;
	v13 =	vmul.f32 v15, v13  }
0xce: {  	v63 =	vld.idx.msk [tilespmem:v24+s18+$0x0], $0xffff;
	(v2sf) =	vpush v6, $0x6;
	v17 =	vmul.f32 v17, v16;
	v14 =	vadd.f32 $0.0e+00, v14  }
0xcf: {  	v16 =	vmul.f32 v18, v16;
	v13 =	vadd.f32 $0.0e+00, v13  }
0xd0: {  	v20 =	vmul.f32 v20, v19;
	v14 =	vadd.f32 v17, v14  }
0xd1: {  	v21 =	vmul.f32 v21, v19;
	v13 =	vadd.f32 v16, v13  }
0xd2: {  	v15 =	vmul.f32 v62, v22;
	v14 =	vadd.f32 v20, v14  }
0xd3: {  	v23 =	vmul.f32 v63, v22;
	v13 =	vadd.f32 v21, v13  }
0xd4: {  	v14 =	vadd.f32 v15, v14  }
0xd5: {  	v13 =	vadd.f32 v23, v13  }
0xd6: {  	(xrf2) =	vadd.scan.msk.f32 $0xffff, v14  }
0xd7: {  	(xrf2) =	vadd.scan.msk.f32 $0xffff, v13  }
0xd8: {  	s12 =	spop (v2sf)  }
0xd9: {  	s8 =	sand.u32 $0xFFFFF80, s12  }
0xda: {  	s13 =	spop (v2sf);
	s6 =	sadd.s32 s1, s8  }
0xdb: {  	[tilespmem:s16], [sflag:$0x1] =	stream.strided.gather [hbm4b:s6+s14], $0x2000, s15, s14, $0x38;
	[tilespmem:$0x12280] =	vst v63  }
0xdc: {  	s6 =	sand.u32 $0xFFFFF80, s13  }
0xdd: {  	s8 =	spop (v2sf);
	s6 =	sadd.s32 s3, s6  }
0xde: {  	[tilespmem:s17], [sflag:$0x1] =	stream.strided.gather [hbm4b:s6+s14], $0x2000, s15, s14, $0x38;
	[tilespmem:$0x12280] =	vst v63  }
0xdf: {  	s6 =	sand.u32 $0xFFFFF80, s8  }
0xe0: {  	s6 =	sadd.s32 s3, s6;
	v14, _, _ =	vpop (xrf2)  }
0xe1: {  	[tilespmem:s18], [sflag:$0x1] =	stream.strided.gather [hbm4b:s6+s14], $0x2000, s15, s14, $0x38;
	v13, _, _ =	vpop (xrf2);
	[tilespmem:$0x12280] =	vst v63  }
0xe2: {  	_ =	swait.ge [sflag:s26], $0x2000  }
0xe3: {  	[sflag:s26] =	ssyncset.done $0x0  }
0xe4: {  	[sflag:s26] =	ssyncadd.s32 $0xFFFFE000  }
0xe5: {  	s6 =	sand.u32 $0x7F, s29;
	_ =	swait.ge [sflag:s26], $0x2000  }
0xe6: {  	s30 =	sand.u32 $0x7F, s30;
	v24 =	vor.u32 s6, v0;
	[sflag:s26] =	ssyncset.done $0x0  }
0xe7: {  	v25 =	vor.u32 s30, v0;
	s9 =	sand.u32 $0x7F, s9;
	[sflag:s26] =	ssyncadd.s32 $0xFFFFE000  }
0xe8: {  	v26 =	vor.u32 s9, v0;
	_ =	swait.ge [sflag:s26], $0x2000  }
0xe9: {  	v27 =	vor.u32 s6, v1;
	[sflag:s26] =	ssyncset.done $0x0  }
0xea: {  	v28 =	vor.u32 s30, v1;
	[sflag:s26] =	ssyncadd.s32 $0xFFFFE000  }
0xeb: {  	v29 =	vor.u32 s9, v1;
	v15 =	vld.idx.msk [tilespmem:v24+s19+$0x0], $0xffff  }
0xec: {  	v30 =	vor.u32 s6, v2;
	v16 =	vld.idx.msk [tilespmem:v25+s20+$0x0], $0xffff  }
0xed: {  	v31 =	vor.u32 s30, v2;
	v17 =	vld.idx.msk [tilespmem:v26+s21+$0x0], $0xffff  }
0xee: {  	v32 =	vor.u32 s9, v2;
	v18 =	vld.idx.msk [tilespmem:v27+s19+$0x0], $0xffff  }
0xef: {  	v33 =	vor.u32 s6, v3;
	v19 =	vld.idx.msk [tilespmem:v28+s20+$0x0], $0xffff  }
0xf0: {  	v20 =	vld.idx.msk [tilespmem:v29+s21+$0x0], $0xffff;
	v25 =	vor.u32 s30, v3  }
0xf1: {  	(v2sf) =	vpush v8, $0x7;
	v21 =	vld.idx.msk [tilespmem:v30+s19+$0x0], $0xffff;
	v26 =	vor.u32 s9, v3  }
0xf2: {  	v22 =	vld.idx.msk [tilespmem:v31+s20+$0x0], $0xffff  }
0xf3: {  	(v2sf) =	vpush v7, $0x7;
	v23 =	vld.idx.msk [tilespmem:v32+s21+$0x0], $0xffff  }
0xf4: {  	v24 =	vld.idx.msk [tilespmem:v33+s19+$0x0], $0xffff;
	v16 =	vmul.f32 v16, v15  }
0xf5: {  	v15 =	vmul.f32 v17, v15;
	v34 =	vld.idx.msk [tilespmem:v25+s20+$0x0], $0xffff  }
0xf6: {  	(v2sf) =	vpush v6, $0x7;
	v19 =	vmul.f32 v19, v18;
	v35 =	vld.idx.msk [tilespmem:v26+s21+$0x0], $0xffff;
	v16 =	vadd.f32 $0.0e+00, v16  }
0xf7: {  	v18 =	vmul.f32 v20, v18;
	v15 =	vadd.f32 $0.0e+00, v15  }
0xf8: {  	v36 =	vmul.f32 v22, v21;
	v16 =	vadd.f32 v19, v16  }
0xf9: {  	v37 =	vmul.f32 v23, v21;
	v15 =	vadd.f32 v18, v15  }
0xfa: {  	v17 =	vmul.f32 v34, v24;
	v16 =	vadd.f32 v36, v16  }
0xfb: {  	v38 =	vmul.f32 v35, v24;
	v15 =	vadd.f32 v37, v15  }
0xfc: {  	v16 =	vadd.f32 v17, v16  }
0xfd: {  	v15 =	vadd.f32 v38, v15  }
0xfe: {  	(xrf2) =	vadd.scan.msk.f32 $0xffff, v16  }
0xff: {  	(xrf2) =	vadd.scan.msk.f32 $0xffff, v15  }
0x100: {  	s29 =	spop (v2sf)  }
0x101: {  	s9 =	sand.u32 $0xFFFFF80, s29  }
0x102: {  	s30 =	spop (v2sf);
	s6 =	sadd.s32 s1, s9  }
0x103: {  	[tilespmem:s19], [sflag:$0x2] =	stream.strided.gather [hbm4b:s6+s14], $0x2000, s15, s14, $0x38;
	[tilespmem:$0x12280] =	vst v63  }
0x104: {  	s6 =	sand.u32 $0xFFFFF80, s30  }
0x105: {  	s9 =	spop (v2sf);
	s6 =	sadd.s32 s3, s6  }
0x106: {  	[tilespmem:s20], [sflag:$0x2] =	stream.strided.gather [hbm4b:s6+s14], $0x2000, s15, s14, $0x38;
	[tilespmem:$0x12280] =	vst v63  }
0x107: {  	s6 =	sand.u32 $0xFFFFF80, s9  }
0x108: {  	s6 =	sadd.s32 s3, s6;
	v15, _, _ =	vpop (xrf2)  }
0x109: {  	[tilespmem:s21], [sflag:$0x2] =	stream.strided.gather [hbm4b:s6+s14], $0x2000, s15, s14, $0x38;
	v16, _, _ =	vpop (xrf2);
	[tilespmem:$0x12280] =	vst v63  }
0x10a: {  	_ =	swait.ge [sflag:s28], $0x2000  }
0x10b: {  	[sflag:s28] =	ssyncset.done $0x0  }
0x10c: {  	[sflag:s28] =	ssyncadd.s32 $0xFFFFE000  }
0x10d: {  	s5 =	sand.u32 $0x7F, s5;
	_ =	swait.ge [sflag:s28], $0x2000  }
0x10e: {  	v39 =	vor.u32 s5, v0;
	s7 =	sand.u32 $0x7F, s7;
	[sflag:s28] =	ssyncset.done $0x0  }
0x10f: {  	v40 =	vor.u32 s7, v0;
	s10 =	sand.u32 $0x7F, s10;
	[sflag:s28] =	ssyncadd.s32 $0xFFFFE000  }
0x110: {  	v41 =	vor.u32 s10, v0;
	_ =	swait.ge [sflag:s28], $0x2000  }
0x111: {  	v42 =	vor.u32 s5, v1;
	[sflag:s28] =	ssyncset.done $0x0  }
0x112: {  	v43 =	vor.u32 s7, v1;
	[sflag:s28] =	ssyncadd.s32 $0xFFFFE000  }
0x113: {  	v44 =	vor.u32 s10, v1;
	v17 =	vld.idx.msk [tilespmem:v39+s22+$0x0], $0xffff  }
0x114: {  	v45 =	vor.u32 s5, v2;
	v18 =	vld.idx.msk [tilespmem:v40+s23+$0x0], $0xffff  }
0x115: {  	v46 =	vor.u32 s7, v2;
	v19 =	vld.idx.msk [tilespmem:v41+s24+$0x0], $0xffff  }
0x116: {  	v47 =	vor.u32 s10, v2;
	v20 =	vld.idx.msk [tilespmem:v42+s22+$0x0], $0xffff  }
0x117: {  	v48 =	vor.u32 s5, v3;
	v21 =	vld.idx.msk [tilespmem:v43+s23+$0x0], $0xffff  }
0x118: {  	v27 =	vor.u32 s7, v3;
	v22 =	vld.idx.msk [tilespmem:v44+s24+$0x0], $0xffff  }
0x119: {  	v28 =	vor.u32 s10, v3;
	(v2sf) =	vpush v8, $0x8;
	v23 =	vld.idx.msk [tilespmem:v45+s22+$0x0], $0xffff  }
0x11a: {  	v24 =	vld.idx.msk [tilespmem:v46+s23+$0x0], $0xffff  }
0x11b: {  	(v2sf) =	vpush v7, $0x8;
	v25 =	vld.idx.msk [tilespmem:v47+s24+$0x0], $0xffff  }
0x11c: {  	v26 =	vld.idx.msk [tilespmem:v48+s22+$0x0], $0xffff;
	v18 =	vmul.f32 v18, v17  }
0x11d: {  	v49 =	vld.idx.msk [tilespmem:v27+s23+$0x0], $0xffff;
	v17 =	vmul.f32 v19, v17  }
0x11e: {  	v50 =	vld.idx.msk [tilespmem:v28+s24+$0x0], $0xffff;
	(v2sf) =	vpush v6, $0x8;
	v21 =	vmul.f32 v21, v20;
	v18 =	vadd.f32 $0.0e+00, v18  }
0x11f: {  	v20 =	vmul.f32 v22, v20;
	v17 =	vadd.f32 $0.0e+00, v17  }
0x120: {  	v51 =	vmul.f32 v24, v23;
	v18 =	vadd.f32 v21, v18  }
0x121: {  	v52 =	vmul.f32 v25, v23;
	v17 =	vadd.f32 v20, v17  }
0x122: {  	v19 =	vmul.f32 v49, v26;
	v18 =	vadd.f32 v51, v18  }
0x123: {  	v53 =	vmul.f32 v50, v26;
	v17 =	vadd.f32 v52, v17  }
0x124: {  	v18 =	vadd.f32 v19, v18  }
0x125: {  	v17 =	vadd.f32 v53, v17  }
0x126: {  	(xrf2) =	vadd.scan.msk.f32 $0xffff, v18  }
0x127: {  	(xrf2) =	vadd.scan.msk.f32 $0xffff, v17  }
0x128: {  	s5 =	spop (v2sf)  }
0x129: {  	s10 =	sand.u32 $0xFFFFF80, s5  }
0x12a: {  	s7 =	spop (v2sf);
	s6 =	sadd.s32 s1, s10  }
0x12b: {  	[tilespmem:s22], [sflag:$0x3] =	stream.strided.gather [hbm4b:s6+s14], $0x2000, s15, s14, $0x38;
	[tilespmem:$0x12280] =	vst v63  }
0x12c: {  	s6 =	sand.u32 $0xFFFFF80, s7  }
0x12d: {  	s10 =	spop (v2sf);
	s6 =	sadd.s32 s3, s6  }
0x12e: {  	[tilespmem:s23], [sflag:$0x3] =	stream.strided.gather [hbm4b:s6+s14], $0x2000, s15, s14, $0x38;
	[tilespmem:$0x12280] =	vst v63  }
0x12f: {  	s6 =	sand.u32 $0xFFFFF80, s10  }
0x130: {  	s6 =	sadd.s32 s3, s6;
	v17, _, _ =	vpop (xrf2)  }
0x131: {  	[tilespmem:s24], [sflag:$0x3] =	stream.strided.gather [hbm4b:s6+s14], $0x2000, s15, s14, $0x38;
	v18, _, _ =	vpop (xrf2);
	[tilespmem:$0x12280] =	vst v63  }
0x132: {  	_ =	swait.ge [sflag:s25], $0x2000  }
0x133: {  	[sflag:s25] =	ssyncset.done $0x0  }
0x134: {  	[sflag:s25] =	ssyncadd.s32 $0xFFFFE000  }
0x135: {  	s12 =	sand.u32 $0x7F, s12;
	_ =	swait.ge [sflag:s25], $0x2000  }
0x136: {  	v54 =	vor.u32 s12, v0;
	s13 =	sand.u32 $0x7F, s13;
	[sflag:s25] =	ssyncset.done $0x0  }
0x137: {  	v55 =	vor.u32 s13, v0;
	s8 =	sand.u32 $0x7F, s8;
	[sflag:s25] =	ssyncadd.s32 $0xFFFFE000  }
0x138: {  	v56 =	vor.u32 s8, v0;
	_ =	swait.ge [sflag:s25], $0x2000  }
0x139: {  	v57 =	vor.u32 s12, v1;
	[sflag:s25] =	ssyncset.done $0x0  }
0x13a: {  	v58 =	vor.u32 s13, v1;
	[sflag:s25] =	ssyncadd.s32 $0xFFFFE000  }
0x13b: {  	v59 =	vor.u32 s8, v1;
	v19 =	vld.idx.msk [tilespmem:v54+s16+$0x0], $0xffff  }
0x13c: {  	v60 =	vor.u32 s12, v2;
	v20 =	vld.idx.msk [tilespmem:v55+s17+$0x0], $0xffff  }
0x13d: {  	v61 =	vor.u32 s13, v2;
	v21 =	vld.idx.msk [tilespmem:v56+s18+$0x0], $0xffff  }
0x13e: {  	v62 =	vor.u32 s8, v2;
	v22 =	vld.idx.msk [tilespmem:v57+s16+$0x0], $0xffff  }
0x13f: {  	v63 =	vor.u32 s12, v3;
	v23 =	vld.idx.msk [tilespmem:v58+s17+$0x0], $0xffff  }
0x140: {  	v29 =	vor.u32 s13, v3;
	v24 =	vld.idx.msk [tilespmem:v59+s18+$0x0], $0xffff  }
0x141: {  	v30 =	vor.u32 s8, v3;
	(v2sf) =	vpush v8, $0x9;
	v25 =	vld.idx.msk [tilespmem:v60+s16+$0x0], $0xffff  }
0x142: {  	v26 =	vld.idx.msk [tilespmem:v61+s17+$0x0], $0xffff  }
0x143: {  	(v2sf) =	vpush v7, $0x9;
	v27 =	vld.idx.msk [tilespmem:v62+s18+$0x0], $0xffff  }
0x144: {  	v28 =	vld.idx.msk [tilespmem:v63+s16+$0x0], $0xffff;
	v20 =	vmul.f32 v20, v19  }
0x145: {  	v32 =	vld.idx.msk [tilespmem:v29+s17+$0x0], $0xffff;
	v19 =	vmul.f32 v21, v19  }
0x146: {  	v33 =	vld.idx.msk [tilespmem:v30+s18+$0x0], $0xffff;
	(v2sf) =	vpush v6, $0x9;
	v23 =	vmul.f32 v23, v22;
	v20 =	vadd.f32 $0.0e+00, v20  }
0x147: {  	v22 =	vmul.f32 v24, v22;
	v19 =	vadd.f32 $0.0e+00, v19  }
0x148: {  	v34 =	vmul.f32 v26, v25;
	v20 =	vadd.f32 v23, v20  }
0x149: {  	v35 =	vmul.f32 v27, v25;
	v19 =	vadd.f32 v22, v19  }
0x14a: {  	v21 =	vmul.f32 v32, v28;
	v20 =	vadd.f32 v34, v20  }
0x14b: {  	v36 =	vmul.f32 v33, v28;
	v19 =	vadd.f32 v35, v19  }
0x14c: {  	v20 =	vadd.f32 v21, v20  }
0x14d: {  	v19 =	vadd.f32 v36, v19  }
0x14e: {  	(xrf2) =	vadd.scan.msk.f32 $0xffff, v20  }
0x14f: {  	(xrf2) =	vadd.scan.msk.f32 $0xffff, v19  }
0x150: {  	s12 =	spop (v2sf)  }
0x151: {  	s8 =	sand.u32 $0xFFFFF80, s12  }
0x152: {  	s13 =	spop (v2sf);
	s6 =	sadd.s32 s1, s8  }
0x153: {  	[tilespmem:s16], [sflag:$0x1] =	stream.strided.gather [hbm4b:s6+s14], $0x2000, s15, s14, $0x38;
	[tilespmem:$0x12280] =	vst v63  }
0x154: {  	s6 =	sand.u32 $0xFFFFF80, s13  }
0x155: {  	s8 =	spop (v2sf);
	s6 =	sadd.s32 s3, s6  }
0x156: {  	[tilespmem:s17], [sflag:$0x1] =	stream.strided.gather [hbm4b:s6+s14], $0x2000, s15, s14, $0x38;
	[tilespmem:$0x12280] =	vst v63  }
0x157: {  	s6 =	sand.u32 $0xFFFFF80, s8  }
0x158: {  	s6 =	sadd.s32 s3, s6;
	v19, _, _ =	vpop (xrf2)  }
0x159: {  	[tilespmem:s18], [sflag:$0x1] =	stream.strided.gather [hbm4b:s6+s14], $0x2000, s15, s14, $0x38;
	v20, _, _ =	vpop (xrf2);
	[tilespmem:$0x12280] =	vst v63  }
0x15a: {  	_ =	swait.ge [sflag:s26], $0x2000  }
0x15b: {  	[sflag:s26] =	ssyncset.done $0x0  }
0x15c: {  	[sflag:s26] =	ssyncadd.s32 $0xFFFFE000  }
0x15d: {  	s6 =	sand.u32 $0x7F, s29;
	_ =	swait.ge [sflag:s26], $0x2000  }
0x15e: {  	s30 =	sand.u32 $0x7F, s30;
	v37 =	vor.u32 s6, v0;
	[sflag:s26] =	ssyncset.done $0x0  }
0x15f: {  	v38 =	vor.u32 s30, v0;
	s9 =	sand.u32 $0x7F, s9;
	[sflag:s26] =	ssyncadd.s32 $0xFFFFE000  }
0x160: {  	v39 =	vor.u32 s9, v0;
	_ =	swait.ge [sflag:s26], $0x2000  }
0x161: {  	v40 =	vor.u32 s6, v1;
	[sflag:s26] =	ssyncset.done $0x0  }
0x162: {  	v41 =	vor.u32 s30, v1;
	[sflag:s26] =	ssyncadd.s32 $0xFFFFE000  }
0x163: {  	v42 =	vor.u32 s9, v1;
	v21 =	vld.idx.msk [tilespmem:v37+s19+$0x0], $0xffff  }
0x164: {  	v43 =	vor.u32 s6, v2;
	v22 =	vld.idx.msk [tilespmem:v38+s20+$0x0], $0xffff  }
0x165: {  	v44 =	vor.u32 s30, v2;
	v23 =	vld.idx.msk [tilespmem:v39+s21+$0x0], $0xffff  }
0x166: {  	v45 =	vor.u32 s9, v2;
	v24 =	vld.idx.msk [tilespmem:v40+s19+$0x0], $0xffff  }
0x167: {  	v46 =	vor.u32 s6, v3;
	v25 =	vld.idx.msk [tilespmem:v41+s20+$0x0], $0xffff  }
0x168: {  	v31 =	vor.u32 s30, v3;
	v26 =	vld.idx.msk [tilespmem:v42+s21+$0x0], $0xffff  }
0x169: {  	v32 =	vor.u32 s9, v3;
	(v2sf) =	vpush v8, $0xA;
	v27 =	vld.idx.msk [tilespmem:v43+s19+$0x0], $0xffff  }
0x16a: {  	v28 =	vld.idx.msk [tilespmem:v44+s20+$0x0], $0xffff  }
0x16b: {  	(v2sf) =	vpush v7, $0xA;
	v29 =	vld.idx.msk [tilespmem:v45+s21+$0x0], $0xffff  }
0x16c: {  	v30 =	vld.idx.msk [tilespmem:v46+s19+$0x0], $0xffff;
	v22 =	vmul.f32 v22, v21  }
0x16d: {  	v47 =	vld.idx.msk [tilespmem:v31+s20+$0x0], $0xffff;
	v21 =	vmul.f32 v23, v21  }
0x16e: {  	v48 =	vld.idx.msk [tilespmem:v32+s21+$0x0], $0xffff;
	(v2sf) =	vpush v6, $0xA;
	v25 =	vmul.f32 v25, v24;
	v22 =	vadd.f32 $0.0e+00, v22  }
0x16f: {  	v24 =	vmul.f32 v26, v24;
	v21 =	vadd.f32 $0.0e+00, v21  }
0x170: {  	v49 =	vmul.f32 v28, v27;
	v22 =	vadd.f32 v25, v22  }
0x171: {  	v50 =	vmul.f32 v29, v27;
	v21 =	vadd.f32 v24, v21  }
0x172: {  	v23 =	vmul.f32 v47, v30;
	v22 =	vadd.f32 v49, v22  }
0x173: {  	v51 =	vmul.f32 v48, v30;
	v21 =	vadd.f32 v50, v21  }
0x174: {  	v22 =	vadd.f32 v23, v22  }
0x175: {  	v21 =	vadd.f32 v51, v21  }
0x176: {  	(xrf2) =	vadd.scan.msk.f32 $0xffff, v22  }
0x177: {  	(xrf2) =	vadd.scan.msk.f32 $0xffff, v21  }
0x178: {  	s29 =	spop (v2sf)  }
0x179: {  	s9 =	sand.u32 $0xFFFFF80, s29  }
0x17a: {  	s30 =	spop (v2sf);
	s6 =	sadd.s32 s1, s9  }
0x17b: {  	[tilespmem:s19], [sflag:$0x2] =	stream.strided.gather [hbm4b:s6+s14], $0x2000, s15, s14, $0x38;
	[tilespmem:$0x12280] =	vst v63  }
0x17c: {  	s6 =	sand.u32 $0xFFFFF80, s30  }
0x17d: {  	s9 =	spop (v2sf);
	s6 =	sadd.s32 s3, s6  }
0x17e: {  	[tilespmem:s20], [sflag:$0x2] =	stream.strided.gather [hbm4b:s6+s14], $0x2000, s15, s14, $0x38;
	[tilespmem:$0x12280] =	vst v63  }
0x17f: {  	s6 =	sand.u32 $0xFFFFF80, s9  }
0x180: {  	s6 =	sadd.s32 s3, s6;
	v22, _, _ =	vpop (xrf2)  }
0x181: {  	[tilespmem:s21], [sflag:$0x2] =	stream.strided.gather [hbm4b:s6+s14], $0x2000, s15, s14, $0x38;
	v21, _, _ =	vpop (xrf2);
	[tilespmem:$0x12280] =	vst v63  }
0x182: {  	_ =	swait.ge [sflag:s28], $0x2000  }
0x183: {  	[sflag:s28] =	ssyncset.done $0x0  }
0x184: {  	[sflag:s28] =	ssyncadd.s32 $0xFFFFE000  }
0x185: {  	s5 =	sand.u32 $0x7F, s5;
	_ =	swait.ge [sflag:s28], $0x2000  }
0x186: {  	v52 =	vor.u32 s5, v0;
	s7 =	sand.u32 $0x7F, s7;
	[sflag:s28] =	ssyncset.done $0x0  }
0x187: {  	v53 =	vor.u32 s7, v0;
	s10 =	sand.u32 $0x7F, s10;
	[sflag:s28] =	ssyncadd.s32 $0xFFFFE000  }
0x188: {  	v54 =	vor.u32 s10, v0;
	_ =	swait.ge [sflag:s28], $0x2000  }
0x189: {  	v55 =	vor.u32 s5, v1;
	[sflag:s28] =	ssyncset.done $0x0  }
0x18a: {  	v56 =	vor.u32 s7, v1;
	[sflag:s28] =	ssyncadd.s32 $0xFFFFE000  }
0x18b: {  	v57 =	vor.u32 s10, v1;
	v23 =	vld.idx.msk [tilespmem:v52+s22+$0x0], $0xffff  }
0x18c: {  	v58 =	vor.u32 s5, v2;
	v24 =	vld.idx.msk [tilespmem:v53+s23+$0x0], $0xffff  }
0x18d: {  	v59 =	vor.u32 s7, v2;
	v25 =	vld.idx.msk [tilespmem:v54+s24+$0x0], $0xffff  }
0x18e: {  	v60 =	vor.u32 s10, v2;
	v26 =	vld.idx.msk [tilespmem:v55+s22+$0x0], $0xffff  }
0x18f: {  	v61 =	vor.u32 s5, v3;
	v27 =	vld.idx.msk [tilespmem:v56+s23+$0x0], $0xffff  }
0x190: {  	v33 =	vor.u32 s7, v3;
	v28 =	vld.idx.msk [tilespmem:v57+s24+$0x0], $0xffff  }
0x191: {  	v34 =	vor.u32 s10, v3;
	(v2sf) =	vpush v8, $0xB;
	v29 =	vld.idx.msk [tilespmem:v58+s22+$0x0], $0xffff  }
0x192: {  	v30 =	vld.idx.msk [tilespmem:v59+s23+$0x0], $0xffff  }
0x193: {  	(v2sf) =	vpush v7, $0xB;
	v31 =	vld.idx.msk [tilespmem:v60+s24+$0x0], $0xffff  }
0x194: {  	v32 =	vld.idx.msk [tilespmem:v61+s22+$0x0], $0xffff;
	v24 =	vmul.f32 v24, v23  }
0x195: {  	v62 =	vld.idx.msk [tilespmem:v33+s23+$0x0], $0xffff;
	v23 =	vmul.f32 v25, v23  }
0x196: {  	v63 =	vld.idx.msk [tilespmem:v34+s24+$0x0], $0xffff;
	(v2sf) =	vpush v6, $0xB;
	v27 =	vmul.f32 v27, v26;
	v24 =	vadd.f32 $0.0e+00, v24  }
0x197: {  	v26 =	vmul.f32 v28, v26;
	v23 =	vadd.f32 $0.0e+00, v23  }
0x198: {  	v34 =	vmul.f32 v30, v29;
	v24 =	vadd.f32 v27, v24  }
0x199: {  	v35 =	vmul.f32 v31, v29;
	v23 =	vadd.f32 v26, v23  }
0x19a: {  	v25 =	vmul.f32 v62, v32;
	v24 =	vadd.f32 v34, v24  }
0x19b: {  	v36 =	vmul.f32 v63, v32;
	v23 =	vadd.f32 v35, v23  }
0x19c: {  	v24 =	vadd.f32 v25, v24  }
0x19d: {  	v23 =	vadd.f32 v36, v23  }
0x19e: {  	(xrf2) =	vadd.scan.msk.f32 $0xffff, v24  }
0x19f: {  	(xrf2) =	vadd.scan.msk.f32 $0xffff, v23  }
0x1a0: {  	s5 =	spop (v2sf)  }
0x1a1: {  	s10 =	sand.u32 $0xFFFFF80, s5  }
0x1a2: {  	s7 =	spop (v2sf);
	s6 =	sadd.s32 s1, s10  }
0x1a3: {  	[tilespmem:s22], [sflag:$0x3] =	stream.strided.gather [hbm4b:s6+s14], $0x2000, s15, s14, $0x38;
	[tilespmem:$0x12280] =	vst v63  }
0x1a4: {  	s6 =	sand.u32 $0xFFFFF80, s7  }
0x1a5: {  	s10 =	spop (v2sf);
	s6 =	sadd.s32 s3, s6  }
0x1a6: {  	[tilespmem:s23], [sflag:$0x3] =	stream.strided.gather [hbm4b:s6+s14], $0x2000, s15, s14, $0x38;
	[tilespmem:$0x12280] =	vst v63  }
0x1a7: {  	s6 =	sand.u32 $0xFFFFF80, s10  }
0x1a8: {  	s6 =	sadd.s32 s3, s6;
	v24, _, _ =	vpop (xrf2)  }
0x1a9: {  	[tilespmem:s24], [sflag:$0x3] =	stream.strided.gather [hbm4b:s6+s14], $0x2000, s15, s14, $0x38;
	v23, _, _ =	vpop (xrf2);
	[tilespmem:$0x12280] =	vst v63  }
0x1aa: {  	_ =	swait.ge [sflag:s25], $0x2000  }
0x1ab: {  	[sflag:s25] =	ssyncset.done $0x0  }
0x1ac: {  	[sflag:s25] =	ssyncadd.s32 $0xFFFFE000  }
0x1ad: {  	s12 =	sand.u32 $0x7F, s12;
	_ =	swait.ge [sflag:s25], $0x2000  }
0x1ae: {  	s13 =	sand.u32 $0x7F, s13;
	v37 =	vor.u32 s12, v0;
	[sflag:s25] =	ssyncset.done $0x0  }
0x1af: {  	s8 =	sand.u32 $0x7F, s8;
	v38 =	vor.u32 s13, v0;
	[sflag:s25] =	ssyncadd.s32 $0xFFFFE000  }
0x1b0: {  	v39 =	vor.u32 s8, v0;
	_ =	swait.ge [sflag:s25], $0x2000  }
0x1b1: {  	v40 =	vor.u32 s12, v1;
	[sflag:s25] =	ssyncset.done $0x0  }
0x1b2: {  	v41 =	vor.u32 s13, v1;
	[sflag:s25] =	ssyncadd.s32 $0xFFFFE000  }
0x1b3: {  	v42 =	vor.u32 s8, v1;
	v25 =	vld.idx.msk [tilespmem:v37+s16+$0x0], $0xffff  }
0x1b4: {  	v43 =	vor.u32 s12, v2;
	v26 =	vld.idx.msk [tilespmem:v38+s17+$0x0], $0xffff  }
0x1b5: {  	v44 =	vor.u32 s13, v2;
	v27 =	vld.idx.msk [tilespmem:v39+s18+$0x0], $0xffff  }
0x1b6: {  	v45 =	vor.u32 s8, v2;
	v28 =	vld.idx.msk [tilespmem:v40+s16+$0x0], $0xffff  }
0x1b7: {  	v46 =	vor.u32 s12, v3;
	v29 =	vld.idx.msk [tilespmem:v41+s17+$0x0], $0xffff  }
0x1b8: {  	v35 =	vor.u32 s13, v3;
	v30 =	vld.idx.msk [tilespmem:v42+s18+$0x0], $0xffff  }
0x1b9: {  	v36 =	vor.u32 s8, v3;
	(v2sf) =	vpush v8, $0xC;
	v31 =	vld.idx.msk [tilespmem:v43+s16+$0x0], $0xffff  }
0x1ba: {  	v32 =	vld.idx.msk [tilespmem:v44+s17+$0x0], $0xffff  }
0x1bb: {  	(v2sf) =	vpush v7, $0xC;
	v33 =	vld.idx.msk [tilespmem:v45+s18+$0x0], $0xffff  }
0x1bc: {  	v34 =	vld.idx.msk [tilespmem:v46+s16+$0x0], $0xffff;
	v26 =	vmul.f32 v26, v25  }
0x1bd: {  	v47 =	vld.idx.msk [tilespmem:v35+s17+$0x0], $0xffff;
	v25 =	vmul.f32 v27, v25  }
0x1be: {  	v48 =	vld.idx.msk [tilespmem:v36+s18+$0x0], $0xffff;
	(v2sf) =	vpush v6, $0xC;
	v29 =	vmul.f32 v29, v28;
	v26 =	vadd.f32 $0.0e+00, v26  }
0x1bf: {  	v28 =	vmul.f32 v30, v28;
	v25 =	vadd.f32 $0.0e+00, v25  }
0x1c0: {  	v49 =	vmul.f32 v32, v31;
	v26 =	vadd.f32 v29, v26  }
0x1c1: {  	v50 =	vmul.f32 v33, v31;
	v25 =	vadd.f32 v28, v25  }
0x1c2: {  	v27 =	vmul.f32 v47, v34;
	v26 =	vadd.f32 v49, v26  }
0x1c3: {  	v51 =	vmul.f32 v48, v34;
	v25 =	vadd.f32 v50, v25  }
0x1c4: {  	v26 =	vadd.f32 v27, v26  }
0x1c5: {  	v25 =	vadd.f32 v51, v25  }
0x1c6: {  	(xrf2) =	vadd.scan.msk.f32 $0xffff, v26  }
0x1c7: {  	(xrf2) =	vadd.scan.msk.f32 $0xffff, v25  }
0x1c8: {  	s12 =	spop (v2sf)  }
0x1c9: {  	s8 =	sand.u32 $0xFFFFF80, s12  }
0x1ca: {  	s13 =	spop (v2sf);
	s6 =	sadd.s32 s1, s8  }
0x1cb: {  	[tilespmem:s16], [sflag:$0x1] =	stream.strided.gather [hbm4b:s6+s14], $0x2000, s15, s14, $0x38;
	[tilespmem:$0x12280] =	vst v63  }
0x1cc: {  	s6 =	sand.u32 $0xFFFFF80, s13  }
0x1cd: {  	s8 =	spop (v2sf);
	s6 =	sadd.s32 s3, s6  }
0x1ce: {  	[tilespmem:s17], [sflag:$0x1] =	stream.strided.gather [hbm4b:s6+s14], $0x2000, s15, s14, $0x38;
	[tilespmem:$0x12280] =	vst v63  }
0x1cf: {  	s6 =	sand.u32 $0xFFFFF80, s8  }
0x1d0: {  	s6 =	sadd.s32 s3, s6;
	v25, _, _ =	vpop (xrf2)  }
0x1d1: {  	[tilespmem:s18], [sflag:$0x1] =	stream.strided.gather [hbm4b:s6+s14], $0x2000, s15, s14, $0x38;
	v26, _, _ =	vpop (xrf2);
	[tilespmem:$0x12280] =	vst v63  }
0x1d2: {  	_ =	swait.ge [sflag:s26], $0x2000  }
0x1d3: {  	[sflag:s26] =	ssyncset.done $0x0  }
0x1d4: {  	[sflag:s26] =	ssyncadd.s32 $0xFFFFE000  }
0x1d5: {  	s6 =	sand.u32 $0x7F, s29;
	_ =	swait.ge [sflag:s26], $0x2000  }
0x1d6: {  	s30 =	sand.u32 $0x7F, s30;
	v52 =	vor.u32 s6, v0;
	[sflag:s26] =	ssyncset.done $0x0  }
0x1d7: {  	s9 =	sand.u32 $0x7F, s9;
	v53 =	vor.u32 s30, v0;
	[sflag:s26] =	ssyncadd.s32 $0xFFFFE000  }
0x1d8: {  	v54 =	vor.u32 s9, v0;
	_ =	swait.ge [sflag:s26], $0x2000  }
0x1d9: {  	v55 =	vor.u32 s6, v1;
	[sflag:s26] =	ssyncset.done $0x0  }
0x1da: {  	v56 =	vor.u32 s30, v1;
	[sflag:s26] =	ssyncadd.s32 $0xFFFFE000  }
0x1db: {  	v57 =	vor.u32 s9, v1;
	v27 =	vld.idx.msk [tilespmem:v52+s19+$0x0], $0xffff  }
0x1dc: {  	v58 =	vor.u32 s6, v2;
	v28 =	vld.idx.msk [tilespmem:v53+s20+$0x0], $0xffff  }
0x1dd: {  	v59 =	vor.u32 s30, v2;
	v29 =	vld.idx.msk [tilespmem:v54+s21+$0x0], $0xffff  }
0x1de: {  	v60 =	vor.u32 s9, v2;
	v30 =	vld.idx.msk [tilespmem:v55+s19+$0x0], $0xffff  }
0x1df: {  	v61 =	vor.u32 s6, v3;
	v31 =	vld.idx.msk [tilespmem:v56+s20+$0x0], $0xffff  }
0x1e0: {  	v37 =	vor.u32 s30, v3;
	v32 =	vld.idx.msk [tilespmem:v57+s21+$0x0], $0xffff  }
0x1e1: {  	v38 =	vor.u32 s9, v3;
	(v2sf) =	vpush v8, $0xD;
	v33 =	vld.idx.msk [tilespmem:v58+s19+$0x0], $0xffff  }
0x1e2: {  	v34 =	vld.idx.msk [tilespmem:v59+s20+$0x0], $0xffff  }
0x1e3: {  	(v2sf) =	vpush v7, $0xD;
	v35 =	vld.idx.msk [tilespmem:v60+s21+$0x0], $0xffff  }
0x1e4: {  	v36 =	vld.idx.msk [tilespmem:v61+s19+$0x0], $0xffff;
	v28 =	vmul.f32 v28, v27  }
0x1e5: {  	v62 =	vld.idx.msk [tilespmem:v37+s20+$0x0], $0xffff;
	v27 =	vmul.f32 v29, v27  }
0x1e6: {  	v63 =	vld.idx.msk [tilespmem:v38+s21+$0x0], $0xffff;
	(v2sf) =	vpush v6, $0xD;
	v31 =	vmul.f32 v31, v30;
	v28 =	vadd.f32 $0.0e+00, v28  }
0x1e7: {  	v30 =	vmul.f32 v32, v30;
	v27 =	vadd.f32 $0.0e+00, v27  }
0x1e8: {  	v34 =	vmul.f32 v34, v33;
	v28 =	vadd.f32 v31, v28  }
0x1e9: {  	v35 =	vmul.f32 v35, v33;
	v27 =	vadd.f32 v30, v27  }
0x1ea: {  	v29 =	vmul.f32 v62, v36;
	v28 =	vadd.f32 v34, v28  }
0x1eb: {  	v37 =	vmul.f32 v63, v36;
	v27 =	vadd.f32 v35, v27  }
0x1ec: {  	v28 =	vadd.f32 v29, v28  }
0x1ed: {  	v27 =	vadd.f32 v37, v27  }
0x1ee: {  	(xrf2) =	vadd.scan.msk.f32 $0xffff, v28  }
0x1ef: {  	(xrf2) =	vadd.scan.msk.f32 $0xffff, v27  }
0x1f0: {  	s29 =	spop (v2sf)  }
0x1f1: {  	s9 =	sand.u32 $0xFFFFF80, s29  }
0x1f2: {  	s30 =	spop (v2sf);
	s6 =	sadd.s32 s1, s9  }
0x1f3: {  	[tilespmem:s19], [sflag:$0x2] =	stream.strided.gather [hbm4b:s6+s14], $0x2000, s15, s14, $0x38;
	[tilespmem:$0x12280] =	vst v63  }
0x1f4: {  	s6 =	sand.u32 $0xFFFFF80, s30  }
0x1f5: {  	s9 =	spop (v2sf);
	s6 =	sadd.s32 s3, s6  }
0x1f6: {  	[tilespmem:s20], [sflag:$0x2] =	stream.strided.gather [hbm4b:s6+s14], $0x2000, s15, s14, $0x38;
	[tilespmem:$0x12280] =	vst v63  }
0x1f7: {  	s6 =	sand.u32 $0xFFFFF80, s9  }
0x1f8: {  	s6 =	sadd.s32 s3, s6;
	v27, _, _ =	vpop (xrf2)  }
0x1f9: {  	[tilespmem:s21], [sflag:$0x2] =	stream.strided.gather [hbm4b:s6+s14], $0x2000, s15, s14, $0x38;
	v28, _, _ =	vpop (xrf2);
	[tilespmem:$0x12280] =	vst v63  }
0x1fa: {  	_ =	swait.ge [sflag:s28], $0x2000  }
0x1fb: {  	[sflag:s28] =	ssyncset.done $0x0  }
0x1fc: {  	[sflag:s28] =	ssyncadd.s32 $0xFFFFE000  }
0x1fd: {  	s5 =	sand.u32 $0x7F, s5;
	_ =	swait.ge [sflag:s28], $0x2000  }
0x1fe: {  	s7 =	sand.u32 $0x7F, s7;
	v38 =	vor.u32 s5, v0;
	[sflag:s28] =	ssyncset.done $0x0  }
0x1ff: {  	s10 =	sand.u32 $0x7F, s10;
	v39 =	vor.u32 s7, v0;
	[sflag:s28] =	ssyncadd.s32 $0xFFFFE000  }
0x200: {  	v40 =	vor.u32 s10, v0;
	_ =	swait.ge [sflag:s28], $0x2000  }
0x201: {  	v41 =	vor.u32 s5, v1;
	[sflag:s28] =	ssyncset.done $0x0  }
0x202: {  	v42 =	vor.u32 s7, v1;
	[sflag:s28] =	ssyncadd.s32 $0xFFFFE000  }
0x203: {  	v43 =	vor.u32 s10, v1;
	v29 =	vld.idx.msk [tilespmem:v38+s22+$0x0], $0xffff  }
0x204: {  	v44 =	vor.u32 s5, v2;
	v30 =	vld.idx.msk [tilespmem:v39+s23+$0x0], $0xffff  }
0x205: {  	v45 =	vor.u32 s7, v2;
	v31 =	vld.idx.msk [tilespmem:v40+s24+$0x0], $0xffff  }
0x206: {  	v46 =	vor.u32 s10, v2;
	v32 =	vld.idx.msk [tilespmem:v41+s22+$0x0], $0xffff  }
0x207: {  	v47 =	vor.u32 s5, v3;
	v33 =	vld.idx.msk [tilespmem:v42+s23+$0x0], $0xffff  }
0x208: {  	v34 =	vld.idx.msk [tilespmem:v43+s24+$0x0], $0xffff;
	v39 =	vor.u32 s7, v3  }
0x209: {  	(v2sf) =	vpush v8, $0xE;
	v35 =	vld.idx.msk [tilespmem:v44+s22+$0x0], $0xffff;
	v40 =	vor.u32 s10, v3  }
0x20a: {  	v36 =	vld.idx.msk [tilespmem:v45+s23+$0x0], $0xffff  }
0x20b: {  	(v2sf) =	vpush v7, $0xE;
	v37 =	vld.idx.msk [tilespmem:v46+s24+$0x0], $0xffff  }
0x20c: {  	v38 =	vld.idx.msk [tilespmem:v47+s22+$0x0], $0xffff;
	v30 =	vmul.f32 v30, v29  }
0x20d: {  	v29 =	vmul.f32 v31, v29;
	v48 =	vld.idx.msk [tilespmem:v39+s23+$0x0], $0xffff  }
0x20e: {  	(v2sf) =	vpush v6, $0xE;
	v33 =	vmul.f32 v33, v32;
	v49 =	vld.idx.msk [tilespmem:v40+s24+$0x0], $0xffff;
	v30 =	vadd.f32 $0.0e+00, v30  }
0x20f: {  	v32 =	vmul.f32 v34, v32;
	v29 =	vadd.f32 $0.0e+00, v29  }
0x210: {  	v50 =	vmul.f32 v36, v35;
	v30 =	vadd.f32 v33, v30  }
0x211: {  	v51 =	vmul.f32 v37, v35;
	v29 =	vadd.f32 v32, v29  }
0x212: {  	v31 =	vmul.f32 v48, v38;
	v30 =	vadd.f32 v50, v30  }
0x213: {  	v52 =	vmul.f32 v49, v38;
	v29 =	vadd.f32 v51, v29  }
0x214: {  	v30 =	vadd.f32 v31, v30  }
0x215: {  	v29 =	vadd.f32 v52, v29  }
0x216: {  	(xrf2) =	vadd.scan.msk.f32 $0xffff, v30  }
0x217: {  	(xrf2) =	vadd.scan.msk.f32 $0xffff, v29  }
0x218: {  	s5 =	spop (v2sf)  }
0x219: {  	s10 =	sand.u32 $0xFFFFF80, s5  }
0x21a: {  	s7 =	spop (v2sf);
	s6 =	sadd.s32 s1, s10  }
0x21b: {  	[tilespmem:s22], [sflag:$0x3] =	stream.strided.gather [hbm4b:s6+s14], $0x2000, s15, s14, $0x38;
	[tilespmem:$0x12280] =	vst v63  }
0x21c: {  	s6 =	sand.u32 $0xFFFFF80, s7  }
0x21d: {  	s10 =	spop (v2sf);
	s6 =	sadd.s32 s3, s6  }
0x21e: {  	[tilespmem:s23], [sflag:$0x3] =	stream.strided.gather [hbm4b:s6+s14], $0x2000, s15, s14, $0x38;
	[tilespmem:$0x12280] =	vst v63  }
0x21f: {  	s6 =	sand.u32 $0xFFFFF80, s10  }
0x220: {  	s6 =	sadd.s32 s3, s6;
	v30, _, _ =	vpop (xrf2)  }
0x221: {  	[tilespmem:s24], [sflag:$0x3] =	stream.strided.gather [hbm4b:s6+s14], $0x2000, s15, s14, $0x38;
	v29, _, _ =	vpop (xrf2);
	[tilespmem:$0x12280] =	vst v63  }
0x222: {  	_ =	swait.ge [sflag:s25], $0x2000  }
0x223: {  	[sflag:s25] =	ssyncset.done $0x0  }
0x224: {  	[sflag:s25] =	ssyncadd.s32 $0xFFFFE000  }
0x225: {  	s12 =	sand.u32 $0x7F, s12;
	_ =	swait.ge [sflag:s25], $0x2000  }
0x226: {  	s13 =	sand.u32 $0x7F, s13;
	v53 =	vor.u32 s12, v0;
	[sflag:s25] =	ssyncset.done $0x0  }
0x227: {  	s8 =	sand.u32 $0x7F, s8;
	v54 =	vor.u32 s13, v0;
	[sflag:s25] =	ssyncadd.s32 $0xFFFFE000  }
0x228: {  	v55 =	vor.u32 s8, v0;
	_ =	swait.ge [sflag:s25], $0x2000  }
0x229: {  	v56 =	vor.u32 s12, v1;
	[sflag:s25] =	ssyncset.done $0x0  }
0x22a: {  	v57 =	vor.u32 s13, v1;
	[sflag:s25] =	ssyncadd.s32 $0xFFFFE000  }
0x22b: {  	v58 =	vor.u32 s8, v1;
	v31 =	vld.idx.msk [tilespmem:v53+s16+$0x0], $0xffff  }
0x22c: {  	v59 =	vor.u32 s12, v2;
	v32 =	vld.idx.msk [tilespmem:v54+s17+$0x0], $0xffff  }
0x22d: {  	v60 =	vor.u32 s13, v2;
	v33 =	vld.idx.msk [tilespmem:v55+s18+$0x0], $0xffff  }
0x22e: {  	v61 =	vor.u32 s8, v2;
	v34 =	vld.idx.msk [tilespmem:v56+s16+$0x0], $0xffff  }
0x22f: {  	v62 =	vor.u32 s12, v3;
	v35 =	vld.idx.msk [tilespmem:v57+s17+$0x0], $0xffff  }
0x230: {  	v41 =	vor.u32 s13, v3;
	v36 =	vld.idx.msk [tilespmem:v58+s18+$0x0], $0xffff  }
0x231: {  	v42 =	vor.u32 s8, v3;
	(v2sf) =	vpush v8, $0xF;
	v37 =	vld.idx.msk [tilespmem:v59+s16+$0x0], $0xffff  }
0x232: {  	v63 =	vld.idx.msk [tilespmem:v60+s17+$0x0], $0xffff  }
0x233: {  	(v2sf) =	vpush v7, $0xF;
	v43 =	vld.idx.msk [tilespmem:v61+s18+$0x0], $0xffff  }
0x234: {  	v45 =	vld.idx.msk [tilespmem:v62+s16+$0x0], $0xffff;
	v44 =	vmul.f32 v32, v31  }
0x235: {  	v46 =	vld.idx.msk [tilespmem:v41+s17+$0x0], $0xffff;
	v31 =	vmul.f32 v33, v31  }
0x236: {  	v47 =	vld.idx.msk [tilespmem:v42+s18+$0x0], $0xffff;
	(v2sf) =	vpush v6, $0xF;
	v35 =	vmul.f32 v35, v34;
	v7 =	vadd.f32 $0.0e+00, v44  }
0x237: {  	v49 =	vmul.f32 v36, v34;
	v48 =	vadd.f32 $0.0e+00, v31  }
0x238: {  	v8 =	vmul.f32 v63, v37;
	v7 =	vadd.f32 v35, v7  }
0x239: {  	v50 =	vmul.f32 v43, v37;
	v6 =	vadd.f32 v49, v48  }
0x23a: {  	v51 =	vmul.f32 v46, v45;
	v7 =	vadd.f32 v8, v7  }
0x23b: {  	v52 =	vmul.f32 v47, v45;
	v6 =	vadd.f32 v50, v6  }
0x23c: {  	v7 =	vadd.f32 v51, v7  }
0x23d: {  	v6 =	vadd.f32 v52, v6  }
0x23e: {  	(xrf2) =	vadd.scan.msk.f32 $0xffff, v7  }
0x23f: {  	(xrf2) =	vadd.scan.msk.f32 $0xffff, v6  }
0x240: {  	s8 =	spop (v2sf)  }
0x241: {  	s13 =	sand.u32 $0xFFFFF80, s8  }
0x242: {  	s12 =	spop (v2sf);
	s6 =	sadd.s32 s1, s13  }
0x243: {  	[tilespmem:s16], [sflag:$0x1] =	stream.strided.gather [hbm4b:s6+s14], $0x2000, s15, s14, $0x38;
	[tilespmem:$0x12280] =	vst v63  }
0x244: {  	s6 =	sand.u32 $0xFFFFF80, s12  }
0x245: {  	s13 =	spop (v2sf);
	s6 =	sadd.s32 s3, s6  }
0x246: {  	[tilespmem:s17], [sflag:$0x1] =	stream.strided.gather [hbm4b:s6+s14], $0x2000, s15, s14, $0x38;
	[tilespmem:$0x12280] =	vst v63  }
0x247: {  	s6 =	sand.u32 $0xFFFFF80, s13  }
0x248: {  	s6 =	sadd.s32 s3, s6;
	v6, _, _ =	vpop (xrf2)  }
0x249: {  	[tilespmem:s18], [sflag:$0x1] =	stream.strided.gather [hbm4b:s6+s14], $0x2000, s15, s14, $0x38;
	v7, _, _ =	vpop (xrf2);
	[tilespmem:$0x12280] =	vst v63  }
0x24a: {  	_ =	swait.ge [sflag:s26], $0x2000  }
0x24b: {  	[sflag:s26] =	ssyncset.done $0x0  }
0x24c: {  	[sflag:s26] =	ssyncadd.s32 $0xFFFFE000  }
0x24d: {  	s6 =	sand.u32 $0x7F, s29;
	_ =	swait.ge [sflag:s26], $0x2000  }
0x24e: {  	s30 =	sand.u32 $0x7F, s30;
	v53 =	vor.u32 s6, v0;
	[sflag:s26] =	ssyncset.done $0x0  }
0x24f: {  	s9 =	sand.u32 $0x7F, s9;
	v54 =	vor.u32 s30, v0;
	[sflag:s26] =	ssyncadd.s32 $0xFFFFE000  }
0x250: {  	v55 =	vor.u32 s9, v0;
	_ =	swait.ge [sflag:s26], $0x2000  }
0x251: {  	v56 =	vor.u32 s6, v1;
	[sflag:s26] =	ssyncset.done $0x0  }
0x252: {  	v57 =	vor.u32 s30, v1;
	[sflag:s26] =	ssyncadd.s32 $0xFFFFE000  }
0x253: {  	v58 =	vor.u32 s9, v1;
	v8 =	vld.idx.msk [tilespmem:v53+s19+$0x0], $0xffff  }
0x254: {  	v59 =	vor.u32 s6, v2;
	v31 =	vld.idx.msk [tilespmem:v54+s20+$0x0], $0xffff  }
0x255: {  	v60 =	vor.u32 s30, v2;
	v32 =	vld.idx.msk [tilespmem:v55+s21+$0x0], $0xffff  }
0x256: {  	v61 =	vor.u32 s9, v2;
	v33 =	vld.idx.msk [tilespmem:v56+s19+$0x0], $0xffff  }
0x257: {  	v62 =	vor.u32 s6, v3;
	v34 =	vld.idx.msk [tilespmem:v57+s20+$0x0], $0xffff  }
0x258: {  	v63 =	vor.u32 s30, v3;
	v35 =	vld.idx.msk [tilespmem:v58+s21+$0x0], $0xffff  }
0x259: {  	v44 =	vor.u32 s9, v3;
	v36 =	vld.idx.msk [tilespmem:v59+s19+$0x0], $0xffff  }
0x25a: {  	v37 =	vld.idx.msk [tilespmem:v60+s20+$0x0], $0xffff  }
0x25b: {  	v38 =	vld.idx.msk [tilespmem:v61+s21+$0x0], $0xffff  }
0x25c: {  	v39 =	vld.idx.msk [tilespmem:v62+s19+$0x0], $0xffff;
	v31 =	vmul.f32 v31, v8  }
0x25d: {  	v45 =	vld.idx.msk [tilespmem:v63+s20+$0x0], $0xffff;
	v8 =	vmul.f32 v32, v8  }
0x25e: {  	v46 =	vld.idx.msk [tilespmem:v44+s21+$0x0], $0xffff;
	v34 =	vmul.f32 v34, v33;
	v31 =	vadd.f32 $0.0e+00, v31  }
0x25f: {  	v33 =	vmul.f32 v35, v33;
	v8 =	vadd.f32 $0.0e+00, v8  }
0x260: {  	v47 =	vmul.f32 v37, v36;
	v31 =	vadd.f32 v34, v31  }
0x261: {  	v48 =	vmul.f32 v38, v36;
	v8 =	vadd.f32 v33, v8  }
0x262: {  	v32 =	vmul.f32 v45, v39;
	v31 =	vadd.f32 v47, v31  }
0x263: {  	v49 =	vmul.f32 v46, v39;
	v8 =	vadd.f32 v48, v8  }
0x264: {  	v31 =	vadd.f32 v32, v31  }
0x265: {  	v8 =	vadd.f32 v49, v8  }
0x266: {  	(xrf2) =	vadd.scan.msk.f32 $0xffff, v31  }
0x267: {  	(xrf2) =	vadd.scan.msk.f32 $0xffff, v8;
	_ =	sdelay $0x8  }
0x268: {  	v31, _, _ =	vpop (xrf2)  }
0x269: {  	v8, _, _ =	vpop (xrf2)  }
0x26a: {  	_ =	swait.ge [sflag:s28], $0x2000  }
0x26b: {  	[sflag:s28] =	ssyncset.done $0x0  }
0x26c: {  	[sflag:s28] =	ssyncadd.s32 $0xFFFFE000  }
0x26d: {  	s5 =	sand.u32 $0x7F, s5;
	_ =	swait.ge [sflag:s28], $0x2000  }
0x26e: {  	s7 =	sand.u32 $0x7F, s7;
	v50 =	vor.u32 s5, v0;
	[sflag:s28] =	ssyncset.done $0x0  }
0x26f: {  	s9 =	sand.u32 $0x7F, s10;
	v51 =	vor.u32 s7, v0;
	[sflag:s28] =	ssyncadd.s32 $0xFFFFE000  }
0x270: {  	v52 =	vor.u32 s9, v0;
	_ =	swait.ge [sflag:s28], $0x2000  }
0x271: {  	v53 =	vor.u32 s5, v1;
	[sflag:s28] =	ssyncset.done $0x0  }
0x272: {  	v54 =	vor.u32 s7, v1;
	[sflag:s28] =	ssyncadd.s32 $0xFFFFE000  }
0x273: {  	v55 =	vor.u32 s9, v1;
	v32 =	vld.idx.msk [tilespmem:v50+s22+$0x0], $0xffff  }
0x274: {  	v56 =	vor.u32 s5, v2;
	v33 =	vld.idx.msk [tilespmem:v51+s23+$0x0], $0xffff  }
0x275: {  	v57 =	vor.u32 s7, v2;
	v34 =	vld.idx.msk [tilespmem:v52+s24+$0x0], $0xffff  }
0x276: {  	v58 =	vor.u32 s9, v2;
	v35 =	vld.idx.msk [tilespmem:v53+s22+$0x0], $0xffff  }
0x277: {  	v59 =	vor.u32 s5, v3;
	v36 =	vld.idx.msk [tilespmem:v54+s23+$0x0], $0xffff  }
0x278: {  	v60 =	vor.u32 s7, v3;
	v37 =	vld.idx.msk [tilespmem:v55+s24+$0x0], $0xffff  }
0x279: {  	v43 =	vor.u32 s9, v3;
	v38 =	vld.idx.msk [tilespmem:v56+s22+$0x0], $0xffff  }
0x27a: {  	v39 =	vld.idx.msk [tilespmem:v57+s23+$0x0], $0xffff  }
0x27b: {  	v40 =	vld.idx.msk [tilespmem:v58+s24+$0x0], $0xffff  }
0x27c: {  	v41 =	vld.idx.msk [tilespmem:v59+s22+$0x0], $0xffff;
	v33 =	vmul.f32 v33, v32  }
0x27d: {  	v61 =	vld.idx.msk [tilespmem:v60+s23+$0x0], $0xffff;
	v32 =	vmul.f32 v34, v32  }
0x27e: {  	v62 =	vld.idx.msk [tilespmem:v43+s24+$0x0], $0xffff;
	v36 =	vmul.f32 v36, v35;
	v33 =	vadd.f32 $0.0e+00, v33  }
0x27f: {  	v35 =	vmul.f32 v37, v35;
	v32 =	vadd.f32 $0.0e+00, v32  }
0x280: {  	v63 =	vmul.f32 v39, v38;
	v33 =	vadd.f32 v36, v33  }
0x281: {  	v43 =	vmul.f32 v40, v38;
	v32 =	vadd.f32 v35, v32  }
0x282: {  	v34 =	vmul.f32 v61, v41;
	v33 =	vadd.f32 v63, v33  }
0x283: {  	v44 =	vmul.f32 v62, v41;
	v32 =	vadd.f32 v43, v32  }
0x284: {  	v33 =	vadd.f32 v34, v33  }
0x285: {  	v32 =	vadd.f32 v44, v32  }
0x286: {  	(xrf2) =	vadd.scan.msk.f32 $0xffff, v33  }
0x287: {  	(xrf2) =	vadd.scan.msk.f32 $0xffff, v32;
	_ =	sdelay $0x8  }
0x288: {  	v32, _, _ =	vpop (xrf2)  }
0x289: {  	v33, _, _ =	vpop (xrf2)  }
0x28a: {  	_ =	swait.ge [sflag:s25], $0x2000  }
0x28b: {  	[sflag:s25] =	ssyncset.done $0x0  }
0x28c: {  	[sflag:s25] =	ssyncadd.s32 $0xFFFFE000  }
0x28d: {  	s10 =	sand.u32 $0x7F, s8;
	_ =	swait.ge [sflag:s25], $0x2000  }
0x28e: {  	s29 =	sand.u32 $0x7F, s12;
	v45 =	vor.u32 s10, v0;
	[sflag:s25] =	ssyncset.done $0x0  }
0x28f: {  	s30 =	sand.u32 $0x7F, s13;
	v46 =	vor.u32 s29, v0;
	[sflag:s25] =	ssyncadd.s32 $0xFFFFE000  }
0x290: {  	v47 =	vor.u32 s30, v0;
	_ =	swait.ge [sflag:s25], $0x2000  }
0x291: {  	v48 =	vor.u32 s10, v1;
	[sflag:s25] =	ssyncset.done $0x0  }
0x292: {  	v49 =	vor.u32 s29, v1;
	[sflag:s25] =	ssyncadd.s32 $0xFFFFE000  }
0x293: {  	v50 =	vor.u32 s30, v1;
	v34 =	vld.idx.msk [tilespmem:v45+s16+$0x0], $0xffff  }
0x294: {  	v51 =	vor.u32 s10, v2;
	v35 =	vld.idx.msk [tilespmem:v46+s17+$0x0], $0xffff  }
0x295: {  	v52 =	vor.u32 s29, v2;
	v36 =	vld.idx.msk [tilespmem:v47+s18+$0x0], $0xffff  }
0x296: {  	v53 =	vor.u32 s30, v2;
	v37 =	vld.idx.msk [tilespmem:v48+s16+$0x0], $0xffff  }
0x297: {  	v5 =	vbroadcast v5, $0xF;
	v54 =	vor.u32 s10, v3;
	v38 =	vld.idx.msk [tilespmem:v49+s17+$0x0], $0xffff  }
0x298: {  	v4 =	vbroadcast v4, $0xF;
	v10 =	vbroadcast v10, $0xF;
	v44 =	vor.u32 s29, v3;
	v39 =	vld.idx.msk [tilespmem:v50+s18+$0x0], $0xffff  }
0x299: {  	v9 =	vbroadcast v9, $0xF;
	v12 =	vbroadcast v12, $0xF;
	v45 =	vor.u32 s30, v3;
	v40 =	vld.idx.msk [tilespmem:v51+s16+$0x0], $0xffff  }
0x29a: {  	v5 =	vsel vm0, v5, v10;
	v16 =	vbroadcast v16, $0xF;
	v6 =	vbroadcast v6, $0xF;
	v57 =	vld.idx.msk [tilespmem:v52+s17+$0x0], $0xffff  }
0x29b: {  	v4 =	vsel vm0, v4, v9;
	v7 =	vbroadcast v7, $0xF;
	v55 =	vbroadcast v11, $0xF;
	v59 =	vld.idx.msk [tilespmem:v53+s18+$0x0], $0xffff  }
0x29c: {  	v5 =	vsel vm1, v5, v12;
	v56 =	vbroadcast v14, $0xF;
	v61 =	vld.idx.msk [tilespmem:v54+s16+$0x0], $0xffff;
	v60 =	vmul.f32 v35, v34  }
0x29d: {  	v58 =	vbroadcast v13, $0xF;
	v4 =	vsel vm1, v4, v55;
	v62 =	vmul.f32 v36, v34;
	v36 =	vld.idx.msk [tilespmem:v44+s17+$0x0], $0xffff  }
0x29e: {  	v5 =	vsel vm2, v5, v56;
	v41 =	vmul.f32 v38, v37;
	v42 =	vld.idx.msk [tilespmem:v45+s18+$0x0], $0xffff;
	v10 =	vadd.f32 $0.0e+00, v60  }
0x29f: {  	v55 =	vbroadcast v28, $0xF;
	v43 =	vmul.f32 v39, v37;
	v9 =	vadd.f32 $0.0e+00, v62  }
0x2a0: {  	v56 =	vbroadcast v30, $0xF;
	v14 =	vmul.f32 v57, v40;
	v10 =	vadd.f32 v41, v10  }
0x2a1: {  	v4 =	vsel vm2, v4, v58;
	v12 =	vmul.f32 v59, v40;
	v9 =	vadd.f32 v43, v9  }
0x2a2: {  	v63 =	vbroadcast v15, $0xF;
	v15 =	vmul.f32 v36, v61;
	v10 =	vadd.f32 v14, v10  }
0x2a3: {  	v4 =	vsel vm3, v4, v16;
	v11 =	vmul.f32 v42, v61;
	v9 =	vadd.f32 v12, v9  }
0x2a4: {  	v46 =	vbroadcast v19, $0xF;
	v47 =	vbroadcast v20, $0xF;
	v10 =	vadd.f32 v15, v10  }
0x2a5: {  	v48 =	vbroadcast v22, $0xF;
	v44 =	vbroadcast v17, $0xF;
	v9 =	vadd.f32 v11, v9  }
0x2a6: {  	v5 =	vsel vm3, v5, v63;
	v49 =	vbroadcast v21, $0xF;
	v45 =	vbroadcast v18, $0xF;
	(xrf2) =	vadd.scan.msk.f32 $0xffff, v10  }
0x2a7: {  	v50 =	vbroadcast v24, $0xF;
	v51 =	vbroadcast v23, $0xF;
	v5 =	vsel vm4, v5, v44;
	(xrf2) =	vadd.scan.msk.f32 $0xffff, v9  }
0x2a8: {  	v52 =	vbroadcast v25, $0xF;
	v4 =	vsel vm4, v4, v45;
	v5 =	vsel vm5, v5, v46  }
0x2a9: {  	v53 =	vbroadcast v26, $0xF;
	v4 =	vsel vm5, v4, v47;
	v5 =	vsel vm6, v5, v48  }
0x2aa: {  	v54 =	vbroadcast v27, $0xF;
	v4 =	vsel vm6, v4, v49;
	v5 =	vsel vm7, v5, v50  }
0x2ab: {  	v58 =	vbroadcast v31, $0xF;
	v4 =	vsel vm7, v4, v51;
	v5 =	vsel vm8, v5, v52  }
0x2ac: {  	v57 =	vbroadcast v29, $0xF;
	v4 =	vsel vm8, v4, v53;
	v5 =	vsel vm9, v5, v54  }
0x2ad: {  	v59 =	vbroadcast v8, $0xF;
	v4 =	vsel vm9, v4, v55;
	v5 =	vsel vm10, v5, v56  }
0x2ae: {  	p0 =	sne.s32 s2, $0x180;
	v60 =	vbroadcast v32, $0xF;
	v4 =	vsel vm10, v4, v57;
	v5 =	vsel vm11, v5, v6  }
.Ltmp0:
0x2af: {  	v61 =	vbroadcast v33, $0xF;
	v4 =	vsel vm11, v4, v7;
	v5 =	vsel vm12, v5, v58;
	(pc) =	sbr.rel @p0 .LBB2_2-.Ltmp0, $4  }
0x2b0: {  	v4 =	vsel vm12, v4, v59;
	v5 =	vsel vm13, v5, v60;
	v62, _, _ =	vpop (xrf2)  }
0x2b1: {  	v4 =	vsel vm13, v4, v61;
	v5 =	vsel vm14, v5, v62;
	v63, _, _ =	vpop (xrf2)  }
0x2b2: {  	v4 =	vsel vm14, v4, v63;
	[tilespmem:s0+$0x12180] =	vst v5  }
0x2b3: {  	s2 =	sadd.s32 $0x40, s2;
	[tilespmem:s0+$0x12200] =	vst v4  }
0x2b4: {  	s0 =	rddreg [dreg:$0x8];
	s2 =	simm.s32 $0x12180  }
0x2b5: {  	[hbm4b:s0+s4] =	stream.linear.scatter [tilespmem:s2], [sflag:$0x4], $0x70, $0x38;
	[tilespmem:$0x12280] =	vst v63  }
0x2b6: {  	_ =	swait.ge [sflag:s11], $0x70  }
0x2b7: {  	[sflag:s11] =	ssyncset.done $0x0  }
0x2b8: {  	s29 =	simm.s32 $0x12200;
	s13 =	rddreg [dreg:$0xb];
	[sflag:s11] =	ssyncadd.s32 $0xFFFFFF90  }
0x2b9: {  	[hbm4b:s13+s4] =	stream.linear.scatter [tilespmem:s29], [sflag:$0x4], $0x70, $0x38;
	[tilespmem:$0x12280] =	vst v63  }
0x2ba: {  	_ =	swait.ge [sflag:s11], $0x70  }
0x2bb: {  	s31 =	sadd.s32 $0x1, s31;
	s30 =	rddreg [dreg:$0xc]  }
0x2bc: {  	p0 =	sne.s32 s31, s30  }
.Ltmp1:
0x2bd: {  	_ = 	snop;
	(pc) =	sbr.rel @p0 .LBB2_1-.Ltmp1, $3  }
0x2be: {  	_ =	sdelay $0x1  }
0x2bf: {  	[sflag:s11] =	ssyncset.done $0x0  }
0x2c0: {  	[sflag:s11] =	ssyncadd.s32 $0xFFFFFF90  }
0x2c1: {  	_ =	sfence.sel $0x180000  }
0x2c2: {  	[bflag:$0x0] =	sbarrier.arrive $0xFFFF  }
0x2c3: {  	_ =	strace $0x90000047  }
0x2c4: {  	s0 =	stileid.u32;
	[bflag:$0x2] =	sbarrier.arrive $0xFFFF  }
0x2c5: {  	p0 =	sne.s32 s0, $0x0;
	s0 =	rddreg [dreg:$0x6]  }
0x2c6: {  	s0 =	sadd.s32 @!p0 $0x100000, s0  }
0x2c7: {  	[sflag:s0] =	ssyncadd.tile.s32 @!p0 $0x1;
	_ =	shalt  }
.Lfunc_end2:
_tile_overlayer_lowered:
.L_overlay_start_2:
0x2c8: {  	(tag) =	ssettag $0x2  }
0x2c9: {  	s0 =	rddreg [dreg:$0x0];
	s2 =	stileid.u32  }
0x2ca: {  	s1 =	rddreg [dreg:$0x1];
	p0 =	sne.s32 s2, $0x0  }
0x2cb: {  	s3 =	rddreg [dreg:$0x2];
	[bflag:$0x3] =	sbarrier.arrive $0xFFFF;
	s2 =	simm.s32 @!p0 $0x1C04  }
0x2cc: {  	[timem:s3], [sflag:s2] =	dma.local @!p0 [hbm:s0], s1  }
0x2cd: {  	s0 =	simm.s32 @!p0 $0x4  }
0x2ce: {  	_ =	swait.ge @!p0 [sflag:s0], s1  }
0x2cf: {  	s1 =	ssub.s32 @!p0 $0x0, s1;
	[sflag:s0] =	ssyncset.done @!p0 $0x0  }
0x2d0: {  	[sflag:s0] =	ssyncadd.s32 @!p0 s1  }
0x2d1: {  	[bflag:$0x3] =	sbarrier.arrive $0xFFFF  }
0x2d2: {  	_ =	shalt  }

</sc_bundles>
